<compile_context>
chip_gen: v7x
topology: tpu7x:2x2x1
jax: 0.10.2.dev20260603
libtpu: 0.0.44.dev20260713+nightly
codegen_flags: <defaults>
</compile_context>

<pallas_src>
import functools

import jax
import jax.numpy as jnp
from jax import lax
from jax.experimental import pallas as pl
from jax.experimental.pallas import tpu as pltpu, tpu_sc as plsc

B = 64
T = 64
H = 200
FIXED = 100
EMB = 100
TAGS = 64
L = 4
NBT = B * T
HP = 256
GP = 4 * HP
NW = 32
BPW = NBT // NW
TK = 1024
UNROLL = 16
NT = NBT // TK

_f32 = jnp.float32
_bf16 = jnp.bfloat16


def _lstm_body(fixed_ref, flag_ref, ind0_ref, ind1_ref, wih_ref, whh_ref,
               bias_ref, out_ref, x_scr, g_scr):
    flags = flag_ref[:]
    ind = jnp.where(flags > 0, ind1_ref[:], ind0_ref[:])
    x_scr[:] = (fixed_ref[:] + ind).astype(_bf16)

    for l in range(L):
        g_scr[:] = (jnp.dot(x_scr[:], wih_ref[l],
                            preferred_element_type=_f32) + bias_ref[l])
        reverse = (l % 2 == 1)
        last = (l == L - 1)

        def one_step(t, hb, c, _l=l, _last=last):
            base = pl.multiple_of(t * B, B)
            gates = g_scr[pl.ds(base, B), :] + jnp.dot(
                hb, whh_ref[_l], preferred_element_type=_f32)
            ig = 0.5 * jnp.tanh(0.5 * gates[:, 0:HP]) + 0.5
            fg = 0.5 * jnp.tanh(0.5 * gates[:, HP:2 * HP]) + 0.5
            gg = jnp.tanh(gates[:, 2 * HP:3 * HP])
            og = 0.5 * jnp.tanh(0.5 * gates[:, 3 * HP:4 * HP]) + 0.5
            c2 = fg * c + ig * gg
            h2 = og * jnp.tanh(c2)
            h2b = h2.astype(_bf16)
            if _last:
                out_ref[:, pl.ds(t, 1), :] = h2.reshape(B, 1, HP)
            else:
                x_scr[pl.ds(base, B), :] = h2b
            return h2b, c2

        def stepu(i, carry, _reverse=reverse):
            hb, c = carry
            t0 = (T - 1 - UNROLL * i) if _reverse else UNROLL * i
            tstep = -1 if _reverse else 1
            for j in range(UNROLL):
                hb, c = one_step(t0 + j * tstep, hb, c)
            return hb, c

        hb0 = jnp.zeros((B, HP), _bf16)
        c0 = jnp.zeros((B, HP), _f32)
        lax.fori_loop(0, T // UNROLL, stepu, (hb0, c0))


def _run_lstm(fixed_pad, flags, ind0, ind1, wih, whh, bias):
    return pl.pallas_call(
        _lstm_body,
        out_shape=jax.ShapeDtypeStruct((B, T, HP), _f32),
        scratch_shapes=[
            pltpu.VMEM((NBT, HP), _bf16),
            pltpu.VMEM((NBT, GP), _f32),
        ],
    )(fixed_pad, flags, ind0, ind1, wih, whh, bias)


def _build_gather():
    mesh = plsc.VectorSubcoreMesh(core_axis_name="c", subcore_axis_name="s")

    @functools.partial(
        pl.kernel,
        mesh=mesh,
        out_type=jax.ShapeDtypeStruct((NBT, HP), _f32),
        scratch_types=[
            pltpu.VMEM((BPW,), jnp.int32),
            pltpu.VMEM((BPW, HP), _f32),
            pltpu.SemaphoreType.DMA,
        ],
    )
    def gather(table_hbm, idx_hbm, out_hbm, idx_v, rows_v, sem):
        wid = lax.axis_index("s") * 2 + lax.axis_index("c")
        base = wid * BPW
        pltpu.sync_copy(idx_hbm.at[pl.ds(base, BPW)], idx_v)
        pltpu.async_copy(table_hbm.at[idx_v], rows_v, sem).wait()
        pltpu.sync_copy(rows_v, out_hbm.at[pl.ds(base, BPW)])

    return gather


_gather_cache = []


def _gather_rows(table, idx):
    if not _gather_cache:
        _gather_cache.append(_build_gather())
    return _gather_cache[0](table, idx)


def _bilinear_body(pred_ref, arg_ref, wpt_ref, bp_ref, wat_ref, ba_ref,
                   ut_ref, ub_ref, out_ref, s_scr):
    p = jnp.maximum(
        jnp.dot(pred_ref[:].astype(_bf16), wpt_ref[:],
                preferred_element_type=_f32) + bp_ref[:], 0.0)
    a = jnp.maximum(
        jnp.dot(arg_ref[:].astype(_bf16), wat_ref[:],
                preferred_element_type=_f32) + ba_ref[:], 0.0)
    ah = a[:, :H].astype(_bf16)
    ph = p[:, :H]
    for k in range(TAGS):
        uk = ut_ref[k].astype(_bf16)
        tmp = lax.dot_general(ah, uk, (((1,), (1,)), ((), ())),
                              preferred_element_type=_f32)
        s_scr[:, k:k + 1] = jnp.sum(ph * tmp, axis=1, keepdims=True)
    out_ref[:] = s_scr[:] + ub_ref[:]


def _run_bilinear(pred_rows, arg_rows, wpt, bp_pad, wat, ba_pad, ut, ub):
    return pl.pallas_call(
        _bilinear_body,
        grid=(NT,),
        in_specs=[
            pl.BlockSpec((TK, HP), lambda i: (i, 0)),
            pl.BlockSpec((TK, HP), lambda i: (i, 0)),
            pl.BlockSpec((HP, HP), lambda i: (0, 0)),
            pl.BlockSpec((1, HP), lambda i: (0, 0)),
            pl.BlockSpec((HP, HP), lambda i: (0, 0)),
            pl.BlockSpec((1, HP), lambda i: (0, 0)),
            pl.BlockSpec((TAGS, H, H), lambda i: (0, 0, 0)),
            pl.BlockSpec((1, TAGS), lambda i: (0, 0)),
        ],
        out_specs=pl.BlockSpec((TK, TAGS), lambda i: (i, 0)),
        out_shape=jax.ShapeDtypeStruct((NBT, TAGS), _f32),
        scratch_shapes=[pltpu.VMEM((TK, TAGS), _f32)],
    )(pred_rows, arg_rows, wpt, bp_pad, wat, ba_pad, ut, ub)


def _pad_gate_mat(W):
    Wt = W.T.astype(_bf16)
    blocks = []
    for j in range(4):
        blk = Wt[:, j * H:(j + 1) * H]
        blocks.append(jnp.zeros((HP, HP), _bf16).at[:H, :H].set(blk))
    return jnp.concatenate(blocks, axis=1)


def _pad_gate_bias(bb):
    parts = [jnp.zeros((HP,), _f32).at[:H].set(bb[j * H:(j + 1) * H])
             for j in range(4)]
    return jnp.concatenate(parts).reshape(1, GP)


def kernel(fixed_embs, predicate_flags, sent_mask, lengths, predicate_index,
           softmax_constraints, ind_emb, lstm_params, Wp, bp, Wa, ba, U, Ub):
    del sent_mask, lengths

    fixed_t = jnp.swapaxes(fixed_embs, 0, 1).reshape(NBT, FIXED)
    fixed_pad = jnp.zeros((NBT, HP), _f32).at[:, :FIXED].set(fixed_t)
    flags = jnp.swapaxes(predicate_flags, 0, 1).reshape(NBT, 1)
    flags = flags.astype(jnp.int32)
    ind0 = jnp.zeros((1, HP), _f32).at[0, FIXED:FIXED + EMB].set(ind_emb[0])
    ind1 = jnp.zeros((1, HP), _f32).at[0, FIXED:FIXED + EMB].set(ind_emb[1])
    wih = jnp.stack([_pad_gate_mat(p[0]) for p in lstm_params])
    whh = jnp.stack([_pad_gate_mat(p[1]) for p in lstm_params])
    bias = jnp.stack([_pad_gate_bias(p[2]) for p in lstm_params])

    lstm_bth = _run_lstm(fixed_pad, flags, ind0, ind1, wih, whh, bias)
    lstm_btc = lstm_bth.reshape(NBT, HP)

    pi = predicate_index.reshape(NBT).astype(jnp.int32)
    pred_rows = _gather_rows(lstm_btc, pi)

    wpt = jnp.zeros((HP, HP), _bf16).at[:H, :H].set(Wp.T.astype(_bf16))
    wat = jnp.zeros((HP, HP), _bf16).at[:H, :H].set(Wa.T.astype(_bf16))
    bp_pad = jnp.zeros((1, HP), _f32).at[0, :H].set(bp)
    ba_pad = jnp.zeros((1, HP), _f32).at[0, :H].set(ba)
    ub = Ub.reshape(1, TAGS)
    flat = _run_bilinear(pred_rows, lstm_btc, wpt, bp_pad, wat, ba_pad, U, ub)

    scores = flat.reshape(B, T, TAGS)
    scores = jnp.where(softmax_constraints[:, None, :] > 0, scores,
                       jnp.float32(-1e13))
    return scores

# --- scband reference (transcript-rebuilt; emitter-appended) ---
"""Pipeline reference for scband-srl-framenet-2345052144110 (READ-ONLY COPY).

The authoritative reference and input builder live on the scoring server;
editing this copy changes nothing except your own understanding.
"""

import jax, jax.numpy as jnp
import numpy as np

B = 64; T = 64; H = 200; EMB = 100; FIXED = 100; TAGS = 64; L = 4


def _lstm_layer(x, Wih, Whh, b, reverse):
    def step(carry, xt):
        h, c = carry
        gates = xt @ Wih.T + h @ Whh.T + b
        i, f, g, o = jnp.split(gates, 4, axis=-1)
        i = jax.nn.sigmoid(i); f = jax.nn.sigmoid(f)
        g = jnp.tanh(g); o = jax.nn.sigmoid(o)
        c2 = f * c + i * g
        h2 = o * jnp.tanh(c2)
        return (h2, c2), h2
    xt = jnp.swapaxes(x, 0, 1)
    if reverse:
        xt = xt[::-1]
    h0 = jnp.zeros((x.shape[0], Whh.shape[1]), x.dtype)
    _, hs = jax.lax.scan(step, (h0, h0), xt)
    if reverse:
        hs = hs[::-1]
    return jnp.swapaxes(hs, 0, 1)


def setup_inputs(seed: int = 0):
    key = jax.random.key(seed)
    ks = list(jax.random.split(key, 8 + L))
    inp = {}
    inp['fixed_embs'] = jax.random.normal(ks[0], (B, T, FIXED), jnp.float32)
    inp['predicate_flags'] = jax.random.randint(ks[1], (B, T), 0, 2)
    inp['sent_mask'] = jnp.ones((B, T), jnp.float32)
    inp['lengths'] = jnp.full((B,), T, dtype=jnp.int32)
    inp['predicate_index'] = jax.random.randint(ks[2], (B, T), 0, B * T)
    inp['softmax_constraints'] = jnp.ones((B, TAGS), jnp.float32)
    inp['ind_emb'] = jax.random.normal(ks[3], (2, EMB), jnp.float32) * 0.1
    params = []
    in_dim = FIXED + EMB
    for l in range(L):
        k1, k2, k3 = jax.random.split(ks[4 + l], 3)
        Wih = jax.random.normal(k1, (4 * H, in_dim), jnp.float32) * (1.0 / np.sqrt(in_dim))
        Whh = jax.random.normal(k2, (4 * H, H), jnp.float32) * (1.0 / np.sqrt(H))
        bb = jnp.zeros((4 * H,), jnp.float32)
        params.append((Wih, Whh, bb))
        in_dim = H
    inp['lstm_params'] = params
    inp['Wp'] = jax.random.normal(ks[4 + L], (H, H), jnp.float32) * (1.0 / np.sqrt(H))
    inp['bp'] = jnp.zeros((H,), jnp.float32)
    inp['Wa'] = jax.random.normal(ks[5 + L], (H, H), jnp.float32) * (1.0 / np.sqrt(H))
    inp['ba'] = jnp.zeros((H,), jnp.float32)
    inp['U'] = jax.random.normal(ks[6 + L], (TAGS, H, H), jnp.float32) * 0.02
    inp['Ub'] = jnp.zeros((TAGS,), jnp.float32)
    return inp


def reference(fixed_embs, predicate_flags, sent_mask, lengths, predicate_index, softmax_constraints, ind_emb, lstm_params, Wp, bp, Wa, ba, U, Ub):
    # embed predicate indicator and concat with fixed (e.g. ELMo/GloVe) embeddings
    embeds = jnp.concatenate([fixed_embs, ind_emb[predicate_flags]], axis=2)
    b, t, _ = embeds.shape
    # sort by descending length (pack_padded_sequence emulation; all lengths == T here)
    idx_sort = jnp.argsort(-lengths)
    out = embeds[idx_sort]
    # stacked alternating-direction LSTM (layer 0 fwd, layer 1 bwd, ...)
    for l, (Wih, Whh, bb) in enumerate(lstm_params):
        out = _lstm_layer(out, Wih, Whh, bb, reverse=(l % 2 == 1))
    idx_unsort = jnp.argsort(idx_sort)
    lstm_out = out[idx_unsort]
    # gather predicate representation per token via flat index_select
    lv = lstm_out.reshape(b * t, -1)
    pi = predicate_index.reshape(b * t)
    predicates_repr = jnp.take(lv, pi, axis=0).reshape(b, t, -1)
    pred_repr = jax.nn.relu(predicates_repr @ Wp.T + bp)
    arg_repr = jax.nn.relu(lstm_out @ Wa.T + ba)
    # bilinear scorer: score[b,t,k] = pred[b,t] @ U[k] @ arg[b,t] + Ub[k]
    tmp = jnp.einsum('btg,khg->btkh', arg_repr, U)
    scores = jnp.einsum('bth,btkh->btk', pred_repr, tmp) + Ub
    mask = softmax_constraints[:, None, :] > 0
    scores = jnp.where(mask, scores, jnp.float32(-1e13))
    return scores

if __name__ == "__main__":
    import jax
    _d = setup_inputs()
    print(jax.jit(kernel)(*tuple(_d.values())))

</pallas_src>

<mosaic_0001>
#map = affine_map<(d0, d1) -> (0, 0)>
#map1 = affine_map<(d0, d1) -> (0)>
module attributes {stable_mosaic.version = 14 : i64} {
  func.func @gather(%arg0: i32, %arg1: i32, %arg2: memref<4096x256xf32, #tpu.memory_space<hbm>>, %arg3: memref<4096xi32, #tpu.memory_space<hbm>>, %arg4: memref<4096x256xf32, #tpu.memory_space<hbm>>, %arg5: memref<128xi32, #tpu.memory_space<vmem>>, %arg6: memref<128x256xf32, #tpu.memory_space<vmem>>, %arg7: memref<!tpu.dma_semaphore, #tpu.memory_space<semaphore_mem>>) attributes {dimension_semantics = [#tpu.dimension_semantics<core_parallel>, #tpu.dimension_semantics<subcore_parallel>], iteration_bounds = array<i64: 2, 16>, scalar_prefetch = 0 : i64, scratch_operands = 3 : i64, tpu.core_type = #tpu.core_type<sc_vector_subcore>, window_params = [{transform_indices = #map}, {transform_indices = #map1}, {transform_indices = #map}]} {
    %mul3A = arith.constant 2 : i32
    %mul3A_0 = arith.muli %arg1, %mul3A : i32
    %add3A = arith.addi %mul3A_0, %arg0 : i32
    %mul3A_1 = arith.constant 128 : i32
    %mul3A_2 = arith.muli %add3A, %mul3A_1 : i32
    "tpu.region"() ({
      %run_scoped3A = tpu.sem_alloc : memref<!tpu.dma_semaphore, #tpu.memory_space<semaphore_mem>>
      %dma_start3A_7 = tpu.memref_slice %arg3[%mul3A_2] : memref<4096xi32, #tpu.memory_space<hbm>> -> memref<128xi32, #tpu.memory_space<hbm>>
      %dma_start3A_8 = tpu.memref_slice %arg3[%mul3A_2] : memref<4096xi32, #tpu.memory_space<hbm>> -> memref<128xi32, #tpu.memory_space<hbm>>
      tpu.enqueue_dma source(%dma_start3A_8 : memref<128xi32, #tpu.memory_space<hbm>>) target(%arg5 : memref<128xi32, #tpu.memory_space<vmem>>) target_semaphore(%run_scoped3A : memref<!tpu.dma_semaphore, #tpu.memory_space<semaphore_mem>>)
      %dma_wait3A_9 = tpu.memref_slice %arg3[%mul3A_2] : memref<4096xi32, #tpu.memory_space<hbm>> -> memref<128xi32, #tpu.memory_space<hbm>>
      %dma_wait3A_10 = tpu.memref_slice %arg3[%mul3A_2] : memref<4096xi32, #tpu.memory_space<hbm>> -> memref<128xi32, #tpu.memory_space<hbm>>
      tpu.wait_dma2 semaphore(%run_scoped3A : memref<!tpu.dma_semaphore, #tpu.memory_space<semaphore_mem>>) src(%dma_wait3A_10 : memref<128xi32, #tpu.memory_space<hbm>>) dst(%arg5 : memref<128xi32, #tpu.memory_space<vmem>>)
      tpu.yield
    }) : () -> ()
    %dma_start3A = arith.constant 0 : i32
    %dma_start3A_3 = arith.constant 0 : i32
    %dma_start3A_4 = tpu.memref_slice %arg2[%dma_start3A, %dma_start3A_3] : memref<4096x256xf32, #tpu.memory_space<hbm>> -> memref<4096x256xf32, #tpu.memory_space<hbm>>
    tpu.enqueue_indirect_dma source(%dma_start3A_4 : memref<4096x256xf32, #tpu.memory_space<hbm>>) target(%arg6 : memref<128x256xf32, #tpu.memory_space<vmem>>) offsets(%arg5 : memref<128xi32, #tpu.memory_space<vmem>>) semaphore(%arg7 : memref<!tpu.dma_semaphore, #tpu.memory_space<semaphore_mem>>)
    %dma_wait3A = arith.constant 0 : i32
    %dma_wait3A_5 = arith.constant 0 : i32
    %dma_wait3A_6 = tpu.memref_slice %arg2[%dma_wait3A, %dma_wait3A_5] : memref<4096x256xf32, #tpu.memory_space<hbm>> -> memref<4096x256xf32, #tpu.memory_space<hbm>>
    tpu.wait_indirect_dma semaphore(%arg7 : memref<!tpu.dma_semaphore, #tpu.memory_space<semaphore_mem>>) src(%dma_wait3A_6 : memref<4096x256xf32, #tpu.memory_space<hbm>>) dst(%arg6 : memref<128x256xf32, #tpu.memory_space<vmem>>)
    "tpu.region"() ({
      %run_scoped3A = tpu.sem_alloc : memref<!tpu.dma_semaphore, #tpu.memory_space<semaphore_mem>>
      %dma_start3A_7 = arith.constant 0 : i32
      %dma_start3A_8 = tpu.memref_slice %arg4[%mul3A_2, %dma_start3A_7] : memref<4096x256xf32, #tpu.memory_space<hbm>> -> memref<128x256xf32, #tpu.memory_space<hbm>>
      %dma_start3A_9 = arith.constant 0 : i32
      %dma_start3A_10 = tpu.memref_slice %arg4[%mul3A_2, %dma_start3A_9] : memref<4096x256xf32, #tpu.memory_space<hbm>> -> memref<128x256xf32, #tpu.memory_space<hbm>>
      tpu.enqueue_dma source(%arg6 : memref<128x256xf32, #tpu.memory_space<vmem>>) target(%dma_start3A_10 : memref<128x256xf32, #tpu.memory_space<hbm>>) target_semaphore(%run_scoped3A : memref<!tpu.dma_semaphore, #tpu.memory_space<semaphore_mem>>)
      %dma_wait3A_11 = arith.constant 0 : i32
      %dma_wait3A_12 = tpu.memref_slice %arg4[%mul3A_2, %dma_wait3A_11] : memref<4096x256xf32, #tpu.memory_space<hbm>> -> memref<128x256xf32, #tpu.memory_space<hbm>>
      %dma_wait3A_13 = arith.constant 0 : i32
      %dma_wait3A_14 = tpu.memref_slice %arg4[%mul3A_2, %dma_wait3A_13] : memref<4096x256xf32, #tpu.memory_space<hbm>> -> memref<128x256xf32, #tpu.memory_space<hbm>>
      tpu.wait_dma2 semaphore(%run_scoped3A : memref<!tpu.dma_semaphore, #tpu.memory_space<semaphore_mem>>) src(%arg6 : memref<128x256xf32, #tpu.memory_space<vmem>>) dst(%dma_wait3A_14 : memref<128x256xf32, #tpu.memory_space<hbm>>)
      tpu.yield
    }) : () -> ()
    return
  }
}

module attributes {stable_mosaic.version = 14 : i64} {
  func.func @_lstm_body(%arg0: memref<4096x256xf32, #tpu.memory_space<vmem>>, %arg1: memref<4096x1xi32, #tpu.memory_space<vmem>>, %arg2: memref<1x256xf32, #tpu.memory_space<vmem>>, %arg3: memref<1x256xf32, #tpu.memory_space<vmem>>, %arg4: memref<4x256x1024xbf16, #tpu.memory_space<vmem>>, %arg5: memref<4x256x1024xbf16, #tpu.memory_space<vmem>>, %arg6: memref<4x1x1024xf32, #tpu.memory_space<vmem>>, %arg7: memref<64x64x256xf32, #tpu.memory_space<vmem>>, %arg8: memref<4096x256xbf16, #tpu.memory_space<vmem>>, %arg9: memref<4096x1024xf32, #tpu.memory_space<vmem>>) attributes {dimension_semantics = [], scalar_prefetch = 0 : i64, scratch_operands = 2 : i64, tpu.core_type = #tpu.core_type<tc>} {
    %get3A = arith.constant 0 : index
    %get3A_0 = arith.constant 0 : index
    %get3A_1 = vector.load %arg1[%get3A, %get3A_0] : memref<4096x1xi32, #tpu.memory_space<vmem>>, vector<4096x1xi32>
    %gt3A = arith.constant 0 : i32
    %gt3A_2 = vector.broadcast %gt3A : i32 to vector<4096x1xi32>
    %gt3A_3 = arith.cmpi sgt, %get3A_1, %gt3A_2 : vector<4096x1xi32>
    %get3A_4 = arith.constant 0 : index
    %get3A_5 = arith.constant 0 : index
    %get3A_6 = vector.load %arg3[%get3A_4, %get3A_5] : memref<1x256xf32, #tpu.memory_space<vmem>>, vector<1x256xf32>
    %get3A_7 = arith.constant 0 : index
    %get3A_8 = arith.constant 0 : index
    %get3A_9 = vector.load %arg2[%get3A_7, %get3A_8] : memref<1x256xf32, #tpu.memory_space<vmem>>, vector<1x256xf32>
    %broadcast_in_dim3A = vector.shape_cast %gt3A_3 : vector<4096x1xi1> to vector<4096x1xi1>
    %broadcast_in_dim3A_10 = vector.broadcast %broadcast_in_dim3A : vector<4096x1xi1> to vector<4096x256xi1>
    %broadcast_in_dim3A_11 = vector.shape_cast %get3A_6 : vector<1x256xf32> to vector<1x256xf32>
    %broadcast_in_dim3A_12 = vector.broadcast %broadcast_in_dim3A_11 : vector<1x256xf32> to vector<4096x256xf32>
    %broadcast_in_dim3A_13 = vector.shape_cast %get3A_9 : vector<1x256xf32> to vector<1x256xf32>
    %broadcast_in_dim3A_14 = vector.broadcast %broadcast_in_dim3A_13 : vector<1x256xf32> to vector<4096x256xf32>
    %select_n3A = arith.select %broadcast_in_dim3A_10, %broadcast_in_dim3A_12, %broadcast_in_dim3A_14 : vector<4096x256xi1>, vector<4096x256xf32>
    %get3A_15 = arith.constant 0 : index
    %get3A_16 = arith.constant 0 : index
    %get3A_17 = vector.load %arg0[%get3A_15, %get3A_16] : memref<4096x256xf32, #tpu.memory_space<vmem>>, vector<4096x256xf32>
    %add3A = arith.addf %get3A_17, %select_n3A : vector<4096x256xf32>
    %convert_element_type3A = arith.truncf %add3A : vector<4096x256xf32> to vector<4096x256xbf16>
    %swap3A = arith.constant 0 : index
    %swap3A_18 = arith.constant 0 : index
    %swap3A_19 = vector.load %arg8[%swap3A, %swap3A_18] : memref<4096x256xbf16, #tpu.memory_space<vmem>>, vector<4096x256xbf16>
    tpu.vector_store %arg8[%swap3A, %swap3A_18], %convert_element_type3A {strides = array<i32>} : memref<4096x256xbf16, #tpu.memory_space<vmem>>, vector<4096x256xbf16>,
    %get3A_20 = arith.constant 0 : index
    %get3A_21 = arith.constant 0 : index
    %get3A_22 = vector.load %arg8[%get3A_20, %get3A_21] : memref<4096x256xbf16, #tpu.memory_space<vmem>>, vector<4096x256xbf16>
    %get3A_23 = arith.constant 0 : index
    %get3A_24 = arith.constant 0 : index
    %get3A_25 = arith.constant 0 : index
    %get3A_26 = vector.load %arg4[%get3A_23, %get3A_24, %get3A_25] : memref<4x256x1024xbf16, #tpu.memory_space<vmem>>, vector<1x256x1024xbf16>
    %get3A_27 = vector.shape_cast %get3A_26 : vector<1x256x1024xbf16> to vector<256x1024xbf16>
    %dot_general3A = arith.constant dense<0.000000e+00> : vector<4096x1024xf32>
    %dot_general3A_28 = tpu.matmul %get3A_22, %get3A_27, %dot_general3A {dimension_numbers = #tpu.dot_dimension_numbers<[1], [0], [0], [1], [0, 0, 1, 1], [], []>, transpose_lhs_hint = false} : vector<4096x256xbf16>, vector<256x1024xbf16>, vector<4096x1024xf32> -> vector<4096x1024xf32>
    %get3A_29 = arith.constant 0 : index
    %get3A_30 = arith.constant 0 : index
    %get3A_31 = arith.constant 0 : index
    %get3A_32 = vector.load %arg6[%get3A_29, %get3A_30, %get3A_31] : memref<4x1x1024xf32, #tpu.memory_space<vmem>>, vector<1x1x1024xf32>
    %get3A_33 = vector.shape_cast %get3A_32 : vector<1x1x1024xf32> to vector<1x1024xf32>
    %add3A_34 = vector.broadcast %get3A_33 : vector<1x1024xf32> to vector<4096x1024xf32>
    %add3A_35 = arith.addf %dot_general3A_28, %add3A_34 : vector<4096x1024xf32>
    %swap3A_36 = arith.constant 0 : index
    %swap3A_37 = arith.constant 0 : index
    %swap3A_38 = vector.load %arg9[%swap3A_36, %swap3A_37] : memref<4096x1024xf32, #tpu.memory_space<vmem>>, vector<4096x1024xf32>
    tpu.vector_store %arg9[%swap3A_36, %swap3A_37], %add3A_35 {strides = array<i32>} : memref<4096x1024xf32, #tpu.memory_space<vmem>>, vector<4096x1024xf32>,
    %broadcast_in_dim3A_39 = arith.constant 0.000000e+00 : bf16
    %broadcast_in_dim3A_40 = vector.broadcast %broadcast_in_dim3A_39 : bf16 to vector<64x256xbf16>
    %broadcast_in_dim3A_41 = arith.constant 0.000000e+00 : f32
    %broadcast_in_dim3A_42 = vector.broadcast %broadcast_in_dim3A_41 : f32 to vector<64x256xf32>
    %scan3A = arith.constant 0 : i32
    %scan3A_43 = arith.constant 4 : i32
    %scan3A_44 = arith.addi %scan3A, %scan3A_43 : i32
    %scan3A_45 = arith.constant 1 : i32
    %scan3A_46:2 = scf.for %scan3A_138 = %scan3A to %scan3A_44 step %scan3A_45 iter_args(%scan3A_139 = %broadcast_in_dim3A_40, %scan3A_140 = %broadcast_in_dim3A_42) -> (vector<64x256xbf16>, vector<64x256xf32>)  : i32 {
      %mul3A = arith.constant 16 : i32
      %mul3A_141 = arith.muli %mul3A, %scan3A_138 : i32
      %add3A_142 = arith.constant 0 : i32
      %add3A_143 = arith.addi %mul3A_141, %add3A_142 : i32
      %mul3A_144 = arith.constant 64 : i32
      %mul3A_145 = arith.muli %add3A_143, %mul3A_144 : i32
      %multiple_of3A = tpu.assume_multiple %mul3A_145, 64 : i32
      %get3A_146 = arith.index_cast %multiple_of3A : i32 to index
      %get3A_147 = arith.constant 0 : index
      %get3A_148 = vector.load %arg9[%get3A_146, %get3A_147] : memref<4096x1024xf32, #tpu.memory_space<vmem>>, vector<64x1024xf32>
      %get3A_149 = arith.constant 0 : index
      %get3A_150 = arith.constant 0 : index
      %get3A_151 = arith.constant 0 : index
      %get3A_152 = vector.load %arg5[%get3A_149, %get3A_150, %get3A_151] : memref<4x256x1024xbf16, #tpu.memory_space<vmem>>, vector<1x256x1024xbf16>
      %get3A_153 = vector.shape_cast %get3A_152 : vector<1x256x1024xbf16> to vector<256x1024xbf16>
      %dot_general3A_154 = arith.constant dense<0.000000e+00> : vector<64x1024xf32>
      %dot_general3A_155 = tpu.matmul %scan3A_139, %get3A_153, %dot_general3A_154 {dimension_numbers = #tpu.dot_dimension_numbers<[1], [0], [0], [1], [0, 0, 1, 1], [], []>, transpose_lhs_hint = false} : vector<64x256xbf16>, vector<256x1024xbf16>, vector<64x1024xf32> -> vector<64x1024xf32>
      %add3A_156 = arith.addf %get3A_148, %dot_general3A_155 : vector<64x1024xf32>
      %slice3A = vector.extract_strided_slice %add3A_156 {offsets = [0, 0], sizes = [64, 256], strides = [1, 1]} : vector<64x1024xf32> to vector<64x256xf32>
      %mul3A_157 = arith.constant 5.000000e-01 : f32
      %mul3A_158 = vector.broadcast %mul3A_157 : f32 to vector<64x256xf32>
      %mul3A_159 = arith.mulf %mul3A_158, %slice3A : vector<64x256xf32>
      %tanh3A = math.tanh %mul3A_159 : vector<64x256xf32>
      %mul3A_160 = arith.constant 5.000000e-01 : f32
      %mul3A_161 = vector.broadcast %mul3A_160 : f32 to vector<64x256xf32>
      %mul3A_162 = arith.mulf %mul3A_161, %tanh3A : vector<64x256xf32>
      %add3A_163 = arith.constant 5.000000e-01 : f32
      %add3A_164 = vector.broadcast %add3A_163 : f32 to vector<64x256xf32>
      %add3A_165 = arith.addf %mul3A_162, %add3A_164 : vector<64x256xf32>
      %slice3A_166 = vector.extract_strided_slice %add3A_156 {offsets = [0, 256], sizes = [64, 256], strides = [1, 1]} : vector<64x1024xf32> to vector<64x256xf32>
      %mul3A_167 = arith.constant 5.000000e-01 : f32
      %mul3A_168 = vector.broadcast %mul3A_167 : f32 to vector<64x256xf32>
      %mul3A_169 = arith.mulf %mul3A_168, %slice3A_166 : vector<64x256xf32>
      %tanh3A_170 = math.tanh %mul3A_169 : vector<64x256xf32>
      %mul3A_171 = arith.constant 5.000000e-01 : f32
      %mul3A_172 = vector.broadcast %mul3A_171 : f32 to vector<64x256xf32>
      %mul3A_173 = arith.mulf %mul3A_172, %tanh3A_170 : vector<64x256xf32>
      %add3A_174 = arith.constant 5.000000e-01 : f32
      %add3A_175 = vector.broadcast %add3A_174 : f32 to vector<64x256xf32>
      %add3A_176 = arith.addf %mul3A_173, %add3A_175 : vector<64x256xf32>
      %slice3A_177 = vector.extract_strided_slice %add3A_156 {offsets = [0, 512], sizes = [64, 256], strides = [1, 1]} : vector<64x1024xf32> to vector<64x256xf32>
      %tanh3A_178 = math.tanh %slice3A_177 : vector<64x256xf32>
      %slice3A_179 = vector.extract_strided_slice %add3A_156 {offsets = [0, 768], sizes = [64, 256], strides = [1, 1]} : vector<64x1024xf32> to vector<64x256xf32>
      %mul3A_180 = arith.constant 5.000000e-01 : f32
      %mul3A_181 = vector.broadcast %mul3A_180 : f32 to vector<64x256xf32>
      %mul3A_182 = arith.mulf %mul3A_181, %slice3A_179 : vector<64x256xf32>
      %tanh3A_183 = math.tanh %mul3A_182 : vector<64x256xf32>
      %mul3A_184 = arith.constant 5.000000e-01 : f32
      %mul3A_185 = vector.broadcast %mul3A_184 : f32 to vector<64x256xf32>
      %mul3A_186 = arith.mulf %mul3A_185, %tanh3A_183 : vector<64x256xf32>
      %add3A_187 = arith.constant 5.000000e-01 : f32
      %add3A_188 = vector.broadcast %add3A_187 : f32 to vector<64x256xf32>
      %add3A_189 = arith.addf %mul3A_186, %add3A_188 : vector<64x256xf32>
      %mul3A_190 = arith.mulf %add3A_176, %scan3A_140 : vector<64x256xf32>
      %mul3A_191 = arith.mulf %add3A_165, %tanh3A_178 : vector<64x256xf32>
      %add3A_192 = arith.addf %mul3A_190, %mul3A_191 : vector<64x256xf32>
      %tanh3A_193 = math.tanh %add3A_192 : vector<64x256xf32>
      %mul3A_194 = arith.mulf %add3A_189, %tanh3A_193 : vector<64x256xf32>
      %convert_element_type3A_195 = arith.truncf %mul3A_194 : vector<64x256xf32> to vector<64x256xbf16>
      %swap3A_196 = arith.index_cast %multiple_of3A : i32 to index
      %swap3A_197 = arith.constant 0 : index
      %swap3A_198 = vector.load %arg8[%swap3A_196, %swap3A_197] : memref<4096x256xbf16, #tpu.memory_space<vmem>>, vector<64x256xbf16>
      tpu.vector_store %arg8[%swap3A_196, %swap3A_197], %convert_element_type3A_195 {strides = array<i32>} : memref<4096x256xbf16, #tpu.memory_space<vmem>>, vector<64x256xbf16>,
      %add3A_199 = arith.constant 1 : i32
      %add3A_200 = arith.addi %mul3A_141, %add3A_199 : i32
      %mul3A_201 = arith.constant 64 : i32
      %mul3A_202 = arith.muli %add3A_200, %mul3A_201 : i32
      %multiple_of3A_203 = tpu.assume_multiple %mul3A_202, 64 : i32
      %get3A_204 = arith.index_cast %multiple_of3A_203 : i32 to index
      %get3A_205 = arith.constant 0 : index
      %get3A_206 = vector.load %arg9[%get3A_204, %get3A_205] : memref<4096x1024xf32, #tpu.memory_space<vmem>>, vector<64x1024xf32>
      %get3A_207 = arith.constant 0 : index
      %get3A_208 = arith.constant 0 : index
      %get3A_209 = arith.constant 0 : index
      %get3A_210 = vector.load %arg5[%get3A_207, %get3A_208, %get3A_209] : memref<4x256x1024xbf16, #tpu.memory_space<vmem>>, vector<1x256x1024xbf16>
      %get3A_211 = vector.shape_cast %get3A_210 : vector<1x256x1024xbf16> to vector<256x1024xbf16>
      %dot_general3A_212 = arith.constant dense<0.000000e+00> : vector<64x1024xf32>
      %dot_general3A_213 = tpu.matmul %convert_element_type3A_195, %get3A_211, %dot_general3A_212 {dimension_numbers = #tpu.dot_dimension_numbers<[1], [0], [0], [1], [0, 0, 1, 1], [], []>, transpose_lhs_hint = false} : vector<64x256xbf16>, vector<256x1024xbf16>, vector<64x1024xf32> -> vector<64x1024xf32>
      %add3A_214 = arith.addf %get3A_206, %dot_general3A_213 : vector<64x1024xf32>
      %slice3A_215 = vector.extract_strided_slice %add3A_214 {offsets = [0, 0], sizes = [64, 256], strides = [1, 1]} : vector<64x1024xf32> to vector<64x256xf32>
      %mul3A_216 = arith.constant 5.000000e-01 : f32
      %mul3A_217 = vector.broadcast %mul3A_216 : f32 to vector<64x256xf32>
      %mul3A_218 = arith.mulf %mul3A_217, %slice3A_215 : vector<64x256xf32>
      %tanh3A_219 = math.tanh %mul3A_218 : vector<64x256xf32>
      %mul3A_220 = arith.constant 5.000000e-01 : f32
      %mul3A_221 = vector.broadcast %mul3A_220 : f32 to vector<64x256xf32>
      %mul3A_222 = arith.mulf %mul3A_221, %tanh3A_219 : vector<64x256xf32>
      %add3A_223 = arith.constant 5.000000e-01 : f32
      %add3A_224 = vector.broadcast %add3A_223 : f32 to vector<64x256xf32>
      %add3A_225 = arith.addf %mul3A_222, %add3A_224 : vector<64x256xf32>
      %slice3A_226 = vector.extract_strided_slice %add3A_214 {offsets = [0, 256], sizes = [64, 256], strides = [1, 1]} : vector<64x1024xf32> to vector<64x256xf32>
      %mul3A_227 = arith.constant 5.000000e-01 : f32
      %mul3A_228 = vector.broadcast %mul3A_227 : f32 to vector<64x256xf32>
      %mul3A_229 = arith.mulf %mul3A_228, %slice3A_226 : vector<64x256xf32>
      %tanh3A_230 = math.tanh %mul3A_229 : vector<64x256xf32>
      %mul3A_231 = arith.constant 5.000000e-01 : f32
      %mul3A_232 = vector.broadcast %mul3A_231 : f32 to vector<64x256xf32>
      %mul3A_233 = arith.mulf %mul3A_232, %tanh3A_230 : vector<64x256xf32>
      %add3A_234 = arith.constant 5.000000e-01 : f32
      %add3A_235 = vector.broadcast %add3A_234 : f32 to vector<64x256xf32>
      %add3A_236 = arith.addf %mul3A_233, %add3A_235 : vector<64x256xf32>
      %slice3A_237 = vector.extract_strided_slice %add3A_214 {offsets = [0, 512], sizes = [64, 256], strides = [1, 1]} : vector<64x1024xf32> to vector<64x256xf32>
      %tanh3A_238 = math.tanh %slice3A_237 : vector<64x256xf32>
      %slice3A_239 = vector.extract_strided_slice %add3A_214 {offsets = [0, 768], sizes = [64, 256], strides = [1, 1]} : vector<64x1024xf32> to vector<64x256xf32>
      %mul3A_240 = arith.constant 5.000000e-01 : f32
      %mul3A_241 = vector.broadcast %mul3A_240 : f32 to vector<64x256xf32>
      %mul3A_242 = arith.mulf %mul3A_241, %slice3A_239 : vector<64x256xf32>
      %tanh3A_243 = math.tanh %mul3A_242 : vector<64x256xf32>
      %mul3A_244 = arith.constant 5.000000e-01 : f32
      %mul3A_245 = vector.broadcast %mul3A_244 : f32 to vector<64x256xf32>
      %mul3A_246 = arith.mulf %mul3A_245, %tanh3A_243 : vector<64x256xf32>
      %add3A_247 = arith.constant 5.000000e-01 : f32
      %add3A_248 = vector.broadcast %add3A_247 : f32 to vector<64x256xf32>
      %add3A_249 = arith.addf %mul3A_246, %add3A_248 : vector<64x256xf32>
      %mul3A_250 = arith.mulf %add3A_236, %add3A_192 : vector<64x256xf32>
      %mul3A_251 = arith.mulf %add3A_225, %tanh3A_238 : vector<64x256xf32>
      %add3A_252 = arith.addf %mul3A_250, %mul3A_251 : vector<64x256xf32>
      %tanh3A_253 = math.tanh %add3A_252 : vector<64x256xf32>
      %mul3A_254 = arith.mulf %add3A_249, %tanh3A_253 : vector<64x256xf32>
      %convert_element_type3A_255 = arith.truncf %mul3A_254 : vector<64x256xf32> to vector<64x256xbf16>
      %swap3A_256 = arith.index_cast %multiple_of3A_203 : i32 to index
      %swap3A_257 = arith.constant 0 : index
      %swap3A_258 = vector.load %arg8[%swap3A_256, %swap3A_257] : memref<4096x256xbf16, #tpu.memory_space<vmem>>, vector<64x256xbf16>
      tpu.vector_store %arg8[%swap3A_256, %swap3A_257], %convert_element_type3A_255 {strides = array<i32>} : memref<4096x256xbf16, #tpu.memory_space<vmem>>, vector<64x256xbf16>,
      %add3A_259 = arith.constant 2 : i32
      %add3A_260 = arith.addi %mul3A_141, %add3A_259 : i32
      %mul3A_261 = arith.constant 64 : i32
      %mul3A_262 = arith.muli %add3A_260, %mul3A_261 : i32
      %multiple_of3A_263 = tpu.assume_multiple %mul3A_262, 64 : i32
      %get3A_264 = arith.index_cast %multiple_of3A_263 : i32 to index
      %get3A_265 = arith.constant 0 : index
      %get3A_266 = vector.load %arg9[%get3A_264, %get3A_265] : memref<4096x1024xf32, #tpu.memory_space<vmem>>, vector<64x1024xf32>
      %get3A_267 = arith.constant 0 : index
      %get3A_268 = arith.constant 0 : index
      %get3A_269 = arith.constant 0 : index
      %get3A_270 = vector.load %arg5[%get3A_267, %get3A_268, %get3A_269] : memref<4x256x1024xbf16, #tpu.memory_space<vmem>>, vector<1x256x1024xbf16>
      %get3A_271 = vector.shape_cast %get3A_270 : vector<1x256x1024xbf16> to vector<256x1024xbf16>
      %dot_general3A_272 = arith.constant dense<0.000000e+00> : vector<64x1024xf32>
      %dot_general3A_273 = tpu.matmul %convert_element_type3A_255, %get3A_271, %dot_general3A_272 {dimension_numbers = #tpu.dot_dimension_numbers<[1], [0], [0], [1], [0, 0, 1, 1], [], []>, transpose_lhs_hint = false} : vector<64x256xbf16>, vector<256x1024xbf16>, vector<64x1024xf32> -> vector<64x1024xf32>
      %add3A_274 = arith.addf %get3A_266, %dot_general3A_273 : vector<64x1024xf32>
      %slice3A_275 = vector.extract_strided_slice %add3A_274 {offsets = [0, 0], sizes = [64, 256], strides = [1, 1]} : vector<64x1024xf32> to vector<64x256xf32>
      %mul3A_276 = arith.constant 5.000000e-01 : f32
      %mul3A_277 = vector.broadcast %mul3A_276 : f32 to vector<64x256xf32>
      %mul3A_278 = arith.mulf %mul3A_277, %slice3A_275 : vector<64x256xf32>
      %tanh3A_279 = math.tanh %mul3A_278 : vector<64x256xf32>
      %mul3A_280 = arith.constant 5.000000e-01 : f32
      %mul3A_281 = vector.broadcast %mul3A_280 : f32 to vector<64x256xf32>
      %mul3A_282 = arith.mulf %mul3A_281, %tanh3A_279 : vector<64x256xf32>
      %add3A_283 = arith.constant 5.000000e-01 : f32
      %add3A_284 = vector.broadcast %add3A_283 : f32 to vector<64x256xf32>
      %add3A_285 = arith.addf %mul3A_282, %add3A_284 : vector<64x256xf32>
      %slice3A_286 = vector.extract_strided_slice %add3A_274 {offsets = [0, 256], sizes = [64, 256], strides = [1, 1]} : vector<64x1024xf32> to vector<64x256xf32>
      %mul3A_287 = arith.constant 5.000000e-01 : f32
      %mul3A_288 = vector.broadcast %mul3A_287 : f32 to vector<64x256xf32>
      %mul3A_289 = arith.mulf %mul3A_288, %slice3A_286 : vector<64x256xf32>
      %tanh3A_290 = math.tanh %mul3A_289 : vector<64x256xf32>
      %mul3A_291 = arith.constant 5.000000e-01 : f32
      %mul3A_292 = vector.broadcast %mul3A_291 : f32 to vector<64x256xf32>
      %mul3A_293 = arith.mulf %mul3A_292, %tanh3A_290 : vector<64x256xf32>
      %add3A_294 = arith.constant 5.000000e-01 : f32
      %add3A_295 = vector.broadcast %add3A_294 : f32 to vector<64x256xf32>
      %add3A_296 = arith.addf %mul3A_293, %add3A_295 : vector<64x256xf32>
      %slice3A_297 = vector.extract_strided_slice %add3A_274 {offsets = [0, 512], sizes = [64, 256], strides = [1, 1]} : vector<64x1024xf32> to vector<64x256xf32>
      %tanh3A_298 = math.tanh %slice3A_297 : vector<64x256xf32>
      %slice3A_299 = vector.extract_strided_slice %add3A_274 {offsets = [0, 768], sizes = [64, 256], strides = [1, 1]} : vector<64x1024xf32> to vector<64x256xf32>
      %mul3A_300 = arith.constant 5.000000e-01 : f32
      %mul3A_301 = vector.broadcast %mul3A_300 : f32 to vector<64x256xf32>
      %mul3A_302 = arith.mulf %mul3A_301, %slice3A_299 : vector<64x256xf32>
      %tanh3A_303 = math.tanh %mul3A_302 : vector<64x256xf32>
      %mul3A_304 = arith.constant 5.000000e-01 : f32
      %mul3A_305 = vector.broadcast %mul3A_304 : f32 to vector<64x256xf32>
      %mul3A_306 = arith.mulf %mul3A_305, %tanh3A_303 : vector<64x256xf32>
      %add3A_307 = arith.constant 5.000000e-01 : f32
      %add3A_308 = vector.broadcast %add3A_307 : f32 to vector<64x256xf32>
      %add3A_309 = arith.addf %mul3A_306, %add3A_308 : vector<64x256xf32>
      %mul3A_310 = arith.mulf %add3A_296, %add3A_252 : vector<64x256xf32>
      %mul3A_311 = arith.mulf %add3A_285, %tanh3A_298 : vector<64x256xf32>
      %add3A_312 = arith.addf %mul3A_310, %mul3A_311 : vector<64x256xf32>
      %tanh3A_313 = math.tanh %add3A_312 : vector<64x256xf32>
      %mul3A_314 = arith.mulf %add3A_309, %tanh3A_313 : vector<64x256xf32>
      %convert_element_type3A_315 = arith.truncf %mul3A_314 : vector<64x256xf32> to vector<64x256xbf16>
      %swap3A_316 = arith.index_cast %multiple_of3A_263 : i32 to index
      %swap3A_317 = arith.constant 0 : index
      %swap3A_318 = vector.load %arg8[%swap3A_316, %swap3A_317] : memref<4096x256xbf16, #tpu.memory_space<vmem>>, vector<64x256xbf16>
      tpu.vector_store %arg8[%swap3A_316, %swap3A_317], %convert_element_type3A_315 {strides = array<i32>} : memref<4096x256xbf16, #tpu.memory_space<vmem>>, vector<64x256xbf16>,
      %add3A_319 = arith.constant 3 : i32
      %add3A_320 = arith.addi %mul3A_141, %add3A_319 : i32
      %mul3A_321 = arith.constant 64 : i32
      %mul3A_322 = arith.muli %add3A_320, %mul3A_321 : i32
      %multiple_of3A_323 = tpu.assume_multiple %mul3A_322, 64 : i32
      %get3A_324 = arith.index_cast %multiple_of3A_323 : i32 to index
      %get3A_325 = arith.constant 0 : index
      %get3A_326 = vector.load %arg9[%get3A_324, %get3A_325] : memref<4096x1024xf32, #tpu.memory_space<vmem>>, vector<64x1024xf32>
      %get3A_327 = arith.constant 0 : index
      %get3A_328 = arith.constant 0 : index
      %get3A_329 = arith.constant 0 : index
      %get3A_330 = vector.load %arg5[%get3A_327, %get3A_328, %get3A_329] : memref<4x256x1024xbf16, #tpu.memory_space<vmem>>, vector<1x256x1024xbf16>
      %get3A_331 = vector.shape_cast %get3A_330 : vector<1x256x1024xbf16> to vector<256x1024xbf16>
      %dot_general3A_332 = arith.constant dense<0.000000e+00> : vector<64x1024xf32>
      %dot_general3A_333 = tpu.matmul %convert_element_type3A_315, %get3A_331, %dot_general3A_332 {dimension_numbers = #tpu.dot_dimension_numbers<[1], [0], [0], [1], [0, 0, 1, 1], [], []>, transpose_lhs_hint = false} : vector<64x256xbf16>, vector<256x1024xbf16>, vector<64x1024xf32> -> vector<64x1024xf32>
      %add3A_334 = arith.addf %get3A_326, %dot_general3A_333 : vector<64x1024xf32>
      %slice3A_335 = vector.extract_strided_slice %add3A_334 {offsets = [0, 0], sizes = [64, 256], strides = [1, 1]} : vector<64x1024xf32> to vector<64x256xf32>
      %mul3A_336 = arith.constant 5.000000e-01 : f32
      %mul3A_337 = vector.broadcast %mul3A_336 : f32 to vector<64x256xf32>
      %mul3A_338 = arith.mulf %mul3A_337, %slice3A_335 : vector<64x256xf32>
      %tanh3A_339 = math.tanh %mul3A_338 : vector<64x256xf32>
      %mul3A_340 = arith.constant 5.000000e-01 : f32
      %mul3A_341 = vector.broadcast %mul3A_340 : f32 to vector<64x256xf32>
      %mul3A_342 = arith.mulf %mul3A_341, %tanh3A_339 : vector<64x256xf32>
      %add3A_343 = arith.constant 5.000000e-01 : f32
      %add3A_344 = vector.broadcast %add3A_343 : f32 to vector<64x256xf32>
      %add3A_345 = arith.addf %mul3A_342, %add3A_344 : vector<64x256xf32>
      %slice3A_346 = vector.extract_strided_slice %add3A_334 {offsets = [0, 256], sizes = [64, 256], strides = [1, 1]} : vector<64x1024xf32> to vector<64x256xf32>
      %mul3A_347 = arith.constant 5.000000e-01 : f32
      %mul3A_348 = vector.broadcast %mul3A_347 : f32 to vector<64x256xf32>
      %mul3A_349 = arith.mulf %mul3A_348, %slice3A_346 : vector<64x256xf32>
      %tanh3A_350 = math.tanh %mul3A_349 : vector<64x256xf32>
      %mul3A_351 = arith.constant 5.000000e-01 : f32
      %mul3A_352 = vector.broadcast %mul3A_351 : f32 to vector<64x256xf32>
      %mul3A_353 = arith.mulf %mul3A_352, %tanh3A_350 : vector<64x256xf32>
      %add3A_354 = arith.constant 5.000000e-01 : f32
      %add3A_355 = vector.broadcast %add3A_354 : f32 to vector<64x256xf32>
      %add3A_356 = arith.addf %mul3A_353, %add3A_355 : vector<64x256xf32>
      %slice3A_357 = vector.extract_strided_slice %add3A_334 {offsets = [0, 512], sizes = [64, 256], strides = [1, 1]} : vector<64x1024xf32> to vector<64x256xf32>
      %tanh3A_358 = math.tanh %slice3A_357 : vector<64x256xf32>
      %slice3A_359 = vector.extract_strided_slice %add3A_334 {offsets = [0, 768], sizes = [64, 256], strides = [1, 1]} : vector<64x1024xf32> to vector<64x256xf32>
      %mul3A_360 = arith.constant 5.000000e-01 : f32
      %mul3A_361 = vector.broadcast %mul3A_360 : f32 to vector<64x256xf32>
      %mul3A_362 = arith.mulf %mul3A_361, %slice3A_359 : vector<64x256xf32>
      %tanh3A_363 = math.tanh %mul3A_362 : vector<64x256xf32>
      %mul3A_364 = arith.constant 5.000000e-01 : f32
      %mul3A_365 = vector.broadcast %mul3A_364 : f32 to vector<64x256xf32>
      %mul3A_366 = arith.mulf %mul3A_365, %tanh3A_363 : vector<64x256xf32>
      %add3A_367 = arith.constant 5.000000e-01 : f32
      %add3A_368 = vector.broadcast %add3A_367 : f32 to vector<64x256xf32>
      %add3A_369 = arith.addf %mul3A_366, %add3A_368 : vector<64x256xf32>
      %mul3A_370 = arith.mulf %add3A_356, %add3A_312 : vector<64x256xf32>
      %mul3A_371 = arith.mulf %add3A_345, %tanh3A_358 : vector<64x256xf32>
      %add3A_372 = arith.addf %mul3A_370, %mul3A_371 : vector<64x256xf32>
      %tanh3A_373 = math.tanh %add3A_372 : vector<64x256xf32>
      %mul3A_374 = arith.mulf %add3A_369, %tanh3A_373 : vector<64x256xf32>
      %convert_element_type3A_375 = arith.truncf %mul3A_374 : vector<64x256xf32> to vector<64x256xbf16>
      %swap3A_376 = arith.index_cast %multiple_of3A_323 : i32 to index
      %swap3A_377 = arith.constant 0 : index
      %swap3A_378 = vector.load %arg8[%swap3A_376, %swap3A_377] : memref<4096x256xbf16, #tpu.memory_space<vmem>>, vector<64x256xbf16>
      tpu.vector_store %arg8[%swap3A_376, %swap3A_377], %convert_element_type3A_375 {strides = array<i32>} : memref<4096x256xbf16, #tpu.memory_space<vmem>>, vector<64x256xbf16>,
      %add3A_379 = arith.constant 4 : i32
      %add3A_380 = arith.addi %mul3A_141, %add3A_379 : i32
      %mul3A_381 = arith.constant 64 : i32
      %mul3A_382 = arith.muli %add3A_380, %mul3A_381 : i32
      %multiple_of3A_383 = tpu.assume_multiple %mul3A_382, 64 : i32
      %get3A_384 = arith.index_cast %multiple_of3A_383 : i32 to index
      %get3A_385 = arith.constant 0 : index
      %get3A_386 = vector.load %arg9[%get3A_384, %get3A_385] : memref<4096x1024xf32, #tpu.memory_space<vmem>>, vector<64x1024xf32>
      %get3A_387 = arith.constant 0 : index
      %get3A_388 = arith.constant 0 : index
      %get3A_389 = arith.constant 0 : index
      %get3A_390 = vector.load %arg5[%get3A_387, %get3A_388, %get3A_389] : memref<4x256x1024xbf16, #tpu.memory_space<vmem>>, vector<1x256x1024xbf16>
      %get3A_391 = vector.shape_cast %get3A_390 : vector<1x256x1024xbf16> to vector<256x1024xbf16>
      %dot_general3A_392 = arith.constant dense<0.000000e+00> : vector<64x1024xf32>
      %dot_general3A_393 = tpu.matmul %convert_element_type3A_375, %get3A_391, %dot_general3A_392 {dimension_numbers = #tpu.dot_dimension_numbers<[1], [0], [0], [1], [0, 0, 1, 1], [], []>, transpose_lhs_hint = false} : vector<64x256xbf16>, vector<256x1024xbf16>, vector<64x1024xf32> -> vector<64x1024xf32>
      %add3A_394 = arith.addf %get3A_386, %dot_general3A_393 : vector<64x1024xf32>
      %slice3A_395 = vector.extract_strided_slice %add3A_394 {offsets = [0, 0], sizes = [64, 256], strides = [1, 1]} : vector<64x1024xf32> to vector<64x256xf32>
      %mul3A_396 = arith.constant 5.000000e-01 : f32
      %mul3A_397 = vector.broadcast %mul3A_396 : f32 to vector<64x256xf32>
      %mul3A_398 = arith.mulf %mul3A_397, %slice3A_395 : vector<64x256xf32>
      %tanh3A_399 = math.tanh %mul3A_398 : vector<64x256xf32>
      %mul3A_400 = arith.constant 5.000000e-01 : f32
      %mul3A_401 = vector.broadcast %mul3A_400 : f32 to vector<64x256xf32>
      %mul3A_402 = arith.mulf %mul3A_401, %tanh3A_399 : vector<64x256xf32>
      %add3A_403 = arith.constant 5.000000e-01 : f32
      %add3A_404 = vector.broadcast %add3A_403 : f32 to vector<64x256xf32>
      %add3A_405 = arith.addf %mul3A_402, %add3A_404 : vector<64x256xf32>
      %slice3A_406 = vector.extract_strided_slice %add3A_394 {offsets = [0, 256], sizes = [64, 256], strides = [1, 1]} : vector<64x1024xf32> to vector<64x256xf32>
      %mul3A_407 = arith.constant 5.000000e-01 : f32
      %mul3A_408 = vector.broadcast %mul3A_407 : f32 to vector<64x256xf32>
      %mul3A_409 = arith.mulf %mul3A_408, %slice3A_406 : vector<64x256xf32>
      %tanh3A_410 = math.tanh %mul3A_409 : vector<64x256xf32>
      %mul3A_411 = arith.constant 5.000000e-01 : f32
      %mul3A_412 = vector.broadcast %mul3A_411 : f32 to vector<64x256xf32>
      %mul3A_413 = arith.mulf %mul3A_412, %tanh3A_410 : vector<64x256xf32>
      %add3A_414 = arith.constant 5.000000e-01 : f32
      %add3A_415 = vector.broadcast %add3A_414 : f32 to vector<64x256xf32>
      %add3A_416 = arith.addf %mul3A_413, %add3A_415 : vector<64x256xf32>
      %slice3A_417 = vector.extract_strided_slice %add3A_394 {offsets = [0, 512], sizes = [64, 256], strides = [1, 1]} : vector<64x1024xf32> to vector<64x256xf32>
      %tanh3A_418 = math.tanh %slice3A_417 : vector<64x256xf32>
      %slice3A_419 = vector.extract_strided_slice %add3A_394 {offsets = [0, 768], sizes = [64, 256], strides = [1, 1]} : vector<64x1024xf32> to vector<64x256xf32>
      %mul3A_420 = arith.constant 5.000000e-01 : f32
      %mul3A_421 = vector.broadcast %mul3A_420 : f32 to vector<64x256xf32>
      %mul3A_422 = arith.mulf %mul3A_421, %slice3A_419 : vector<64x256xf32>
      %tanh3A_423 = math.tanh %mul3A_422 : vector<64x256xf32>
      %mul3A_424 = arith.constant 5.000000e-01 : f32
      %mul3A_425 = vector.broadcast %mul3A_424 : f32 to vector<64x256xf32>
      %mul3A_426 = arith.mulf %mul3A_425, %tanh3A_423 : vector<64x256xf32>
      %add3A_427 = arith.constant 5.000000e-01 : f32
      %add3A_428 = vector.broadcast %add3A_427 : f32 to vector<64x256xf32>
      %add3A_429 = arith.addf %mul3A_426, %add3A_428 : vector<64x256xf32>
      %mul3A_430 = arith.mulf %add3A_416, %add3A_372 : vector<64x256xf32>
      %mul3A_431 = arith.mulf %add3A_405, %tanh3A_418 : vector<64x256xf32>
      %add3A_432 = arith.addf %mul3A_430, %mul3A_431 : vector<64x256xf32>
      %tanh3A_433 = math.tanh %add3A_432 : vector<64x256xf32>
      %mul3A_434 = arith.mulf %add3A_429, %tanh3A_433 : vector<64x256xf32>
      %convert_element_type3A_435 = arith.truncf %mul3A_434 : vector<64x256xf32> to vector<64x256xbf16>
      %swap3A_436 = arith.index_cast %multiple_of3A_383 : i32 to index
      %swap3A_437 = arith.constant 0 : index
      %swap3A_438 = vector.load %arg8[%swap3A_436, %swap3A_437] : memref<4096x256xbf16, #tpu.memory_space<vmem>>, vector<64x256xbf16>
      tpu.vector_store %arg8[%swap3A_436, %swap3A_437], %convert_element_type3A_435 {strides = array<i32>} : memref<4096x256xbf16, #tpu.memory_space<vmem>>, vector<64x256xbf16>,
      %add3A_439 = arith.constant 5 : i32
      %add3A_440 = arith.addi %mul3A_141, %add3A_439 : i32
      %mul3A_441 = arith.constant 64 : i32
      %mul3A_442 = arith.muli %add3A_440, %mul3A_441 : i32
      %multiple_of3A_443 = tpu.assume_multiple %mul3A_442, 64 : i32
      %get3A_444 = arith.index_cast %multiple_of3A_443 : i32 to index
      %get3A_445 = arith.constant 0 : index
      %get3A_446 = vector.load %arg9[%get3A_444, %get3A_445] : memref<4096x1024xf32, #tpu.memory_space<vmem>>, vector<64x1024xf32>
      %get3A_447 = arith.constant 0 : index
      %get3A_448 = arith.constant 0 : index
      %get3A_449 = arith.constant 0 : index
      %get3A_450 = vector.load %arg5[%get3A_447, %get3A_448, %get3A_449] : memref<4x256x1024xbf16, #tpu.memory_space<vmem>>, vector<1x256x1024xbf16>
      %get3A_451 = vector.shape_cast %get3A_450 : vector<1x256x1024xbf16> to vector<256x1024xbf16>
      %dot_general3A_452 = arith.constant dense<0.000000e+00> : vector<64x1024xf32>
      %dot_general3A_453 = tpu.matmul %convert_element_type3A_435, %get3A_451, %dot_general3A_452 {dimension_numbers = #tpu.dot_dimension_numbers<[1], [0], [0], [1], [0, 0, 1, 1], [], []>, transpose_lhs_hint = false} : vector<64x256xbf16>, vector<256x1024xbf16>, vector<64x1024xf32> -> vector<64x1024xf32>
      %add3A_454 = arith.addf %get3A_446, %dot_general3A_453 : vector<64x1024xf32>
      %slice3A_455 = vector.extract_strided_slice %add3A_454 {offsets = [0, 0], sizes = [64, 256], strides = [1, 1]} : vector<64x1024xf32> to vector<64x256xf32>
      %mul3A_456 = arith.constant 5.000000e-01 : f32
      %mul3A_457 = vector.broadcast %mul3A_456 : f32 to vector<64x256xf32>
      %mul3A_458 = arith.mulf %mul3A_457, %slice3A_455 : vector<64x256xf32>
      %tanh3A_459 = math.tanh %mul3A_458 : vector<64x256xf32>
      %mul3A_460 = arith.constant 5.000000e-01 : f32
      %mul3A_461 = vector.broadcast %mul3A_460 : f32 to vector<64x256xf32>
      %mul3A_462 = arith.mulf %mul3A_461, %tanh3A_459 : vector<64x256xf32>
      %add3A_463 = arith.constant 5.000000e-01 : f32
      %add3A_464 = vector.broadcast %add3A_463 : f32 to vector<64x256xf32>
      %add3A_465 = arith.addf %mul3A_462, %add3A_464 : vector<64x256xf32>
      %slice3A_466 = vector.extract_strided_slice %add3A_454 {offsets = [0, 256], sizes = [64, 256], strides = [1, 1]} : vector<64x1024xf32> to vector<64x256xf32>
      %mul3A_467 = arith.constant 5.000000e-01 : f32
      %mul3A_468 = vector.broadcast %mul3A_467 : f32 to vector<64x256xf32>
      %mul3A_469 = arith.mulf %mul3A_468, %slice3A_466 : vector<64x256xf32>
      %tanh3A_470 = math.tanh %mul3A_469 : vector<64x256xf32>
      %mul3A_471 = arith.constant 5.000000e-01 : f32
      %mul3A_472 = vector.broadcast %mul3A_471 : f32 to vector<64x256xf32>
      %mul3A_473 = arith.mulf %mul3A_472, %tanh3A_470 : vector<64x256xf32>
      %add3A_474 = arith.constant 5.000000e-01 : f32
      %add3A_475 = vector.broadcast %add3A_474 : f32 to vector<64x256xf32>
      %add3A_476 = arith.addf %mul3A_473, %add3A_475 : vector<64x256xf32>
      %slice3A_477 = vector.extract_strided_slice %add3A_454 {offsets = [0, 512], sizes = [64, 256], strides = [1, 1]} : vector<64x1024xf32> to vector<64x256xf32>
      %tanh3A_478 = math.tanh %slice3A_477 : vector<64x256xf32>
      %slice3A_479 = vector.extract_strided_slice %add3A_454 {offsets = [0, 768], sizes = [64, 256], strides = [1, 1]} : vector<64x1024xf32> to vector<64x256xf32>
      %mul3A_480 = arith.constant 5.000000e-01 : f32
      %mul3A_481 = vector.broadcast %mul3A_480 : f32 to vector<64x256xf32>
      %mul3A_482 = arith.mulf %mul3A_481, %slice3A_479 : vector<64x256xf32>
      %tanh3A_483 = math.tanh %mul3A_482 : vector<64x256xf32>
      %mul3A_484 = arith.constant 5.000000e-01 : f32
      %mul3A_485 = vector.broadcast %mul3A_484 : f32 to vector<64x256xf32>
      %mul3A_486 = arith.mulf %mul3A_485, %tanh3A_483 : vector<64x256xf32>
      %add3A_487 = arith.constant 5.000000e-01 : f32
      %add3A_488 = vector.broadcast %add3A_487 : f32 to vector<64x256xf32>
      %add3A_489 = arith.addf %mul3A_486, %add3A_488 : vector<64x256xf32>
      %mul3A_490 = arith.mulf %add3A_476, %add3A_432 : vector<64x256xf32>
      %mul3A_491 = arith.mulf %add3A_465, %tanh3A_478 : vector<64x256xf32>
      %add3A_492 = arith.addf %mul3A_490, %mul3A_491 : vector<64x256xf32>
      %tanh3A_493 = math.tanh %add3A_492 : vector<64x256xf32>
      %mul3A_494 = arith.mulf %add3A_489, %tanh3A_493 : vector<64x256xf32>
      %convert_element_type3A_495 = arith.truncf %mul3A_494 : vector<64x256xf32> to vector<64x256xbf16>
      %swap3A_496 = arith.index_cast %multiple_of3A_443 : i32 to index
      %swap3A_497 = arith.constant 0 : index
      %swap3A_498 = vector.load %arg8[%swap3A_496, %swap3A_497] : memref<4096x256xbf16, #tpu.memory_space<vmem>>, vector<64x256xbf16>
      tpu.vector_store %arg8[%swap3A_496, %swap3A_497], %convert_element_type3A_495 {strides = array<i32>} : memref<4096x256xbf16, #tpu.memory_space<vmem>>, vector<64x256xbf16>,
      %add3A_499 = arith.constant 6 : i32
      %add3A_500 = arith.addi %mul3A_141, %add3A_499 : i32
      %mul3A_501 = arith.constant 64 : i32
      %mul3A_502 = arith.muli %add3A_500, %mul3A_501 : i32
      %multiple_of3A_503 = tpu.assume_multiple %mul3A_502, 64 : i32
      %get3A_504 = arith.index_cast %multiple_of3A_503 : i32 to index
      %get3A_505 = arith.constant 0 : index
      %get3A_506 = vector.load %arg9[%get3A_504, %get3A_505] : memref<4096x1024xf32, #tpu.memory_space<vmem>>, vector<64x1024xf32>
      %get3A_507 = arith.constant 0 : index
      %get3A_508 = arith.constant 0 : index
      %get3A_509 = arith.constant 0 : index
      %get3A_510 = vector.load %arg5[%get3A_507, %get3A_508, %get3A_509] : memref<4x256x1024xbf16, #tpu.memory_space<vmem>>, vector<1x256x1024xbf16>
      %get3A_511 = vector.shape_cast %get3A_510 : vector<1x256x1024xbf16> to vector<256x1024xbf16>
      %dot_general3A_512 = arith.constant dense<0.000000e+00> : vector<64x1024xf32>
      %dot_general3A_513 = tpu.matmul %convert_element_type3A_495, %get3A_511, %dot_general3A_512 {dimension_numbers = #tpu.dot_dimension_numbers<[1], [0], [0], [1], [0, 0, 1, 1], [], []>, transpose_lhs_hint = false} : vector<64x256xbf16>, vector<256x1024xbf16>, vector<64x1024xf32> -> vector<64x1024xf32>
      %add3A_514 = arith.addf %get3A_506, %dot_general3A_513 : vector<64x1024xf32>
      %slice3A_515 = vector.extract_strided_slice %add3A_514 {offsets = [0, 0], sizes = [64, 256], strides = [1, 1]} : vector<64x1024xf32> to vector<64x256xf32>
      %mul3A_516 = arith.constant 5.000000e-01 : f32
      %mul3A_517 = vector.broadcast %mul3A_516 : f32 to vector<64x256xf32>
      %mul3A_518 = arith.mulf %mul3A_517, %slice3A_515 : vector<64x256xf32>
      %tanh3A_519 = math.tanh %mul3A_518 : vector<64x256xf32>
      %mul3A_520 = arith.constant 5.000000e-01 : f32
      %mul3A_521 = vector.broadcast %mul3A_520 : f32 to vector<64x256xf32>
      %mul3A_522 = arith.mulf %mul3A_521, %tanh3A_519 : vector<64x256xf32>
      %add3A_523 = arith.constant 5.000000e-01 : f32
      %add3A_524 = vector.broadcast %add3A_523 : f32 to vector<64x256xf32>
      %add3A_525 = arith.addf %mul3A_522, %add3A_524 : vector<64x256xf32>
      %slice3A_526 = vector.extract_strided_slice %add3A_514 {offsets = [0, 256], sizes = [64, 256], strides = [1, 1]} : vector<64x1024xf32> to vector<64x256xf32>
      %mul3A_527 = arith.constant 5.000000e-01 : f32
      %mul3A_528 = vector.broadcast %mul3A_527 : f32 to vector<64x256xf32>
      %mul3A_529 = arith.mulf %mul3A_528, %slice3A_526 : vector<64x256xf32>
      %tanh3A_530 = math.tanh %mul3A_529 : vector<64x256xf32>
      %mul3A_531 = arith.constant 5.000000e-01 : f32
      %mul3A_532 = vector.broadcast %mul3A_531 : f32 to vector<64x256xf32>
      %mul3A_533 = arith.mulf %mul3A_532, %tanh3A_530 : vector<64x256xf32>
      %add3A_534 = arith.constant 5.000000e-01 : f32
      %add3A_535 = vector.broadcast %add3A_534 : f32 to vector<64x256xf32>
      %add3A_536 = arith.addf %mul3A_533, %add3A_535 : vector<64x256xf32>
      %slice3A_537 = vector.extract_strided_slice %add3A_514 {offsets = [0, 512], sizes = [64, 256], strides = [1, 1]} : vector<64x1024xf32> to vector<64x256xf32>
      %tanh3A_538 = math.tanh %slice3A_537 : vector<64x256xf32>
      %slice3A_539 = vector.extract_strided_slice %add3A_514 {offsets = [0, 768], sizes = [64, 256], strides = [1, 1]} : vector<64x1024xf32> to vector<64x256xf32>
      %mul3A_540 = arith.constant 5.000000e-01 : f32
      %mul3A_541 = vector.broadcast %mul3A_540 : f32 to vector<64x256xf32>
      %mul3A_542 = arith.mulf %mul3A_541, %slice3A_539 : vector<64x256xf32>
      %tanh3A_543 = math.tanh %mul3A_542 : vector<64x256xf32>
      %mul3A_544 = arith.constant 5.000000e-01 : f32
      %mul3A_545 = vector.broadcast %mul3A_544 : f32 to vector<64x256xf32>
      %mul3A_546 = arith.mulf %mul3A_545, %tanh3A_543 : vector<64x256xf32>
      %add3A_547 = arith.constant 5.000000e-01 : f32
      %add3A_548 = vector.broadcast %add3A_547 : f32 to vector<64x256xf32>
      %add3A_549 = arith.addf %mul3A_546, %add3A_548 : vector<64x256xf32>
      %mul3A_550 = arith.mulf %add3A_536, %add3A_492 : vector<64x256xf32>
      %mul3A_551 = arith.mulf %add3A_525, %tanh3A_538 : vector<64x256xf32>
      %add3A_552 = arith.addf %mul3A_550, %mul3A_551 : vector<64x256xf32>
      %tanh3A_553 = math.tanh %add3A_552 : vector<64x256xf32>
      %mul3A_554 = arith.mulf %add3A_549, %tanh3A_553 : vector<64x256xf32>
      %convert_element_type3A_555 = arith.truncf %mul3A_554 : vector<64x256xf32> to vector<64x256xbf16>
      %swap3A_556 = arith.index_cast %multiple_of3A_503 : i32 to index
      %swap3A_557 = arith.constant 0 : index
      %swap3A_558 = vector.load %arg8[%swap3A_556, %swap3A_557] : memref<4096x256xbf16, #tpu.memory_space<vmem>>, vector<64x256xbf16>
      tpu.vector_store %arg8[%swap3A_556, %swap3A_557], %convert_element_type3A_555 {strides = array<i32>} : memref<4096x256xbf16, #tpu.memory_space<vmem>>, vector<64x256xbf16>,
      %add3A_559 = arith.constant 7 : i32
      %add3A_560 = arith.addi %mul3A_141, %add3A_559 : i32
      %mul3A_561 = arith.constant 64 : i32
      %mul3A_562 = arith.muli %add3A_560, %mul3A_561 : i32
      %multiple_of3A_563 = tpu.assume_multiple %mul3A_562, 64 : i32
      %get3A_564 = arith.index_cast %multiple_of3A_563 : i32 to index
      %get3A_565 = arith.constant 0 : index
      %get3A_566 = vector.load %arg9[%get3A_564, %get3A_565] : memref<4096x1024xf32, #tpu.memory_space<vmem>>, vector<64x1024xf32>
      %get3A_567 = arith.constant 0 : index
      %get3A_568 = arith.constant 0 : index
      %get3A_569 = arith.constant 0 : index
      %get3A_570 = vector.load %arg5[%get3A_567, %get3A_568, %get3A_569] : memref<4x256x1024xbf16, #tpu.memory_space<vmem>>, vector<1x256x1024xbf16>
      %get3A_571 = vector.shape_cast %get3A_570 : vector<1x256x1024xbf16> to vector<256x1024xbf16>
      %dot_general3A_572 = arith.constant dense<0.000000e+00> : vector<64x1024xf32>
      %dot_general3A_573 = tpu.matmul %convert_element_type3A_555, %get3A_571, %dot_general3A_572 {dimension_numbers = #tpu.dot_dimension_numbers<[1], [0], [0], [1], [0, 0, 1, 1], [], []>, transpose_lhs_hint = false} : vector<64x256xbf16>, vector<256x1024xbf16>, vector<64x1024xf32> -> vector<64x1024xf32>
      %add3A_574 = arith.addf %get3A_566, %dot_general3A_573 : vector<64x1024xf32>
      %slice3A_575 = vector.extract_strided_slice %add3A_574 {offsets = [0, 0], sizes = [64, 256], strides = [1, 1]} : vector<64x1024xf32> to vector<64x256xf32>
      %mul3A_576 = arith.constant 5.000000e-01 : f32
      %mul3A_577 = vector.broadcast %mul3A_576 : f32 to vector<64x256xf32>
      %mul3A_578 = arith.mulf %mul3A_577, %slice3A_575 : vector<64x256xf32>
      %tanh3A_579 = math.tanh %mul3A_578 : vector<64x256xf32>
      %mul3A_580 = arith.constant 5.000000e-01 : f32
      %mul3A_581 = vector.broadcast %mul3A_580 : f32 to vector<64x256xf32>
      %mul3A_582 = arith.mulf %mul3A_581, %tanh3A_579 : vector<64x256xf32>
      %add3A_583 = arith.constant 5.000000e-01 : f32
      %add3A_584 = vector.broadcast %add3A_583 : f32 to vector<64x256xf32>
      %add3A_585 = arith.addf %mul3A_582, %add3A_584 : vector<64x256xf32>
      %slice3A_586 = vector.extract_strided_slice %add3A_574 {offsets = [0, 256], sizes = [64, 256], strides = [1, 1]} : vector<64x1024xf32> to vector<64x256xf32>
      %mul3A_587 = arith.constant 5.000000e-01 : f32
      %mul3A_588 = vector.broadcast %mul3A_587 : f32 to vector<64x256xf32>
      %mul3A_589 = arith.mulf %mul3A_588, %slice3A_586 : vector<64x256xf32>
      %tanh3A_590 = math.tanh %mul3A_589 : vector<64x256xf32>
      %mul3A_591 = arith.constant 5.000000e-01 : f32
      %mul3A_592 = vector.broadcast %mul3A_591 : f32 to vector<64x256xf32>
      %mul3A_593 = arith.mulf %mul3A_592, %tanh3A_590 : vector<64x256xf32>
      %add3A_594 = arith.constant 5.000000e-01 : f32
      %add3A_595 = vector.broadcast %add3A_594 : f32 to vector<64x256xf32>
      %add3A_596 = arith.addf %mul3A_593, %add3A_595 : vector<64x256xf32>
      %slice3A_597 = vector.extract_strided_slice %add3A_574 {offsets = [0, 512], sizes = [64, 256], strides = [1, 1]} : vector<64x1024xf32> to vector<64x256xf32>
      %tanh3A_598 = math.tanh %slice3A_597 : vector<64x256xf32>
      %slice3A_599 = vector.extract_strided_slice %add3A_574 {offsets = [0, 768], sizes = [64, 256], strides = [1, 1]} : vector<64x1024xf32> to vector<64x256xf32>
      %mul3A_600 = arith.constant 5.000000e-01 : f32
      %mul3A_601 = vector.broadcast %mul3A_600 : f32 to vector<64x256xf32>
      %mul3A_602 = arith.mulf %mul3A_601, %slice3A_599 : vector<64x256xf32>
      %tanh3A_603 = math.tanh %mul3A_602 : vector<64x256xf32>
      %mul3A_604 = arith.constant 5.000000e-01 : f32
      %mul3A_605 = vector.broadcast %mul3A_604 : f32 to vector<64x256xf32>
      %mul3A_606 = arith.mulf %mul3A_605, %tanh3A_603 : vector<64x256xf32>
      %add3A_607 = arith.constant 5.000000e-01 : f32
      %add3A_608 = vector.broadcast %add3A_607 : f32 to vector<64x256xf32>
      %add3A_609 = arith.addf %mul3A_606, %add3A_608 : vector<64x256xf32>
      %mul3A_610 = arith.mulf %add3A_596, %add3A_552 : vector<64x256xf32>
      %mul3A_611 = arith.mulf %add3A_585, %tanh3A_598 : vector<64x256xf32>
      %add3A_612 = arith.addf %mul3A_610, %mul3A_611 : vector<64x256xf32>
      %tanh3A_613 = math.tanh %add3A_612 : vector<64x256xf32>
      %mul3A_614 = arith.mulf %add3A_609, %tanh3A_613 : vector<64x256xf32>
      %convert_element_type3A_615 = arith.truncf %mul3A_614 : vector<64x256xf32> to vector<64x256xbf16>
      %swap3A_616 = arith.index_cast %multiple_of3A_563 : i32 to index
      %swap3A_617 = arith.constant 0 : index
      %swap3A_618 = vector.load %arg8[%swap3A_616, %swap3A_617] : memref<4096x256xbf16, #tpu.memory_space<vmem>>, vector<64x256xbf16>
      tpu.vector_store %arg8[%swap3A_616, %swap3A_617], %convert_element_type3A_615 {strides = array<i32>} : memref<4096x256xbf16, #tpu.memory_space<vmem>>, vector<64x256xbf16>,
      %add3A_619 = arith.constant 8 : i32
      %add3A_620 = arith.addi %mul3A_141, %add3A_619 : i32
      %mul3A_621 = arith.constant 64 : i32
      %mul3A_622 = arith.muli %add3A_620, %mul3A_621 : i32
      %multiple_of3A_623 = tpu.assume_multiple %mul3A_622, 64 : i32
      %get3A_624 = arith.index_cast %multiple_of3A_623 : i32 to index
      %get3A_625 = arith.constant 0 : index
      %get3A_626 = vector.load %arg9[%get3A_624, %get3A_625] : memref<4096x1024xf32, #tpu.memory_space<vmem>>, vector<64x1024xf32>
      %get3A_627 = arith.constant 0 : index
      %get3A_628 = arith.constant 0 : index
      %get3A_629 = arith.constant 0 : index
      %get3A_630 = vector.load %arg5[%get3A_627, %get3A_628, %get3A_629] : memref<4x256x1024xbf16, #tpu.memory_space<vmem>>, vector<1x256x1024xbf16>
      %get3A_631 = vector.shape_cast %get3A_630 : vector<1x256x1024xbf16> to vector<256x1024xbf16>
      %dot_general3A_632 = arith.constant dense<0.000000e+00> : vector<64x1024xf32>
      %dot_general3A_633 = tpu.matmul %convert_element_type3A_615, %get3A_631, %dot_general3A_632 {dimension_numbers = #tpu.dot_dimension_numbers<[1], [0], [0], [1], [0, 0, 1, 1], [], []>, transpose_lhs_hint = false} : vector<64x256xbf16>, vector<256x1024xbf16>, vector<64x1024xf32> -> vector<64x1024xf32>
      %add3A_634 = arith.addf %get3A_626, %dot_general3A_633 : vector<64x1024xf32>
      %slice3A_635 = vector.extract_strided_slice %add3A_634 {offsets = [0, 0], sizes = [64, 256], strides = [1, 1]} : vector<64x1024xf32> to vector<64x256xf32>
      %mul3A_636 = arith.constant 5.000000e-01 : f32
      %mul3A_637 = vector.broadcast %mul3A_636 : f32 to vector<64x256xf32>
      %mul3A_638 = arith.mulf %mul3A_637, %slice3A_635 : vector<64x256xf32>
      %tanh3A_639 = math.tanh %mul3A_638 : vector<64x256xf32>
      %mul3A_640 = arith.constant 5.000000e-01 : f32
      %mul3A_641 = vector.broadcast %mul3A_640 : f32 to vector<64x256xf32>
      %mul3A_642 = arith.mulf %mul3A_641, %tanh3A_639 : vector<64x256xf32>
      %add3A_643 = arith.constant 5.000000e-01 : f32
      %add3A_644 = vector.broadcast %add3A_643 : f32 to vector<64x256xf32>
      %add3A_645 = arith.addf %mul3A_642, %add3A_644 : vector<64x256xf32>
      %slice3A_646 = vector.extract_strided_slice %add3A_634 {offsets = [0, 256], sizes = [64, 256], strides = [1, 1]} : vector<64x1024xf32> to vector<64x256xf32>
      %mul3A_647 = arith.constant 5.000000e-01 : f32
      %mul3A_648 = vector.broadcast %mul3A_647 : f32 to vector<64x256xf32>
      %mul3A_649 = arith.mulf %mul3A_648, %slice3A_646 : vector<64x256xf32>
      %tanh3A_650 = math.tanh %mul3A_649 : vector<64x256xf32>
      %mul3A_651 = arith.constant 5.000000e-01 : f32
      %mul3A_652 = vector.broadcast %mul3A_651 : f32 to vector<64x256xf32>
      %mul3A_653 = arith.mulf %mul3A_652, %tanh3A_650 : vector<64x256xf32>
      %add3A_654 = arith.constant 5.000000e-01 : f32
      %add3A_655 = vector.broadcast %add3A_654 : f32 to vector<64x256xf32>
      %add3A_656 = arith.addf %mul3A_653, %add3A_655 : vector<64x256xf32>
      %slice3A_657 = vector.extract_strided_slice %add3A_634 {offsets = [0, 512], sizes = [64, 256], strides = [1, 1]} : vector<64x1024xf32> to vector<64x256xf32>
      %tanh3A_658 = math.tanh %slice3A_657 : vector<64x256xf32>
      %slice3A_659 = vector.extract_strided_slice %add3A_634 {offsets = [0, 768], sizes = [64, 256], strides = [1, 1]} : vector<64x1024xf32> to vector<64x256xf32>
      %mul3A_660 = arith.constant 5.000000e-01 : f32
      %mul3A_661 = vector.broadcast %mul3A_660 : f32 to vector<64x256xf32>
      %mul3A_662 = arith.mulf %mul3A_661, %slice3A_659 : vector<64x256xf32>
      %tanh3A_663 = math.tanh %mul3A_662 : vector<64x256xf32>
      %mul3A_664 = arith.constant 5.000000e-01 : f32
      %mul3A_665 = vector.broadcast %mul3A_664 : f32 to vector<64x256xf32>
      %mul3A_666 = arith.mulf %mul3A_665, %tanh3A_663 : vector<64x256xf32>
      %add3A_667 = arith.constant 5.000000e-01 : f32
      %add3A_668 = vector.broadcast %add3A_667 : f32 to vector<64x256xf32>
      %add3A_669 = arith.addf %mul3A_666, %add3A_668 : vector<64x256xf32>
      %mul3A_670 = arith.mulf %add3A_656, %add3A_612 : vector<64x256xf32>
      %mul3A_671 = arith.mulf %add3A_645, %tanh3A_658 : vector<64x256xf32>
      %add3A_672 = arith.addf %mul3A_670, %mul3A_671 : vector<64x256xf32>
      %tanh3A_673 = math.tanh %add3A_672 : vector<64x256xf32>
      %mul3A_674 = arith.mulf %add3A_669, %tanh3A_673 : vector<64x256xf32>
      %convert_element_type3A_675 = arith.truncf %mul3A_674 : vector<64x256xf32> to vector<64x256xbf16>
      %swap3A_676 = arith.index_cast %multiple_of3A_623 : i32 to index
      %swap3A_677 = arith.constant 0 : index
      %swap3A_678 = vector.load %arg8[%swap3A_676, %swap3A_677] : memref<4096x256xbf16, #tpu.memory_space<vmem>>, vector<64x256xbf16>
      tpu.vector_store %arg8[%swap3A_676, %swap3A_677], %convert_element_type3A_675 {strides = array<i32>} : memref<4096x256xbf16, #tpu.memory_space<vmem>>, vector<64x256xbf16>,
      %add3A_679 = arith.constant 9 : i32
      %add3A_680 = arith.addi %mul3A_141, %add3A_679 : i32
      %mul3A_681 = arith.constant 64 : i32
      %mul3A_682 = arith.muli %add3A_680, %mul3A_681 : i32
      %multiple_of3A_683 = tpu.assume_multiple %mul3A_682, 64 : i32
      %get3A_684 = arith.index_cast %multiple_of3A_683 : i32 to index
      %get3A_685 = arith.constant 0 : index
      %get3A_686 = vector.load %arg9[%get3A_684, %get3A_685] : memref<4096x1024xf32, #tpu.memory_space<vmem>>, vector<64x1024xf32>
      %get3A_687 = arith.constant 0 : index
      %get3A_688 = arith.constant 0 : index
      %get3A_689 = arith.constant 0 : index
      %get3A_690 = vector.load %arg5[%get3A_687, %get3A_688, %get3A_689] : memref<4x256x1024xbf16, #tpu.memory_space<vmem>>, vector<1x256x1024xbf16>
      %get3A_691 = vector.shape_cast %get3A_690 : vector<1x256x1024xbf16> to vector<256x1024xbf16>
      %dot_general3A_692 = arith.constant dense<0.000000e+00> : vector<64x1024xf32>
      %dot_general3A_693 = tpu.matmul %convert_element_type3A_675, %get3A_691, %dot_general3A_692 {dimension_numbers = #tpu.dot_dimension_numbers<[1], [0], [0], [1], [0, 0, 1, 1], [], []>, transpose_lhs_hint = false} : vector<64x256xbf16>, vector<256x1024xbf16>, vector<64x1024xf32> -> vector<64x1024xf32>
      %add3A_694 = arith.addf %get3A_686, %dot_general3A_693 : vector<64x1024xf32>
      %slice3A_695 = vector.extract_strided_slice %add3A_694 {offsets = [0, 0], sizes = [64, 256], strides = [1, 1]} : vector<64x1024xf32> to vector<64x256xf32>
      %mul3A_696 = arith.constant 5.000000e-01 : f32
      %mul3A_697 = vector.broadcast %mul3A_696 : f32 to vector<64x256xf32>
      %mul3A_698 = arith.mulf %mul3A_697, %slice3A_695 : vector<64x256xf32>
      %tanh3A_699 = math.tanh %mul3A_698 : vector<64x256xf32>
      %mul3A_700 = arith.constant 5.000000e-01 : f32
      %mul3A_701 = vector.broadcast %mul3A_700 : f32 to vector<64x256xf32>
      %mul3A_702 = arith.mulf %mul3A_701, %tanh3A_699 : vector<64x256xf32>
      %add3A_703 = arith.constant 5.000000e-01 : f32
      %add3A_704 = vector.broadcast %add3A_703 : f32 to vector<64x256xf32>
      %add3A_705 = arith.addf %mul3A_702, %add3A_704 : vector<64x256xf32>
      %slice3A_706 = vector.extract_strided_slice %add3A_694 {offsets = [0, 256], sizes = [64, 256], strides = [1, 1]} : vector<64x1024xf32> to vector<64x256xf32>
      %mul3A_707 = arith.constant 5.000000e-01 : f32
      %mul3A_708 = vector.broadcast %mul3A_707 : f32 to vector<64x256xf32>
      %mul3A_709 = arith.mulf %mul3A_708, %slice3A_706 : vector<64x256xf32>
      %tanh3A_710 = math.tanh %mul3A_709 : vector<64x256xf32>
      %mul3A_711 = arith.constant 5.000000e-01 : f32
      %mul3A_712 = vector.broadcast %mul3A_711 : f32 to vector<64x256xf32>
      %mul3A_713 = arith.mulf %mul3A_712, %tanh3A_710 : vector<64x256xf32>
      %add3A_714 = arith.constant 5.000000e-01 : f32
      %add3A_715 = vector.broadcast %add3A_714 : f32 to vector<64x256xf32>
      %add3A_716 = arith.addf %mul3A_713, %add3A_715 : vector<64x256xf32>
      %slice3A_717 = vector.extract_strided_slice %add3A_694 {offsets = [0, 512], sizes = [64, 256], strides = [1, 1]} : vector<64x1024xf32> to vector<64x256xf32>
      %tanh3A_718 = math.tanh %slice3A_717 : vector<64x256xf32>
      %slice3A_719 = vector.extract_strided_slice %add3A_694 {offsets = [0, 768], sizes = [64, 256], strides = [1, 1]} : vector<64x1024xf32> to vector<64x256xf32>
      %mul3A_720 = arith.constant 5.000000e-01 : f32
      %mul3A_721 = vector.broadcast %mul3A_720 : f32 to vector<64x256xf32>
      %mul3A_722 = arith.mulf %mul3A_721, %slice3A_719 : vector<64x256xf32>
      %tanh3A_723 = math.tanh %mul3A_722 : vector<64x256xf32>
      %mul3A_724 = arith.constant 5.000000e-01 : f32
      %mul3A_725 = vector.broadcast %mul3A_724 : f32 to vector<64x256xf32>
      %mul3A_726 = arith.mulf %mul3A_725, %tanh3A_723 : vector<64x256xf32>
      %add3A_727 = arith.constant 5.000000e-01 : f32
      %add3A_728 = vector.broadcast %add3A_727 : f32 to vector<64x256xf32>
      %add3A_729 = arith.addf %mul3A_726, %add3A_728 : vector<64x256xf32>
      %mul3A_730 = arith.mulf %add3A_716, %add3A_672 : vector<64x256xf32>
      %mul3A_731 = arith.mulf %add3A_705, %tanh3A_718 : vector<64x256xf32>
      %add3A_732 = arith.addf %mul3A_730, %mul3A_731 : vector<64x256xf32>
      %tanh3A_733 = math.tanh %add3A_732 : vector<64x256xf32>
      %mul3A_734 = arith.mulf %add3A_729, %tanh3A_733 : vector<64x256xf32>
      %convert_element_type3A_735 = arith.truncf %mul3A_734 : vector<64x256xf32> to vector<64x256xbf16>
      %swap3A_736 = arith.index_cast %multiple_of3A_683 : i32 to index
      %swap3A_737 = arith.constant 0 : index
      %swap3A_738 = vector.load %arg8[%swap3A_736, %swap3A_737] : memref<4096x256xbf16, #tpu.memory_space<vmem>>, vector<64x256xbf16>
      tpu.vector_store %arg8[%swap3A_736, %swap3A_737], %convert_element_type3A_735 {strides = array<i32>} : memref<4096x256xbf16, #tpu.memory_space<vmem>>, vector<64x256xbf16>,
      %add3A_739 = arith.constant 10 : i32
      %add3A_740 = arith.addi %mul3A_141, %add3A_739 : i32
      %mul3A_741 = arith.constant 64 : i32
      %mul3A_742 = arith.muli %add3A_740, %mul3A_741 : i32
      %multiple_of3A_743 = tpu.assume_multiple %mul3A_742, 64 : i32
      %get3A_744 = arith.index_cast %multiple_of3A_743 : i32 to index
      %get3A_745 = arith.constant 0 : index
      %get3A_746 = vector.load %arg9[%get3A_744, %get3A_745] : memref<4096x1024xf32, #tpu.memory_space<vmem>>, vector<64x1024xf32>
      %get3A_747 = arith.constant 0 : index
      %get3A_748 = arith.constant 0 : index
      %get3A_749 = arith.constant 0 : index
      %get3A_750 = vector.load %arg5[%get3A_747, %get3A_748, %get3A_749] : memref<4x256x1024xbf16, #tpu.memory_space<vmem>>, vector<1x256x1024xbf16>
      %get3A_751 = vector.shape_cast %get3A_750 : vector<1x256x1024xbf16> to vector<256x1024xbf16>
      %dot_general3A_752 = arith.constant dense<0.000000e+00> : vector<64x1024xf32>
      %dot_general3A_753 = tpu.matmul %convert_element_type3A_735, %get3A_751, %dot_general3A_752 {dimension_numbers = #tpu.dot_dimension_numbers<[1], [0], [0], [1], [0, 0, 1, 1], [], []>, transpose_lhs_hint = false} : vector<64x256xbf16>, vector<256x1024xbf16>, vector<64x1024xf32> -> vector<64x1024xf32>
      %add3A_754 = arith.addf %get3A_746, %dot_general3A_753 : vector<64x1024xf32>
      %slice3A_755 = vector.extract_strided_slice %add3A_754 {offsets = [0, 0], sizes = [64, 256], strides = [1, 1]} : vector<64x1024xf32> to vector<64x256xf32>
      %mul3A_756 = arith.constant 5.000000e-01 : f32
      %mul3A_757 = vector.broadcast %mul3A_756 : f32 to vector<64x256xf32>
      %mul3A_758 = arith.mulf %mul3A_757, %slice3A_755 : vector<64x256xf32>
      %tanh3A_759 = math.tanh %mul3A_758 : vector<64x256xf32>
      %mul3A_760 = arith.constant 5.000000e-01 : f32
      %mul3A_761 = vector.broadcast %mul3A_760 : f32 to vector<64x256xf32>
      %mul3A_762 = arith.mulf %mul3A_761, %tanh3A_759 : vector<64x256xf32>
      %add3A_763 = arith.constant 5.000000e-01 : f32
      %add3A_764 = vector.broadcast %add3A_763 : f32 to vector<64x256xf32>
      %add3A_765 = arith.addf %mul3A_762, %add3A_764 : vector<64x256xf32>
      %slice3A_766 = vector.extract_strided_slice %add3A_754 {offsets = [0, 256], sizes = [64, 256], strides = [1, 1]} : vector<64x1024xf32> to vector<64x256xf32>
      %mul3A_767 = arith.constant 5.000000e-01 : f32
      %mul3A_768 = vector.broadcast %mul3A_767 : f32 to vector<64x256xf32>
      %mul3A_769 = arith.mulf %mul3A_768, %slice3A_766 : vector<64x256xf32>
      %tanh3A_770 = math.tanh %mul3A_769 : vector<64x256xf32>
      %mul3A_771 = arith.constant 5.000000e-01 : f32
      %mul3A_772 = vector.broadcast %mul3A_771 : f32 to vector<64x256xf32>
      %mul3A_773 = arith.mulf %mul3A_772, %tanh3A_770 : vector<64x256xf32>
      %add3A_774 = arith.constant 5.000000e-01 : f32
      %add3A_775 = vector.broadcast %add3A_774 : f32 to vector<64x256xf32>
      %add3A_776 = arith.addf %mul3A_773, %add3A_775 : vector<64x256xf32>
      %slice3A_777 = vector.extract_strided_slice %add3A_754 {offsets = [0, 512], sizes = [64, 256], strides = [1, 1]} : vector<64x1024xf32> to vector<64x256xf32>
      %tanh3A_778 = math.tanh %slice3A_777 : vector<64x256xf32>
      %slice3A_779 = vector.extract_strided_slice %add3A_754 {offsets = [0, 768], sizes = [64, 256], strides = [1, 1]} : vector<64x1024xf32> to vector<64x256xf32>
      %mul3A_780 = arith.constant 5.000000e-01 : f32
      %mul3A_781 = vector.broadcast %mul3A_780 : f32 to vector<64x256xf32>
      %mul3A_782 = arith.mulf %mul3A_781, %slice3A_779 : vector<64x256xf32>
      %tanh3A_783 = math.tanh %mul3A_782 : vector<64x256xf32>
      %mul3A_784 = arith.constant 5.000000e-01 : f32
      %mul3A_785 = vector.broadcast %mul3A_784 : f32 to vector<64x256xf32>
      %mul3A_786 = arith.mulf %mul3A_785, %tanh3A_783 : vector<64x256xf32>
      %add3A_787 = arith.constant 5.000000e-01 : f32
      %add3A_788 = vector.broadcast %add3A_787 : f32 to vector<64x256xf32>
      %add3A_789 = arith.addf %mul3A_786, %add3A_788 : vector<64x256xf32>
      %mul3A_790 = arith.mulf %add3A_776, %add3A_732 : vector<64x256xf32>
      %mul3A_791 = arith.mulf %add3A_765, %tanh3A_778 : vector<64x256xf32>
      %add3A_792 = arith.addf %mul3A_790, %mul3A_791 : vector<64x256xf32>
      %tanh3A_793 = math.tanh %add3A_792 : vector<64x256xf32>
      %mul3A_794 = arith.mulf %add3A_789, %tanh3A_793 : vector<64x256xf32>
      %convert_element_type3A_795 = arith.truncf %mul3A_794 : vector<64x256xf32> to vector<64x256xbf16>
      %swap3A_796 = arith.index_cast %multiple_of3A_743 : i32 to index
      %swap3A_797 = arith.constant 0 : index
      %swap3A_798 = vector.load %arg8[%swap3A_796, %swap3A_797] : memref<4096x256xbf16, #tpu.memory_space<vmem>>, vector<64x256xbf16>
      tpu.vector_store %arg8[%swap3A_796, %swap3A_797], %convert_element_type3A_795 {strides = array<i32>} : memref<4096x256xbf16, #tpu.memory_space<vmem>>, vector<64x256xbf16>,
      %add3A_799 = arith.constant 11 : i32
      %add3A_800 = arith.addi %mul3A_141, %add3A_799 : i32
      %mul3A_801 = arith.constant 64 : i32
      %mul3A_802 = arith.muli %add3A_800, %mul3A_801 : i32
      %multiple_of3A_803 = tpu.assume_multiple %mul3A_802, 64 : i32
      %get3A_804 = arith.index_cast %multiple_of3A_803 : i32 to index
      %get3A_805 = arith.constant 0 : index
      %get3A_806 = vector.load %arg9[%get3A_804, %get3A_805] : memref<4096x1024xf32, #tpu.memory_space<vmem>>, vector<64x1024xf32>
      %get3A_807 = arith.constant 0 : index
      %get3A_808 = arith.constant 0 : index
      %get3A_809 = arith.constant 0 : index
      %get3A_810 = vector.load %arg5[%get3A_807, %get3A_808, %get3A_809] : memref<4x256x1024xbf16, #tpu.memory_space<vmem>>, vector<1x256x1024xbf16>
      %get3A_811 = vector.shape_cast %get3A_810 : vector<1x256x1024xbf16> to vector<256x1024xbf16>
      %dot_general3A_812 = arith.constant dense<0.000000e+00> : vector<64x1024xf32>
      %dot_general3A_813 = tpu.matmul %convert_element_type3A_795, %get3A_811, %dot_general3A_812 {dimension_numbers = #tpu.dot_dimension_numbers<[1], [0], [0], [1], [0, 0, 1, 1], [], []>, transpose_lhs_hint = false} : vector<64x256xbf16>, vector<256x1024xbf16>, vector<64x1024xf32> -> vector<64x1024xf32>
      %add3A_814 = arith.addf %get3A_806, %dot_general3A_813 : vector<64x1024xf32>
      %slice3A_815 = vector.extract_strided_slice %add3A_814 {offsets = [0, 0], sizes = [64, 256], strides = [1, 1]} : vector<64x1024xf32> to vector<64x256xf32>
      %mul3A_816 = arith.constant 5.000000e-01 : f32
      %mul3A_817 = vector.broadcast %mul3A_816 : f32 to vector<64x256xf32>
      %mul3A_818 = arith.mulf %mul3A_817, %slice3A_815 : vector<64x256xf32>
      %tanh3A_819 = math.tanh %mul3A_818 : vector<64x256xf32>
      %mul3A_820 = arith.constant 5.000000e-01 : f32
      %mul3A_821 = vector.broadcast %mul3A_820 : f32 to vector<64x256xf32>
      %mul3A_822 = arith.mulf %mul3A_821, %tanh3A_819 : vector<64x256xf32>
      %add3A_823 = arith.constant 5.000000e-01 : f32
      %add3A_824 = vector.broadcast %add3A_823 : f32 to vector<64x256xf32>
      %add3A_825 = arith.addf %mul3A_822, %add3A_824 : vector<64x256xf32>
      %slice3A_826 = vector.extract_strided_slice %add3A_814 {offsets = [0, 256], sizes = [64, 256], strides = [1, 1]} : vector<64x1024xf32> to vector<64x256xf32>
      %mul3A_827 = arith.constant 5.000000e-01 : f32
      %mul3A_828 = vector.broadcast %mul3A_827 : f32 to vector<64x256xf32>
      %mul3A_829 = arith.mulf %mul3A_828, %slice3A_826 : vector<64x256xf32>
      %tanh3A_830 = math.tanh %mul3A_829 : vector<64x256xf32>
      %mul3A_831 = arith.constant 5.000000e-01 : f32
      %mul3A_832 = vector.broadcast %mul3A_831 : f32 to vector<64x256xf32>
      %mul3A_833 = arith.mulf %mul3A_832, %tanh3A_830 : vector<64x256xf32>
      %add3A_834 = arith.constant 5.000000e-01 : f32
      %add3A_835 = vector.broadcast %add3A_834 : f32 to vector<64x256xf32>
      %add3A_836 = arith.addf %mul3A_833, %add3A_835 : vector<64x256xf32>
      %slice3A_837 = vector.extract_strided_slice %add3A_814 {offsets = [0, 512], sizes = [64, 256], strides = [1, 1]} : vector<64x1024xf32> to vector<64x256xf32>
      %tanh3A_838 = math.tanh %slice3A_837 : vector<64x256xf32>
      %slice3A_839 = vector.extract_strided_slice %add3A_814 {offsets = [0, 768], sizes = [64, 256], strides = [1, 1]} : vector<64x1024xf32> to vector<64x256xf32>
      %mul3A_840 = arith.constant 5.000000e-01 : f32
      %mul3A_841 = vector.broadcast %mul3A_840 : f32 to vector<64x256xf32>
      %mul3A_842 = arith.mulf %mul3A_841, %slice3A_839 : vector<64x256xf32>
      %tanh3A_843 = math.tanh %mul3A_842 : vector<64x256xf32>
      %mul3A_844 = arith.constant 5.000000e-01 : f32
      %mul3A_845 = vector.broadcast %mul3A_844 : f32 to vector<64x256xf32>
      %mul3A_846 = arith.mulf %mul3A_845, %tanh3A_843 : vector<64x256xf32>
      %add3A_847 = arith.constant 5.000000e-01 : f32
      %add3A_848 = vector.broadcast %add3A_847 : f32 to vector<64x256xf32>
      %add3A_849 = arith.addf %mul3A_846, %add3A_848 : vector<64x256xf32>
      %mul3A_850 = arith.mulf %add3A_836, %add3A_792 : vector<64x256xf32>
      %mul3A_851 = arith.mulf %add3A_825, %tanh3A_838 : vector<64x256xf32>
      %add3A_852 = arith.addf %mul3A_850, %mul3A_851 : vector<64x256xf32>
      %tanh3A_853 = math.tanh %add3A_852 : vector<64x256xf32>
      %mul3A_854 = arith.mulf %add3A_849, %tanh3A_853 : vector<64x256xf32>
      %convert_element_type3A_855 = arith.truncf %mul3A_854 : vector<64x256xf32> to vector<64x256xbf16>
      %swap3A_856 = arith.index_cast %multiple_of3A_803 : i32 to index
      %swap3A_857 = arith.constant 0 : index
      %swap3A_858 = vector.load %arg8[%swap3A_856, %swap3A_857] : memref<4096x256xbf16, #tpu.memory_space<vmem>>, vector<64x256xbf16>
      tpu.vector_store %arg8[%swap3A_856, %swap3A_857], %convert_element_type3A_855 {strides = array<i32>} : memref<4096x256xbf16, #tpu.memory_space<vmem>>, vector<64x256xbf16>,
      %add3A_859 = arith.constant 12 : i32
      %add3A_860 = arith.addi %mul3A_141, %add3A_859 : i32
      %mul3A_861 = arith.constant 64 : i32
      %mul3A_862 = arith.muli %add3A_860, %mul3A_861 : i32
      %multiple_of3A_863 = tpu.assume_multiple %mul3A_862, 64 : i32
      %get3A_864 = arith.index_cast %multiple_of3A_863 : i32 to index
      %get3A_865 = arith.constant 0 : index
      %get3A_866 = vector.load %arg9[%get3A_864, %get3A_865] : memref<4096x1024xf32, #tpu.memory_space<vmem>>, vector<64x1024xf32>
      %get3A_867 = arith.constant 0 : index
      %get3A_868 = arith.constant 0 : index
      %get3A_869 = arith.constant 0 : index
      %get3A_870 = vector.load %arg5[%get3A_867, %get3A_868, %get3A_869] : memref<4x256x1024xbf16, #tpu.memory_space<vmem>>, vector<1x256x1024xbf16>
      %get3A_871 = vector.shape_cast %get3A_870 : vector<1x256x1024xbf16> to vector<256x1024xbf16>
      %dot_general3A_872 = arith.constant dense<0.000000e+00> : vector<64x1024xf32>
      %dot_general3A_873 = tpu.matmul %convert_element_type3A_855, %get3A_871, %dot_general3A_872 {dimension_numbers = #tpu.dot_dimension_numbers<[1], [0], [0], [1], [0, 0, 1, 1], [], []>, transpose_lhs_hint = false} : vector<64x256xbf16>, vector<256x1024xbf16>, vector<64x1024xf32> -> vector<64x1024xf32>
      %add3A_874 = arith.addf %get3A_866, %dot_general3A_873 : vector<64x1024xf32>
      %slice3A_875 = vector.extract_strided_slice %add3A_874 {offsets = [0, 0], sizes = [64, 256], strides = [1, 1]} : vector<64x1024xf32> to vector<64x256xf32>
      %mul3A_876 = arith.constant 5.000000e-01 : f32
      %mul3A_877 = vector.broadcast %mul3A_876 : f32 to vector<64x256xf32>
      %mul3A_878 = arith.mulf %mul3A_877, %slice3A_875 : vector<64x256xf32>
      %tanh3A_879 = math.tanh %mul3A_878 : vector<64x256xf32>
      %mul3A_880 = arith.constant 5.000000e-01 : f32
      %mul3A_881 = vector.broadcast %mul3A_880 : f32 to vector<64x256xf32>
      %mul3A_882 = arith.mulf %mul3A_881, %tanh3A_879 : vector<64x256xf32>
      %add3A_883 = arith.constant 5.000000e-01 : f32
      %add3A_884 = vector.broadcast %add3A_883 : f32 to vector<64x256xf32>
      %add3A_885 = arith.addf %mul3A_882, %add3A_884 : vector<64x256xf32>
      %slice3A_886 = vector.extract_strided_slice %add3A_874 {offsets = [0, 256], sizes = [64, 256], strides = [1, 1]} : vector<64x1024xf32> to vector<64x256xf32>
      %mul3A_887 = arith.constant 5.000000e-01 : f32
      %mul3A_888 = vector.broadcast %mul3A_887 : f32 to vector<64x256xf32>
      %mul3A_889 = arith.mulf %mul3A_888, %slice3A_886 : vector<64x256xf32>
      %tanh3A_890 = math.tanh %mul3A_889 : vector<64x256xf32>
      %mul3A_891 = arith.constant 5.000000e-01 : f32
      %mul3A_892 = vector.broadcast %mul3A_891 : f32 to vector<64x256xf32>
      %mul3A_893 = arith.mulf %mul3A_892, %tanh3A_890 : vector<64x256xf32>
      %add3A_894 = arith.constant 5.000000e-01 : f32
      %add3A_895 = vector.broadcast %add3A_894 : f32 to vector<64x256xf32>
      %add3A_896 = arith.addf %mul3A_893, %add3A_895 : vector<64x256xf32>
      %slice3A_897 = vector.extract_strided_slice %add3A_874 {offsets = [0, 512], sizes = [64, 256], strides = [1, 1]} : vector<64x1024xf32> to vector<64x256xf32>
      %tanh3A_898 = math.tanh %slice3A_897 : vector<64x256xf32>
      %slice3A_899 = vector.extract_strided_slice %add3A_874 {offsets = [0, 768], sizes = [64, 256], strides = [1, 1]} : vector<64x1024xf32> to vector<64x256xf32>
      %mul3A_900 = arith.constant 5.000000e-01 : f32
      %mul3A_901 = vector.broadcast %mul3A_900 : f32 to vector<64x256xf32>
      %mul3A_902 = arith.mulf %mul3A_901, %slice3A_899 : vector<64x256xf32>
      %tanh3A_903 = math.tanh %mul3A_902 : vector<64x256xf32>
      %mul3A_904 = arith.constant 5.000000e-01 : f32
      %mul3A_905 = vector.broadcast %mul3A_904 : f32 to vector<64x256xf32>
      %mul3A_906 = arith.mulf %mul3A_905, %tanh3A_903 : vector<64x256xf32>
      %add3A_907 = arith.constant 5.000000e-01 : f32
      %add3A_908 = vector.broadcast %add3A_907 : f32 to vector<64x256xf32>
      %add3A_909 = arith.addf %mul3A_906, %add3A_908 : vector<64x256xf32>
      %mul3A_910 = arith.mulf %add3A_896, %add3A_852 : vector<64x256xf32>
      %mul3A_911 = arith.mulf %add3A_885, %tanh3A_898 : vector<64x256xf32>
      %add3A_912 = arith.addf %mul3A_910, %mul3A_911 : vector<64x256xf32>
      %tanh3A_913 = math.tanh %add3A_912 : vector<64x256xf32>
      %mul3A_914 = arith.mulf %add3A_909, %tanh3A_913 : vector<64x256xf32>
      %convert_element_type3A_915 = arith.truncf %mul3A_914 : vector<64x256xf32> to vector<64x256xbf16>
      %swap3A_916 = arith.index_cast %multiple_of3A_863 : i32 to index
      %swap3A_917 = arith.constant 0 : index
      %swap3A_918 = vector.load %arg8[%swap3A_916, %swap3A_917] : memref<4096x256xbf16, #tpu.memory_space<vmem>>, vector<64x256xbf16>
      tpu.vector_store %arg8[%swap3A_916, %swap3A_917], %convert_element_type3A_915 {strides = array<i32>} : memref<4096x256xbf16, #tpu.memory_space<vmem>>, vector<64x256xbf16>,
      %add3A_919 = arith.constant 13 : i32
      %add3A_920 = arith.addi %mul3A_141, %add3A_919 : i32
      %mul3A_921 = arith.constant 64 : i32
      %mul3A_922 = arith.muli %add3A_920, %mul3A_921 : i32
      %multiple_of3A_923 = tpu.assume_multiple %mul3A_922, 64 : i32
      %get3A_924 = arith.index_cast %multiple_of3A_923 : i32 to index
      %get3A_925 = arith.constant 0 : index
      %get3A_926 = vector.load %arg9[%get3A_924, %get3A_925] : memref<4096x1024xf32, #tpu.memory_space<vmem>>, vector<64x1024xf32>
      %get3A_927 = arith.constant 0 : index
      %get3A_928 = arith.constant 0 : index
      %get3A_929 = arith.constant 0 : index
      %get3A_930 = vector.load %arg5[%get3A_927, %get3A_928, %get3A_929] : memref<4x256x1024xbf16, #tpu.memory_space<vmem>>, vector<1x256x1024xbf16>
      %get3A_931 = vector.shape_cast %get3A_930 : vector<1x256x1024xbf16> to vector<256x1024xbf16>
      %dot_general3A_932 = arith.constant dense<0.000000e+00> : vector<64x1024xf32>
      %dot_general3A_933 = tpu.matmul %convert_element_type3A_915, %get3A_931, %dot_general3A_932 {dimension_numbers = #tpu.dot_dimension_numbers<[1], [0], [0], [1], [0, 0, 1, 1], [], []>, transpose_lhs_hint = false} : vector<64x256xbf16>, vector<256x1024xbf16>, vector<64x1024xf32> -> vector<64x1024xf32>
      %add3A_934 = arith.addf %get3A_926, %dot_general3A_933 : vector<64x1024xf32>
      %slice3A_935 = vector.extract_strided_slice %add3A_934 {offsets = [0, 0], sizes = [64, 256], strides = [1, 1]} : vector<64x1024xf32> to vector<64x256xf32>
      %mul3A_936 = arith.constant 5.000000e-01 : f32
      %mul3A_937 = vector.broadcast %mul3A_936 : f32 to vector<64x256xf32>
      %mul3A_938 = arith.mulf %mul3A_937, %slice3A_935 : vector<64x256xf32>
      %tanh3A_939 = math.tanh %mul3A_938 : vector<64x256xf32>
      %mul3A_940 = arith.constant 5.000000e-01 : f32
      %mul3A_941 = vector.broadcast %mul3A_940 : f32 to vector<64x256xf32>
      %mul3A_942 = arith.mulf %mul3A_941, %tanh3A_939 : vector<64x256xf32>
      %add3A_943 = arith.constant 5.000000e-01 : f32
      %add3A_944 = vector.broadcast %add3A_943 : f32 to vector<64x256xf32>
      %add3A_945 = arith.addf %mul3A_942, %add3A_944 : vector<64x256xf32>
      %slice3A_946 = vector.extract_strided_slice %add3A_934 {offsets = [0, 256], sizes = [64, 256], strides = [1, 1]} : vector<64x1024xf32> to vector<64x256xf32>
      %mul3A_947 = arith.constant 5.000000e-01 : f32
      %mul3A_948 = vector.broadcast %mul3A_947 : f32 to vector<64x256xf32>
      %mul3A_949 = arith.mulf %mul3A_948, %slice3A_946 : vector<64x256xf32>
      %tanh3A_950 = math.tanh %mul3A_949 : vector<64x256xf32>
      %mul3A_951 = arith.constant 5.000000e-01 : f32
      %mul3A_952 = vector.broadcast %mul3A_951 : f32 to vector<64x256xf32>
      %mul3A_953 = arith.mulf %mul3A_952, %tanh3A_950 : vector<64x256xf32>
      %add3A_954 = arith.constant 5.000000e-01 : f32
      %add3A_955 = vector.broadcast %add3A_954 : f32 to vector<64x256xf32>
      %add3A_956 = arith.addf %mul3A_953, %add3A_955 : vector<64x256xf32>
      %slice3A_957 = vector.extract_strided_slice %add3A_934 {offsets = [0, 512], sizes = [64, 256], strides = [1, 1]} : vector<64x1024xf32> to vector<64x256xf32>
      %tanh3A_958 = math.tanh %slice3A_957 : vector<64x256xf32>
      %slice3A_959 = vector.extract_strided_slice %add3A_934 {offsets = [0, 768], sizes = [64, 256], strides = [1, 1]} : vector<64x1024xf32> to vector<64x256xf32>
      %mul3A_960 = arith.constant 5.000000e-01 : f32
      %mul3A_961 = vector.broadcast %mul3A_960 : f32 to vector<64x256xf32>
      %mul3A_962 = arith.mulf %mul3A_961, %slice3A_959 : vector<64x256xf32>
      %tanh3A_963 = math.tanh %mul3A_962 : vector<64x256xf32>
      %mul3A_964 = arith.constant 5.000000e-01 : f32
      %mul3A_965 = vector.broadcast %mul3A_964 : f32 to vector<64x256xf32>
      %mul3A_966 = arith.mulf %mul3A_965, %tanh3A_963 : vector<64x256xf32>
      %add3A_967 = arith.constant 5.000000e-01 : f32
      %add3A_968 = vector.broadcast %add3A_967 : f32 to vector<64x256xf32>
      %add3A_969 = arith.addf %mul3A_966, %add3A_968 : vector<64x256xf32>
      %mul3A_970 = arith.mulf %add3A_956, %add3A_912 : vector<64x256xf32>
      %mul3A_971 = arith.mulf %add3A_945, %tanh3A_958 : vector<64x256xf32>
      %add3A_972 = arith.addf %mul3A_970, %mul3A_971 : vector<64x256xf32>
      %tanh3A_973 = math.tanh %add3A_972 : vector<64x256xf32>
      %mul3A_974 = arith.mulf %add3A_969, %tanh3A_973 : vector<64x256xf32>
      %convert_element_type3A_975 = arith.truncf %mul3A_974 : vector<64x256xf32> to vector<64x256xbf16>
      %swap3A_976 = arith.index_cast %multiple_of3A_923 : i32 to index
      %swap3A_977 = arith.constant 0 : index
      %swap3A_978 = vector.load %arg8[%swap3A_976, %swap3A_977] : memref<4096x256xbf16, #tpu.memory_space<vmem>>, vector<64x256xbf16>
      tpu.vector_store %arg8[%swap3A_976, %swap3A_977], %convert_element_type3A_975 {strides = array<i32>} : memref<4096x256xbf16, #tpu.memory_space<vmem>>, vector<64x256xbf16>,
      %add3A_979 = arith.constant 14 : i32
      %add3A_980 = arith.addi %mul3A_141, %add3A_979 : i32
      %mul3A_981 = arith.constant 64 : i32
      %mul3A_982 = arith.muli %add3A_980, %mul3A_981 : i32
      %multiple_of3A_983 = tpu.assume_multiple %mul3A_982, 64 : i32
      %get3A_984 = arith.index_cast %multiple_of3A_983 : i32 to index
      %get3A_985 = arith.constant 0 : index
      %get3A_986 = vector.load %arg9[%get3A_984, %get3A_985] : memref<4096x1024xf32, #tpu.memory_space<vmem>>, vector<64x1024xf32>
      %get3A_987 = arith.constant 0 : index
      %get3A_988 = arith.constant 0 : index
      %get3A_989 = arith.constant 0 : index
      %get3A_990 = vector.load %arg5[%get3A_987, %get3A_988, %get3A_989] : memref<4x256x1024xbf16, #tpu.memory_space<vmem>>, vector<1x256x1024xbf16>
      %get3A_991 = vector.shape_cast %get3A_990 : vector<1x256x1024xbf16> to vector<256x1024xbf16>
      %dot_general3A_992 = arith.constant dense<0.000000e+00> : vector<64x1024xf32>
      %dot_general3A_993 = tpu.matmul %convert_element_type3A_975, %get3A_991, %dot_general3A_992 {dimension_numbers = #tpu.dot_dimension_numbers<[1], [0], [0], [1], [0, 0, 1, 1], [], []>, transpose_lhs_hint = false} : vector<64x256xbf16>, vector<256x1024xbf16>, vector<64x1024xf32> -> vector<64x1024xf32>
      %add3A_994 = arith.addf %get3A_986, %dot_general3A_993 : vector<64x1024xf32>
      %slice3A_995 = vector.extract_strided_slice %add3A_994 {offsets = [0, 0], sizes = [64, 256], strides = [1, 1]} : vector<64x1024xf32> to vector<64x256xf32>
      %mul3A_996 = arith.constant 5.000000e-01 : f32
      %mul3A_997 = vector.broadcast %mul3A_996 : f32 to vector<64x256xf32>
      %mul3A_998 = arith.mulf %mul3A_997, %slice3A_995 : vector<64x256xf32>
      %tanh3A_999 = math.tanh %mul3A_998 : vector<64x256xf32>
      %mul3A_1000 = arith.constant 5.000000e-01 : f32
      %mul3A_1001 = vector.broadcast %mul3A_1000 : f32 to vector<64x256xf32>
      %mul3A_1002 = arith.mulf %mul3A_1001, %tanh3A_999 : vector<64x256xf32>
      %add3A_1003 = arith.constant 5.000000e-01 : f32
      %add3A_1004 = vector.broadcast %add3A_1003 : f32 to vector<64x256xf32>
      %add3A_1005 = arith.addf %mul3A_1002, %add3A_1004 : vector<64x256xf32>
      %slice3A_1006 = vector.extract_strided_slice %add3A_994 {offsets = [0, 256], sizes = [64, 256], strides = [1, 1]} : vector<64x1024xf32> to vector<64x256xf32>
      %mul3A_1007 = arith.constant 5.000000e-01 : f32
      %mul3A_1008 = vector.broadcast %mul3A_1007 : f32 to vector<64x256xf32>
      %mul3A_1009 = arith.mulf %mul3A_1008, %slice3A_1006 : vector<64x256xf32>
      %tanh3A_1010 = math.tanh %mul3A_1009 : vector<64x256xf32>
      %mul3A_1011 = arith.constant 5.000000e-01 : f32
      %mul3A_1012 = vector.broadcast %mul3A_1011 : f32 to vector<64x256xf32>
      %mul3A_1013 = arith.mulf %mul3A_1012, %tanh3A_1010 : vector<64x256xf32>
      %add3A_1014 = arith.constant 5.000000e-01 : f32
      %add3A_1015 = vector.broadcast %add3A_1014 : f32 to vector<64x256xf32>
      %add3A_1016 = arith.addf %mul3A_1013, %add3A_1015 : vector<64x256xf32>
      %slice3A_1017 = vector.extract_strided_slice %add3A_994 {offsets = [0, 512], sizes = [64, 256], strides = [1, 1]} : vector<64x1024xf32> to vector<64x256xf32>
      %tanh3A_1018 = math.tanh %slice3A_1017 : vector<64x256xf32>
      %slice3A_1019 = vector.extract_strided_slice %add3A_994 {offsets = [0, 768], sizes = [64, 256], strides = [1, 1]} : vector<64x1024xf32> to vector<64x256xf32>
      %mul3A_1020 = arith.constant 5.000000e-01 : f32
      %mul3A_1021 = vector.broadcast %mul3A_1020 : f32 to vector<64x256xf32>
      %mul3A_1022 = arith.mulf %mul3A_1021, %slice3A_1019 : vector<64x256xf32>
      %tanh3A_1023 = math.tanh %mul3A_1022 : vector<64x256xf32>
      %mul3A_1024 = arith.constant 5.000000e-01 : f32
      %mul3A_1025 = vector.broadcast %mul3A_1024 : f32 to vector<64x256xf32>
      %mul3A_1026 = arith.mulf %mul3A_1025, %tanh3A_1023 : vector<64x256xf32>
      %add3A_1027 = arith.constant 5.000000e-01 : f32
      %add3A_1028 = vector.broadcast %add3A_1027 : f32 to vector<64x256xf32>
      %add3A_1029 = arith.addf %mul3A_1026, %add3A_1028 : vector<64x256xf32>
      %mul3A_1030 = arith.mulf %add3A_1016, %add3A_972 : vector<64x256xf32>
      %mul3A_1031 = arith.mulf %add3A_1005, %tanh3A_1018 : vector<64x256xf32>
      %add3A_1032 = arith.addf %mul3A_1030, %mul3A_1031 : vector<64x256xf32>
      %tanh3A_1033 = math.tanh %add3A_1032 : vector<64x256xf32>
      %mul3A_1034 = arith.mulf %add3A_1029, %tanh3A_1033 : vector<64x256xf32>
      %convert_element_type3A_1035 = arith.truncf %mul3A_1034 : vector<64x256xf32> to vector<64x256xbf16>
      %swap3A_1036 = arith.index_cast %multiple_of3A_983 : i32 to index
      %swap3A_1037 = arith.constant 0 : index
      %swap3A_1038 = vector.load %arg8[%swap3A_1036, %swap3A_1037] : memref<4096x256xbf16, #tpu.memory_space<vmem>>, vector<64x256xbf16>
      tpu.vector_store %arg8[%swap3A_1036, %swap3A_1037], %convert_element_type3A_1035 {strides = array<i32>} : memref<4096x256xbf16, #tpu.memory_space<vmem>>, vector<64x256xbf16>,
      %add3A_1039 = arith.constant 15 : i32
      %add3A_1040 = arith.addi %mul3A_141, %add3A_1039 : i32
      %mul3A_1041 = arith.constant 64 : i32
      %mul3A_1042 = arith.muli %add3A_1040, %mul3A_1041 : i32
      %multiple_of3A_1043 = tpu.assume_multiple %mul3A_1042, 64 : i32
      %get3A_1044 = arith.index_cast %multiple_of3A_1043 : i32 to index
      %get3A_1045 = arith.constant 0 : index
      %get3A_1046 = vector.load %arg9[%get3A_1044, %get3A_1045] : memref<4096x1024xf32, #tpu.memory_space<vmem>>, vector<64x1024xf32>
      %get3A_1047 = arith.constant 0 : index
      %get3A_1048 = arith.constant 0 : index
      %get3A_1049 = arith.constant 0 : index
      %get3A_1050 = vector.load %arg5[%get3A_1047, %get3A_1048, %get3A_1049] : memref<4x256x1024xbf16, #tpu.memory_space<vmem>>, vector<1x256x1024xbf16>
      %get3A_1051 = vector.shape_cast %get3A_1050 : vector<1x256x1024xbf16> to vector<256x1024xbf16>
      %dot_general3A_1052 = arith.constant dense<0.000000e+00> : vector<64x1024xf32>
      %dot_general3A_1053 = tpu.matmul %convert_element_type3A_1035, %get3A_1051, %dot_general3A_1052 {dimension_numbers = #tpu.dot_dimension_numbers<[1], [0], [0], [1], [0, 0, 1, 1], [], []>, transpose_lhs_hint = false} : vector<64x256xbf16>, vector<256x1024xbf16>, vector<64x1024xf32> -> vector<64x1024xf32>
      %add3A_1054 = arith.addf %get3A_1046, %dot_general3A_1053 : vector<64x1024xf32>
      %slice3A_1055 = vector.extract_strided_slice %add3A_1054 {offsets = [0, 0], sizes = [64, 256], strides = [1, 1]} : vector<64x1024xf32> to vector<64x256xf32>
      %mul3A_1056 = arith.constant 5.000000e-01 : f32
      %mul3A_1057 = vector.broadcast %mul3A_1056 : f32 to vector<64x256xf32>
      %mul3A_1058 = arith.mulf %mul3A_1057, %slice3A_1055 : vector<64x256xf32>
      %tanh3A_1059 = math.tanh %mul3A_1058 : vector<64x256xf32>
      %mul3A_1060 = arith.constant 5.000000e-01 : f32
      %mul3A_1061 = vector.broadcast %mul3A_1060 : f32 to vector<64x256xf32>
      %mul3A_1062 = arith.mulf %mul3A_1061, %tanh3A_1059 : vector<64x256xf32>
      %add3A_1063 = arith.constant 5.000000e-01 : f32
      %add3A_1064 = vector.broadcast %add3A_1063 : f32 to vector<64x256xf32>
      %add3A_1065 = arith.addf %mul3A_1062, %add3A_1064 : vector<64x256xf32>
      %slice3A_1066 = vector.extract_strided_slice %add3A_1054 {offsets = [0, 256], sizes = [64, 256], strides = [1, 1]} : vector<64x1024xf32> to vector<64x256xf32>
      %mul3A_1067 = arith.constant 5.000000e-01 : f32
      %mul3A_1068 = vector.broadcast %mul3A_1067 : f32 to vector<64x256xf32>
      %mul3A_1069 = arith.mulf %mul3A_1068, %slice3A_1066 : vector<64x256xf32>
      %tanh3A_1070 = math.tanh %mul3A_1069 : vector<64x256xf32>
      %mul3A_1071 = arith.constant 5.000000e-01 : f32
      %mul3A_1072 = vector.broadcast %mul3A_1071 : f32 to vector<64x256xf32>
      %mul3A_1073 = arith.mulf %mul3A_1072, %tanh3A_1070 : vector<64x256xf32>
      %add3A_1074 = arith.constant 5.000000e-01 : f32
      %add3A_1075 = vector.broadcast %add3A_1074 : f32 to vector<64x256xf32>
      %add3A_1076 = arith.addf %mul3A_1073, %add3A_1075 : vector<64x256xf32>
      %slice3A_1077 = vector.extract_strided_slice %add3A_1054 {offsets = [0, 512], sizes = [64, 256], strides = [1, 1]} : vector<64x1024xf32> to vector<64x256xf32>
      %tanh3A_1078 = math.tanh %slice3A_1077 : vector<64x256xf32>
      %slice3A_1079 = vector.extract_strided_slice %add3A_1054 {offsets = [0, 768], sizes = [64, 256], strides = [1, 1]} : vector<64x1024xf32> to vector<64x256xf32>
      %mul3A_1080 = arith.constant 5.000000e-01 : f32
      %mul3A_1081 = vector.broadcast %mul3A_1080 : f32 to vector<64x256xf32>
      %mul3A_1082 = arith.mulf %mul3A_1081, %slice3A_1079 : vector<64x256xf32>
      %tanh3A_1083 = math.tanh %mul3A_1082 : vector<64x256xf32>
      %mul3A_1084 = arith.constant 5.000000e-01 : f32
      %mul3A_1085 = vector.broadcast %mul3A_1084 : f32 to vector<64x256xf32>
      %mul3A_1086 = arith.mulf %mul3A_1085, %tanh3A_1083 : vector<64x256xf32>
      %add3A_1087 = arith.constant 5.000000e-01 : f32
      %add3A_1088 = vector.broadcast %add3A_1087 : f32 to vector<64x256xf32>
      %add3A_1089 = arith.addf %mul3A_1086, %add3A_1088 : vector<64x256xf32>
      %mul3A_1090 = arith.mulf %add3A_1076, %add3A_1032 : vector<64x256xf32>
      %mul3A_1091 = arith.mulf %add3A_1065, %tanh3A_1078 : vector<64x256xf32>
      %add3A_1092 = arith.addf %mul3A_1090, %mul3A_1091 : vector<64x256xf32>
      %tanh3A_1093 = math.tanh %add3A_1092 : vector<64x256xf32>
      %mul3A_1094 = arith.mulf %add3A_1089, %tanh3A_1093 : vector<64x256xf32>
      %convert_element_type3A_1095 = arith.truncf %mul3A_1094 : vector<64x256xf32> to vector<64x256xbf16>
      %swap3A_1096 = arith.index_cast %multiple_of3A_1043 : i32 to index
      %swap3A_1097 = arith.constant 0 : index
      %swap3A_1098 = vector.load %arg8[%swap3A_1096, %swap3A_1097] : memref<4096x256xbf16, #tpu.memory_space<vmem>>, vector<64x256xbf16>
      tpu.vector_store %arg8[%swap3A_1096, %swap3A_1097], %convert_element_type3A_1095 {strides = array<i32>} : memref<4096x256xbf16, #tpu.memory_space<vmem>>, vector<64x256xbf16>,
      scf.yield %convert_element_type3A_1095, %add3A_1092 : vector<64x256xbf16>, vector<64x256xf32>
    }
    %scan3A_47 = arith.constant 4 : i32
    %get3A_48 = arith.constant 0 : index
    %get3A_49 = arith.constant 0 : index
    %get3A_50 = vector.load %arg8[%get3A_48, %get3A_49] : memref<4096x256xbf16, #tpu.memory_space<vmem>>, vector<4096x256xbf16>
    %get3A_51 = arith.constant 1 : index
    %get3A_52 = arith.constant 0 : index
    %get3A_53 = arith.constant 0 : index
    %get3A_54 = vector.load %arg4[%get3A_51, %get3A_52, %get3A_53] : memref<4x256x1024xbf16, #tpu.memory_space<vmem>>, vector<1x256x1024xbf16>
    %get3A_55 = vector.shape_cast %get3A_54 : vector<1x256x1024xbf16> to vector<256x1024xbf16>
    %dot_general3A_56 = arith.constant dense<0.000000e+00> : vector<4096x1024xf32>
    %dot_general3A_57 = tpu.matmul %get3A_50, %get3A_55, %dot_general3A_56 {dimension_numbers = #tpu.dot_dimension_numbers<[1], [0], [0], [1], [0, 0, 1, 1], [], []>, transpose_lhs_hint = false} : vector<4096x256xbf16>, vector<256x1024xbf16>, vector<4096x1024xf32> -> vector<4096x1024xf32>
    %get3A_58 = arith.constant 1 : index
    %get3A_59 = arith.constant 0 : index
    %get3A_60 = arith.constant 0 : index
    %get3A_61 = vector.load %arg6[%get3A_58, %get3A_59, %get3A_60] : memref<4x1x1024xf32, #tpu.memory_space<vmem>>, vector<1x1x1024xf32>
    %get3A_62 = vector.shape_cast %get3A_61 : vector<1x1x1024xf32> to vector<1x1024xf32>
    %add3A_63 = vector.broadcast %get3A_62 : vector<1x1024xf32> to vector<4096x1024xf32>
    %add3A_64 = arith.addf %dot_general3A_57, %add3A_63 : vector<4096x1024xf32>
    %swap3A_65 = arith.constant 0 : index
    %swap3A_66 = arith.constant 0 : index
    %swap3A_67 = vector.load %arg9[%swap3A_65, %swap3A_66] : memref<4096x1024xf32, #tpu.memory_space<vmem>>, vector<4096x1024xf32>
    tpu.vector_store %arg9[%swap3A_65, %swap3A_66], %add3A_64 {strides = array<i32>} : memref<4096x1024xf32, #tpu.memory_space<vmem>>, vector<4096x1024xf32>,
    %broadcast_in_dim3A_68 = arith.constant 0.000000e+00 : bf16
    %broadcast_in_dim3A_69 = vector.broadcast %broadcast_in_dim3A_68 : bf16 to vector<64x256xbf16>
    %broadcast_in_dim3A_70 = arith.constant 0.000000e+00 : f32
    %broadcast_in_dim3A_71 = vector.broadcast %broadcast_in_dim3A_70 : f32 to vector<64x256xf32>
    %scan3A_72 = arith.constant 0 : i32
    %scan3A_73 = arith.constant 4 : i32
    %scan3A_74 = arith.addi %scan3A_72, %scan3A_73 : i32
    %scan3A_75 = arith.constant 1 : i32
    %scan3A_76:2 = scf.for %scan3A_138 = %scan3A_72 to %scan3A_74 step %scan3A_75 iter_args(%scan3A_139 = %broadcast_in_dim3A_69, %scan3A_140 = %broadcast_in_dim3A_71) -> (vector<64x256xbf16>, vector<64x256xf32>)  : i32 {
      %mul3A = arith.constant 16 : i32
      %mul3A_141 = arith.muli %mul3A, %scan3A_138 : i32
      %sub3A = arith.constant 63 : i32
      %sub3A_142 = arith.subi %sub3A, %mul3A_141 : i32
      %add3A_143 = arith.constant 0 : i32
      %add3A_144 = arith.addi %sub3A_142, %add3A_143 : i32
      %mul3A_145 = arith.constant 64 : i32
      %mul3A_146 = arith.muli %add3A_144, %mul3A_145 : i32
      %multiple_of3A = tpu.assume_multiple %mul3A_146, 64 : i32
      %get3A_147 = arith.index_cast %multiple_of3A : i32 to index
      %get3A_148 = arith.constant 0 : index
      %get3A_149 = vector.load %arg9[%get3A_147, %get3A_148] : memref<4096x1024xf32, #tpu.memory_space<vmem>>, vector<64x1024xf32>
      %get3A_150 = arith.constant 1 : index
      %get3A_151 = arith.constant 0 : index
      %get3A_152 = arith.constant 0 : index
      %get3A_153 = vector.load %arg5[%get3A_150, %get3A_151, %get3A_152] : memref<4x256x1024xbf16, #tpu.memory_space<vmem>>, vector<1x256x1024xbf16>
      %get3A_154 = vector.shape_cast %get3A_153 : vector<1x256x1024xbf16> to vector<256x1024xbf16>
      %dot_general3A_155 = arith.constant dense<0.000000e+00> : vector<64x1024xf32>
      %dot_general3A_156 = tpu.matmul %scan3A_139, %get3A_154, %dot_general3A_155 {dimension_numbers = #tpu.dot_dimension_numbers<[1], [0], [0], [1], [0, 0, 1, 1], [], []>, transpose_lhs_hint = false} : vector<64x256xbf16>, vector<256x1024xbf16>, vector<64x1024xf32> -> vector<64x1024xf32>
      %add3A_157 = arith.addf %get3A_149, %dot_general3A_156 : vector<64x1024xf32>
      %slice3A = vector.extract_strided_slice %add3A_157 {offsets = [0, 0], sizes = [64, 256], strides = [1, 1]} : vector<64x1024xf32> to vector<64x256xf32>
      %mul3A_158 = arith.constant 5.000000e-01 : f32
      %mul3A_159 = vector.broadcast %mul3A_158 : f32 to vector<64x256xf32>
      %mul3A_160 = arith.mulf %mul3A_159, %slice3A : vector<64x256xf32>
      %tanh3A = math.tanh %mul3A_160 : vector<64x256xf32>
      %mul3A_161 = arith.constant 5.000000e-01 : f32
      %mul3A_162 = vector.broadcast %mul3A_161 : f32 to vector<64x256xf32>
      %mul3A_163 = arith.mulf %mul3A_162, %tanh3A : vector<64x256xf32>
      %add3A_164 = arith.constant 5.000000e-01 : f32
      %add3A_165 = vector.broadcast %add3A_164 : f32 to vector<64x256xf32>
      %add3A_166 = arith.addf %mul3A_163, %add3A_165 : vector<64x256xf32>
      %slice3A_167 = vector.extract_strided_slice %add3A_157 {offsets = [0, 256], sizes = [64, 256], strides = [1, 1]} : vector<64x1024xf32> to vector<64x256xf32>
      %mul3A_168 = arith.constant 5.000000e-01 : f32
      %mul3A_169 = vector.broadcast %mul3A_168 : f32 to vector<64x256xf32>
      %mul3A_170 = arith.mulf %mul3A_169, %slice3A_167 : vector<64x256xf32>
      %tanh3A_171 = math.tanh %mul3A_170 : vector<64x256xf32>
      %mul3A_172 = arith.constant 5.000000e-01 : f32
      %mul3A_173 = vector.broadcast %mul3A_172 : f32 to vector<64x256xf32>
      %mul3A_174 = arith.mulf %mul3A_173, %tanh3A_171 : vector<64x256xf32>
      %add3A_175 = arith.constant 5.000000e-01 : f32
      %add3A_176 = vector.broadcast %add3A_175 : f32 to vector<64x256xf32>
      %add3A_177 = arith.addf %mul3A_174, %add3A_176 : vector<64x256xf32>
      %slice3A_178 = vector.extract_strided_slice %add3A_157 {offsets = [0, 512], sizes = [64, 256], strides = [1, 1]} : vector<64x1024xf32> to vector<64x256xf32>
      %tanh3A_179 = math.tanh %slice3A_178 : vector<64x256xf32>
      %slice3A_180 = vector.extract_strided_slice %add3A_157 {offsets = [0, 768], sizes = [64, 256], strides = [1, 1]} : vector<64x1024xf32> to vector<64x256xf32>
      %mul3A_181 = arith.constant 5.000000e-01 : f32
      %mul3A_182 = vector.broadcast %mul3A_181 : f32 to vector<64x256xf32>
      %mul3A_183 = arith.mulf %mul3A_182, %slice3A_180 : vector<64x256xf32>
      %tanh3A_184 = math.tanh %mul3A_183 : vector<64x256xf32>
      %mul3A_185 = arith.constant 5.000000e-01 : f32
      %mul3A_186 = vector.broadcast %mul3A_185 : f32 to vector<64x256xf32>
      %mul3A_187 = arith.mulf %mul3A_186, %tanh3A_184 : vector<64x256xf32>
      %add3A_188 = arith.constant 5.000000e-01 : f32
      %add3A_189 = vector.broadcast %add3A_188 : f32 to vector<64x256xf32>
      %add3A_190 = arith.addf %mul3A_187, %add3A_189 : vector<64x256xf32>
      %mul3A_191 = arith.mulf %add3A_177, %scan3A_140 : vector<64x256xf32>
      %mul3A_192 = arith.mulf %add3A_166, %tanh3A_179 : vector<64x256xf32>
      %add3A_193 = arith.addf %mul3A_191, %mul3A_192 : vector<64x256xf32>
      %tanh3A_194 = math.tanh %add3A_193 : vector<64x256xf32>
      %mul3A_195 = arith.mulf %add3A_190, %tanh3A_194 : vector<64x256xf32>
      %convert_element_type3A_196 = arith.truncf %mul3A_195 : vector<64x256xf32> to vector<64x256xbf16>
      %swap3A_197 = arith.index_cast %multiple_of3A : i32 to index
      %swap3A_198 = arith.constant 0 : index
      %swap3A_199 = vector.load %arg8[%swap3A_197, %swap3A_198] : memref<4096x256xbf16, #tpu.memory_space<vmem>>, vector<64x256xbf16>
      tpu.vector_store %arg8[%swap3A_197, %swap3A_198], %convert_element_type3A_196 {strides = array<i32>} : memref<4096x256xbf16, #tpu.memory_space<vmem>>, vector<64x256xbf16>,
      %add3A_200 = arith.constant -1 : i32
      %add3A_201 = arith.addi %sub3A_142, %add3A_200 : i32
      %mul3A_202 = arith.constant 64 : i32
      %mul3A_203 = arith.muli %add3A_201, %mul3A_202 : i32
      %multiple_of3A_204 = tpu.assume_multiple %mul3A_203, 64 : i32
      %get3A_205 = arith.index_cast %multiple_of3A_204 : i32 to index
      %get3A_206 = arith.constant 0 : index
      %get3A_207 = vector.load %arg9[%get3A_205, %get3A_206] : memref<4096x1024xf32, #tpu.memory_space<vmem>>, vector<64x1024xf32>
      %get3A_208 = arith.constant 1 : index
      %get3A_209 = arith.constant 0 : index
      %get3A_210 = arith.constant 0 : index
      %get3A_211 = vector.load %arg5[%get3A_208, %get3A_209, %get3A_210] : memref<4x256x1024xbf16, #tpu.memory_space<vmem>>, vector<1x256x1024xbf16>
      %get3A_212 = vector.shape_cast %get3A_211 : vector<1x256x1024xbf16> to vector<256x1024xbf16>
      %dot_general3A_213 = arith.constant dense<0.000000e+00> : vector<64x1024xf32>
      %dot_general3A_214 = tpu.matmul %convert_element_type3A_196, %get3A_212, %dot_general3A_213 {dimension_numbers = #tpu.dot_dimension_numbers<[1], [0], [0], [1], [0, 0, 1, 1], [], []>, transpose_lhs_hint = false} : vector<64x256xbf16>, vector<256x1024xbf16>, vector<64x1024xf32> -> vector<64x1024xf32>
      %add3A_215 = arith.addf %get3A_207, %dot_general3A_214 : vector<64x1024xf32>
      %slice3A_216 = vector.extract_strided_slice %add3A_215 {offsets = [0, 0], sizes = [64, 256], strides = [1, 1]} : vector<64x1024xf32> to vector<64x256xf32>
      %mul3A_217 = arith.constant 5.000000e-01 : f32
      %mul3A_218 = vector.broadcast %mul3A_217 : f32 to vector<64x256xf32>
      %mul3A_219 = arith.mulf %mul3A_218, %slice3A_216 : vector<64x256xf32>
      %tanh3A_220 = math.tanh %mul3A_219 : vector<64x256xf32>
      %mul3A_221 = arith.constant 5.000000e-01 : f32
      %mul3A_222 = vector.broadcast %mul3A_221 : f32 to vector<64x256xf32>
      %mul3A_223 = arith.mulf %mul3A_222, %tanh3A_220 : vector<64x256xf32>
      %add3A_224 = arith.constant 5.000000e-01 : f32
      %add3A_225 = vector.broadcast %add3A_224 : f32 to vector<64x256xf32>
      %add3A_226 = arith.addf %mul3A_223, %add3A_225 : vector<64x256xf32>
      %slice3A_227 = vector.extract_strided_slice %add3A_215 {offsets = [0, 256], sizes = [64, 256], strides = [1, 1]} : vector<64x1024xf32> to vector<64x256xf32>
      %mul3A_228 = arith.constant 5.000000e-01 : f32
      %mul3A_229 = vector.broadcast %mul3A_228 : f32 to vector<64x256xf32>
      %mul3A_230 = arith.mulf %mul3A_229, %slice3A_227 : vector<64x256xf32>
      %tanh3A_231 = math.tanh %mul3A_230 : vector<64x256xf32>
      %mul3A_232 = arith.constant 5.000000e-01 : f32
      %mul3A_233 = vector.broadcast %mul3A_232 : f32 to vector<64x256xf32>
      %mul3A_234 = arith.mulf %mul3A_233, %tanh3A_231 : vector<64x256xf32>
      %add3A_235 = arith.constant 5.000000e-01 : f32
      %add3A_236 = vector.broadcast %add3A_235 : f32 to vector<64x256xf32>
      %add3A_237 = arith.addf %mul3A_234, %add3A_236 : vector<64x256xf32>
      %slice3A_238 = vector.extract_strided_slice %add3A_215 {offsets = [0, 512], sizes = [64, 256], strides = [1, 1]} : vector<64x1024xf32> to vector<64x256xf32>
      %tanh3A_239 = math.tanh %slice3A_238 : vector<64x256xf32>
      %slice3A_240 = vector.extract_strided_slice %add3A_215 {offsets = [0, 768], sizes = [64, 256], strides = [1, 1]} : vector<64x1024xf32> to vector<64x256xf32>
      %mul3A_241 = arith.constant 5.000000e-01 : f32
      %mul3A_242 = vector.broadcast %mul3A_241 : f32 to vector<64x256xf32>
      %mul3A_243 = arith.mulf %mul3A_242, %slice3A_240 : vector<64x256xf32>
      %tanh3A_244 = math.tanh %mul3A_243 : vector<64x256xf32>
      %mul3A_245 = arith.constant 5.000000e-01 : f32
      %mul3A_246 = vector.broadcast %mul3A_245 : f32 to vector<64x256xf32>
      %mul3A_247 = arith.mulf %mul3A_246, %tanh3A_244 : vector<64x256xf32>
      %add3A_248 = arith.constant 5.000000e-01 : f32
      %add3A_249 = vector.broadcast %add3A_248 : f32 to vector<64x256xf32>
      %add3A_250 = arith.addf %mul3A_247, %add3A_249 : vector<64x256xf32>
      %mul3A_251 = arith.mulf %add3A_237, %add3A_193 : vector<64x256xf32>
      %mul3A_252 = arith.mulf %add3A_226, %tanh3A_239 : vector<64x256xf32>
      %add3A_253 = arith.addf %mul3A_251, %mul3A_252 : vector<64x256xf32>
      %tanh3A_254 = math.tanh %add3A_253 : vector<64x256xf32>
      %mul3A_255 = arith.mulf %add3A_250, %tanh3A_254 : vector<64x256xf32>
      %convert_element_type3A_256 = arith.truncf %mul3A_255 : vector<64x256xf32> to vector<64x256xbf16>
      %swap3A_257 = arith.index_cast %multiple_of3A_204 : i32 to index
      %swap3A_258 = arith.constant 0 : index
      %swap3A_259 = vector.load %arg8[%swap3A_257, %swap3A_258] : memref<4096x256xbf16, #tpu.memory_space<vmem>>, vector<64x256xbf16>
      tpu.vector_store %arg8[%swap3A_257, %swap3A_258], %convert_element_type3A_256 {strides = array<i32>} : memref<4096x256xbf16, #tpu.memory_space<vmem>>, vector<64x256xbf16>,
      %add3A_260 = arith.constant -2 : i32
      %add3A_261 = arith.addi %sub3A_142, %add3A_260 : i32
      %mul3A_262 = arith.constant 64 : i32
      %mul3A_263 = arith.muli %add3A_261, %mul3A_262 : i32
      %multiple_of3A_264 = tpu.assume_multiple %mul3A_263, 64 : i32
      %get3A_265 = arith.index_cast %multiple_of3A_264 : i32 to index
      %get3A_266 = arith.constant 0 : index
      %get3A_267 = vector.load %arg9[%get3A_265, %get3A_266] : memref<4096x1024xf32, #tpu.memory_space<vmem>>, vector<64x1024xf32>
      %get3A_268 = arith.constant 1 : index
      %get3A_269 = arith.constant 0 : index
      %get3A_270 = arith.constant 0 : index
      %get3A_271 = vector.load %arg5[%get3A_268, %get3A_269, %get3A_270] : memref<4x256x1024xbf16, #tpu.memory_space<vmem>>, vector<1x256x1024xbf16>
      %get3A_272 = vector.shape_cast %get3A_271 : vector<1x256x1024xbf16> to vector<256x1024xbf16>
      %dot_general3A_273 = arith.constant dense<0.000000e+00> : vector<64x1024xf32>
      %dot_general3A_274 = tpu.matmul %convert_element_type3A_256, %get3A_272, %dot_general3A_273 {dimension_numbers = #tpu.dot_dimension_numbers<[1], [0], [0], [1], [0, 0, 1, 1], [], []>, transpose_lhs_hint = false} : vector<64x256xbf16>, vector<256x1024xbf16>, vector<64x1024xf32> -> vector<64x1024xf32>
      %add3A_275 = arith.addf %get3A_267, %dot_general3A_274 : vector<64x1024xf32>
      %slice3A_276 = vector.extract_strided_slice %add3A_275 {offsets = [0, 0], sizes = [64, 256], strides = [1, 1]} : vector<64x1024xf32> to vector<64x256xf32>
      %mul3A_277 = arith.constant 5.000000e-01 : f32
      %mul3A_278 = vector.broadcast %mul3A_277 : f32 to vector<64x256xf32>
      %mul3A_279 = arith.mulf %mul3A_278, %slice3A_276 : vector<64x256xf32>
      %tanh3A_280 = math.tanh %mul3A_279 : vector<64x256xf32>
      %mul3A_281 = arith.constant 5.000000e-01 : f32
      %mul3A_282 = vector.broadcast %mul3A_281 : f32 to vector<64x256xf32>
      %mul3A_283 = arith.mulf %mul3A_282, %tanh3A_280 : vector<64x256xf32>
      %add3A_284 = arith.constant 5.000000e-01 : f32
      %add3A_285 = vector.broadcast %add3A_284 : f32 to vector<64x256xf32>
      %add3A_286 = arith.addf %mul3A_283, %add3A_285 : vector<64x256xf32>
      %slice3A_287 = vector.extract_strided_slice %add3A_275 {offsets = [0, 256], sizes = [64, 256], strides = [1, 1]} : vector<64x1024xf32> to vector<64x256xf32>
      %mul3A_288 = arith.constant 5.000000e-01 : f32
      %mul3A_289 = vector.broadcast %mul3A_288 : f32 to vector<64x256xf32>
      %mul3A_290 = arith.mulf %mul3A_289, %slice3A_287 : vector<64x256xf32>
      %tanh3A_291 = math.tanh %mul3A_290 : vector<64x256xf32>
      %mul3A_292 = arith.constant 5.000000e-01 : f32
      %mul3A_293 = vector.broadcast %mul3A_292 : f32 to vector<64x256xf32>
      %mul3A_294 = arith.mulf %mul3A_293, %tanh3A_291 : vector<64x256xf32>
      %add3A_295 = arith.constant 5.000000e-01 : f32
      %add3A_296 = vector.broadcast %add3A_295 : f32 to vector<64x256xf32>
      %add3A_297 = arith.addf %mul3A_294, %add3A_296 : vector<64x256xf32>
      %slice3A_298 = vector.extract_strided_slice %add3A_275 {offsets = [0, 512], sizes = [64, 256], strides = [1, 1]} : vector<64x1024xf32> to vector<64x256xf32>
      %tanh3A_299 = math.tanh %slice3A_298 : vector<64x256xf32>
      %slice3A_300 = vector.extract_strided_slice %add3A_275 {offsets = [0, 768], sizes = [64, 256], strides = [1, 1]} : vector<64x1024xf32> to vector<64x256xf32>
      %mul3A_301 = arith.constant 5.000000e-01 : f32
      %mul3A_302 = vector.broadcast %mul3A_301 : f32 to vector<64x256xf32>
      %mul3A_303 = arith.mulf %mul3A_302, %slice3A_300 : vector<64x256xf32>
      %tanh3A_304 = math.tanh %mul3A_303 : vector<64x256xf32>
      %mul3A_305 = arith.constant 5.000000e-01 : f32
      %mul3A_306 = vector.broadcast %mul3A_305 : f32 to vector<64x256xf32>
      %mul3A_307 = arith.mulf %mul3A_306, %tanh3A_304 : vector<64x256xf32>
      %add3A_308 = arith.constant 5.000000e-01 : f32
      %add3A_309 = vector.broadcast %add3A_308 : f32 to vector<64x256xf32>
      %add3A_310 = arith.addf %mul3A_307, %add3A_309 : vector<64x256xf32>
      %mul3A_311 = arith.mulf %add3A_297, %add3A_253 : vector<64x256xf32>
      %mul3A_312 = arith.mulf %add3A_286, %tanh3A_299 : vector<64x256xf32>
      %add3A_313 = arith.addf %mul3A_311, %mul3A_312 : vector<64x256xf32>
      %tanh3A_314 = math.tanh %add3A_313 : vector<64x256xf32>
      %mul3A_315 = arith.mulf %add3A_310, %tanh3A_314 : vector<64x256xf32>
      %convert_element_type3A_316 = arith.truncf %mul3A_315 : vector<64x256xf32> to vector<64x256xbf16>
      %swap3A_317 = arith.index_cast %multiple_of3A_264 : i32 to index
      %swap3A_318 = arith.constant 0 : index
      %swap3A_319 = vector.load %arg8[%swap3A_317, %swap3A_318] : memref<4096x256xbf16, #tpu.memory_space<vmem>>, vector<64x256xbf16>
      tpu.vector_store %arg8[%swap3A_317, %swap3A_318], %convert_element_type3A_316 {strides = array<i32>} : memref<4096x256xbf16, #tpu.memory_space<vmem>>, vector<64x256xbf16>,
      %add3A_320 = arith.constant -3 : i32
      %add3A_321 = arith.addi %sub3A_142, %add3A_320 : i32
      %mul3A_322 = arith.constant 64 : i32
      %mul3A_323 = arith.muli %add3A_321, %mul3A_322 : i32
      %multiple_of3A_324 = tpu.assume_multiple %mul3A_323, 64 : i32
      %get3A_325 = arith.index_cast %multiple_of3A_324 : i32 to index
      %get3A_326 = arith.constant 0 : index
      %get3A_327 = vector.load %arg9[%get3A_325, %get3A_326] : memref<4096x1024xf32, #tpu.memory_space<vmem>>, vector<64x1024xf32>
      %get3A_328 = arith.constant 1 : index
      %get3A_329 = arith.constant 0 : index
      %get3A_330 = arith.constant 0 : index
      %get3A_331 = vector.load %arg5[%get3A_328, %get3A_329, %get3A_330] : memref<4x256x1024xbf16, #tpu.memory_space<vmem>>, vector<1x256x1024xbf16>
      %get3A_332 = vector.shape_cast %get3A_331 : vector<1x256x1024xbf16> to vector<256x1024xbf16>
      %dot_general3A_333 = arith.constant dense<0.000000e+00> : vector<64x1024xf32>
      %dot_general3A_334 = tpu.matmul %convert_element_type3A_316, %get3A_332, %dot_general3A_333 {dimension_numbers = #tpu.dot_dimension_numbers<[1], [0], [0], [1], [0, 0, 1, 1], [], []>, transpose_lhs_hint = false} : vector<64x256xbf16>, vector<256x1024xbf16>, vector<64x1024xf32> -> vector<64x1024xf32>
      %add3A_335 = arith.addf %get3A_327, %dot_general3A_334 : vector<64x1024xf32>
      %slice3A_336 = vector.extract_strided_slice %add3A_335 {offsets = [0, 0], sizes = [64, 256], strides = [1, 1]} : vector<64x1024xf32> to vector<64x256xf32>
      %mul3A_337 = arith.constant 5.000000e-01 : f32
      %mul3A_338 = vector.broadcast %mul3A_337 : f32 to vector<64x256xf32>
      %mul3A_339 = arith.mulf %mul3A_338, %slice3A_336 : vector<64x256xf32>
      %tanh3A_340 = math.tanh %mul3A_339 : vector<64x256xf32>
      %mul3A_341 = arith.constant 5.000000e-01 : f32
      %mul3A_342 = vector.broadcast %mul3A_341 : f32 to vector<64x256xf32>
      %mul3A_343 = arith.mulf %mul3A_342, %tanh3A_340 : vector<64x256xf32>
      %add3A_344 = arith.constant 5.000000e-01 : f32
      %add3A_345 = vector.broadcast %add3A_344 : f32 to vector<64x256xf32>
      %add3A_346 = arith.addf %mul3A_343, %add3A_345 : vector<64x256xf32>
      %slice3A_347 = vector.extract_strided_slice %add3A_335 {offsets = [0, 256], sizes = [64, 256], strides = [1, 1]} : vector<64x1024xf32> to vector<64x256xf32>
      %mul3A_348 = arith.constant 5.000000e-01 : f32
      %mul3A_349 = vector.broadcast %mul3A_348 : f32 to vector<64x256xf32>
      %mul3A_350 = arith.mulf %mul3A_349, %slice3A_347 : vector<64x256xf32>
      %tanh3A_351 = math.tanh %mul3A_350 : vector<64x256xf32>
      %mul3A_352 = arith.constant 5.000000e-01 : f32
      %mul3A_353 = vector.broadcast %mul3A_352 : f32 to vector<64x256xf32>
      %mul3A_354 = arith.mulf %mul3A_353, %tanh3A_351 : vector<64x256xf32>
      %add3A_355 = arith.constant 5.000000e-01 : f32
      %add3A_356 = vector.broadcast %add3A_355 : f32 to vector<64x256xf32>
      %add3A_357 = arith.addf %mul3A_354, %add3A_356 : vector<64x256xf32>
      %slice3A_358 = vector.extract_strided_slice %add3A_335 {offsets = [0, 512], sizes = [64, 256], strides = [1, 1]} : vector<64x1024xf32> to vector<64x256xf32>
      %tanh3A_359 = math.tanh %slice3A_358 : vector<64x256xf32>
      %slice3A_360 = vector.extract_strided_slice %add3A_335 {offsets = [0, 768], sizes = [64, 256], strides = [1, 1]} : vector<64x1024xf32> to vector<64x256xf32>
      %mul3A_361 = arith.constant 5.000000e-01 : f32
      %mul3A_362 = vector.broadcast %mul3A_361 : f32 to vector<64x256xf32>
      %mul3A_363 = arith.mulf %mul3A_362, %slice3A_360 : vector<64x256xf32>
      %tanh3A_364 = math.tanh %mul3A_363 : vector<64x256xf32>
      %mul3A_365 = arith.constant 5.000000e-01 : f32
      %mul3A_366 = vector.broadcast %mul3A_365 : f32 to vector<64x256xf32>
      %mul3A_367 = arith.mulf %mul3A_366, %tanh3A_364 : vector<64x256xf32>
      %add3A_368 = arith.constant 5.000000e-01 : f32
      %add3A_369 = vector.broadcast %add3A_368 : f32 to vector<64x256xf32>
      %add3A_370 = arith.addf %mul3A_367, %add3A_369 : vector<64x256xf32>
      %mul3A_371 = arith.mulf %add3A_357, %add3A_313 : vector<64x256xf32>
      %mul3A_372 = arith.mulf %add3A_346, %tanh3A_359 : vector<64x256xf32>
      %add3A_373 = arith.addf %mul3A_371, %mul3A_372 : vector<64x256xf32>
      %tanh3A_374 = math.tanh %add3A_373 : vector<64x256xf32>
      %mul3A_375 = arith.mulf %add3A_370, %tanh3A_374 : vector<64x256xf32>
      %convert_element_type3A_376 = arith.truncf %mul3A_375 : vector<64x256xf32> to vector<64x256xbf16>
      %swap3A_377 = arith.index_cast %multiple_of3A_324 : i32 to index
      %swap3A_378 = arith.constant 0 : index
      %swap3A_379 = vector.load %arg8[%swap3A_377, %swap3A_378] : memref<4096x256xbf16, #tpu.memory_space<vmem>>, vector<64x256xbf16>
      tpu.vector_store %arg8[%swap3A_377, %swap3A_378], %convert_element_type3A_376 {strides = array<i32>} : memref<4096x256xbf16, #tpu.memory_space<vmem>>, vector<64x256xbf16>,
      %add3A_380 = arith.constant -4 : i32
      %add3A_381 = arith.addi %sub3A_142, %add3A_380 : i32
      %mul3A_382 = arith.constant 64 : i32
      %mul3A_383 = arith.muli %add3A_381, %mul3A_382 : i32
      %multiple_of3A_384 = tpu.assume_multiple %mul3A_383, 64 : i32
      %get3A_385 = arith.index_cast %multiple_of3A_384 : i32 to index
      %get3A_386 = arith.constant 0 : index
      %get3A_387 = vector.load %arg9[%get3A_385, %get3A_386] : memref<4096x1024xf32, #tpu.memory_space<vmem>>, vector<64x1024xf32>
      %get3A_388 = arith.constant 1 : index
      %get3A_389 = arith.constant 0 : index
      %get3A_390 = arith.constant 0 : index
      %get3A_391 = vector.load %arg5[%get3A_388, %get3A_389, %get3A_390] : memref<4x256x1024xbf16, #tpu.memory_space<vmem>>, vector<1x256x1024xbf16>
      %get3A_392 = vector.shape_cast %get3A_391 : vector<1x256x1024xbf16> to vector<256x1024xbf16>
      %dot_general3A_393 = arith.constant dense<0.000000e+00> : vector<64x1024xf32>
      %dot_general3A_394 = tpu.matmul %convert_element_type3A_376, %get3A_392, %dot_general3A_393 {dimension_numbers = #tpu.dot_dimension_numbers<[1], [0], [0], [1], [0, 0, 1, 1], [], []>, transpose_lhs_hint = false} : vector<64x256xbf16>, vector<256x1024xbf16>, vector<64x1024xf32> -> vector<64x1024xf32>
      %add3A_395 = arith.addf %get3A_387, %dot_general3A_394 : vector<64x1024xf32>
      %slice3A_396 = vector.extract_strided_slice %add3A_395 {offsets = [0, 0], sizes = [64, 256], strides = [1, 1]} : vector<64x1024xf32> to vector<64x256xf32>
      %mul3A_397 = arith.constant 5.000000e-01 : f32
      %mul3A_398 = vector.broadcast %mul3A_397 : f32 to vector<64x256xf32>
      %mul3A_399 = arith.mulf %mul3A_398, %slice3A_396 : vector<64x256xf32>
      %tanh3A_400 = math.tanh %mul3A_399 : vector<64x256xf32>
      %mul3A_401 = arith.constant 5.000000e-01 : f32
      %mul3A_402 = vector.broadcast %mul3A_401 : f32 to vector<64x256xf32>
      %mul3A_403 = arith.mulf %mul3A_402, %tanh3A_400 : vector<64x256xf32>
      %add3A_404 = arith.constant 5.000000e-01 : f32
      %add3A_405 = vector.broadcast %add3A_404 : f32 to vector<64x256xf32>
      %add3A_406 = arith.addf %mul3A_403, %add3A_405 : vector<64x256xf32>
      %slice3A_407 = vector.extract_strided_slice %add3A_395 {offsets = [0, 256], sizes = [64, 256], strides = [1, 1]} : vector<64x1024xf32> to vector<64x256xf32>
      %mul3A_408 = arith.constant 5.000000e-01 : f32
      %mul3A_409 = vector.broadcast %mul3A_408 : f32 to vector<64x256xf32>
      %mul3A_410 = arith.mulf %mul3A_409, %slice3A_407 : vector<64x256xf32>
      %tanh3A_411 = math.tanh %mul3A_410 : vector<64x256xf32>
      %mul3A_412 = arith.constant 5.000000e-01 : f32
      %mul3A_413 = vector.broadcast %mul3A_412 : f32 to vector<64x256xf32>
      %mul3A_414 = arith.mulf %mul3A_413, %tanh3A_411 : vector<64x256xf32>
      %add3A_415 = arith.constant 5.000000e-01 : f32
      %add3A_416 = vector.broadcast %add3A_415 : f32 to vector<64x256xf32>
      %add3A_417 = arith.addf %mul3A_414, %add3A_416 : vector<64x256xf32>
      %slice3A_418 = vector.extract_strided_slice %add3A_395 {offsets = [0, 512], sizes = [64, 256], strides = [1, 1]} : vector<64x1024xf32> to vector<64x256xf32>
      %tanh3A_419 = math.tanh %slice3A_418 : vector<64x256xf32>
      %slice3A_420 = vector.extract_strided_slice %add3A_395 {offsets = [0, 768], sizes = [64, 256], strides = [1, 1]} : vector<64x1024xf32> to vector<64x256xf32>
      %mul3A_421 = arith.constant 5.000000e-01 : f32
      %mul3A_422 = vector.broadcast %mul3A_421 : f32 to vector<64x256xf32>
      %mul3A_423 = arith.mulf %mul3A_422, %slice3A_420 : vector<64x256xf32>
      %tanh3A_424 = math.tanh %mul3A_423 : vector<64x256xf32>
      %mul3A_425 = arith.constant 5.000000e-01 : f32
      %mul3A_426 = vector.broadcast %mul3A_425 : f32 to vector<64x256xf32>
      %mul3A_427 = arith.mulf %mul3A_426, %tanh3A_424 : vector<64x256xf32>
      %add3A_428 = arith.constant 5.000000e-01 : f32
      %add3A_429 = vector.broadcast %add3A_428 : f32 to vector<64x256xf32>
      %add3A_430 = arith.addf %mul3A_427, %add3A_429 : vector<64x256xf32>
      %mul3A_431 = arith.mulf %add3A_417, %add3A_373 : vector<64x256xf32>
      %mul3A_432 = arith.mulf %add3A_406, %tanh3A_419 : vector<64x256xf32>
      %add3A_433 = arith.addf %mul3A_431, %mul3A_432 : vector<64x256xf32>
      %tanh3A_434 = math.tanh %add3A_433 : vector<64x256xf32>
      %mul3A_435 = arith.mulf %add3A_430, %tanh3A_434 : vector<64x256xf32>
      %convert_element_type3A_436 = arith.truncf %mul3A_435 : vector<64x256xf32> to vector<64x256xbf16>
      %swap3A_437 = arith.index_cast %multiple_of3A_384 : i32 to index
      %swap3A_438 = arith.constant 0 : index
      %swap3A_439 = vector.load %arg8[%swap3A_437, %swap3A_438] : memref<4096x256xbf16, #tpu.memory_space<vmem>>, vector<64x256xbf16>
      tpu.vector_store %arg8[%swap3A_437, %swap3A_438], %convert_element_type3A_436 {strides = array<i32>} : memref<4096x256xbf16, #tpu.memory_space<vmem>>, vector<64x256xbf16>,
      %add3A_440 = arith.constant -5 : i32
      %add3A_441 = arith.addi %sub3A_142, %add3A_440 : i32
      %mul3A_442 = arith.constant 64 : i32
      %mul3A_443 = arith.muli %add3A_441, %mul3A_442 : i32
      %multiple_of3A_444 = tpu.assume_multiple %mul3A_443, 64 : i32
      %get3A_445 = arith.index_cast %multiple_of3A_444 : i32 to index
      %get3A_446 = arith.constant 0 : index
      %get3A_447 = vector.load %arg9[%get3A_445, %get3A_446] : memref<4096x1024xf32, #tpu.memory_space<vmem>>, vector<64x1024xf32>
      %get3A_448 = arith.constant 1 : index
      %get3A_449 = arith.constant 0 : index
      %get3A_450 = arith.constant 0 : index
      %get3A_451 = vector.load %arg5[%get3A_448, %get3A_449, %get3A_450] : memref<4x256x1024xbf16, #tpu.memory_space<vmem>>, vector<1x256x1024xbf16>
      %get3A_452 = vector.shape_cast %get3A_451 : vector<1x256x1024xbf16> to vector<256x1024xbf16>
      %dot_general3A_453 = arith.constant dense<0.000000e+00> : vector<64x1024xf32>
      %dot_general3A_454 = tpu.matmul %convert_element_type3A_436, %get3A_452, %dot_general3A_453 {dimension_numbers = #tpu.dot_dimension_numbers<[1], [0], [0], [1], [0, 0, 1, 1], [], []>, transpose_lhs_hint = false} : vector<64x256xbf16>, vector<256x1024xbf16>, vector<64x1024xf32> -> vector<64x1024xf32>
      %add3A_455 = arith.addf %get3A_447, %dot_general3A_454 : vector<64x1024xf32>
      %slice3A_456 = vector.extract_strided_slice %add3A_455 {offsets = [0, 0], sizes = [64, 256], strides = [1, 1]} : vector<64x1024xf32> to vector<64x256xf32>
      %mul3A_457 = arith.constant 5.000000e-01 : f32
      %mul3A_458 = vector.broadcast %mul3A_457 : f32 to vector<64x256xf32>
      %mul3A_459 = arith.mulf %mul3A_458, %slice3A_456 : vector<64x256xf32>
      %tanh3A_460 = math.tanh %mul3A_459 : vector<64x256xf32>
      %mul3A_461 = arith.constant 5.000000e-01 : f32
      %mul3A_462 = vector.broadcast %mul3A_461 : f32 to vector<64x256xf32>
      %mul3A_463 = arith.mulf %mul3A_462, %tanh3A_460 : vector<64x256xf32>
      %add3A_464 = arith.constant 5.000000e-01 : f32
      %add3A_465 = vector.broadcast %add3A_464 : f32 to vector<64x256xf32>
      %add3A_466 = arith.addf %mul3A_463, %add3A_465 : vector<64x256xf32>
      %slice3A_467 = vector.extract_strided_slice %add3A_455 {offsets = [0, 256], sizes = [64, 256], strides = [1, 1]} : vector<64x1024xf32> to vector<64x256xf32>
      %mul3A_468 = arith.constant 5.000000e-01 : f32
      %mul3A_469 = vector.broadcast %mul3A_468 : f32 to vector<64x256xf32>
      %mul3A_470 = arith.mulf %mul3A_469, %slice3A_467 : vector<64x256xf32>
      %tanh3A_471 = math.tanh %mul3A_470 : vector<64x256xf32>
      %mul3A_472 = arith.constant 5.000000e-01 : f32
      %mul3A_473 = vector.broadcast %mul3A_472 : f32 to vector<64x256xf32>
      %mul3A_474 = arith.mulf %mul3A_473, %tanh3A_471 : vector<64x256xf32>
      %add3A_475 = arith.constant 5.000000e-01 : f32
      %add3A_476 = vector.broadcast %add3A_475 : f32 to vector<64x256xf32>
      %add3A_477 = arith.addf %mul3A_474, %add3A_476 : vector<64x256xf32>
      %slice3A_478 = vector.extract_strided_slice %add3A_455 {offsets = [0, 512], sizes = [64, 256], strides = [1, 1]} : vector<64x1024xf32> to vector<64x256xf32>
      %tanh3A_479 = math.tanh %slice3A_478 : vector<64x256xf32>
      %slice3A_480 = vector.extract_strided_slice %add3A_455 {offsets = [0, 768], sizes = [64, 256], strides = [1, 1]} : vector<64x1024xf32> to vector<64x256xf32>
      %mul3A_481 = arith.constant 5.000000e-01 : f32
      %mul3A_482 = vector.broadcast %mul3A_481 : f32 to vector<64x256xf32>
      %mul3A_483 = arith.mulf %mul3A_482, %slice3A_480 : vector<64x256xf32>
      %tanh3A_484 = math.tanh %mul3A_483 : vector<64x256xf32>
      %mul3A_485 = arith.constant 5.000000e-01 : f32
      %mul3A_486 = vector.broadcast %mul3A_485 : f32 to vector<64x256xf32>
      %mul3A_487 = arith.mulf %mul3A_486, %tanh3A_484 : vector<64x256xf32>
      %add3A_488 = arith.constant 5.000000e-01 : f32
      %add3A_489 = vector.broadcast %add3A_488 : f32 to vector<64x256xf32>
      %add3A_490 = arith.addf %mul3A_487, %add3A_489 : vector<64x256xf32>
      %mul3A_491 = arith.mulf %add3A_477, %add3A_433 : vector<64x256xf32>
      %mul3A_492 = arith.mulf %add3A_466, %tanh3A_479 : vector<64x256xf32>
      %add3A_493 = arith.addf %mul3A_491, %mul3A_492 : vector<64x256xf32>
      %tanh3A_494 = math.tanh %add3A_493 : vector<64x256xf32>
      %mul3A_495 = arith.mulf %add3A_490, %tanh3A_494 : vector<64x256xf32>
      %convert_element_type3A_496 = arith.truncf %mul3A_495 : vector<64x256xf32> to vector<64x256xbf16>
      %swap3A_497 = arith.index_cast %multiple_of3A_444 : i32 to index
      %swap3A_498 = arith.constant 0 : index
      %swap3A_499 = vector.load %arg8[%swap3A_497, %swap3A_498] : memref<4096x256xbf16, #tpu.memory_space<vmem>>, vector<64x256xbf16>
      tpu.vector_store %arg8[%swap3A_497, %swap3A_498], %convert_element_type3A_496 {strides = array<i32>} : memref<4096x256xbf16, #tpu.memory_space<vmem>>, vector<64x256xbf16>,
      %add3A_500 = arith.constant -6 : i32
      %add3A_501 = arith.addi %sub3A_142, %add3A_500 : i32
      %mul3A_502 = arith.constant 64 : i32
      %mul3A_503 = arith.muli %add3A_501, %mul3A_502 : i32
      %multiple_of3A_504 = tpu.assume_multiple %mul3A_503, 64 : i32
      %get3A_505 = arith.index_cast %multiple_of3A_504 : i32 to index
      %get3A_506 = arith.constant 0 : index
      %get3A_507 = vector.load %arg9[%get3A_505, %get3A_506] : memref<4096x1024xf32, #tpu.memory_space<vmem>>, vector<64x1024xf32>
      %get3A_508 = arith.constant 1 : index
      %get3A_509 = arith.constant 0 : index
      %get3A_510 = arith.constant 0 : index
      %get3A_511 = vector.load %arg5[%get3A_508, %get3A_509, %get3A_510] : memref<4x256x1024xbf16, #tpu.memory_space<vmem>>, vector<1x256x1024xbf16>
      %get3A_512 = vector.shape_cast %get3A_511 : vector<1x256x1024xbf16> to vector<256x1024xbf16>
      %dot_general3A_513 = arith.constant dense<0.000000e+00> : vector<64x1024xf32>
      %dot_general3A_514 = tpu.matmul %convert_element_type3A_496, %get3A_512, %dot_general3A_513 {dimension_numbers = #tpu.dot_dimension_numbers<[1], [0], [0], [1], [0, 0, 1, 1], [], []>, transpose_lhs_hint = false} : vector<64x256xbf16>, vector<256x1024xbf16>, vector<64x1024xf32> -> vector<64x1024xf32>
      %add3A_515 = arith.addf %get3A_507, %dot_general3A_514 : vector<64x1024xf32>
      %slice3A_516 = vector.extract_strided_slice %add3A_515 {offsets = [0, 0], sizes = [64, 256], strides = [1, 1]} : vector<64x1024xf32> to vector<64x256xf32>
      %mul3A_517 = arith.constant 5.000000e-01 : f32
      %mul3A_518 = vector.broadcast %mul3A_517 : f32 to vector<64x256xf32>
      %mul3A_519 = arith.mulf %mul3A_518, %slice3A_516 : vector<64x256xf32>
      %tanh3A_520 = math.tanh %mul3A_519 : vector<64x256xf32>
      %mul3A_521 = arith.constant 5.000000e-01 : f32
      %mul3A_522 = vector.broadcast %mul3A_521 : f32 to vector<64x256xf32>
      %mul3A_523 = arith.mulf %mul3A_522, %tanh3A_520 : vector<64x256xf32>
      %add3A_524 = arith.constant 5.000000e-01 : f32
      %add3A_525 = vector.broadcast %add3A_524 : f32 to vector<64x256xf32>
      %add3A_526 = arith.addf %mul3A_523, %add3A_525 : vector<64x256xf32>
      %slice3A_527 = vector.extract_strided_slice %add3A_515 {offsets = [0, 256], sizes = [64, 256], strides = [1, 1]} : vector<64x1024xf32> to vector<64x256xf32>
      %mul3A_528 = arith.constant 5.000000e-01 : f32
      %mul3A_529 = vector.broadcast %mul3A_528 : f32 to vector<64x256xf32>
      %mul3A_530 = arith.mulf %mul3A_529, %slice3A_527 : vector<64x256xf32>
      %tanh3A_531 = math.tanh %mul3A_530 : vector<64x256xf32>
      %mul3A_532 = arith.constant 5.000000e-01 : f32
      %mul3A_533 = vector.broadcast %mul3A_532 : f32 to vector<64x256xf32>
      %mul3A_534 = arith.mulf %mul3A_533, %tanh3A_531 : vector<64x256xf32>
      %add3A_535 = arith.constant 5.000000e-01 : f32
      %add3A_536 = vector.broadcast %add3A_535 : f32 to vector<64x256xf32>
      %add3A_537 = arith.addf %mul3A_534, %add3A_536 : vector<64x256xf32>
      %slice3A_538 = vector.extract_strided_slice %add3A_515 {offsets = [0, 512], sizes = [64, 256], strides = [1, 1]} : vector<64x1024xf32> to vector<64x256xf32>
      %tanh3A_539 = math.tanh %slice3A_538 : vector<64x256xf32>
      %slice3A_540 = vector.extract_strided_slice %add3A_515 {offsets = [0, 768], sizes = [64, 256], strides = [1, 1]} : vector<64x1024xf32> to vector<64x256xf32>
      %mul3A_541 = arith.constant 5.000000e-01 : f32
      %mul3A_542 = vector.broadcast %mul3A_541 : f32 to vector<64x256xf32>
      %mul3A_543 = arith.mulf %mul3A_542, %slice3A_540 : vector<64x256xf32>
      %tanh3A_544 = math.tanh %mul3A_543 : vector<64x256xf32>
      %mul3A_545 = arith.constant 5.000000e-01 : f32
      %mul3A_546 = vector.broadcast %mul3A_545 : f32 to vector<64x256xf32>
      %mul3A_547 = arith.mulf %mul3A_546, %tanh3A_544 : vector<64x256xf32>
      %add3A_548 = arith.constant 5.000000e-01 : f32
      %add3A_549 = vector.broadcast %add3A_548 : f32 to vector<64x256xf32>
      %add3A_550 = arith.addf %mul3A_547, %add3A_549 : vector<64x256xf32>
      %mul3A_551 = arith.mulf %add3A_537, %add3A_493 : vector<64x256xf32>
      %mul3A_552 = arith.mulf %add3A_526, %tanh3A_539 : vector<64x256xf32>
      %add3A_553 = arith.addf %mul3A_551, %mul3A_552 : vector<64x256xf32>
      %tanh3A_554 = math.tanh %add3A_553 : vector<64x256xf32>
      %mul3A_555 = arith.mulf %add3A_550, %tanh3A_554 : vector<64x256xf32>
      %convert_element_type3A_556 = arith.truncf %mul3A_555 : vector<64x256xf32> to vector<64x256xbf16>
      %swap3A_557 = arith.index_cast %multiple_of3A_504 : i32 to index
      %swap3A_558 = arith.constant 0 : index
      %swap3A_559 = vector.load %arg8[%swap3A_557, %swap3A_558] : memref<4096x256xbf16, #tpu.memory_space<vmem>>, vector<64x256xbf16>
      tpu.vector_store %arg8[%swap3A_557, %swap3A_558], %convert_element_type3A_556 {strides = array<i32>} : memref<4096x256xbf16, #tpu.memory_space<vmem>>, vector<64x256xbf16>,
      %add3A_560 = arith.constant -7 : i32
      %add3A_561 = arith.addi %sub3A_142, %add3A_560 : i32
      %mul3A_562 = arith.constant 64 : i32
      %mul3A_563 = arith.muli %add3A_561, %mul3A_562 : i32
      %multiple_of3A_564 = tpu.assume_multiple %mul3A_563, 64 : i32
      %get3A_565 = arith.index_cast %multiple_of3A_564 : i32 to index
      %get3A_566 = arith.constant 0 : index
      %get3A_567 = vector.load %arg9[%get3A_565, %get3A_566] : memref<4096x1024xf32, #tpu.memory_space<vmem>>, vector<64x1024xf32>
      %get3A_568 = arith.constant 1 : index
      %get3A_569 = arith.constant 0 : index
      %get3A_570 = arith.constant 0 : index
      %get3A_571 = vector.load %arg5[%get3A_568, %get3A_569, %get3A_570] : memref<4x256x1024xbf16, #tpu.memory_space<vmem>>, vector<1x256x1024xbf16>
      %get3A_572 = vector.shape_cast %get3A_571 : vector<1x256x1024xbf16> to vector<256x1024xbf16>
      %dot_general3A_573 = arith.constant dense<0.000000e+00> : vector<64x1024xf32>
      %dot_general3A_574 = tpu.matmul %convert_element_type3A_556, %get3A_572, %dot_general3A_573 {dimension_numbers = #tpu.dot_dimension_numbers<[1], [0], [0], [1], [0, 0, 1, 1], [], []>, transpose_lhs_hint = false} : vector<64x256xbf16>, vector<256x1024xbf16>, vector<64x1024xf32> -> vector<64x1024xf32>
      %add3A_575 = arith.addf %get3A_567, %dot_general3A_574 : vector<64x1024xf32>
      %slice3A_576 = vector.extract_strided_slice %add3A_575 {offsets = [0, 0], sizes = [64, 256], strides = [1, 1]} : vector<64x1024xf32> to vector<64x256xf32>
      %mul3A_577 = arith.constant 5.000000e-01 : f32
      %mul3A_578 = vector.broadcast %mul3A_577 : f32 to vector<64x256xf32>
      %mul3A_579 = arith.mulf %mul3A_578, %slice3A_576 : vector<64x256xf32>
      %tanh3A_580 = math.tanh %mul3A_579 : vector<64x256xf32>
      %mul3A_581 = arith.constant 5.000000e-01 : f32
      %mul3A_582 = vector.broadcast %mul3A_581 : f32 to vector<64x256xf32>
      %mul3A_583 = arith.mulf %mul3A_582, %tanh3A_580 : vector<64x256xf32>
      %add3A_584 = arith.constant 5.000000e-01 : f32
      %add3A_585 = vector.broadcast %add3A_584 : f32 to vector<64x256xf32>
      %add3A_586 = arith.addf %mul3A_583, %add3A_585 : vector<64x256xf32>
      %slice3A_587 = vector.extract_strided_slice %add3A_575 {offsets = [0, 256], sizes = [64, 256], strides = [1, 1]} : vector<64x1024xf32> to vector<64x256xf32>
      %mul3A_588 = arith.constant 5.000000e-01 : f32
      %mul3A_589 = vector.broadcast %mul3A_588 : f32 to vector<64x256xf32>
      %mul3A_590 = arith.mulf %mul3A_589, %slice3A_587 : vector<64x256xf32>
      %tanh3A_591 = math.tanh %mul3A_590 : vector<64x256xf32>
      %mul3A_592 = arith.constant 5.000000e-01 : f32
      %mul3A_593 = vector.broadcast %mul3A_592 : f32 to vector<64x256xf32>
      %mul3A_594 = arith.mulf %mul3A_593, %tanh3A_591 : vector<64x256xf32>
      %add3A_595 = arith.constant 5.000000e-01 : f32
      %add3A_596 = vector.broadcast %add3A_595 : f32 to vector<64x256xf32>
      %add3A_597 = arith.addf %mul3A_594, %add3A_596 : vector<64x256xf32>
      %slice3A_598 = vector.extract_strided_slice %add3A_575 {offsets = [0, 512], sizes = [64, 256], strides = [1, 1]} : vector<64x1024xf32> to vector<64x256xf32>
      %tanh3A_599 = math.tanh %slice3A_598 : vector<64x256xf32>
      %slice3A_600 = vector.extract_strided_slice %add3A_575 {offsets = [0, 768], sizes = [64, 256], strides = [1, 1]} : vector<64x1024xf32> to vector<64x256xf32>
      %mul3A_601 = arith.constant 5.000000e-01 : f32
      %mul3A_602 = vector.broadcast %mul3A_601 : f32 to vector<64x256xf32>
      %mul3A_603 = arith.mulf %mul3A_602, %slice3A_600 : vector<64x256xf32>
      %tanh3A_604 = math.tanh %mul3A_603 : vector<64x256xf32>
      %mul3A_605 = arith.constant 5.000000e-01 : f32
      %mul3A_606 = vector.broadcast %mul3A_605 : f32 to vector<64x256xf32>
      %mul3A_607 = arith.mulf %mul3A_606, %tanh3A_604 : vector<64x256xf32>
      %add3A_608 = arith.constant 5.000000e-01 : f32
      %add3A_609 = vector.broadcast %add3A_608 : f32 to vector<64x256xf32>
      %add3A_610 = arith.addf %mul3A_607, %add3A_609 : vector<64x256xf32>
      %mul3A_611 = arith.mulf %add3A_597, %add3A_553 : vector<64x256xf32>
      %mul3A_612 = arith.mulf %add3A_586, %tanh3A_599 : vector<64x256xf32>
      %add3A_613 = arith.addf %mul3A_611, %mul3A_612 : vector<64x256xf32>
      %tanh3A_614 = math.tanh %add3A_613 : vector<64x256xf32>
      %mul3A_615 = arith.mulf %add3A_610, %tanh3A_614 : vector<64x256xf32>
      %convert_element_type3A_616 = arith.truncf %mul3A_615 : vector<64x256xf32> to vector<64x256xbf16>
      %swap3A_617 = arith.index_cast %multiple_of3A_564 : i32 to index
      %swap3A_618 = arith.constant 0 : index
      %swap3A_619 = vector.load %arg8[%swap3A_617, %swap3A_618] : memref<4096x256xbf16, #tpu.memory_space<vmem>>, vector<64x256xbf16>
      tpu.vector_store %arg8[%swap3A_617, %swap3A_618], %convert_element_type3A_616 {strides = array<i32>} : memref<4096x256xbf16, #tpu.memory_space<vmem>>, vector<64x256xbf16>,
      %add3A_620 = arith.constant -8 : i32
      %add3A_621 = arith.addi %sub3A_142, %add3A_620 : i32
      %mul3A_622 = arith.constant 64 : i32
      %mul3A_623 = arith.muli %add3A_621, %mul3A_622 : i32
      %multiple_of3A_624 = tpu.assume_multiple %mul3A_623, 64 : i32
      %get3A_625 = arith.index_cast %multiple_of3A_624 : i32 to index
      %get3A_626 = arith.constant 0 : index
      %get3A_627 = vector.load %arg9[%get3A_625, %get3A_626] : memref<4096x1024xf32, #tpu.memory_space<vmem>>, vector<64x1024xf32>
      %get3A_628 = arith.constant 1 : index
      %get3A_629 = arith.constant 0 : index
      %get3A_630 = arith.constant 0 : index
      %get3A_631 = vector.load %arg5[%get3A_628, %get3A_629, %get3A_630] : memref<4x256x1024xbf16, #tpu.memory_space<vmem>>, vector<1x256x1024xbf16>
      %get3A_632 = vector.shape_cast %get3A_631 : vector<1x256x1024xbf16> to vector<256x1024xbf16>
      %dot_general3A_633 = arith.constant dense<0.000000e+00> : vector<64x1024xf32>
      %dot_general3A_634 = tpu.matmul %convert_element_type3A_616, %get3A_632, %dot_general3A_633 {dimension_numbers = #tpu.dot_dimension_numbers<[1], [0], [0], [1], [0, 0, 1, 1], [], []>, transpose_lhs_hint = false} : vector<64x256xbf16>, vector<256x1024xbf16>, vector<64x1024xf32> -> vector<64x1024xf32>
      %add3A_635 = arith.addf %get3A_627, %dot_general3A_634 : vector<64x1024xf32>
      %slice3A_636 = vector.extract_strided_slice %add3A_635 {offsets = [0, 0], sizes = [64, 256], strides = [1, 1]} : vector<64x1024xf32> to vector<64x256xf32>
      %mul3A_637 = arith.constant 5.000000e-01 : f32
      %mul3A_638 = vector.broadcast %mul3A_637 : f32 to vector<64x256xf32>
      %mul3A_639 = arith.mulf %mul3A_638, %slice3A_636 : vector<64x256xf32>
      %tanh3A_640 = math.tanh %mul3A_639 : vector<64x256xf32>
      %mul3A_641 = arith.constant 5.000000e-01 : f32
      %mul3A_642 = vector.broadcast %mul3A_641 : f32 to vector<64x256xf32>
      %mul3A_643 = arith.mulf %mul3A_642, %tanh3A_640 : vector<64x256xf32>
      %add3A_644 = arith.constant 5.000000e-01 : f32
      %add3A_645 = vector.broadcast %add3A_644 : f32 to vector<64x256xf32>
      %add3A_646 = arith.addf %mul3A_643, %add3A_645 : vector<64x256xf32>
      %slice3A_647 = vector.extract_strided_slice %add3A_635 {offsets = [0, 256], sizes = [64, 256], strides = [1, 1]} : vector<64x1024xf32> to vector<64x256xf32>
      %mul3A_648 = arith.constant 5.000000e-01 : f32
      %mul3A_649 = vector.broadcast %mul3A_648 : f32 to vector<64x256xf32>
      %mul3A_650 = arith.mulf %mul3A_649, %slice3A_647 : vector<64x256xf32>
      %tanh3A_651 = math.tanh %mul3A_650 : vector<64x256xf32>
      %mul3A_652 = arith.constant 5.000000e-01 : f32
      %mul3A_653 = vector.broadcast %mul3A_652 : f32 to vector<64x256xf32>
      %mul3A_654 = arith.mulf %mul3A_653, %tanh3A_651 : vector<64x256xf32>
      %add3A_655 = arith.constant 5.000000e-01 : f32
      %add3A_656 = vector.broadcast %add3A_655 : f32 to vector<64x256xf32>
      %add3A_657 = arith.addf %mul3A_654, %add3A_656 : vector<64x256xf32>
      %slice3A_658 = vector.extract_strided_slice %add3A_635 {offsets = [0, 512], sizes = [64, 256], strides = [1, 1]} : vector<64x1024xf32> to vector<64x256xf32>
      %tanh3A_659 = math.tanh %slice3A_658 : vector<64x256xf32>
      %slice3A_660 = vector.extract_strided_slice %add3A_635 {offsets = [0, 768], sizes = [64, 256], strides = [1, 1]} : vector<64x1024xf32> to vector<64x256xf32>
      %mul3A_661 = arith.constant 5.000000e-01 : f32
      %mul3A_662 = vector.broadcast %mul3A_661 : f32 to vector<64x256xf32>
      %mul3A_663 = arith.mulf %mul3A_662, %slice3A_660 : vector<64x256xf32>
      %tanh3A_664 = math.tanh %mul3A_663 : vector<64x256xf32>
      %mul3A_665 = arith.constant 5.000000e-01 : f32
      %mul3A_666 = vector.broadcast %mul3A_665 : f32 to vector<64x256xf32>
      %mul3A_667 = arith.mulf %mul3A_666, %tanh3A_664 : vector<64x256xf32>
      %add3A_668 = arith.constant 5.000000e-01 : f32
      %add3A_669 = vector.broadcast %add3A_668 : f32 to vector<64x256xf32>
      %add3A_670 = arith.addf %mul3A_667, %add3A_669 : vector<64x256xf32>
      %mul3A_671 = arith.mulf %add3A_657, %add3A_613 : vector<64x256xf32>
      %mul3A_672 = arith.mulf %add3A_646, %tanh3A_659 : vector<64x256xf32>
      %add3A_673 = arith.addf %mul3A_671, %mul3A_672 : vector<64x256xf32>
      %tanh3A_674 = math.tanh %add3A_673 : vector<64x256xf32>
      %mul3A_675 = arith.mulf %add3A_670, %tanh3A_674 : vector<64x256xf32>
      %convert_element_type3A_676 = arith.truncf %mul3A_675 : vector<64x256xf32> to vector<64x256xbf16>
      %swap3A_677 = arith.index_cast %multiple_of3A_624 : i32 to index
      %swap3A_678 = arith.constant 0 : index
      %swap3A_679 = vector.load %arg8[%swap3A_677, %swap3A_678] : memref<4096x256xbf16, #tpu.memory_space<vmem>>, vector<64x256xbf16>
      tpu.vector_store %arg8[%swap3A_677, %swap3A_678], %convert_element_type3A_676 {strides = array<i32>} : memref<4096x256xbf16, #tpu.memory_space<vmem>>, vector<64x256xbf16>,
      %add3A_680 = arith.constant -9 : i32
      %add3A_681 = arith.addi %sub3A_142, %add3A_680 : i32
      %mul3A_682 = arith.constant 64 : i32
      %mul3A_683 = arith.muli %add3A_681, %mul3A_682 : i32
      %multiple_of3A_684 = tpu.assume_multiple %mul3A_683, 64 : i32
      %get3A_685 = arith.index_cast %multiple_of3A_684 : i32 to index
      %get3A_686 = arith.constant 0 : index
      %get3A_687 = vector.load %arg9[%get3A_685, %get3A_686] : memref<4096x1024xf32, #tpu.memory_space<vmem>>, vector<64x1024xf32>
      %get3A_688 = arith.constant 1 : index
      %get3A_689 = arith.constant 0 : index
      %get3A_690 = arith.constant 0 : index
      %get3A_691 = vector.load %arg5[%get3A_688, %get3A_689, %get3A_690] : memref<4x256x1024xbf16, #tpu.memory_space<vmem>>, vector<1x256x1024xbf16>
      %get3A_692 = vector.shape_cast %get3A_691 : vector<1x256x1024xbf16> to vector<256x1024xbf16>
      %dot_general3A_693 = arith.constant dense<0.000000e+00> : vector<64x1024xf32>
      %dot_general3A_694 = tpu.matmul %convert_element_type3A_676, %get3A_692, %dot_general3A_693 {dimension_numbers = #tpu.dot_dimension_numbers<[1], [0], [0], [1], [0, 0, 1, 1], [], []>, transpose_lhs_hint = false} : vector<64x256xbf16>, vector<256x1024xbf16>, vector<64x1024xf32> -> vector<64x1024xf32>
      %add3A_695 = arith.addf %get3A_687, %dot_general3A_694 : vector<64x1024xf32>
      %slice3A_696 = vector.extract_strided_slice %add3A_695 {offsets = [0, 0], sizes = [64, 256], strides = [1, 1]} : vector<64x1024xf32> to vector<64x256xf32>
      %mul3A_697 = arith.constant 5.000000e-01 : f32
      %mul3A_698 = vector.broadcast %mul3A_697 : f32 to vector<64x256xf32>
      %mul3A_699 = arith.mulf %mul3A_698, %slice3A_696 : vector<64x256xf32>
      %tanh3A_700 = math.tanh %mul3A_699 : vector<64x256xf32>
      %mul3A_701 = arith.constant 5.000000e-01 : f32
      %mul3A_702 = vector.broadcast %mul3A_701 : f32 to vector<64x256xf32>
      %mul3A_703 = arith.mulf %mul3A_702, %tanh3A_700 : vector<64x256xf32>
      %add3A_704 = arith.constant 5.000000e-01 : f32
      %add3A_705 = vector.broadcast %add3A_704 : f32 to vector<64x256xf32>
      %add3A_706 = arith.addf %mul3A_703, %add3A_705 : vector<64x256xf32>
      %slice3A_707 = vector.extract_strided_slice %add3A_695 {offsets = [0, 256], sizes = [64, 256], strides = [1, 1]} : vector<64x1024xf32> to vector<64x256xf32>
      %mul3A_708 = arith.constant 5.000000e-01 : f32
      %mul3A_709 = vector.broadcast %mul3A_708 : f32 to vector<64x256xf32>
      %mul3A_710 = arith.mulf %mul3A_709, %slice3A_707 : vector<64x256xf32>
      %tanh3A_711 = math.tanh %mul3A_710 : vector<64x256xf32>
      %mul3A_712 = arith.constant 5.000000e-01 : f32
      %mul3A_713 = vector.broadcast %mul3A_712 : f32 to vector<64x256xf32>
      %mul3A_714 = arith.mulf %mul3A_713, %tanh3A_711 : vector<64x256xf32>
      %add3A_715 = arith.constant 5.000000e-01 : f32
      %add3A_716 = vector.broadcast %add3A_715 : f32 to vector<64x256xf32>
      %add3A_717 = arith.addf %mul3A_714, %add3A_716 : vector<64x256xf32>
      %slice3A_718 = vector.extract_strided_slice %add3A_695 {offsets = [0, 512], sizes = [64, 256], strides = [1, 1]} : vector<64x1024xf32> to vector<64x256xf32>
      %tanh3A_719 = math.tanh %slice3A_718 : vector<64x256xf32>
      %slice3A_720 = vector.extract_strided_slice %add3A_695 {offsets = [0, 768], sizes = [64, 256], strides = [1, 1]} : vector<64x1024xf32> to vector<64x256xf32>
      %mul3A_721 = arith.constant 5.000000e-01 : f32
      %mul3A_722 = vector.broadcast %mul3A_721 : f32 to vector<64x256xf32>
      %mul3A_723 = arith.mulf %mul3A_722, %slice3A_720 : vector<64x256xf32>
      %tanh3A_724 = math.tanh %mul3A_723 : vector<64x256xf32>
      %mul3A_725 = arith.constant 5.000000e-01 : f32
      %mul3A_726 = vector.broadcast %mul3A_725 : f32 to vector<64x256xf32>
      %mul3A_727 = arith.mulf %mul3A_726, %tanh3A_724 : vector<64x256xf32>
      %add3A_728 = arith.constant 5.000000e-01 : f32
      %add3A_729 = vector.broadcast %add3A_728 : f32 to vector<64x256xf32>
      %add3A_730 = arith.addf %mul3A_727, %add3A_729 : vector<64x256xf32>
      %mul3A_731 = arith.mulf %add3A_717, %add3A_673 : vector<64x256xf32>
      %mul3A_732 = arith.mulf %add3A_706, %tanh3A_719 : vector<64x256xf32>
      %add3A_733 = arith.addf %mul3A_731, %mul3A_732 : vector<64x256xf32>
      %tanh3A_734 = math.tanh %add3A_733 : vector<64x256xf32>
      %mul3A_735 = arith.mulf %add3A_730, %tanh3A_734 : vector<64x256xf32>
      %convert_element_type3A_736 = arith.truncf %mul3A_735 : vector<64x256xf32> to vector<64x256xbf16>
      %swap3A_737 = arith.index_cast %multiple_of3A_684 : i32 to index
      %swap3A_738 = arith.constant 0 : index
      %swap3A_739 = vector.load %arg8[%swap3A_737, %swap3A_738] : memref<4096x256xbf16, #tpu.memory_space<vmem>>, vector<64x256xbf16>
      tpu.vector_store %arg8[%swap3A_737, %swap3A_738], %convert_element_type3A_736 {strides = array<i32>} : memref<4096x256xbf16, #tpu.memory_space<vmem>>, vector<64x256xbf16>,
      %add3A_740 = arith.constant -10 : i32
      %add3A_741 = arith.addi %sub3A_142, %add3A_740 : i32
      %mul3A_742 = arith.constant 64 : i32
      %mul3A_743 = arith.muli %add3A_741, %mul3A_742 : i32
      %multiple_of3A_744 = tpu.assume_multiple %mul3A_743, 64 : i32
      %get3A_745 = arith.index_cast %multiple_of3A_744 : i32 to index
      %get3A_746 = arith.constant 0 : index
      %get3A_747 = vector.load %arg9[%get3A_745, %get3A_746] : memref<4096x1024xf32, #tpu.memory_space<vmem>>, vector<64x1024xf32>
      %get3A_748 = arith.constant 1 : index
      %get3A_749 = arith.constant 0 : index
      %get3A_750 = arith.constant 0 : index
      %get3A_751 = vector.load %arg5[%get3A_748, %get3A_749, %get3A_750] : memref<4x256x1024xbf16, #tpu.memory_space<vmem>>, vector<1x256x1024xbf16>
      %get3A_752 = vector.shape_cast %get3A_751 : vector<1x256x1024xbf16> to vector<256x1024xbf16>
      %dot_general3A_753 = arith.constant dense<0.000000e+00> : vector<64x1024xf32>
      %dot_general3A_754 = tpu.matmul %convert_element_type3A_736, %get3A_752, %dot_general3A_753 {dimension_numbers = #tpu.dot_dimension_numbers<[1], [0], [0], [1], [0, 0, 1, 1], [], []>, transpose_lhs_hint = false} : vector<64x256xbf16>, vector<256x1024xbf16>, vector<64x1024xf32> -> vector<64x1024xf32>
      %add3A_755 = arith.addf %get3A_747, %dot_general3A_754 : vector<64x1024xf32>
      %slice3A_756 = vector.extract_strided_slice %add3A_755 {offsets = [0, 0], sizes = [64, 256], strides = [1, 1]} : vector<64x1024xf32> to vector<64x256xf32>
      %mul3A_757 = arith.constant 5.000000e-01 : f32
      %mul3A_758 = vector.broadcast %mul3A_757 : f32 to vector<64x256xf32>
      %mul3A_759 = arith.mulf %mul3A_758, %slice3A_756 : vector<64x256xf32>
      %tanh3A_760 = math.tanh %mul3A_759 : vector<64x256xf32>
      %mul3A_761 = arith.constant 5.000000e-01 : f32
      %mul3A_762 = vector.broadcast %mul3A_761 : f32 to vector<64x256xf32>
      %mul3A_763 = arith.mulf %mul3A_762, %tanh3A_760 : vector<64x256xf32>
      %add3A_764 = arith.constant 5.000000e-01 : f32
      %add3A_765 = vector.broadcast %add3A_764 : f32 to vector<64x256xf32>
      %add3A_766 = arith.addf %mul3A_763, %add3A_765 : vector<64x256xf32>
      %slice3A_767 = vector.extract_strided_slice %add3A_755 {offsets = [0, 256], sizes = [64, 256], strides = [1, 1]} : vector<64x1024xf32> to vector<64x256xf32>
      %mul3A_768 = arith.constant 5.000000e-01 : f32
      %mul3A_769 = vector.broadcast %mul3A_768 : f32 to vector<64x256xf32>
      %mul3A_770 = arith.mulf %mul3A_769, %slice3A_767 : vector<64x256xf32>
      %tanh3A_771 = math.tanh %mul3A_770 : vector<64x256xf32>
      %mul3A_772 = arith.constant 5.000000e-01 : f32
      %mul3A_773 = vector.broadcast %mul3A_772 : f32 to vector<64x256xf32>
      %mul3A_774 = arith.mulf %mul3A_773, %tanh3A_771 : vector<64x256xf32>
      %add3A_775 = arith.constant 5.000000e-01 : f32
      %add3A_776 = vector.broadcast %add3A_775 : f32 to vector<64x256xf32>
      %add3A_777 = arith.addf %mul3A_774, %add3A_776 : vector<64x256xf32>
      %slice3A_778 = vector.extract_strided_slice %add3A_755 {offsets = [0, 512], sizes = [64, 256], strides = [1, 1]} : vector<64x1024xf32> to vector<64x256xf32>
      %tanh3A_779 = math.tanh %slice3A_778 : vector<64x256xf32>
      %slice3A_780 = vector.extract_strided_slice %add3A_755 {offsets = [0, 768], sizes = [64, 256], strides = [1, 1]} : vector<64x1024xf32> to vector<64x256xf32>
      %mul3A_781 = arith.constant 5.000000e-01 : f32
      %mul3A_782 = vector.broadcast %mul3A_781 : f32 to vector<64x256xf32>
      %mul3A_783 = arith.mulf %mul3A_782, %slice3A_780 : vector<64x256xf32>
      %tanh3A_784 = math.tanh %mul3A_783 : vector<64x256xf32>
      %mul3A_785 = arith.constant 5.000000e-01 : f32
      %mul3A_786 = vector.broadcast %mul3A_785 : f32 to vector<64x256xf32>
      %mul3A_787 = arith.mulf %mul3A_786, %tanh3A_784 : vector<64x256xf32>
      %add3A_788 = arith.constant 5.000000e-01 : f32
      %add3A_789 = vector.broadcast %add3A_788 : f32 to vector<64x256xf32>
      %add3A_790 = arith.addf %mul3A_787, %add3A_789 : vector<64x256xf32>
      %mul3A_791 = arith.mulf %add3A_777, %add3A_733 : vector<64x256xf32>
      %mul3A_792 = arith.mulf %add3A_766, %tanh3A_779 : vector<64x256xf32>
      %add3A_793 = arith.addf %mul3A_791, %mul3A_792 : vector<64x256xf32>
      %tanh3A_794 = math.tanh %add3A_793 : vector<64x256xf32>
      %mul3A_795 = arith.mulf %add3A_790, %tanh3A_794 : vector<64x256xf32>
      %convert_element_type3A_796 = arith.truncf %mul3A_795 : vector<64x256xf32> to vector<64x256xbf16>
      %swap3A_797 = arith.index_cast %multiple_of3A_744 : i32 to index
      %swap3A_798 = arith.constant 0 : index
      %swap3A_799 = vector.load %arg8[%swap3A_797, %swap3A_798] : memref<4096x256xbf16, #tpu.memory_space<vmem>>, vector<64x256xbf16>
      tpu.vector_store %arg8[%swap3A_797, %swap3A_798], %convert_element_type3A_796 {strides = array<i32>} : memref<4096x256xbf16, #tpu.memory_space<vmem>>, vector<64x256xbf16>,
      %add3A_800 = arith.constant -11 : i32
      %add3A_801 = arith.addi %sub3A_142, %add3A_800 : i32
      %mul3A_802 = arith.constant 64 : i32
      %mul3A_803 = arith.muli %add3A_801, %mul3A_802 : i32
      %multiple_of3A_804 = tpu.assume_multiple %mul3A_803, 64 : i32
      %get3A_805 = arith.index_cast %multiple_of3A_804 : i32 to index
      %get3A_806 = arith.constant 0 : index
      %get3A_807 = vector.load %arg9[%get3A_805, %get3A_806] : memref<4096x1024xf32, #tpu.memory_space<vmem>>, vector<64x1024xf32>
      %get3A_808 = arith.constant 1 : index
      %get3A_809 = arith.constant 0 : index
      %get3A_810 = arith.constant 0 : index
      %get3A_811 = vector.load %arg5[%get3A_808, %get3A_809, %get3A_810] : memref<4x256x1024xbf16, #tpu.memory_space<vmem>>, vector<1x256x1024xbf16>
      %get3A_812 = vector.shape_cast %get3A_811 : vector<1x256x1024xbf16> to vector<256x1024xbf16>
      %dot_general3A_813 = arith.constant dense<0.000000e+00> : vector<64x1024xf32>
      %dot_general3A_814 = tpu.matmul %convert_element_type3A_796, %get3A_812, %dot_general3A_813 {dimension_numbers = #tpu.dot_dimension_numbers<[1], [0], [0], [1], [0, 0, 1, 1], [], []>, transpose_lhs_hint = false} : vector<64x256xbf16>, vector<256x1024xbf16>, vector<64x1024xf32> -> vector<64x1024xf32>
      %add3A_815 = arith.addf %get3A_807, %dot_general3A_814 : vector<64x1024xf32>
      %slice3A_816 = vector.extract_strided_slice %add3A_815 {offsets = [0, 0], sizes = [64, 256], strides = [1, 1]} : vector<64x1024xf32> to vector<64x256xf32>
      %mul3A_817 = arith.constant 5.000000e-01 : f32
      %mul3A_818 = vector.broadcast %mul3A_817 : f32 to vector<64x256xf32>
      %mul3A_819 = arith.mulf %mul3A_818, %slice3A_816 : vector<64x256xf32>
      %tanh3A_820 = math.tanh %mul3A_819 : vector<64x256xf32>
      %mul3A_821 = arith.constant 5.000000e-01 : f32
      %mul3A_822 = vector.broadcast %mul3A_821 : f32 to vector<64x256xf32>
      %mul3A_823 = arith.mulf %mul3A_822, %tanh3A_820 : vector<64x256xf32>
      %add3A_824 = arith.constant 5.000000e-01 : f32
      %add3A_825 = vector.broadcast %add3A_824 : f32 to vector<64x256xf32>
      %add3A_826 = arith.addf %mul3A_823, %add3A_825 : vector<64x256xf32>
      %slice3A_827 = vector.extract_strided_slice %add3A_815 {offsets = [0, 256], sizes = [64, 256], strides = [1, 1]} : vector<64x1024xf32> to vector<64x256xf32>
      %mul3A_828 = arith.constant 5.000000e-01 : f32
      %mul3A_829 = vector.broadcast %mul3A_828 : f32 to vector<64x256xf32>
      %mul3A_830 = arith.mulf %mul3A_829, %slice3A_827 : vector<64x256xf32>
      %tanh3A_831 = math.tanh %mul3A_830 : vector<64x256xf32>
      %mul3A_832 = arith.constant 5.000000e-01 : f32
      %mul3A_833 = vector.broadcast %mul3A_832 : f32 to vector<64x256xf32>
      %mul3A_834 = arith.mulf %mul3A_833, %tanh3A_831 : vector<64x256xf32>
      %add3A_835 = arith.constant 5.000000e-01 : f32
      %add3A_836 = vector.broadcast %add3A_835 : f32 to vector<64x256xf32>
      %add3A_837 = arith.addf %mul3A_834, %add3A_836 : vector<64x256xf32>
      %slice3A_838 = vector.extract_strided_slice %add3A_815 {offsets = [0, 512], sizes = [64, 256], strides = [1, 1]} : vector<64x1024xf32> to vector<64x256xf32>
      %tanh3A_839 = math.tanh %slice3A_838 : vector<64x256xf32>
      %slice3A_840 = vector.extract_strided_slice %add3A_815 {offsets = [0, 768], sizes = [64, 256], strides = [1, 1]} : vector<64x1024xf32> to vector<64x256xf32>
      %mul3A_841 = arith.constant 5.000000e-01 : f32
      %mul3A_842 = vector.broadcast %mul3A_841 : f32 to vector<64x256xf32>
      %mul3A_843 = arith.mulf %mul3A_842, %slice3A_840 : vector<64x256xf32>
      %tanh3A_844 = math.tanh %mul3A_843 : vector<64x256xf32>
      %mul3A_845 = arith.constant 5.000000e-01 : f32
      %mul3A_846 = vector.broadcast %mul3A_845 : f32 to vector<64x256xf32>
      %mul3A_847 = arith.mulf %mul3A_846, %tanh3A_844 : vector<64x256xf32>
      %add3A_848 = arith.constant 5.000000e-01 : f32
      %add3A_849 = vector.broadcast %add3A_848 : f32 to vector<64x256xf32>
      %add3A_850 = arith.addf %mul3A_847, %add3A_849 : vector<64x256xf32>
      %mul3A_851 = arith.mulf %add3A_837, %add3A_793 : vector<64x256xf32>
      %mul3A_852 = arith.mulf %add3A_826, %tanh3A_839 : vector<64x256xf32>
      %add3A_853 = arith.addf %mul3A_851, %mul3A_852 : vector<64x256xf32>
      %tanh3A_854 = math.tanh %add3A_853 : vector<64x256xf32>
      %mul3A_855 = arith.mulf %add3A_850, %tanh3A_854 : vector<64x256xf32>
      %convert_element_type3A_856 = arith.truncf %mul3A_855 : vector<64x256xf32> to vector<64x256xbf16>
      %swap3A_857 = arith.index_cast %multiple_of3A_804 : i32 to index
      %swap3A_858 = arith.constant 0 : index
      %swap3A_859 = vector.load %arg8[%swap3A_857, %swap3A_858] : memref<4096x256xbf16, #tpu.memory_space<vmem>>, vector<64x256xbf16>
      tpu.vector_store %arg8[%swap3A_857, %swap3A_858], %convert_element_type3A_856 {strides = array<i32>} : memref<4096x256xbf16, #tpu.memory_space<vmem>>, vector<64x256xbf16>,
      %add3A_860 = arith.constant -12 : i32
      %add3A_861 = arith.addi %sub3A_142, %add3A_860 : i32
      %mul3A_862 = arith.constant 64 : i32
      %mul3A_863 = arith.muli %add3A_861, %mul3A_862 : i32
      %multiple_of3A_864 = tpu.assume_multiple %mul3A_863, 64 : i32
      %get3A_865 = arith.index_cast %multiple_of3A_864 : i32 to index
      %get3A_866 = arith.constant 0 : index
      %get3A_867 = vector.load %arg9[%get3A_865, %get3A_866] : memref<4096x1024xf32, #tpu.memory_space<vmem>>, vector<64x1024xf32>
      %get3A_868 = arith.constant 1 : index
      %get3A_869 = arith.constant 0 : index
      %get3A_870 = arith.constant 0 : index
      %get3A_871 = vector.load %arg5[%get3A_868, %get3A_869, %get3A_870] : memref<4x256x1024xbf16, #tpu.memory_space<vmem>>, vector<1x256x1024xbf16>
      %get3A_872 = vector.shape_cast %get3A_871 : vector<1x256x1024xbf16> to vector<256x1024xbf16>
      %dot_general3A_873 = arith.constant dense<0.000000e+00> : vector<64x1024xf32>
      %dot_general3A_874 = tpu.matmul %convert_element_type3A_856, %get3A_872, %dot_general3A_873 {dimension_numbers = #tpu.dot_dimension_numbers<[1], [0], [0], [1], [0, 0, 1, 1], [], []>, transpose_lhs_hint = false} : vector<64x256xbf16>, vector<256x1024xbf16>, vector<64x1024xf32> -> vector<64x1024xf32>
      %add3A_875 = arith.addf %get3A_867, %dot_general3A_874 : vector<64x1024xf32>
      %slice3A_876 = vector.extract_strided_slice %add3A_875 {offsets = [0, 0], sizes = [64, 256], strides = [1, 1]} : vector<64x1024xf32> to vector<64x256xf32>
      %mul3A_877 = arith.constant 5.000000e-01 : f32
      %mul3A_878 = vector.broadcast %mul3A_877 : f32 to vector<64x256xf32>
      %mul3A_879 = arith.mulf %mul3A_878, %slice3A_876 : vector<64x256xf32>
      %tanh3A_880 = math.tanh %mul3A_879 : vector<64x256xf32>
      %mul3A_881 = arith.constant 5.000000e-01 : f32
      %mul3A_882 = vector.broadcast %mul3A_881 : f32 to vector<64x256xf32>
      %mul3A_883 = arith.mulf %mul3A_882, %tanh3A_880 : vector<64x256xf32>
      %add3A_884 = arith.constant 5.000000e-01 : f32
      %add3A_885 = vector.broadcast %add3A_884 : f32 to vector<64x256xf32>
      %add3A_886 = arith.addf %mul3A_883, %add3A_885 : vector<64x256xf32>
      %slice3A_887 = vector.extract_strided_slice %add3A_875 {offsets = [0, 256], sizes = [64, 256], strides = [1, 1]} : vector<64x1024xf32> to vector<64x256xf32>
      %mul3A_888 = arith.constant 5.000000e-01 : f32
      %mul3A_889 = vector.broadcast %mul3A_888 : f32 to vector<64x256xf32>
      %mul3A_890 = arith.mulf %mul3A_889, %slice3A_887 : vector<64x256xf32>
      %tanh3A_891 = math.tanh %mul3A_890 : vector<64x256xf32>
      %mul3A_892 = arith.constant 5.000000e-01 : f32
      %mul3A_893 = vector.broadcast %mul3A_892 : f32 to vector<64x256xf32>
      %mul3A_894 = arith.mulf %mul3A_893, %tanh3A_891 : vector<64x256xf32>
      %add3A_895 = arith.constant 5.000000e-01 : f32
      %add3A_896 = vector.broadcast %add3A_895 : f32 to vector<64x256xf32>
      %add3A_897 = arith.addf %mul3A_894, %add3A_896 : vector<64x256xf32>
      %slice3A_898 = vector.extract_strided_slice %add3A_875 {offsets = [0, 512], sizes = [64, 256], strides = [1, 1]} : vector<64x1024xf32> to vector<64x256xf32>
      %tanh3A_899 = math.tanh %slice3A_898 : vector<64x256xf32>
      %slice3A_900 = vector.extract_strided_slice %add3A_875 {offsets = [0, 768], sizes = [64, 256], strides = [1, 1]} : vector<64x1024xf32> to vector<64x256xf32>
      %mul3A_901 = arith.constant 5.000000e-01 : f32
      %mul3A_902 = vector.broadcast %mul3A_901 : f32 to vector<64x256xf32>
      %mul3A_903 = arith.mulf %mul3A_902, %slice3A_900 : vector<64x256xf32>
      %tanh3A_904 = math.tanh %mul3A_903 : vector<64x256xf32>
      %mul3A_905 = arith.constant 5.000000e-01 : f32
      %mul3A_906 = vector.broadcast %mul3A_905 : f32 to vector<64x256xf32>
      %mul3A_907 = arith.mulf %mul3A_906, %tanh3A_904 : vector<64x256xf32>
      %add3A_908 = arith.constant 5.000000e-01 : f32
      %add3A_909 = vector.broadcast %add3A_908 : f32 to vector<64x256xf32>
      %add3A_910 = arith.addf %mul3A_907, %add3A_909 : vector<64x256xf32>
      %mul3A_911 = arith.mulf %add3A_897, %add3A_853 : vector<64x256xf32>
      %mul3A_912 = arith.mulf %add3A_886, %tanh3A_899 : vector<64x256xf32>
      %add3A_913 = arith.addf %mul3A_911, %mul3A_912 : vector<64x256xf32>
      %tanh3A_914 = math.tanh %add3A_913 : vector<64x256xf32>
      %mul3A_915 = arith.mulf %add3A_910, %tanh3A_914 : vector<64x256xf32>
      %convert_element_type3A_916 = arith.truncf %mul3A_915 : vector<64x256xf32> to vector<64x256xbf16>
      %swap3A_917 = arith.index_cast %multiple_of3A_864 : i32 to index
      %swap3A_918 = arith.constant 0 : index
      %swap3A_919 = vector.load %arg8[%swap3A_917, %swap3A_918] : memref<4096x256xbf16, #tpu.memory_space<vmem>>, vector<64x256xbf16>
      tpu.vector_store %arg8[%swap3A_917, %swap3A_918], %convert_element_type3A_916 {strides = array<i32>} : memref<4096x256xbf16, #tpu.memory_space<vmem>>, vector<64x256xbf16>,
      %add3A_920 = arith.constant -13 : i32
      %add3A_921 = arith.addi %sub3A_142, %add3A_920 : i32
      %mul3A_922 = arith.constant 64 : i32
      %mul3A_923 = arith.muli %add3A_921, %mul3A_922 : i32
      %multiple_of3A_924 = tpu.assume_multiple %mul3A_923, 64 : i32
      %get3A_925 = arith.index_cast %multiple_of3A_924 : i32 to index
      %get3A_926 = arith.constant 0 : index
      %get3A_927 = vector.load %arg9[%get3A_925, %get3A_926] : memref<4096x1024xf32, #tpu.memory_space<vmem>>, vector<64x1024xf32>
      %get3A_928 = arith.constant 1 : index
      %get3A_929 = arith.constant 0 : index
      %get3A_930 = arith.constant 0 : index
      %get3A_931 = vector.load %arg5[%get3A_928, %get3A_929, %get3A_930] : memref<4x256x1024xbf16, #tpu.memory_space<vmem>>, vector<1x256x1024xbf16>
      %get3A_932 = vector.shape_cast %get3A_931 : vector<1x256x1024xbf16> to vector<256x1024xbf16>
      %dot_general3A_933 = arith.constant dense<0.000000e+00> : vector<64x1024xf32>
      %dot_general3A_934 = tpu.matmul %convert_element_type3A_916, %get3A_932, %dot_general3A_933 {dimension_numbers = #tpu.dot_dimension_numbers<[1], [0], [0], [1], [0, 0, 1, 1], [], []>, transpose_lhs_hint = false} : vector<64x256xbf16>, vector<256x1024xbf16>, vector<64x1024xf32> -> vector<64x1024xf32>
      %add3A_935 = arith.addf %get3A_927, %dot_general3A_934 : vector<64x1024xf32>
      %slice3A_936 = vector.extract_strided_slice %add3A_935 {offsets = [0, 0], sizes = [64, 256], strides = [1, 1]} : vector<64x1024xf32> to vector<64x256xf32>
      %mul3A_937 = arith.constant 5.000000e-01 : f32
      %mul3A_938 = vector.broadcast %mul3A_937 : f32 to vector<64x256xf32>
      %mul3A_939 = arith.mulf %mul3A_938, %slice3A_936 : vector<64x256xf32>
      %tanh3A_940 = math.tanh %mul3A_939 : vector<64x256xf32>
      %mul3A_941 = arith.constant 5.000000e-01 : f32
      %mul3A_942 = vector.broadcast %mul3A_941 : f32 to vector<64x256xf32>
      %mul3A_943 = arith.mulf %mul3A_942, %tanh3A_940 : vector<64x256xf32>
      %add3A_944 = arith.constant 5.000000e-01 : f32
      %add3A_945 = vector.broadcast %add3A_944 : f32 to vector<64x256xf32>
      %add3A_946 = arith.addf %mul3A_943, %add3A_945 : vector<64x256xf32>
      %slice3A_947 = vector.extract_strided_slice %add3A_935 {offsets = [0, 256], sizes = [64, 256], strides = [1, 1]} : vector<64x1024xf32> to vector<64x256xf32>
      %mul3A_948 = arith.constant 5.000000e-01 : f32
      %mul3A_949 = vector.broadcast %mul3A_948 : f32 to vector<64x256xf32>
      %mul3A_950 = arith.mulf %mul3A_949, %slice3A_947 : vector<64x256xf32>
      %tanh3A_951 = math.tanh %mul3A_950 : vector<64x256xf32>
      %mul3A_952 = arith.constant 5.000000e-01 : f32
      %mul3A_953 = vector.broadcast %mul3A_952 : f32 to vector<64x256xf32>
      %mul3A_954 = arith.mulf %mul3A_953, %tanh3A_951 : vector<64x256xf32>
      %add3A_955 = arith.constant 5.000000e-01 : f32
      %add3A_956 = vector.broadcast %add3A_955 : f32 to vector<64x256xf32>
      %add3A_957 = arith.addf %mul3A_954, %add3A_956 : vector<64x256xf32>
      %slice3A_958 = vector.extract_strided_slice %add3A_935 {offsets = [0, 512], sizes = [64, 256], strides = [1, 1]} : vector<64x1024xf32> to vector<64x256xf32>
      %tanh3A_959 = math.tanh %slice3A_958 : vector<64x256xf32>
      %slice3A_960 = vector.extract_strided_slice %add3A_935 {offsets = [0, 768], sizes = [64, 256], strides = [1, 1]} : vector<64x1024xf32> to vector<64x256xf32>
      %mul3A_961 = arith.constant 5.000000e-01 : f32
      %mul3A_962 = vector.broadcast %mul3A_961 : f32 to vector<64x256xf32>
      %mul3A_963 = arith.mulf %mul3A_962, %slice3A_960 : vector<64x256xf32>
      %tanh3A_964 = math.tanh %mul3A_963 : vector<64x256xf32>
      %mul3A_965 = arith.constant 5.000000e-01 : f32
      %mul3A_966 = vector.broadcast %mul3A_965 : f32 to vector<64x256xf32>
      %mul3A_967 = arith.mulf %mul3A_966, %tanh3A_964 : vector<64x256xf32>
      %add3A_968 = arith.constant 5.000000e-01 : f32
      %add3A_969 = vector.broadcast %add3A_968 : f32 to vector<64x256xf32>
      %add3A_970 = arith.addf %mul3A_967, %add3A_969 : vector<64x256xf32>
      %mul3A_971 = arith.mulf %add3A_957, %add3A_913 : vector<64x256xf32>
      %mul3A_972 = arith.mulf %add3A_946, %tanh3A_959 : vector<64x256xf32>
      %add3A_973 = arith.addf %mul3A_971, %mul3A_972 : vector<64x256xf32>
      %tanh3A_974 = math.tanh %add3A_973 : vector<64x256xf32>
      %mul3A_975 = arith.mulf %add3A_970, %tanh3A_974 : vector<64x256xf32>
      %convert_element_type3A_976 = arith.truncf %mul3A_975 : vector<64x256xf32> to vector<64x256xbf16>
      %swap3A_977 = arith.index_cast %multiple_of3A_924 : i32 to index
      %swap3A_978 = arith.constant 0 : index
      %swap3A_979 = vector.load %arg8[%swap3A_977, %swap3A_978] : memref<4096x256xbf16, #tpu.memory_space<vmem>>, vector<64x256xbf16>
      tpu.vector_store %arg8[%swap3A_977, %swap3A_978], %convert_element_type3A_976 {strides = array<i32>} : memref<4096x256xbf16, #tpu.memory_space<vmem>>, vector<64x256xbf16>,
      %add3A_980 = arith.constant -14 : i32
      %add3A_981 = arith.addi %sub3A_142, %add3A_980 : i32
      %mul3A_982 = arith.constant 64 : i32
      %mul3A_983 = arith.muli %add3A_981, %mul3A_982 : i32
      %multiple_of3A_984 = tpu.assume_multiple %mul3A_983, 64 : i32
      %get3A_985 = arith.index_cast %multiple_of3A_984 : i32 to index
      %get3A_986 = arith.constant 0 : index
      %get3A_987 = vector.load %arg9[%get3A_985, %get3A_986] : memref<4096x1024xf32, #tpu.memory_space<vmem>>, vector<64x1024xf32>
      %get3A_988 = arith.constant 1 : index
      %get3A_989 = arith.constant 0 : index
      %get3A_990 = arith.constant 0 : index
      %get3A_991 = vector.load %arg5[%get3A_988, %get3A_989, %get3A_990] : memref<4x256x1024xbf16, #tpu.memory_space<vmem>>, vector<1x256x1024xbf16>
      %get3A_992 = vector.shape_cast %get3A_991 : vector<1x256x1024xbf16> to vector<256x1024xbf16>
      %dot_general3A_993 = arith.constant dense<0.000000e+00> : vector<64x1024xf32>
      %dot_general3A_994 = tpu.matmul %convert_element_type3A_976, %get3A_992, %dot_general3A_993 {dimension_numbers = #tpu.dot_dimension_numbers<[1], [0], [0], [1], [0, 0, 1, 1], [], []>, transpose_lhs_hint = false} : vector<64x256xbf16>, vector<256x1024xbf16>, vector<64x1024xf32> -> vector<64x1024xf32>
      %add3A_995 = arith.addf %get3A_987, %dot_general3A_994 : vector<64x1024xf32>
      %slice3A_996 = vector.extract_strided_slice %add3A_995 {offsets = [0, 0], sizes = [64, 256], strides = [1, 1]} : vector<64x1024xf32> to vector<64x256xf32>
      %mul3A_997 = arith.constant 5.000000e-01 : f32
      %mul3A_998 = vector.broadcast %mul3A_997 : f32 to vector<64x256xf32>
      %mul3A_999 = arith.mulf %mul3A_998, %slice3A_996 : vector<64x256xf32>
      %tanh3A_1000 = math.tanh %mul3A_999 : vector<64x256xf32>
      %mul3A_1001 = arith.constant 5.000000e-01 : f32
      %mul3A_1002 = vector.broadcast %mul3A_1001 : f32 to vector<64x256xf32>
      %mul3A_1003 = arith.mulf %mul3A_1002, %tanh3A_1000 : vector<64x256xf32>
      %add3A_1004 = arith.constant 5.000000e-01 : f32
      %add3A_1005 = vector.broadcast %add3A_1004 : f32 to vector<64x256xf32>
      %add3A_1006 = arith.addf %mul3A_1003, %add3A_1005 : vector<64x256xf32>
      %slice3A_1007 = vector.extract_strided_slice %add3A_995 {offsets = [0, 256], sizes = [64, 256], strides = [1, 1]} : vector<64x1024xf32> to vector<64x256xf32>
      %mul3A_1008 = arith.constant 5.000000e-01 : f32
      %mul3A_1009 = vector.broadcast %mul3A_1008 : f32 to vector<64x256xf32>
      %mul3A_1010 = arith.mulf %mul3A_1009, %slice3A_1007 : vector<64x256xf32>
      %tanh3A_1011 = math.tanh %mul3A_1010 : vector<64x256xf32>
      %mul3A_1012 = arith.constant 5.000000e-01 : f32
      %mul3A_1013 = vector.broadcast %mul3A_1012 : f32 to vector<64x256xf32>
      %mul3A_1014 = arith.mulf %mul3A_1013, %tanh3A_1011 : vector<64x256xf32>
      %add3A_1015 = arith.constant 5.000000e-01 : f32
      %add3A_1016 = vector.broadcast %add3A_1015 : f32 to vector<64x256xf32>
      %add3A_1017 = arith.addf %mul3A_1014, %add3A_1016 : vector<64x256xf32>
      %slice3A_1018 = vector.extract_strided_slice %add3A_995 {offsets = [0, 512], sizes = [64, 256], strides = [1, 1]} : vector<64x1024xf32> to vector<64x256xf32>
      %tanh3A_1019 = math.tanh %slice3A_1018 : vector<64x256xf32>
      %slice3A_1020 = vector.extract_strided_slice %add3A_995 {offsets = [0, 768], sizes = [64, 256], strides = [1, 1]} : vector<64x1024xf32> to vector<64x256xf32>
      %mul3A_1021 = arith.constant 5.000000e-01 : f32
      %mul3A_1022 = vector.broadcast %mul3A_1021 : f32 to vector<64x256xf32>
      %mul3A_1023 = arith.mulf %mul3A_1022, %slice3A_1020 : vector<64x256xf32>
      %tanh3A_1024 = math.tanh %mul3A_1023 : vector<64x256xf32>
      %mul3A_1025 = arith.constant 5.000000e-01 : f32
      %mul3A_1026 = vector.broadcast %mul3A_1025 : f32 to vector<64x256xf32>
      %mul3A_1027 = arith.mulf %mul3A_1026, %tanh3A_1024 : vector<64x256xf32>
      %add3A_1028 = arith.constant 5.000000e-01 : f32
      %add3A_1029 = vector.broadcast %add3A_1028 : f32 to vector<64x256xf32>
      %add3A_1030 = arith.addf %mul3A_1027, %add3A_1029 : vector<64x256xf32>
      %mul3A_1031 = arith.mulf %add3A_1017, %add3A_973 : vector<64x256xf32>
      %mul3A_1032 = arith.mulf %add3A_1006, %tanh3A_1019 : vector<64x256xf32>
      %add3A_1033 = arith.addf %mul3A_1031, %mul3A_1032 : vector<64x256xf32>
      %tanh3A_1034 = math.tanh %add3A_1033 : vector<64x256xf32>
      %mul3A_1035 = arith.mulf %add3A_1030, %tanh3A_1034 : vector<64x256xf32>
      %convert_element_type3A_1036 = arith.truncf %mul3A_1035 : vector<64x256xf32> to vector<64x256xbf16>
      %swap3A_1037 = arith.index_cast %multiple_of3A_984 : i32 to index
      %swap3A_1038 = arith.constant 0 : index
      %swap3A_1039 = vector.load %arg8[%swap3A_1037, %swap3A_1038] : memref<4096x256xbf16, #tpu.memory_space<vmem>>, vector<64x256xbf16>
      tpu.vector_store %arg8[%swap3A_1037, %swap3A_1038], %convert_element_type3A_1036 {strides = array<i32>} : memref<4096x256xbf16, #tpu.memory_space<vmem>>, vector<64x256xbf16>,
      %add3A_1040 = arith.constant -15 : i32
      %add3A_1041 = arith.addi %sub3A_142, %add3A_1040 : i32
      %mul3A_1042 = arith.constant 64 : i32
      %mul3A_1043 = arith.muli %add3A_1041, %mul3A_1042 : i32
      %multiple_of3A_1044 = tpu.assume_multiple %mul3A_1043, 64 : i32
      %get3A_1045 = arith.index_cast %multiple_of3A_1044 : i32 to index
      %get3A_1046 = arith.constant 0 : index
      %get3A_1047 = vector.load %arg9[%get3A_1045, %get3A_1046] : memref<4096x1024xf32, #tpu.memory_space<vmem>>, vector<64x1024xf32>
      %get3A_1048 = arith.constant 1 : index
      %get3A_1049 = arith.constant 0 : index
      %get3A_1050 = arith.constant 0 : index
      %get3A_1051 = vector.load %arg5[%get3A_1048, %get3A_1049, %get3A_1050] : memref<4x256x1024xbf16, #tpu.memory_space<vmem>>, vector<1x256x1024xbf16>
      %get3A_1052 = vector.shape_cast %get3A_1051 : vector<1x256x1024xbf16> to vector<256x1024xbf16>
      %dot_general3A_1053 = arith.constant dense<0.000000e+00> : vector<64x1024xf32>
      %dot_general3A_1054 = tpu.matmul %convert_element_type3A_1036, %get3A_1052, %dot_general3A_1053 {dimension_numbers = #tpu.dot_dimension_numbers<[1], [0], [0], [1], [0, 0, 1, 1], [], []>, transpose_lhs_hint = false} : vector<64x256xbf16>, vector<256x1024xbf16>, vector<64x1024xf32> -> vector<64x1024xf32>
      %add3A_1055 = arith.addf %get3A_1047, %dot_general3A_1054 : vector<64x1024xf32>
      %slice3A_1056 = vector.extract_strided_slice %add3A_1055 {offsets = [0, 0], sizes = [64, 256], strides = [1, 1]} : vector<64x1024xf32> to vector<64x256xf32>
      %mul3A_1057 = arith.constant 5.000000e-01 : f32
      %mul3A_1058 = vector.broadcast %mul3A_1057 : f32 to vector<64x256xf32>
      %mul3A_1059 = arith.mulf %mul3A_1058, %slice3A_1056 : vector<64x256xf32>
      %tanh3A_1060 = math.tanh %mul3A_1059 : vector<64x256xf32>
      %mul3A_1061 = arith.constant 5.000000e-01 : f32
      %mul3A_1062 = vector.broadcast %mul3A_1061 : f32 to vector<64x256xf32>
      %mul3A_1063 = arith.mulf %mul3A_1062, %tanh3A_1060 : vector<64x256xf32>
      %add3A_1064 = arith.constant 5.000000e-01 : f32
      %add3A_1065 = vector.broadcast %add3A_1064 : f32 to vector<64x256xf32>
      %add3A_1066 = arith.addf %mul3A_1063, %add3A_1065 : vector<64x256xf32>
      %slice3A_1067 = vector.extract_strided_slice %add3A_1055 {offsets = [0, 256], sizes = [64, 256], strides = [1, 1]} : vector<64x1024xf32> to vector<64x256xf32>
      %mul3A_1068 = arith.constant 5.000000e-01 : f32
      %mul3A_1069 = vector.broadcast %mul3A_1068 : f32 to vector<64x256xf32>
      %mul3A_1070 = arith.mulf %mul3A_1069, %slice3A_1067 : vector<64x256xf32>
      %tanh3A_1071 = math.tanh %mul3A_1070 : vector<64x256xf32>
      %mul3A_1072 = arith.constant 5.000000e-01 : f32
      %mul3A_1073 = vector.broadcast %mul3A_1072 : f32 to vector<64x256xf32>
      %mul3A_1074 = arith.mulf %mul3A_1073, %tanh3A_1071 : vector<64x256xf32>
      %add3A_1075 = arith.constant 5.000000e-01 : f32
      %add3A_1076 = vector.broadcast %add3A_1075 : f32 to vector<64x256xf32>
      %add3A_1077 = arith.addf %mul3A_1074, %add3A_1076 : vector<64x256xf32>
      %slice3A_1078 = vector.extract_strided_slice %add3A_1055 {offsets = [0, 512], sizes = [64, 256], strides = [1, 1]} : vector<64x1024xf32> to vector<64x256xf32>
      %tanh3A_1079 = math.tanh %slice3A_1078 : vector<64x256xf32>
      %slice3A_1080 = vector.extract_strided_slice %add3A_1055 {offsets = [0, 768], sizes = [64, 256], strides = [1, 1]} : vector<64x1024xf32> to vector<64x256xf32>
      %mul3A_1081 = arith.constant 5.000000e-01 : f32
      %mul3A_1082 = vector.broadcast %mul3A_1081 : f32 to vector<64x256xf32>
      %mul3A_1083 = arith.mulf %mul3A_1082, %slice3A_1080 : vector<64x256xf32>
      %tanh3A_1084 = math.tanh %mul3A_1083 : vector<64x256xf32>
      %mul3A_1085 = arith.constant 5.000000e-01 : f32
      %mul3A_1086 = vector.broadcast %mul3A_1085 : f32 to vector<64x256xf32>
      %mul3A_1087 = arith.mulf %mul3A_1086, %tanh3A_1084 : vector<64x256xf32>
      %add3A_1088 = arith.constant 5.000000e-01 : f32
      %add3A_1089 = vector.broadcast %add3A_1088 : f32 to vector<64x256xf32>
      %add3A_1090 = arith.addf %mul3A_1087, %add3A_1089 : vector<64x256xf32>
      %mul3A_1091 = arith.mulf %add3A_1077, %add3A_1033 : vector<64x256xf32>
      %mul3A_1092 = arith.mulf %add3A_1066, %tanh3A_1079 : vector<64x256xf32>
      %add3A_1093 = arith.addf %mul3A_1091, %mul3A_1092 : vector<64x256xf32>
      %tanh3A_1094 = math.tanh %add3A_1093 : vector<64x256xf32>
      %mul3A_1095 = arith.mulf %add3A_1090, %tanh3A_1094 : vector<64x256xf32>
      %convert_element_type3A_1096 = arith.truncf %mul3A_1095 : vector<64x256xf32> to vector<64x256xbf16>
      %swap3A_1097 = arith.index_cast %multiple_of3A_1044 : i32 to index
      %swap3A_1098 = arith.constant 0 : index
      %swap3A_1099 = vector.load %arg8[%swap3A_1097, %swap3A_1098] : memref<4096x256xbf16, #tpu.memory_space<vmem>>, vector<64x256xbf16>
      tpu.vector_store %arg8[%swap3A_1097, %swap3A_1098], %convert_element_type3A_1096 {strides = array<i32>} : memref<4096x256xbf16, #tpu.memory_space<vmem>>, vector<64x256xbf16>,
      scf.yield %convert_element_type3A_1096, %add3A_1093 : vector<64x256xbf16>, vector<64x256xf32>
    }
    %scan3A_77 = arith.constant 4 : i32
    %get3A_78 = arith.constant 0 : index
    %get3A_79 = arith.constant 0 : index
    %get3A_80 = vector.load %arg8[%get3A_78, %get3A_79] : memref<4096x256xbf16, #tpu.memory_space<vmem>>, vector<4096x256xbf16>
    %get3A_81 = arith.constant 2 : index
    %get3A_82 = arith.constant 0 : index
    %get3A_83 = arith.constant 0 : index
    %get3A_84 = vector.load %arg4[%get3A_81, %get3A_82, %get3A_83] : memref<4x256x1024xbf16, #tpu.memory_space<vmem>>, vector<1x256x1024xbf16>
    %get3A_85 = vector.shape_cast %get3A_84 : vector<1x256x1024xbf16> to vector<256x1024xbf16>
    %dot_general3A_86 = arith.constant dense<0.000000e+00> : vector<4096x1024xf32>
    %dot_general3A_87 = tpu.matmul %get3A_80, %get3A_85, %dot_general3A_86 {dimension_numbers = #tpu.dot_dimension_numbers<[1], [0], [0], [1], [0, 0, 1, 1], [], []>, transpose_lhs_hint = false} : vector<4096x256xbf16>, vector<256x1024xbf16>, vector<4096x1024xf32> -> vector<4096x1024xf32>
    %get3A_88 = arith.constant 2 : index
    %get3A_89 = arith.constant 0 : index
    %get3A_90 = arith.constant 0 : index
    %get3A_91 = vector.load %arg6[%get3A_88, %get3A_89, %get3A_90] : memref<4x1x1024xf32, #tpu.memory_space<vmem>>, vector<1x1x1024xf32>
    %get3A_92 = vector.shape_cast %get3A_91 : vector<1x1x1024xf32> to vector<1x1024xf32>
    %add3A_93 = vector.broadcast %get3A_92 : vector<1x1024xf32> to vector<4096x1024xf32>
    %add3A_94 = arith.addf %dot_general3A_87, %add3A_93 : vector<4096x1024xf32>
    %swap3A_95 = arith.constant 0 : index
    %swap3A_96 = arith.constant 0 : index
    %swap3A_97 = vector.load %arg9[%swap3A_95, %swap3A_96] : memref<4096x1024xf32, #tpu.memory_space<vmem>>, vector<4096x1024xf32>
    tpu.vector_store %arg9[%swap3A_95, %swap3A_96], %add3A_94 {strides = array<i32>} : memref<4096x1024xf32, #tpu.memory_space<vmem>>, vector<4096x1024xf32>,
    %broadcast_in_dim3A_98 = arith.constant 0.000000e+00 : bf16
    %broadcast_in_dim3A_99 = vector.broadcast %broadcast_in_dim3A_98 : bf16 to vector<64x256xbf16>
    %broadcast_in_dim3A_100 = arith.constant 0.000000e+00 : f32
    %broadcast_in_dim3A_101 = vector.broadcast %broadcast_in_dim3A_100 : f32 to vector<64x256xf32>
    %scan3A_102 = arith.constant 0 : i32
    %scan3A_103 = arith.constant 4 : i32
    %scan3A_104 = arith.addi %scan3A_102, %scan3A_103 : i32
    %scan3A_105 = arith.constant 1 : i32
    %scan3A_106:2 = scf.for %scan3A_138 = %scan3A_102 to %scan3A_104 step %scan3A_105 iter_args(%scan3A_139 = %broadcast_in_dim3A_99, %scan3A_140 = %broadcast_in_dim3A_101) -> (vector<64x256xbf16>, vector<64x256xf32>)  : i32 {
      %mul3A = arith.constant 16 : i32
      %mul3A_141 = arith.muli %mul3A, %scan3A_138 : i32
      %add3A_142 = arith.constant 0 : i32
      %add3A_143 = arith.addi %mul3A_141, %add3A_142 : i32
      %mul3A_144 = arith.constant 64 : i32
      %mul3A_145 = arith.muli %add3A_143, %mul3A_144 : i32
      %multiple_of3A = tpu.assume_multiple %mul3A_145, 64 : i32
      %get3A_146 = arith.index_cast %multiple_of3A : i32 to index
      %get3A_147 = arith.constant 0 : index
      %get3A_148 = vector.load %arg9[%get3A_146, %get3A_147] : memref<4096x1024xf32, #tpu.memory_space<vmem>>, vector<64x1024xf32>
      %get3A_149 = arith.constant 2 : index
      %get3A_150 = arith.constant 0 : index
      %get3A_151 = arith.constant 0 : index
      %get3A_152 = vector.load %arg5[%get3A_149, %get3A_150, %get3A_151] : memref<4x256x1024xbf16, #tpu.memory_space<vmem>>, vector<1x256x1024xbf16>
      %get3A_153 = vector.shape_cast %get3A_152 : vector<1x256x1024xbf16> to vector<256x1024xbf16>
      %dot_general3A_154 = arith.constant dense<0.000000e+00> : vector<64x1024xf32>
      %dot_general3A_155 = tpu.matmul %scan3A_139, %get3A_153, %dot_general3A_154 {dimension_numbers = #tpu.dot_dimension_numbers<[1], [0], [0], [1], [0, 0, 1, 1], [], []>, transpose_lhs_hint = false} : vector<64x256xbf16>, vector<256x1024xbf16>, vector<64x1024xf32> -> vector<64x1024xf32>
      %add3A_156 = arith.addf %get3A_148, %dot_general3A_155 : vector<64x1024xf32>
      %slice3A = vector.extract_strided_slice %add3A_156 {offsets = [0, 0], sizes = [64, 256], strides = [1, 1]} : vector<64x1024xf32> to vector<64x256xf32>
      %mul3A_157 = arith.constant 5.000000e-01 : f32
      %mul3A_158 = vector.broadcast %mul3A_157 : f32 to vector<64x256xf32>
      %mul3A_159 = arith.mulf %mul3A_158, %slice3A : vector<64x256xf32>
      %tanh3A = math.tanh %mul3A_159 : vector<64x256xf32>
      %mul3A_160 = arith.constant 5.000000e-01 : f32
      %mul3A_161 = vector.broadcast %mul3A_160 : f32 to vector<64x256xf32>
      %mul3A_162 = arith.mulf %mul3A_161, %tanh3A : vector<64x256xf32>
      %add3A_163 = arith.constant 5.000000e-01 : f32
      %add3A_164 = vector.broadcast %add3A_163 : f32 to vector<64x256xf32>
      %add3A_165 = arith.addf %mul3A_162, %add3A_164 : vector<64x256xf32>
      %slice3A_166 = vector.extract_strided_slice %add3A_156 {offsets = [0, 256], sizes = [64, 256], strides = [1, 1]} : vector<64x1024xf32> to vector<64x256xf32>
      %mul3A_167 = arith.constant 5.000000e-01 : f32
      %mul3A_168 = vector.broadcast %mul3A_167 : f32 to vector<64x256xf32>
      %mul3A_169 = arith.mulf %mul3A_168, %slice3A_166 : vector<64x256xf32>
      %tanh3A_170 = math.tanh %mul3A_169 : vector<64x256xf32>
      %mul3A_171 = arith.constant 5.000000e-01 : f32
      %mul3A_172 = vector.broadcast %mul3A_171 : f32 to vector<64x256xf32>
      %mul3A_173 = arith.mulf %mul3A_172, %tanh3A_170 : vector<64x256xf32>
      %add3A_174 = arith.constant 5.000000e-01 : f32
      %add3A_175 = vector.broadcast %add3A_174 : f32 to vector<64x256xf32>
      %add3A_176 = arith.addf %mul3A_173, %add3A_175 : vector<64x256xf32>
      %slice3A_177 = vector.extract_strided_slice %add3A_156 {offsets = [0, 512], sizes = [64, 256], strides = [1, 1]} : vector<64x1024xf32> to vector<64x256xf32>
      %tanh3A_178 = math.tanh %slice3A_177 : vector<64x256xf32>
      %slice3A_179 = vector.extract_strided_slice %add3A_156 {offsets = [0, 768], sizes = [64, 256], strides = [1, 1]} : vector<64x1024xf32> to vector<64x256xf32>
      %mul3A_180 = arith.constant 5.000000e-01 : f32
      %mul3A_181 = vector.broadcast %mul3A_180 : f32 to vector<64x256xf32>
      %mul3A_182 = arith.mulf %mul3A_181, %slice3A_179 : vector<64x256xf32>
      %tanh3A_183 = math.tanh %mul3A_182 : vector<64x256xf32>
      %mul3A_184 = arith.constant 5.000000e-01 : f32
      %mul3A_185 = vector.broadcast %mul3A_184 : f32 to vector<64x256xf32>
      %mul3A_186 = arith.mulf %mul3A_185, %tanh3A_183 : vector<64x256xf32>
      %add3A_187 = arith.constant 5.000000e-01 : f32
      %add3A_188 = vector.broadcast %add3A_187 : f32 to vector<64x256xf32>
      %add3A_189 = arith.addf %mul3A_186, %add3A_188 : vector<64x256xf32>
      %mul3A_190 = arith.mulf %add3A_176, %scan3A_140 : vector<64x256xf32>
      %mul3A_191 = arith.mulf %add3A_165, %tanh3A_178 : vector<64x256xf32>
      %add3A_192 = arith.addf %mul3A_190, %mul3A_191 : vector<64x256xf32>
      %tanh3A_193 = math.tanh %add3A_192 : vector<64x256xf32>
      %mul3A_194 = arith.mulf %add3A_189, %tanh3A_193 : vector<64x256xf32>
      %convert_element_type3A_195 = arith.truncf %mul3A_194 : vector<64x256xf32> to vector<64x256xbf16>
      %swap3A_196 = arith.index_cast %multiple_of3A : i32 to index
      %swap3A_197 = arith.constant 0 : index
      %swap3A_198 = vector.load %arg8[%swap3A_196, %swap3A_197] : memref<4096x256xbf16, #tpu.memory_space<vmem>>, vector<64x256xbf16>
      tpu.vector_store %arg8[%swap3A_196, %swap3A_197], %convert_element_type3A_195 {strides = array<i32>} : memref<4096x256xbf16, #tpu.memory_space<vmem>>, vector<64x256xbf16>,
      %add3A_199 = arith.constant 1 : i32
      %add3A_200 = arith.addi %mul3A_141, %add3A_199 : i32
      %mul3A_201 = arith.constant 64 : i32
      %mul3A_202 = arith.muli %add3A_200, %mul3A_201 : i32
      %multiple_of3A_203 = tpu.assume_multiple %mul3A_202, 64 : i32
      %get3A_204 = arith.index_cast %multiple_of3A_203 : i32 to index
      %get3A_205 = arith.constant 0 : index
      %get3A_206 = vector.load %arg9[%get3A_204, %get3A_205] : memref<4096x1024xf32, #tpu.memory_space<vmem>>, vector<64x1024xf32>
      %get3A_207 = arith.constant 2 : index
      %get3A_208 = arith.constant 0 : index
      %get3A_209 = arith.constant 0 : index
      %get3A_210 = vector.load %arg5[%get3A_207, %get3A_208, %get3A_209] : memref<4x256x1024xbf16, #tpu.memory_space<vmem>>, vector<1x256x1024xbf16>
      %get3A_211 = vector.shape_cast %get3A_210 : vector<1x256x1024xbf16> to vector<256x1024xbf16>
      %dot_general3A_212 = arith.constant dense<0.000000e+00> : vector<64x1024xf32>
      %dot_general3A_213 = tpu.matmul %convert_element_type3A_195, %get3A_211, %dot_general3A_212 {dimension_numbers = #tpu.dot_dimension_numbers<[1], [0], [0], [1], [0, 0, 1, 1], [], []>, transpose_lhs_hint = false} : vector<64x256xbf16>, vector<256x1024xbf16>, vector<64x1024xf32> -> vector<64x1024xf32>
      %add3A_214 = arith.addf %get3A_206, %dot_general3A_213 : vector<64x1024xf32>
      %slice3A_215 = vector.extract_strided_slice %add3A_214 {offsets = [0, 0], sizes = [64, 256], strides = [1, 1]} : vector<64x1024xf32> to vector<64x256xf32>
      %mul3A_216 = arith.constant 5.000000e-01 : f32
      %mul3A_217 = vector.broadcast %mul3A_216 : f32 to vector<64x256xf32>
      %mul3A_218 = arith.mulf %mul3A_217, %slice3A_215 : vector<64x256xf32>
      %tanh3A_219 = math.tanh %mul3A_218 : vector<64x256xf32>
      %mul3A_220 = arith.constant 5.000000e-01 : f32
      %mul3A_221 = vector.broadcast %mul3A_220 : f32 to vector<64x256xf32>
      %mul3A_222 = arith.mulf %mul3A_221, %tanh3A_219 : vector<64x256xf32>
      %add3A_223 = arith.constant 5.000000e-01 : f32
      %add3A_224 = vector.broadcast %add3A_223 : f32 to vector<64x256xf32>
      %add3A_225 = arith.addf %mul3A_222, %add3A_224 : vector<64x256xf32>
      %slice3A_226 = vector.extract_strided_slice %add3A_214 {offsets = [0, 256], sizes = [64, 256], strides = [1, 1]} : vector<64x1024xf32> to vector<64x256xf32>
      %mul3A_227 = arith.constant 5.000000e-01 : f32
      %mul3A_228 = vector.broadcast %mul3A_227 : f32 to vector<64x256xf32>
      %mul3A_229 = arith.mulf %mul3A_228, %slice3A_226 : vector<64x256xf32>
      %tanh3A_230 = math.tanh %mul3A_229 : vector<64x256xf32>
      %mul3A_231 = arith.constant 5.000000e-01 : f32
      %mul3A_232 = vector.broadcast %mul3A_231 : f32 to vector<64x256xf32>
      %mul3A_233 = arith.mulf %mul3A_232, %tanh3A_230 : vector<64x256xf32>
      %add3A_234 = arith.constant 5.000000e-01 : f32
      %add3A_235 = vector.broadcast %add3A_234 : f32 to vector<64x256xf32>
      %add3A_236 = arith.addf %mul3A_233, %add3A_235 : vector<64x256xf32>
      %slice3A_237 = vector.extract_strided_slice %add3A_214 {offsets = [0, 512], sizes = [64, 256], strides = [1, 1]} : vector<64x1024xf32> to vector<64x256xf32>
      %tanh3A_238 = math.tanh %slice3A_237 : vector<64x256xf32>
      %slice3A_239 = vector.extract_strided_slice %add3A_214 {offsets = [0, 768], sizes = [64, 256], strides = [1, 1]} : vector<64x1024xf32> to vector<64x256xf32>
      %mul3A_240 = arith.constant 5.000000e-01 : f32
      %mul3A_241 = vector.broadcast %mul3A_240 : f32 to vector<64x256xf32>
      %mul3A_242 = arith.mulf %mul3A_241, %slice3A_239 : vector<64x256xf32>
      %tanh3A_243 = math.tanh %mul3A_242 : vector<64x256xf32>
      %mul3A_244 = arith.constant 5.000000e-01 : f32
      %mul3A_245 = vector.broadcast %mul3A_244 : f32 to vector<64x256xf32>
      %mul3A_246 = arith.mulf %mul3A_245, %tanh3A_243 : vector<64x256xf32>
      %add3A_247 = arith.constant 5.000000e-01 : f32
      %add3A_248 = vector.broadcast %add3A_247 : f32 to vector<64x256xf32>
      %add3A_249 = arith.addf %mul3A_246, %add3A_248 : vector<64x256xf32>
      %mul3A_250 = arith.mulf %add3A_236, %add3A_192 : vector<64x256xf32>
      %mul3A_251 = arith.mulf %add3A_225, %tanh3A_238 : vector<64x256xf32>
      %add3A_252 = arith.addf %mul3A_250, %mul3A_251 : vector<64x256xf32>
      %tanh3A_253 = math.tanh %add3A_252 : vector<64x256xf32>
      %mul3A_254 = arith.mulf %add3A_249, %tanh3A_253 : vector<64x256xf32>
      %convert_element_type3A_255 = arith.truncf %mul3A_254 : vector<64x256xf32> to vector<64x256xbf16>
      %swap3A_256 = arith.index_cast %multiple_of3A_203 : i32 to index
      %swap3A_257 = arith.constant 0 : index
      %swap3A_258 = vector.load %arg8[%swap3A_256, %swap3A_257] : memref<4096x256xbf16, #tpu.memory_space<vmem>>, vector<64x256xbf16>
      tpu.vector_store %arg8[%swap3A_256, %swap3A_257], %convert_element_type3A_255 {strides = array<i32>} : memref<4096x256xbf16, #tpu.memory_space<vmem>>, vector<64x256xbf16>,
      %add3A_259 = arith.constant 2 : i32
      %add3A_260 = arith.addi %mul3A_141, %add3A_259 : i32
      %mul3A_261 = arith.constant 64 : i32
      %mul3A_262 = arith.muli %add3A_260, %mul3A_261 : i32
      %multiple_of3A_263 = tpu.assume_multiple %mul3A_262, 64 : i32
      %get3A_264 = arith.index_cast %multiple_of3A_263 : i32 to index
      %get3A_265 = arith.constant 0 : index
      %get3A_266 = vector.load %arg9[%get3A_264, %get3A_265] : memref<4096x1024xf32, #tpu.memory_space<vmem>>, vector<64x1024xf32>
      %get3A_267 = arith.constant 2 : index
      %get3A_268 = arith.constant 0 : index
      %get3A_269 = arith.constant 0 : index
      %get3A_270 = vector.load %arg5[%get3A_267, %get3A_268, %get3A_269] : memref<4x256x1024xbf16, #tpu.memory_space<vmem>>, vector<1x256x1024xbf16>
      %get3A_271 = vector.shape_cast %get3A_270 : vector<1x256x1024xbf16> to vector<256x1024xbf16>
      %dot_general3A_272 = arith.constant dense<0.000000e+00> : vector<64x1024xf32>
      %dot_general3A_273 = tpu.matmul %convert_element_type3A_255, %get3A_271, %dot_general3A_272 {dimension_numbers = #tpu.dot_dimension_numbers<[1], [0], [0], [1], [0, 0, 1, 1], [], []>, transpose_lhs_hint = false} : vector<64x256xbf16>, vector<256x1024xbf16>, vector<64x1024xf32> -> vector<64x1024xf32>
      %add3A_274 = arith.addf %get3A_266, %dot_general3A_273 : vector<64x1024xf32>
      %slice3A_275 = vector.extract_strided_slice %add3A_274 {offsets = [0, 0], sizes = [64, 256], strides = [1, 1]} : vector<64x1024xf32> to vector<64x256xf32>
      %mul3A_276 = arith.constant 5.000000e-01 : f32
      %mul3A_277 = vector.broadcast %mul3A_276 : f32 to vector<64x256xf32>
      %mul3A_278 = arith.mulf %mul3A_277, %slice3A_275 : vector<64x256xf32>
      %tanh3A_279 = math.tanh %mul3A_278 : vector<64x256xf32>
      %mul3A_280 = arith.constant 5.000000e-01 : f32
      %mul3A_281 = vector.broadcast %mul3A_280 : f32 to vector<64x256xf32>
      %mul3A_282 = arith.mulf %mul3A_281, %tanh3A_279 : vector<64x256xf32>
      %add3A_283 = arith.constant 5.000000e-01 : f32
      %add3A_284 = vector.broadcast %add3A_283 : f32 to vector<64x256xf32>
      %add3A_285 = arith.addf %mul3A_282, %add3A_284 : vector<64x256xf32>
      %slice3A_286 = vector.extract_strided_slice %add3A_274 {offsets = [0, 256], sizes = [64, 256], strides = [1, 1]} : vector<64x1024xf32> to vector<64x256xf32>
      %mul3A_287 = arith.constant 5.000000e-01 : f32
      %mul3A_288 = vector.broadcast %mul3A_287 : f32 to vector<64x256xf32>
      %mul3A_289 = arith.mulf %mul3A_288, %slice3A_286 : vector<64x256xf32>
      %tanh3A_290 = math.tanh %mul3A_289 : vector<64x256xf32>
      %mul3A_291 = arith.constant 5.000000e-01 : f32
      %mul3A_292 = vector.broadcast %mul3A_291 : f32 to vector<64x256xf32>
      %mul3A_293 = arith.mulf %mul3A_292, %tanh3A_290 : vector<64x256xf32>
      %add3A_294 = arith.constant 5.000000e-01 : f32
      %add3A_295 = vector.broadcast %add3A_294 : f32 to vector<64x256xf32>
      %add3A_296 = arith.addf %mul3A_293, %add3A_295 : vector<64x256xf32>
      %slice3A_297 = vector.extract_strided_slice %add3A_274 {offsets = [0, 512], sizes = [64, 256], strides = [1, 1]} : vector<64x1024xf32> to vector<64x256xf32>
      %tanh3A_298 = math.tanh %slice3A_297 : vector<64x256xf32>
      %slice3A_299 = vector.extract_strided_slice %add3A_274 {offsets = [0, 768], sizes = [64, 256], strides = [1, 1]} : vector<64x1024xf32> to vector<64x256xf32>
      %mul3A_300 = arith.constant 5.000000e-01 : f32
      %mul3A_301 = vector.broadcast %mul3A_300 : f32 to vector<64x256xf32>
      %mul3A_302 = arith.mulf %mul3A_301, %slice3A_299 : vector<64x256xf32>
      %tanh3A_303 = math.tanh %mul3A_302 : vector<64x256xf32>
      %mul3A_304 = arith.constant 5.000000e-01 : f32
      %mul3A_305 = vector.broadcast %mul3A_304 : f32 to vector<64x256xf32>
      %mul3A_306 = arith.mulf %mul3A_305, %tanh3A_303 : vector<64x256xf32>
      %add3A_307 = arith.constant 5.000000e-01 : f32
      %add3A_308 = vector.broadcast %add3A_307 : f32 to vector<64x256xf32>
      %add3A_309 = arith.addf %mul3A_306, %add3A_308 : vector<64x256xf32>
      %mul3A_310 = arith.mulf %add3A_296, %add3A_252 : vector<64x256xf32>
      %mul3A_311 = arith.mulf %add3A_285, %tanh3A_298 : vector<64x256xf32>
      %add3A_312 = arith.addf %mul3A_310, %mul3A_311 : vector<64x256xf32>
      %tanh3A_313 = math.tanh %add3A_312 : vector<64x256xf32>
      %mul3A_314 = arith.mulf %add3A_309, %tanh3A_313 : vector<64x256xf32>
      %convert_element_type3A_315 = arith.truncf %mul3A_314 : vector<64x256xf32> to vector<64x256xbf16>
      %swap3A_316 = arith.index_cast %multiple_of3A_263 : i32 to index
      %swap3A_317 = arith.constant 0 : index
      %swap3A_318 = vector.load %arg8[%swap3A_316, %swap3A_317] : memref<4096x256xbf16, #tpu.memory_space<vmem>>, vector<64x256xbf16>
      tpu.vector_store %arg8[%swap3A_316, %swap3A_317], %convert_element_type3A_315 {strides = array<i32>} : memref<4096x256xbf16, #tpu.memory_space<vmem>>, vector<64x256xbf16>,
      %add3A_319 = arith.constant 3 : i32
      %add3A_320 = arith.addi %mul3A_141, %add3A_319 : i32
      %mul3A_321 = arith.constant 64 : i32
      %mul3A_322 = arith.muli %add3A_320, %mul3A_321 : i32
      %multiple_of3A_323 = tpu.assume_multiple %mul3A_322, 64 : i32
      %get3A_324 = arith.index_cast %multiple_of3A_323 : i32 to index
      %get3A_325 = arith.constant 0 : index
      %get3A_326 = vector.load %arg9[%get3A_324, %get3A_325] : memref<4096x1024xf32, #tpu.memory_space<vmem>>, vector<64x1024xf32>
      %get3A_327 = arith.constant 2 : index
      %get3A_328 = arith.constant 0 : index
      %get3A_329 = arith.constant 0 : index
      %get3A_330 = vector.load %arg5[%get3A_327, %get3A_328, %get3A_329] : memref<4x256x1024xbf16, #tpu.memory_space<vmem>>, vector<1x256x1024xbf16>
      %get3A_331 = vector.shape_cast %get3A_330 : vector<1x256x1024xbf16> to vector<256x1024xbf16>
      %dot_general3A_332 = arith.constant dense<0.000000e+00> : vector<64x1024xf32>
      %dot_general3A_333 = tpu.matmul %convert_element_type3A_315, %get3A_331, %dot_general3A_332 {dimension_numbers = #tpu.dot_dimension_numbers<[1], [0], [0], [1], [0, 0, 1, 1], [], []>, transpose_lhs_hint = false} : vector<64x256xbf16>, vector<256x1024xbf16>, vector<64x1024xf32> -> vector<64x1024xf32>
      %add3A_334 = arith.addf %get3A_326, %dot_general3A_333 : vector<64x1024xf32>
      %slice3A_335 = vector.extract_strided_slice %add3A_334 {offsets = [0, 0], sizes = [64, 256], strides = [1, 1]} : vector<64x1024xf32> to vector<64x256xf32>
      %mul3A_336 = arith.constant 5.000000e-01 : f32
      %mul3A_337 = vector.broadcast %mul3A_336 : f32 to vector<64x256xf32>
      %mul3A_338 = arith.mulf %mul3A_337, %slice3A_335 : vector<64x256xf32>
      %tanh3A_339 = math.tanh %mul3A_338 : vector<64x256xf32>
      %mul3A_340 = arith.constant 5.000000e-01 : f32
      %mul3A_341 = vector.broadcast %mul3A_340 : f32 to vector<64x256xf32>
      %mul3A_342 = arith.mulf %mul3A_341, %tanh3A_339 : vector<64x256xf32>
      %add3A_343 = arith.constant 5.000000e-01 : f32
      %add3A_344 = vector.broadcast %add3A_343 : f32 to vector<64x256xf32>
      %add3A_345 = arith.addf %mul3A_342, %add3A_344 : vector<64x256xf32>
      %slice3A_346 = vector.extract_strided_slice %add3A_334 {offsets = [0, 256], sizes = [64, 256], strides = [1, 1]} : vector<64x1024xf32> to vector<64x256xf32>
      %mul3A_347 = arith.constant 5.000000e-01 : f32
      %mul3A_348 = vector.broadcast %mul3A_347 : f32 to vector<64x256xf32>
      %mul3A_349 = arith.mulf %mul3A_348, %slice3A_346 : vector<64x256xf32>
      %tanh3A_350 = math.tanh %mul3A_349 : vector<64x256xf32>
      %mul3A_351 = arith.constant 5.000000e-01 : f32
      %mul3A_352 = vector.broadcast %mul3A_351 : f32 to vector<64x256xf32>
      %mul3A_353 = arith.mulf %mul3A_352, %tanh3A_350 : vector<64x256xf32>
      %add3A_354 = arith.constant 5.000000e-01 : f32
      %add3A_355 = vector.broadcast %add3A_354 : f32 to vector<64x256xf32>
      %add3A_356 = arith.addf %mul3A_353, %add3A_355 : vector<64x256xf32>
      %slice3A_357 = vector.extract_strided_slice %add3A_334 {offsets = [0, 512], sizes = [64, 256], strides = [1, 1]} : vector<64x1024xf32> to vector<64x256xf32>
      %tanh3A_358 = math.tanh %slice3A_357 : vector<64x256xf32>
      %slice3A_359 = vector.extract_strided_slice %add3A_334 {offsets = [0, 768], sizes = [64, 256], strides = [1, 1]} : vector<64x1024xf32> to vector<64x256xf32>
      %mul3A_360 = arith.constant 5.000000e-01 : f32
      %mul3A_361 = vector.broadcast %mul3A_360 : f32 to vector<64x256xf32>
      %mul3A_362 = arith.mulf %mul3A_361, %slice3A_359 : vector<64x256xf32>
      %tanh3A_363 = math.tanh %mul3A_362 : vector<64x256xf32>
      %mul3A_364 = arith.constant 5.000000e-01 : f32
      %mul3A_365 = vector.broadcast %mul3A_364 : f32 to vector<64x256xf32>
      %mul3A_366 = arith.mulf %mul3A_365, %tanh3A_363 : vector<64x256xf32>
      %add3A_367 = arith.constant 5.000000e-01 : f32
      %add3A_368 = vector.broadcast %add3A_367 : f32 to vector<64x256xf32>
      %add3A_369 = arith.addf %mul3A_366, %add3A_368 : vector<64x256xf32>
      %mul3A_370 = arith.mulf %add3A_356, %add3A_312 : vector<64x256xf32>
      %mul3A_371 = arith.mulf %add3A_345, %tanh3A_358 : vector<64x256xf32>
      %add3A_372 = arith.addf %mul3A_370, %mul3A_371 : vector<64x256xf32>
      %tanh3A_373 = math.tanh %add3A_372 : vector<64x256xf32>
      %mul3A_374 = arith.mulf %add3A_369, %tanh3A_373 : vector<64x256xf32>
      %convert_element_type3A_375 = arith.truncf %mul3A_374 : vector<64x256xf32> to vector<64x256xbf16>
      %swap3A_376 = arith.index_cast %multiple_of3A_323 : i32 to index
      %swap3A_377 = arith.constant 0 : index
      %swap3A_378 = vector.load %arg8[%swap3A_376, %swap3A_377] : memref<4096x256xbf16, #tpu.memory_space<vmem>>, vector<64x256xbf16>
      tpu.vector_store %arg8[%swap3A_376, %swap3A_377], %convert_element_type3A_375 {strides = array<i32>} : memref<4096x256xbf16, #tpu.memory_space<vmem>>, vector<64x256xbf16>,
      %add3A_379 = arith.constant 4 : i32
      %add3A_380 = arith.addi %mul3A_141, %add3A_379 : i32
      %mul3A_381 = arith.constant 64 : i32
      %mul3A_382 = arith.muli %add3A_380, %mul3A_381 : i32
      %multiple_of3A_383 = tpu.assume_multiple %mul3A_382, 64 : i32
      %get3A_384 = arith.index_cast %multiple_of3A_383 : i32 to index
      %get3A_385 = arith.constant 0 : index
      %get3A_386 = vector.load %arg9[%get3A_384, %get3A_385] : memref<4096x1024xf32, #tpu.memory_space<vmem>>, vector<64x1024xf32>
      %get3A_387 = arith.constant 2 : index
      %get3A_388 = arith.constant 0 : index
      %get3A_389 = arith.constant 0 : index
      %get3A_390 = vector.load %arg5[%get3A_387, %get3A_388, %get3A_389] : memref<4x256x1024xbf16, #tpu.memory_space<vmem>>, vector<1x256x1024xbf16>
      %get3A_391 = vector.shape_cast %get3A_390 : vector<1x256x1024xbf16> to vector<256x1024xbf16>
      %dot_general3A_392 = arith.constant dense<0.000000e+00> : vector<64x1024xf32>
      %dot_general3A_393 = tpu.matmul %convert_element_type3A_375, %get3A_391, %dot_general3A_392 {dimension_numbers = #tpu.dot_dimension_numbers<[1], [0], [0], [1], [0, 0, 1, 1], [], []>, transpose_lhs_hint = false} : vector<64x256xbf16>, vector<256x1024xbf16>, vector<64x1024xf32> -> vector<64x1024xf32>
      %add3A_394 = arith.addf %get3A_386, %dot_general3A_393 : vector<64x1024xf32>
      %slice3A_395 = vector.extract_strided_slice %add3A_394 {offsets = [0, 0], sizes = [64, 256], strides = [1, 1]} : vector<64x1024xf32> to vector<64x256xf32>
      %mul3A_396 = arith.constant 5.000000e-01 : f32
      %mul3A_397 = vector.broadcast %mul3A_396 : f32 to vector<64x256xf32>
      %mul3A_398 = arith.mulf %mul3A_397, %slice3A_395 : vector<64x256xf32>
      %tanh3A_399 = math.tanh %mul3A_398 : vector<64x256xf32>
      %mul3A_400 = arith.constant 5.000000e-01 : f32
      %mul3A_401 = vector.broadcast %mul3A_400 : f32 to vector<64x256xf32>
      %mul3A_402 = arith.mulf %mul3A_401, %tanh3A_399 : vector<64x256xf32>
      %add3A_403 = arith.constant 5.000000e-01 : f32
      %add3A_404 = vector.broadcast %add3A_403 : f32 to vector<64x256xf32>
      %add3A_405 = arith.addf %mul3A_402, %add3A_404 : vector<64x256xf32>
      %slice3A_406 = vector.extract_strided_slice %add3A_394 {offsets = [0, 256], sizes = [64, 256], strides = [1, 1]} : vector<64x1024xf32> to vector<64x256xf32>
      %mul3A_407 = arith.constant 5.000000e-01 : f32
      %mul3A_408 = vector.broadcast %mul3A_407 : f32 to vector<64x256xf32>
      %mul3A_409 = arith.mulf %mul3A_408, %slice3A_406 : vector<64x256xf32>
      %tanh3A_410 = math.tanh %mul3A_409 : vector<64x256xf32>
      %mul3A_411 = arith.constant 5.000000e-01 : f32
      %mul3A_412 = vector.broadcast %mul3A_411 : f32 to vector<64x256xf32>
      %mul3A_413 = arith.mulf %mul3A_412, %tanh3A_410 : vector<64x256xf32>
      %add3A_414 = arith.constant 5.000000e-01 : f32
      %add3A_415 = vector.broadcast %add3A_414 : f32 to vector<64x256xf32>
      %add3A_416 = arith.addf %mul3A_413, %add3A_415 : vector<64x256xf32>
      %slice3A_417 = vector.extract_strided_slice %add3A_394 {offsets = [0, 512], sizes = [64, 256], strides = [1, 1]} : vector<64x1024xf32> to vector<64x256xf32>
      %tanh3A_418 = math.tanh %slice3A_417 : vector<64x256xf32>
      %slice3A_419 = vector.extract_strided_slice %add3A_394 {offsets = [0, 768], sizes = [64, 256], strides = [1, 1]} : vector<64x1024xf32> to vector<64x256xf32>
      %mul3A_420 = arith.constant 5.000000e-01 : f32
      %mul3A_421 = vector.broadcast %mul3A_420 : f32 to vector<64x256xf32>
      %mul3A_422 = arith.mulf %mul3A_421, %slice3A_419 : vector<64x256xf32>
      %tanh3A_423 = math.tanh %mul3A_422 : vector<64x256xf32>
      %mul3A_424 = arith.constant 5.000000e-01 : f32
      %mul3A_425 = vector.broadcast %mul3A_424 : f32 to vector<64x256xf32>
      %mul3A_426 = arith.mulf %mul3A_425, %tanh3A_423 : vector<64x256xf32>
      %add3A_427 = arith.constant 5.000000e-01 : f32
      %add3A_428 = vector.broadcast %add3A_427 : f32 to vector<64x256xf32>
      %add3A_429 = arith.addf %mul3A_426, %add3A_428 : vector<64x256xf32>
      %mul3A_430 = arith.mulf %add3A_416, %add3A_372 : vector<64x256xf32>
      %mul3A_431 = arith.mulf %add3A_405, %tanh3A_418 : vector<64x256xf32>
      %add3A_432 = arith.addf %mul3A_430, %mul3A_431 : vector<64x256xf32>
      %tanh3A_433 = math.tanh %add3A_432 : vector<64x256xf32>
      %mul3A_434 = arith.mulf %add3A_429, %tanh3A_433 : vector<64x256xf32>
      %convert_element_type3A_435 = arith.truncf %mul3A_434 : vector<64x256xf32> to vector<64x256xbf16>
      %swap3A_436 = arith.index_cast %multiple_of3A_383 : i32 to index
      %swap3A_437 = arith.constant 0 : index
      %swap3A_438 = vector.load %arg8[%swap3A_436, %swap3A_437] : memref<4096x256xbf16, #tpu.memory_space<vmem>>, vector<64x256xbf16>
      tpu.vector_store %arg8[%swap3A_436, %swap3A_437], %convert_element_type3A_435 {strides = array<i32>} : memref<4096x256xbf16, #tpu.memory_space<vmem>>, vector<64x256xbf16>,
      %add3A_439 = arith.constant 5 : i32
      %add3A_440 = arith.addi %mul3A_141, %add3A_439 : i32
      %mul3A_441 = arith.constant 64 : i32
      %mul3A_442 = arith.muli %add3A_440, %mul3A_441 : i32
      %multiple_of3A_443 = tpu.assume_multiple %mul3A_442, 64 : i32
      %get3A_444 = arith.index_cast %multiple_of3A_443 : i32 to index
      %get3A_445 = arith.constant 0 : index
      %get3A_446 = vector.load %arg9[%get3A_444, %get3A_445] : memref<4096x1024xf32, #tpu.memory_space<vmem>>, vector<64x1024xf32>
      %get3A_447 = arith.constant 2 : index
      %get3A_448 = arith.constant 0 : index
      %get3A_449 = arith.constant 0 : index
      %get3A_450 = vector.load %arg5[%get3A_447, %get3A_448, %get3A_449] : memref<4x256x1024xbf16, #tpu.memory_space<vmem>>, vector<1x256x1024xbf16>
      %get3A_451 = vector.shape_cast %get3A_450 : vector<1x256x1024xbf16> to vector<256x1024xbf16>
      %dot_general3A_452 = arith.constant dense<0.000000e+00> : vector<64x1024xf32>
      %dot_general3A_453 = tpu.matmul %convert_element_type3A_435, %get3A_451, %dot_general3A_452 {dimension_numbers = #tpu.dot_dimension_numbers<[1], [0], [0], [1], [0, 0, 1, 1], [], []>, transpose_lhs_hint = false} : vector<64x256xbf16>, vector<256x1024xbf16>, vector<64x1024xf32> -> vector<64x1024xf32>
      %add3A_454 = arith.addf %get3A_446, %dot_general3A_453 : vector<64x1024xf32>
      %slice3A_455 = vector.extract_strided_slice %add3A_454 {offsets = [0, 0], sizes = [64, 256], strides = [1, 1]} : vector<64x1024xf32> to vector<64x256xf32>
      %mul3A_456 = arith.constant 5.000000e-01 : f32
      %mul3A_457 = vector.broadcast %mul3A_456 : f32 to vector<64x256xf32>
      %mul3A_458 = arith.mulf %mul3A_457, %slice3A_455 : vector<64x256xf32>
      %tanh3A_459 = math.tanh %mul3A_458 : vector<64x256xf32>
      %mul3A_460 = arith.constant 5.000000e-01 : f32
      %mul3A_461 = vector.broadcast %mul3A_460 : f32 to vector<64x256xf32>
      %mul3A_462 = arith.mulf %mul3A_461, %tanh3A_459 : vector<64x256xf32>
      %add3A_463 = arith.constant 5.000000e-01 : f32
      %add3A_464 = vector.broadcast %add3A_463 : f32 to vector<64x256xf32>
      %add3A_465 = arith.addf %mul3A_462, %add3A_464 : vector<64x256xf32>
      %slice3A_466 = vector.extract_strided_slice %add3A_454 {offsets = [0, 256], sizes = [64, 256], strides = [1, 1]} : vector<64x1024xf32> to vector<64x256xf32>
      %mul3A_467 = arith.constant 5.000000e-01 : f32
      %mul3A_468 = vector.broadcast %mul3A_467 : f32 to vector<64x256xf32>
      %mul3A_469 = arith.mulf %mul3A_468, %slice3A_466 : vector<64x256xf32>
      %tanh3A_470 = math.tanh %mul3A_469 : vector<64x256xf32>
      %mul3A_471 = arith.constant 5.000000e-01 : f32
      %mul3A_472 = vector.broadcast %mul3A_471 : f32 to vector<64x256xf32>
      %mul3A_473 = arith.mulf %mul3A_472, %tanh3A_470 : vector<64x256xf32>
      %add3A_474 = arith.constant 5.000000e-01 : f32
      %add3A_475 = vector.broadcast %add3A_474 : f32 to vector<64x256xf32>
      %add3A_476 = arith.addf %mul3A_473, %add3A_475 : vector<64x256xf32>
      %slice3A_477 = vector.extract_strided_slice %add3A_454 {offsets = [0, 512], sizes = [64, 256], strides = [1, 1]} : vector<64x1024xf32> to vector<64x256xf32>
      %tanh3A_478 = math.tanh %slice3A_477 : vector<64x256xf32>
      %slice3A_479 = vector.extract_strided_slice %add3A_454 {offsets = [0, 768], sizes = [64, 256], strides = [1, 1]} : vector<64x1024xf32> to vector<64x256xf32>
      %mul3A_480 = arith.constant 5.000000e-01 : f32
      %mul3A_481 = vector.broadcast %mul3A_480 : f32 to vector<64x256xf32>
      %mul3A_482 = arith.mulf %mul3A_481, %slice3A_479 : vector<64x256xf32>
      %tanh3A_483 = math.tanh %mul3A_482 : vector<64x256xf32>
      %mul3A_484 = arith.constant 5.000000e-01 : f32
      %mul3A_485 = vector.broadcast %mul3A_484 : f32 to vector<64x256xf32>
      %mul3A_486 = arith.mulf %mul3A_485, %tanh3A_483 : vector<64x256xf32>
      %add3A_487 = arith.constant 5.000000e-01 : f32
      %add3A_488 = vector.broadcast %add3A_487 : f32 to vector<64x256xf32>
      %add3A_489 = arith.addf %mul3A_486, %add3A_488 : vector<64x256xf32>
      %mul3A_490 = arith.mulf %add3A_476, %add3A_432 : vector<64x256xf32>
      %mul3A_491 = arith.mulf %add3A_465, %tanh3A_478 : vector<64x256xf32>
      %add3A_492 = arith.addf %mul3A_490, %mul3A_491 : vector<64x256xf32>
      %tanh3A_493 = math.tanh %add3A_492 : vector<64x256xf32>
      %mul3A_494 = arith.mulf %add3A_489, %tanh3A_493 : vector<64x256xf32>
      %convert_element_type3A_495 = arith.truncf %mul3A_494 : vector<64x256xf32> to vector<64x256xbf16>
      %swap3A_496 = arith.index_cast %multiple_of3A_443 : i32 to index
      %swap3A_497 = arith.constant 0 : index
      %swap3A_498 = vector.load %arg8[%swap3A_496, %swap3A_497] : memref<4096x256xbf16, #tpu.memory_space<vmem>>, vector<64x256xbf16>
      tpu.vector_store %arg8[%swap3A_496, %swap3A_497], %convert_element_type3A_495 {strides = array<i32>} : memref<4096x256xbf16, #tpu.memory_space<vmem>>, vector<64x256xbf16>,
      %add3A_499 = arith.constant 6 : i32
      %add3A_500 = arith.addi %mul3A_141, %add3A_499 : i32
      %mul3A_501 = arith.constant 64 : i32
      %mul3A_502 = arith.muli %add3A_500, %mul3A_501 : i32
      %multiple_of3A_503 = tpu.assume_multiple %mul3A_502, 64 : i32
      %get3A_504 = arith.index_cast %multiple_of3A_503 : i32 to index
      %get3A_505 = arith.constant 0 : index
      %get3A_506 = vector.load %arg9[%get3A_504, %get3A_505] : memref<4096x1024xf32, #tpu.memory_space<vmem>>, vector<64x1024xf32>
      %get3A_507 = arith.constant 2 : index
      %get3A_508 = arith.constant 0 : index
      %get3A_509 = arith.constant 0 : index
      %get3A_510 = vector.load %arg5[%get3A_507, %get3A_508, %get3A_509] : memref<4x256x1024xbf16, #tpu.memory_space<vmem>>, vector<1x256x1024xbf16>
      %get3A_511 = vector.shape_cast %get3A_510 : vector<1x256x1024xbf16> to vector<256x1024xbf16>
      %dot_general3A_512 = arith.constant dense<0.000000e+00> : vector<64x1024xf32>
      %dot_general3A_513 = tpu.matmul %convert_element_type3A_495, %get3A_511, %dot_general3A_512 {dimension_numbers = #tpu.dot_dimension_numbers<[1], [0], [0], [1], [0, 0, 1, 1], [], []>, transpose_lhs_hint = false} : vector<64x256xbf16>, vector<256x1024xbf16>, vector<64x1024xf32> -> vector<64x1024xf32>
      %add3A_514 = arith.addf %get3A_506, %dot_general3A_513 : vector<64x1024xf32>
      %slice3A_515 = vector.extract_strided_slice %add3A_514 {offsets = [0, 0], sizes = [64, 256], strides = [1, 1]} : vector<64x1024xf32> to vector<64x256xf32>
      %mul3A_516 = arith.constant 5.000000e-01 : f32
      %mul3A_517 = vector.broadcast %mul3A_516 : f32 to vector<64x256xf32>
      %mul3A_518 = arith.mulf %mul3A_517, %slice3A_515 : vector<64x256xf32>
      %tanh3A_519 = math.tanh %mul3A_518 : vector<64x256xf32>
      %mul3A_520 = arith.constant 5.000000e-01 : f32
      %mul3A_521 = vector.broadcast %mul3A_520 : f32 to vector<64x256xf32>
      %mul3A_522 = arith.mulf %mul3A_521, %tanh3A_519 : vector<64x256xf32>
      %add3A_523 = arith.constant 5.000000e-01 : f32
      %add3A_524 = vector.broadcast %add3A_523 : f32 to vector<64x256xf32>
      %add3A_525 = arith.addf %mul3A_522, %add3A_524 : vector<64x256xf32>
      %slice3A_526 = vector.extract_strided_slice %add3A_514 {offsets = [0, 256], sizes = [64, 256], strides = [1, 1]} : vector<64x1024xf32> to vector<64x256xf32>
      %mul3A_527 = arith.constant 5.000000e-01 : f32
      %mul3A_528 = vector.broadcast %mul3A_527 : f32 to vector<64x256xf32>
      %mul3A_529 = arith.mulf %mul3A_528, %slice3A_526 : vector<64x256xf32>
      %tanh3A_530 = math.tanh %mul3A_529 : vector<64x256xf32>
      %mul3A_531 = arith.constant 5.000000e-01 : f32
      %mul3A_532 = vector.broadcast %mul3A_531 : f32 to vector<64x256xf32>
      %mul3A_533 = arith.mulf %mul3A_532, %tanh3A_530 : vector<64x256xf32>
      %add3A_534 = arith.constant 5.000000e-01 : f32
      %add3A_535 = vector.broadcast %add3A_534 : f32 to vector<64x256xf32>
      %add3A_536 = arith.addf %mul3A_533, %add3A_535 : vector<64x256xf32>
      %slice3A_537 = vector.extract_strided_slice %add3A_514 {offsets = [0, 512], sizes = [64, 256], strides = [1, 1]} : vector<64x1024xf32> to vector<64x256xf32>
      %tanh3A_538 = math.tanh %slice3A_537 : vector<64x256xf32>
      %slice3A_539 = vector.extract_strided_slice %add3A_514 {offsets = [0, 768], sizes = [64, 256], strides = [1, 1]} : vector<64x1024xf32> to vector<64x256xf32>
      %mul3A_540 = arith.constant 5.000000e-01 : f32
      %mul3A_541 = vector.broadcast %mul3A_540 : f32 to vector<64x256xf32>
      %mul3A_542 = arith.mulf %mul3A_541, %slice3A_539 : vector<64x256xf32>
      %tanh3A_543 = math.tanh %mul3A_542 : vector<64x256xf32>
      %mul3A_544 = arith.constant 5.000000e-01 : f32
      %mul3A_545 = vector.broadcast %mul3A_544 : f32 to vector<64x256xf32>
      %mul3A_546 = arith.mulf %mul3A_545, %tanh3A_543 : vector<64x256xf32>
      %add3A_547 = arith.constant 5.000000e-01 : f32
      %add3A_548 = vector.broadcast %add3A_547 : f32 to vector<64x256xf32>
      %add3A_549 = arith.addf %mul3A_546, %add3A_548 : vector<64x256xf32>
      %mul3A_550 = arith.mulf %add3A_536, %add3A_492 : vector<64x256xf32>
      %mul3A_551 = arith.mulf %add3A_525, %tanh3A_538 : vector<64x256xf32>
      %add3A_552 = arith.addf %mul3A_550, %mul3A_551 : vector<64x256xf32>
      %tanh3A_553 = math.tanh %add3A_552 : vector<64x256xf32>
      %mul3A_554 = arith.mulf %add3A_549, %tanh3A_553 : vector<64x256xf32>
      %convert_element_type3A_555 = arith.truncf %mul3A_554 : vector<64x256xf32> to vector<64x256xbf16>
      %swap3A_556 = arith.index_cast %multiple_of3A_503 : i32 to index
      %swap3A_557 = arith.constant 0 : index
      %swap3A_558 = vector.load %arg8[%swap3A_556, %swap3A_557] : memref<4096x256xbf16, #tpu.memory_space<vmem>>, vector<64x256xbf16>
      tpu.vector_store %arg8[%swap3A_556, %swap3A_557], %convert_element_type3A_555 {strides = array<i32>} : memref<4096x256xbf16, #tpu.memory_space<vmem>>, vector<64x256xbf16>,
      %add3A_559 = arith.constant 7 : i32
      %add3A_560 = arith.addi %mul3A_141, %add3A_559 : i32
      %mul3A_561 = arith.constant 64 : i32
      %mul3A_562 = arith.muli %add3A_560, %mul3A_561 : i32
      %multiple_of3A_563 = tpu.assume_multiple %mul3A_562, 64 : i32
      %get3A_564 = arith.index_cast %multiple_of3A_563 : i32 to index
      %get3A_565 = arith.constant 0 : index
      %get3A_566 = vector.load %arg9[%get3A_564, %get3A_565] : memref<4096x1024xf32, #tpu.memory_space<vmem>>, vector<64x1024xf32>
      %get3A_567 = arith.constant 2 : index
      %get3A_568 = arith.constant 0 : index
      %get3A_569 = arith.constant 0 : index
      %get3A_570 = vector.load %arg5[%get3A_567, %get3A_568, %get3A_569] : memref<4x256x1024xbf16, #tpu.memory_space<vmem>>, vector<1x256x1024xbf16>
      %get3A_571 = vector.shape_cast %get3A_570 : vector<1x256x1024xbf16> to vector<256x1024xbf16>
      %dot_general3A_572 = arith.constant dense<0.000000e+00> : vector<64x1024xf32>
      %dot_general3A_573 = tpu.matmul %convert_element_type3A_555, %get3A_571, %dot_general3A_572 {dimension_numbers = #tpu.dot_dimension_numbers<[1], [0], [0], [1], [0, 0, 1, 1], [], []>, transpose_lhs_hint = false} : vector<64x256xbf16>, vector<256x1024xbf16>, vector<64x1024xf32> -> vector<64x1024xf32>
      %add3A_574 = arith.addf %get3A_566, %dot_general3A_573 : vector<64x1024xf32>
      %slice3A_575 = vector.extract_strided_slice %add3A_574 {offsets = [0, 0], sizes = [64, 256], strides = [1, 1]} : vector<64x1024xf32> to vector<64x256xf32>
      %mul3A_576 = arith.constant 5.000000e-01 : f32
      %mul3A_577 = vector.broadcast %mul3A_576 : f32 to vector<64x256xf32>
      %mul3A_578 = arith.mulf %mul3A_577, %slice3A_575 : vector<64x256xf32>
      %tanh3A_579 = math.tanh %mul3A_578 : vector<64x256xf32>
      %mul3A_580 = arith.constant 5.000000e-01 : f32
      %mul3A_581 = vector.broadcast %mul3A_580 : f32 to vector<64x256xf32>
      %mul3A_582 = arith.mulf %mul3A_581, %tanh3A_579 : vector<64x256xf32>
      %add3A_583 = arith.constant 5.000000e-01 : f32
      %add3A_584 = vector.broadcast %add3A_583 : f32 to vector<64x256xf32>
      %add3A_585 = arith.addf %mul3A_582, %add3A_584 : vector<64x256xf32>
      %slice3A_586 = vector.extract_strided_slice %add3A_574 {offsets = [0, 256], sizes = [64, 256], strides = [1, 1]} : vector<64x1024xf32> to vector<64x256xf32>
      %mul3A_587 = arith.constant 5.000000e-01 : f32
      %mul3A_588 = vector.broadcast %mul3A_587 : f32 to vector<64x256xf32>
      %mul3A_589 = arith.mulf %mul3A_588, %slice3A_586 : vector<64x256xf32>
      %tanh3A_590 = math.tanh %mul3A_589 : vector<64x256xf32>
      %mul3A_591 = arith.constant 5.000000e-01 : f32
      %mul3A_592 = vector.broadcast %mul3A_591 : f32 to vector<64x256xf32>
      %mul3A_593 = arith.mulf %mul3A_592, %tanh3A_590 : vector<64x256xf32>
      %add3A_594 = arith.constant 5.000000e-01 : f32
      %add3A_595 = vector.broadcast %add3A_594 : f32 to vector<64x256xf32>
      %add3A_596 = arith.addf %mul3A_593, %add3A_595 : vector<64x256xf32>
      %slice3A_597 = vector.extract_strided_slice %add3A_574 {offsets = [0, 512], sizes = [64, 256], strides = [1, 1]} : vector<64x1024xf32> to vector<64x256xf32>
      %tanh3A_598 = math.tanh %slice3A_597 : vector<64x256xf32>
      %slice3A_599 = vector.extract_strided_slice %add3A_574 {offsets = [0, 768], sizes = [64, 256], strides = [1, 1]} : vector<64x1024xf32> to vector<64x256xf32>
      %mul3A_600 = arith.constant 5.000000e-01 : f32
      %mul3A_601 = vector.broadcast %mul3A_600 : f32 to vector<64x256xf32>
      %mul3A_602 = arith.mulf %mul3A_601, %slice3A_599 : vector<64x256xf32>
      %tanh3A_603 = math.tanh %mul3A_602 : vector<64x256xf32>
      %mul3A_604 = arith.constant 5.000000e-01 : f32
      %mul3A_605 = vector.broadcast %mul3A_604 : f32 to vector<64x256xf32>
      %mul3A_606 = arith.mulf %mul3A_605, %tanh3A_603 : vector<64x256xf32>
      %add3A_607 = arith.constant 5.000000e-01 : f32
      %add3A_608 = vector.broadcast %add3A_607 : f32 to vector<64x256xf32>
      %add3A_609 = arith.addf %mul3A_606, %add3A_608 : vector<64x256xf32>
      %mul3A_610 = arith.mulf %add3A_596, %add3A_552 : vector<64x256xf32>
      %mul3A_611 = arith.mulf %add3A_585, %tanh3A_598 : vector<64x256xf32>
      %add3A_612 = arith.addf %mul3A_610, %mul3A_611 : vector<64x256xf32>
      %tanh3A_613 = math.tanh %add3A_612 : vector<64x256xf32>
      %mul3A_614 = arith.mulf %add3A_609, %tanh3A_613 : vector<64x256xf32>
      %convert_element_type3A_615 = arith.truncf %mul3A_614 : vector<64x256xf32> to vector<64x256xbf16>
      %swap3A_616 = arith.index_cast %multiple_of3A_563 : i32 to index
      %swap3A_617 = arith.constant 0 : index
      %swap3A_618 = vector.load %arg8[%swap3A_616, %swap3A_617] : memref<4096x256xbf16, #tpu.memory_space<vmem>>, vector<64x256xbf16>
      tpu.vector_store %arg8[%swap3A_616, %swap3A_617], %convert_element_type3A_615 {strides = array<i32>} : memref<4096x256xbf16, #tpu.memory_space<vmem>>, vector<64x256xbf16>,
      %add3A_619 = arith.constant 8 : i32
      %add3A_620 = arith.addi %mul3A_141, %add3A_619 : i32
      %mul3A_621 = arith.constant 64 : i32
      %mul3A_622 = arith.muli %add3A_620, %mul3A_621 : i32
      %multiple_of3A_623 = tpu.assume_multiple %mul3A_622, 64 : i32
      %get3A_624 = arith.index_cast %multiple_of3A_623 : i32 to index
      %get3A_625 = arith.constant 0 : index
      %get3A_626 = vector.load %arg9[%get3A_624, %get3A_625] : memref<4096x1024xf32, #tpu.memory_space<vmem>>, vector<64x1024xf32>
      %get3A_627 = arith.constant 2 : index
      %get3A_628 = arith.constant 0 : index
      %get3A_629 = arith.constant 0 : index
      %get3A_630 = vector.load %arg5[%get3A_627, %get3A_628, %get3A_629] : memref<4x256x1024xbf16, #tpu.memory_space<vmem>>, vector<1x256x1024xbf16>
      %get3A_631 = vector.shape_cast %get3A_630 : vector<1x256x1024xbf16> to vector<256x1024xbf16>
      %dot_general3A_632 = arith.constant dense<0.000000e+00> : vector<64x1024xf32>
      %dot_general3A_633 = tpu.matmul %convert_element_type3A_615, %get3A_631, %dot_general3A_632 {dimension_numbers = #tpu.dot_dimension_numbers<[1], [0], [0], [1], [0, 0, 1, 1], [], []>, transpose_lhs_hint = false} : vector<64x256xbf16>, vector<256x1024xbf16>, vector<64x1024xf32> -> vector<64x1024xf32>
      %add3A_634 = arith.addf %get3A_626, %dot_general3A_633 : vector<64x1024xf32>
      %slice3A_635 = vector.extract_strided_slice %add3A_634 {offsets = [0, 0], sizes = [64, 256], strides = [1, 1]} : vector<64x1024xf32> to vector<64x256xf32>
      %mul3A_636 = arith.constant 5.000000e-01 : f32
      %mul3A_637 = vector.broadcast %mul3A_636 : f32 to vector<64x256xf32>
      %mul3A_638 = arith.mulf %mul3A_637, %slice3A_635 : vector<64x256xf32>
      %tanh3A_639 = math.tanh %mul3A_638 : vector<64x256xf32>
      %mul3A_640 = arith.constant 5.000000e-01 : f32
      %mul3A_641 = vector.broadcast %mul3A_640 : f32 to vector<64x256xf32>
      %mul3A_642 = arith.mulf %mul3A_641, %tanh3A_639 : vector<64x256xf32>
      %add3A_643 = arith.constant 5.000000e-01 : f32
      %add3A_644 = vector.broadcast %add3A_643 : f32 to vector<64x256xf32>
      %add3A_645 = arith.addf %mul3A_642, %add3A_644 : vector<64x256xf32>
      %slice3A_646 = vector.extract_strided_slice %add3A_634 {offsets = [0, 256], sizes = [64, 256], strides = [1, 1]} : vector<64x1024xf32> to vector<64x256xf32>
      %mul3A_647 = arith.constant 5.000000e-01 : f32
      %mul3A_648 = vector.broadcast %mul3A_647 : f32 to vector<64x256xf32>
      %mul3A_649 = arith.mulf %mul3A_648, %slice3A_646 : vector<64x256xf32>
      %tanh3A_650 = math.tanh %mul3A_649 : vector<64x256xf32>
      %mul3A_651 = arith.constant 5.000000e-01 : f32
      %mul3A_652 = vector.broadcast %mul3A_651 : f32 to vector<64x256xf32>
      %mul3A_653 = arith.mulf %mul3A_652, %tanh3A_650 : vector<64x256xf32>
      %add3A_654 = arith.constant 5.000000e-01 : f32
      %add3A_655 = vector.broadcast %add3A_654 : f32 to vector<64x256xf32>
      %add3A_656 = arith.addf %mul3A_653, %add3A_655 : vector<64x256xf32>
      %slice3A_657 = vector.extract_strided_slice %add3A_634 {offsets = [0, 512], sizes = [64, 256], strides = [1, 1]} : vector<64x1024xf32> to vector<64x256xf32>
      %tanh3A_658 = math.tanh %slice3A_657 : vector<64x256xf32>
      %slice3A_659 = vector.extract_strided_slice %add3A_634 {offsets = [0, 768], sizes = [64, 256], strides = [1, 1]} : vector<64x1024xf32> to vector<64x256xf32>
      %mul3A_660 = arith.constant 5.000000e-01 : f32
      %mul3A_661 = vector.broadcast %mul3A_660 : f32 to vector<64x256xf32>
      %mul3A_662 = arith.mulf %mul3A_661, %slice3A_659 : vector<64x256xf32>
      %tanh3A_663 = math.tanh %mul3A_662 : vector<64x256xf32>
      %mul3A_664 = arith.constant 5.000000e-01 : f32
      %mul3A_665 = vector.broadcast %mul3A_664 : f32 to vector<64x256xf32>
      %mul3A_666 = arith.mulf %mul3A_665, %tanh3A_663 : vector<64x256xf32>
      %add3A_667 = arith.constant 5.000000e-01 : f32
      %add3A_668 = vector.broadcast %add3A_667 : f32 to vector<64x256xf32>
      %add3A_669 = arith.addf %mul3A_666, %add3A_668 : vector<64x256xf32>
      %mul3A_670 = arith.mulf %add3A_656, %add3A_612 : vector<64x256xf32>
      %mul3A_671 = arith.mulf %add3A_645, %tanh3A_658 : vector<64x256xf32>
      %add3A_672 = arith.addf %mul3A_670, %mul3A_671 : vector<64x256xf32>
      %tanh3A_673 = math.tanh %add3A_672 : vector<64x256xf32>
      %mul3A_674 = arith.mulf %add3A_669, %tanh3A_673 : vector<64x256xf32>
      %convert_element_type3A_675 = arith.truncf %mul3A_674 : vector<64x256xf32> to vector<64x256xbf16>
      %swap3A_676 = arith.index_cast %multiple_of3A_623 : i32 to index
      %swap3A_677 = arith.constant 0 : index
      %swap3A_678 = vector.load %arg8[%swap3A_676, %swap3A_677] : memref<4096x256xbf16, #tpu.memory_space<vmem>>, vector<64x256xbf16>
      tpu.vector_store %arg8[%swap3A_676, %swap3A_677], %convert_element_type3A_675 {strides = array<i32>} : memref<4096x256xbf16, #tpu.memory_space<vmem>>, vector<64x256xbf16>,
      %add3A_679 = arith.constant 9 : i32
      %add3A_680 = arith.addi %mul3A_141, %add3A_679 : i32
      %mul3A_681 = arith.constant 64 : i32
      %mul3A_682 = arith.muli %add3A_680, %mul3A_681 : i32
      %multiple_of3A_683 = tpu.assume_multiple %mul3A_682, 64 : i32
      %get3A_684 = arith.index_cast %multiple_of3A_683 : i32 to index
      %get3A_685 = arith.constant 0 : index
      %get3A_686 = vector.load %arg9[%get3A_684, %get3A_685] : memref<4096x1024xf32, #tpu.memory_space<vmem>>, vector<64x1024xf32>
      %get3A_687 = arith.constant 2 : index
      %get3A_688 = arith.constant 0 : index
      %get3A_689 = arith.constant 0 : index
      %get3A_690 = vector.load %arg5[%get3A_687, %get3A_688, %get3A_689] : memref<4x256x1024xbf16, #tpu.memory_space<vmem>>, vector<1x256x1024xbf16>
      %get3A_691 = vector.shape_cast %get3A_690 : vector<1x256x1024xbf16> to vector<256x1024xbf16>
      %dot_general3A_692 = arith.constant dense<0.000000e+00> : vector<64x1024xf32>
      %dot_general3A_693 = tpu.matmul %convert_element_type3A_675, %get3A_691, %dot_general3A_692 {dimension_numbers = #tpu.dot_dimension_numbers<[1], [0], [0], [1], [0, 0, 1, 1], [], []>, transpose_lhs_hint = false} : vector<64x256xbf16>, vector<256x1024xbf16>, vector<64x1024xf32> -> vector<64x1024xf32>
      %add3A_694 = arith.addf %get3A_686, %dot_general3A_693 : vector<64x1024xf32>
      %slice3A_695 = vector.extract_strided_slice %add3A_694 {offsets = [0, 0], sizes = [64, 256], strides = [1, 1]} : vector<64x1024xf32> to vector<64x256xf32>
      %mul3A_696 = arith.constant 5.000000e-01 : f32
      %mul3A_697 = vector.broadcast %mul3A_696 : f32 to vector<64x256xf32>
      %mul3A_698 = arith.mulf %mul3A_697, %slice3A_695 : vector<64x256xf32>
      %tanh3A_699 = math.tanh %mul3A_698 : vector<64x256xf32>
      %mul3A_700 = arith.constant 5.000000e-01 : f32
      %mul3A_701 = vector.broadcast %mul3A_700 : f32 to vector<64x256xf32>
      %mul3A_702 = arith.mulf %mul3A_701, %tanh3A_699 : vector<64x256xf32>
      %add3A_703 = arith.constant 5.000000e-01 : f32
      %add3A_704 = vector.broadcast %add3A_703 : f32 to vector<64x256xf32>
      %add3A_705 = arith.addf %mul3A_702, %add3A_704 : vector<64x256xf32>
      %slice3A_706 = vector.extract_strided_slice %add3A_694 {offsets = [0, 256], sizes = [64, 256], strides = [1, 1]} : vector<64x1024xf32> to vector<64x256xf32>
      %mul3A_707 = arith.constant 5.000000e-01 : f32
      %mul3A_708 = vector.broadcast %mul3A_707 : f32 to vector<64x256xf32>
      %mul3A_709 = arith.mulf %mul3A_708, %slice3A_706 : vector<64x256xf32>
      %tanh3A_710 = math.tanh %mul3A_709 : vector<64x256xf32>
      %mul3A_711 = arith.constant 5.000000e-01 : f32
      %mul3A_712 = vector.broadcast %mul3A_711 : f32 to vector<64x256xf32>
      %mul3A_713 = arith.mulf %mul3A_712, %tanh3A_710 : vector<64x256xf32>
      %add3A_714 = arith.constant 5.000000e-01 : f32
      %add3A_715 = vector.broadcast %add3A_714 : f32 to vector<64x256xf32>
      %add3A_716 = arith.addf %mul3A_713, %add3A_715 : vector<64x256xf32>
      %slice3A_717 = vector.extract_strided_slice %add3A_694 {offsets = [0, 512], sizes = [64, 256], strides = [1, 1]} : vector<64x1024xf32> to vector<64x256xf32>
      %tanh3A_718 = math.tanh %slice3A_717 : vector<64x256xf32>
      %slice3A_719 = vector.extract_strided_slice %add3A_694 {offsets = [0, 768], sizes = [64, 256], strides = [1, 1]} : vector<64x1024xf32> to vector<64x256xf32>
      %mul3A_720 = arith.constant 5.000000e-01 : f32
      %mul3A_721 = vector.broadcast %mul3A_720 : f32 to vector<64x256xf32>
      %mul3A_722 = arith.mulf %mul3A_721, %slice3A_719 : vector<64x256xf32>
      %tanh3A_723 = math.tanh %mul3A_722 : vector<64x256xf32>
      %mul3A_724 = arith.constant 5.000000e-01 : f32
      %mul3A_725 = vector.broadcast %mul3A_724 : f32 to vector<64x256xf32>
      %mul3A_726 = arith.mulf %mul3A_725, %tanh3A_723 : vector<64x256xf32>
      %add3A_727 = arith.constant 5.000000e-01 : f32
      %add3A_728 = vector.broadcast %add3A_727 : f32 to vector<64x256xf32>
      %add3A_729 = arith.addf %mul3A_726, %add3A_728 : vector<64x256xf32>
      %mul3A_730 = arith.mulf %add3A_716, %add3A_672 : vector<64x256xf32>
      %mul3A_731 = arith.mulf %add3A_705, %tanh3A_718 : vector<64x256xf32>
      %add3A_732 = arith.addf %mul3A_730, %mul3A_731 : vector<64x256xf32>
      %tanh3A_733 = math.tanh %add3A_732 : vector<64x256xf32>
      %mul3A_734 = arith.mulf %add3A_729, %tanh3A_733 : vector<64x256xf32>
      %convert_element_type3A_735 = arith.truncf %mul3A_734 : vector<64x256xf32> to vector<64x256xbf16>
      %swap3A_736 = arith.index_cast %multiple_of3A_683 : i32 to index
      %swap3A_737 = arith.constant 0 : index
      %swap3A_738 = vector.load %arg8[%swap3A_736, %swap3A_737] : memref<4096x256xbf16, #tpu.memory_space<vmem>>, vector<64x256xbf16>
      tpu.vector_store %arg8[%swap3A_736, %swap3A_737], %convert_element_type3A_735 {strides = array<i32>} : memref<4096x256xbf16, #tpu.memory_space<vmem>>, vector<64x256xbf16>,
      %add3A_739 = arith.constant 10 : i32
      %add3A_740 = arith.addi %mul3A_141, %add3A_739 : i32
      %mul3A_741 = arith.constant 64 : i32
      %mul3A_742 = arith.muli %add3A_740, %mul3A_741 : i32
      %multiple_of3A_743 = tpu.assume_multiple %mul3A_742, 64 : i32
      %get3A_744 = arith.index_cast %multiple_of3A_743 : i32 to index
      %get3A_745 = arith.constant 0 : index
      %get3A_746 = vector.load %arg9[%get3A_744, %get3A_745] : memref<4096x1024xf32, #tpu.memory_space<vmem>>, vector<64x1024xf32>
      %get3A_747 = arith.constant 2 : index
      %get3A_748 = arith.constant 0 : index
      %get3A_749 = arith.constant 0 : index
      %get3A_750 = vector.load %arg5[%get3A_747, %get3A_748, %get3A_749] : memref<4x256x1024xbf16, #tpu.memory_space<vmem>>, vector<1x256x1024xbf16>
      %get3A_751 = vector.shape_cast %get3A_750 : vector<1x256x1024xbf16> to vector<256x1024xbf16>
      %dot_general3A_752 = arith.constant dense<0.000000e+00> : vector<64x1024xf32>
      %dot_general3A_753 = tpu.matmul %convert_element_type3A_735, %get3A_751, %dot_general3A_752 {dimension_numbers = #tpu.dot_dimension_numbers<[1], [0], [0], [1], [0, 0, 1, 1], [], []>, transpose_lhs_hint = false} : vector<64x256xbf16>, vector<256x1024xbf16>, vector<64x1024xf32> -> vector<64x1024xf32>
      %add3A_754 = arith.addf %get3A_746, %dot_general3A_753 : vector<64x1024xf32>
      %slice3A_755 = vector.extract_strided_slice %add3A_754 {offsets = [0, 0], sizes = [64, 256], strides = [1, 1]} : vector<64x1024xf32> to vector<64x256xf32>
      %mul3A_756 = arith.constant 5.000000e-01 : f32
      %mul3A_757 = vector.broadcast %mul3A_756 : f32 to vector<64x256xf32>
      %mul3A_758 = arith.mulf %mul3A_757, %slice3A_755 : vector<64x256xf32>
      %tanh3A_759 = math.tanh %mul3A_758 : vector<64x256xf32>
      %mul3A_760 = arith.constant 5.000000e-01 : f32
      %mul3A_761 = vector.broadcast %mul3A_760 : f32 to vector<64x256xf32>
      %mul3A_762 = arith.mulf %mul3A_761, %tanh3A_759 : vector<64x256xf32>
      %add3A_763 = arith.constant 5.000000e-01 : f32
      %add3A_764 = vector.broadcast %add3A_763 : f32 to vector<64x256xf32>
      %add3A_765 = arith.addf %mul3A_762, %add3A_764 : vector<64x256xf32>
      %slice3A_766 = vector.extract_strided_slice %add3A_754 {offsets = [0, 256], sizes = [64, 256], strides = [1, 1]} : vector<64x1024xf32> to vector<64x256xf32>
      %mul3A_767 = arith.constant 5.000000e-01 : f32
      %mul3A_768 = vector.broadcast %mul3A_767 : f32 to vector<64x256xf32>
      %mul3A_769 = arith.mulf %mul3A_768, %slice3A_766 : vector<64x256xf32>
      %tanh3A_770 = math.tanh %mul3A_769 : vector<64x256xf32>
      %mul3A_771 = arith.constant 5.000000e-01 : f32
      %mul3A_772 = vector.broadcast %mul3A_771 : f32 to vector<64x256xf32>
      %mul3A_773 = arith.mulf %mul3A_772, %tanh3A_770 : vector<64x256xf32>
      %add3A_774 = arith.constant 5.000000e-01 : f32
      %add3A_775 = vector.broadcast %add3A_774 : f32 to vector<64x256xf32>
      %add3A_776 = arith.addf %mul3A_773, %add3A_775 : vector<64x256xf32>
      %slice3A_777 = vector.extract_strided_slice %add3A_754 {offsets = [0, 512], sizes = [64, 256], strides = [1, 1]} : vector<64x1024xf32> to vector<64x256xf32>
      %tanh3A_778 = math.tanh %slice3A_777 : vector<64x256xf32>
      %slice3A_779 = vector.extract_strided_slice %add3A_754 {offsets = [0, 768], sizes = [64, 256], strides = [1, 1]} : vector<64x1024xf32> to vector<64x256xf32>
      %mul3A_780 = arith.constant 5.000000e-01 : f32
      %mul3A_781 = vector.broadcast %mul3A_780 : f32 to vector<64x256xf32>
      %mul3A_782 = arith.mulf %mul3A_781, %slice3A_779 : vector<64x256xf32>
      %tanh3A_783 = math.tanh %mul3A_782 : vector<64x256xf32>
      %mul3A_784 = arith.constant 5.000000e-01 : f32
      %mul3A_785 = vector.broadcast %mul3A_784 : f32 to vector<64x256xf32>
      %mul3A_786 = arith.mulf %mul3A_785, %tanh3A_783 : vector<64x256xf32>
      %add3A_787 = arith.constant 5.000000e-01 : f32
      %add3A_788 = vector.broadcast %add3A_787 : f32 to vector<64x256xf32>
      %add3A_789 = arith.addf %mul3A_786, %add3A_788 : vector<64x256xf32>
      %mul3A_790 = arith.mulf %add3A_776, %add3A_732 : vector<64x256xf32>
      %mul3A_791 = arith.mulf %add3A_765, %tanh3A_778 : vector<64x256xf32>
      %add3A_792 = arith.addf %mul3A_790, %mul3A_791 : vector<64x256xf32>
      %tanh3A_793 = math.tanh %add3A_792 : vector<64x256xf32>
      %mul3A_794 = arith.mulf %add3A_789, %tanh3A_793 : vector<64x256xf32>
      %convert_element_type3A_795 = arith.truncf %mul3A_794 : vector<64x256xf32> to vector<64x256xbf16>
      %swap3A_796 = arith.index_cast %multiple_of3A_743 : i32 to index
      %swap3A_797 = arith.constant 0 : index
      %swap3A_798 = vector.load %arg8[%swap3A_796, %swap3A_797] : memref<4096x256xbf16, #tpu.memory_space<vmem>>, vector<64x256xbf16>
      tpu.vector_store %arg8[%swap3A_796, %swap3A_797], %convert_element_type3A_795 {strides = array<i32>} : memref<4096x256xbf16, #tpu.memory_space<vmem>>, vector<64x256xbf16>,
      %add3A_799 = arith.constant 11 : i32
      %add3A_800 = arith.addi %mul3A_141, %add3A_799 : i32
      %mul3A_801 = arith.constant 64 : i32
      %mul3A_802 = arith.muli %add3A_800, %mul3A_801 : i32
      %multiple_of3A_803 = tpu.assume_multiple %mul3A_802, 64 : i32
      %get3A_804 = arith.index_cast %multiple_of3A_803 : i32 to index
      %get3A_805 = arith.constant 0 : index
      %get3A_806 = vector.load %arg9[%get3A_804, %get3A_805] : memref<4096x1024xf32, #tpu.memory_space<vmem>>, vector<64x1024xf32>
      %get3A_807 = arith.constant 2 : index
      %get3A_808 = arith.constant 0 : index
      %get3A_809 = arith.constant 0 : index
      %get3A_810 = vector.load %arg5[%get3A_807, %get3A_808, %get3A_809] : memref<4x256x1024xbf16, #tpu.memory_space<vmem>>, vector<1x256x1024xbf16>
      %get3A_811 = vector.shape_cast %get3A_810 : vector<1x256x1024xbf16> to vector<256x1024xbf16>
      %dot_general3A_812 = arith.constant dense<0.000000e+00> : vector<64x1024xf32>
      %dot_general3A_813 = tpu.matmul %convert_element_type3A_795, %get3A_811, %dot_general3A_812 {dimension_numbers = #tpu.dot_dimension_numbers<[1], [0], [0], [1], [0, 0, 1, 1], [], []>, transpose_lhs_hint = false} : vector<64x256xbf16>, vector<256x1024xbf16>, vector<64x1024xf32> -> vector<64x1024xf32>
      %add3A_814 = arith.addf %get3A_806, %dot_general3A_813 : vector<64x1024xf32>
      %slice3A_815 = vector.extract_strided_slice %add3A_814 {offsets = [0, 0], sizes = [64, 256], strides = [1, 1]} : vector<64x1024xf32> to vector<64x256xf32>
      %mul3A_816 = arith.constant 5.000000e-01 : f32
      %mul3A_817 = vector.broadcast %mul3A_816 : f32 to vector<64x256xf32>
      %mul3A_818 = arith.mulf %mul3A_817, %slice3A_815 : vector<64x256xf32>
      %tanh3A_819 = math.tanh %mul3A_818 : vector<64x256xf32>
      %mul3A_820 = arith.constant 5.000000e-01 : f32
      %mul3A_821 = vector.broadcast %mul3A_820 : f32 to vector<64x256xf32>
      %mul3A_822 = arith.mulf %mul3A_821, %tanh3A_819 : vector<64x256xf32>
      %add3A_823 = arith.constant 5.000000e-01 : f32
      %add3A_824 = vector.broadcast %add3A_823 : f32 to vector<64x256xf32>
      %add3A_825 = arith.addf %mul3A_822, %add3A_824 : vector<64x256xf32>
      %slice3A_826 = vector.extract_strided_slice %add3A_814 {offsets = [0, 256], sizes = [64, 256], strides = [1, 1]} : vector<64x1024xf32> to vector<64x256xf32>
      %mul3A_827 = arith.constant 5.000000e-01 : f32
      %mul3A_828 = vector.broadcast %mul3A_827 : f32 to vector<64x256xf32>
      %mul3A_829 = arith.mulf %mul3A_828, %slice3A_826 : vector<64x256xf32>
      %tanh3A_830 = math.tanh %mul3A_829 : vector<64x256xf32>
      %mul3A_831 = arith.constant 5.000000e-01 : f32
      %mul3A_832 = vector.broadcast %mul3A_831 : f32 to vector<64x256xf32>
      %mul3A_833 = arith.mulf %mul3A_832, %tanh3A_830 : vector<64x256xf32>
      %add3A_834 = arith.constant 5.000000e-01 : f32
      %add3A_835 = vector.broadcast %add3A_834 : f32 to vector<64x256xf32>
      %add3A_836 = arith.addf %mul3A_833, %add3A_835 : vector<64x256xf32>
      %slice3A_837 = vector.extract_strided_slice %add3A_814 {offsets = [0, 512], sizes = [64, 256], strides = [1, 1]} : vector<64x1024xf32> to vector<64x256xf32>
      %tanh3A_838 = math.tanh %slice3A_837 : vector<64x256xf32>
      %slice3A_839 = vector.extract_strided_slice %add3A_814 {offsets = [0, 768], sizes = [64, 256], strides = [1, 1]} : vector<64x1024xf32> to vector<64x256xf32>
      %mul3A_840 = arith.constant 5.000000e-01 : f32
      %mul3A_841 = vector.broadcast %mul3A_840 : f32 to vector<64x256xf32>
      %mul3A_842 = arith.mulf %mul3A_841, %slice3A_839 : vector<64x256xf32>
      %tanh3A_843 = math.tanh %mul3A_842 : vector<64x256xf32>
      %mul3A_844 = arith.constant 5.000000e-01 : f32
      %mul3A_845 = vector.broadcast %mul3A_844 : f32 to vector<64x256xf32>
      %mul3A_846 = arith.mulf %mul3A_845, %tanh3A_843 : vector<64x256xf32>
      %add3A_847 = arith.constant 5.000000e-01 : f32
      %add3A_848 = vector.broadcast %add3A_847 : f32 to vector<64x256xf32>
      %add3A_849 = arith.addf %mul3A_846, %add3A_848 : vector<64x256xf32>
      %mul3A_850 = arith.mulf %add3A_836, %add3A_792 : vector<64x256xf32>
      %mul3A_851 = arith.mulf %add3A_825, %tanh3A_838 : vector<64x256xf32>
      %add3A_852 = arith.addf %mul3A_850, %mul3A_851 : vector<64x256xf32>
      %tanh3A_853 = math.tanh %add3A_852 : vector<64x256xf32>
      %mul3A_854 = arith.mulf %add3A_849, %tanh3A_853 : vector<64x256xf32>
      %convert_element_type3A_855 = arith.truncf %mul3A_854 : vector<64x256xf32> to vector<64x256xbf16>
      %swap3A_856 = arith.index_cast %multiple_of3A_803 : i32 to index
      %swap3A_857 = arith.constant 0 : index
      %swap3A_858 = vector.load %arg8[%swap3A_856, %swap3A_857] : memref<4096x256xbf16, #tpu.memory_space<vmem>>, vector<64x256xbf16>
      tpu.vector_store %arg8[%swap3A_856, %swap3A_857], %convert_element_type3A_855 {strides = array<i32>} : memref<4096x256xbf16, #tpu.memory_space<vmem>>, vector<64x256xbf16>,
      %add3A_859 = arith.constant 12 : i32
      %add3A_860 = arith.addi %mul3A_141, %add3A_859 : i32
      %mul3A_861 = arith.constant 64 : i32
      %mul3A_862 = arith.muli %add3A_860, %mul3A_861 : i32
      %multiple_of3A_863 = tpu.assume_multiple %mul3A_862, 64 : i32
      %get3A_864 = arith.index_cast %multiple_of3A_863 : i32 to index
      %get3A_865 = arith.constant 0 : index
      %get3A_866 = vector.load %arg9[%get3A_864, %get3A_865] : memref<4096x1024xf32, #tpu.memory_space<vmem>>, vector<64x1024xf32>
      %get3A_867 = arith.constant 2 : index
      %get3A_868 = arith.constant 0 : index
      %get3A_869 = arith.constant 0 : index
      %get3A_870 = vector.load %arg5[%get3A_867, %get3A_868, %get3A_869] : memref<4x256x1024xbf16, #tpu.memory_space<vmem>>, vector<1x256x1024xbf16>
      %get3A_871 = vector.shape_cast %get3A_870 : vector<1x256x1024xbf16> to vector<256x1024xbf16>
      %dot_general3A_872 = arith.constant dense<0.000000e+00> : vector<64x1024xf32>
      %dot_general3A_873 = tpu.matmul %convert_element_type3A_855, %get3A_871, %dot_general3A_872 {dimension_numbers = #tpu.dot_dimension_numbers<[1], [0], [0], [1], [0, 0, 1, 1], [], []>, transpose_lhs_hint = false} : vector<64x256xbf16>, vector<256x1024xbf16>, vector<64x1024xf32> -> vector<64x1024xf32>
      %add3A_874 = arith.addf %get3A_866, %dot_general3A_873 : vector<64x1024xf32>
      %slice3A_875 = vector.extract_strided_slice %add3A_874 {offsets = [0, 0], sizes = [64, 256], strides = [1, 1]} : vector<64x1024xf32> to vector<64x256xf32>
      %mul3A_876 = arith.constant 5.000000e-01 : f32
      %mul3A_877 = vector.broadcast %mul3A_876 : f32 to vector<64x256xf32>
      %mul3A_878 = arith.mulf %mul3A_877, %slice3A_875 : vector<64x256xf32>
      %tanh3A_879 = math.tanh %mul3A_878 : vector<64x256xf32>
      %mul3A_880 = arith.constant 5.000000e-01 : f32
      %mul3A_881 = vector.broadcast %mul3A_880 : f32 to vector<64x256xf32>
      %mul3A_882 = arith.mulf %mul3A_881, %tanh3A_879 : vector<64x256xf32>
      %add3A_883 = arith.constant 5.000000e-01 : f32
      %add3A_884 = vector.broadcast %add3A_883 : f32 to vector<64x256xf32>
      %add3A_885 = arith.addf %mul3A_882, %add3A_884 : vector<64x256xf32>
      %slice3A_886 = vector.extract_strided_slice %add3A_874 {offsets = [0, 256], sizes = [64, 256], strides = [1, 1]} : vector<64x1024xf32> to vector<64x256xf32>
      %mul3A_887 = arith.constant 5.000000e-01 : f32
      %mul3A_888 = vector.broadcast %mul3A_887 : f32 to vector<64x256xf32>
      %mul3A_889 = arith.mulf %mul3A_888, %slice3A_886 : vector<64x256xf32>
      %tanh3A_890 = math.tanh %mul3A_889 : vector<64x256xf32>
      %mul3A_891 = arith.constant 5.000000e-01 : f32
      %mul3A_892 = vector.broadcast %mul3A_891 : f32 to vector<64x256xf32>
      %mul3A_893 = arith.mulf %mul3A_892, %tanh3A_890 : vector<64x256xf32>
      %add3A_894 = arith.constant 5.000000e-01 : f32
      %add3A_895 = vector.broadcast %add3A_894 : f32 to vector<64x256xf32>
      %add3A_896 = arith.addf %mul3A_893, %add3A_895 : vector<64x256xf32>
      %slice3A_897 = vector.extract_strided_slice %add3A_874 {offsets = [0, 512], sizes = [64, 256], strides = [1, 1]} : vector<64x1024xf32> to vector<64x256xf32>
      %tanh3A_898 = math.tanh %slice3A_897 : vector<64x256xf32>
      %slice3A_899 = vector.extract_strided_slice %add3A_874 {offsets = [0, 768], sizes = [64, 256], strides = [1, 1]} : vector<64x1024xf32> to vector<64x256xf32>
      %mul3A_900 = arith.constant 5.000000e-01 : f32
      %mul3A_901 = vector.broadcast %mul3A_900 : f32 to vector<64x256xf32>
      %mul3A_902 = arith.mulf %mul3A_901, %slice3A_899 : vector<64x256xf32>
      %tanh3A_903 = math.tanh %mul3A_902 : vector<64x256xf32>
      %mul3A_904 = arith.constant 5.000000e-01 : f32
      %mul3A_905 = vector.broadcast %mul3A_904 : f32 to vector<64x256xf32>
      %mul3A_906 = arith.mulf %mul3A_905, %tanh3A_903 : vector<64x256xf32>
      %add3A_907 = arith.constant 5.000000e-01 : f32
      %add3A_908 = vector.broadcast %add3A_907 : f32 to vector<64x256xf32>
      %add3A_909 = arith.addf %mul3A_906, %add3A_908 : vector<64x256xf32>
      %mul3A_910 = arith.mulf %add3A_896, %add3A_852 : vector<64x256xf32>
      %mul3A_911 = arith.mulf %add3A_885, %tanh3A_898 : vector<64x256xf32>
      %add3A_912 = arith.addf %mul3A_910, %mul3A_911 : vector<64x256xf32>
      %tanh3A_913 = math.tanh %add3A_912 : vector<64x256xf32>
      %mul3A_914 = arith.mulf %add3A_909, %tanh3A_913 : vector<64x256xf32>
      %convert_element_type3A_915 = arith.truncf %mul3A_914 : vector<64x256xf32> to vector<64x256xbf16>
      %swap3A_916 = arith.index_cast %multiple_of3A_863 : i32 to index
      %swap3A_917 = arith.constant 0 : index
      %swap3A_918 = vector.load %arg8[%swap3A_916, %swap3A_917] : memref<4096x256xbf16, #tpu.memory_space<vmem>>, vector<64x256xbf16>
      tpu.vector_store %arg8[%swap3A_916, %swap3A_917], %convert_element_type3A_915 {strides = array<i32>} : memref<4096x256xbf16, #tpu.memory_space<vmem>>, vector<64x256xbf16>,
      %add3A_919 = arith.constant 13 : i32
      %add3A_920 = arith.addi %mul3A_141, %add3A_919 : i32
      %mul3A_921 = arith.constant 64 : i32
      %mul3A_922 = arith.muli %add3A_920, %mul3A_921 : i32
      %multiple_of3A_923 = tpu.assume_multiple %mul3A_922, 64 : i32
      %get3A_924 = arith.index_cast %multiple_of3A_923 : i32 to index
      %get3A_925 = arith.constant 0 : index
      %get3A_926 = vector.load %arg9[%get3A_924, %get3A_925] : memref<4096x1024xf32, #tpu.memory_space<vmem>>, vector<64x1024xf32>
      %get3A_927 = arith.constant 2 : index
      %get3A_928 = arith.constant 0 : index
      %get3A_929 = arith.constant 0 : index
      %get3A_930 = vector.load %arg5[%get3A_927, %get3A_928, %get3A_929] : memref<4x256x1024xbf16, #tpu.memory_space<vmem>>, vector<1x256x1024xbf16>
      %get3A_931 = vector.shape_cast %get3A_930 : vector<1x256x1024xbf16> to vector<256x1024xbf16>
      %dot_general3A_932 = arith.constant dense<0.000000e+00> : vector<64x1024xf32>
      %dot_general3A_933 = tpu.matmul %convert_element_type3A_915, %get3A_931, %dot_general3A_932 {dimension_numbers = #tpu.dot_dimension_numbers<[1], [0], [0], [1], [0, 0, 1, 1], [], []>, transpose_lhs_hint = false} : vector<64x256xbf16>, vector<256x1024xbf16>, vector<64x1024xf32> -> vector<64x1024xf32>
      %add3A_934 = arith.addf %get3A_926, %dot_general3A_933 : vector<64x1024xf32>
      %slice3A_935 = vector.extract_strided_slice %add3A_934 {offsets = [0, 0], sizes = [64, 256], strides = [1, 1]} : vector<64x1024xf32> to vector<64x256xf32>
      %mul3A_936 = arith.constant 5.000000e-01 : f32
      %mul3A_937 = vector.broadcast %mul3A_936 : f32 to vector<64x256xf32>
      %mul3A_938 = arith.mulf %mul3A_937, %slice3A_935 : vector<64x256xf32>
      %tanh3A_939 = math.tanh %mul3A_938 : vector<64x256xf32>
      %mul3A_940 = arith.constant 5.000000e-01 : f32
      %mul3A_941 = vector.broadcast %mul3A_940 : f32 to vector<64x256xf32>
      %mul3A_942 = arith.mulf %mul3A_941, %tanh3A_939 : vector<64x256xf32>
      %add3A_943 = arith.constant 5.000000e-01 : f32
      %add3A_944 = vector.broadcast %add3A_943 : f32 to vector<64x256xf32>
      %add3A_945 = arith.addf %mul3A_942, %add3A_944 : vector<64x256xf32>
      %slice3A_946 = vector.extract_strided_slice %add3A_934 {offsets = [0, 256], sizes = [64, 256], strides = [1, 1]} : vector<64x1024xf32> to vector<64x256xf32>
      %mul3A_947 = arith.constant 5.000000e-01 : f32
      %mul3A_948 = vector.broadcast %mul3A_947 : f32 to vector<64x256xf32>
      %mul3A_949 = arith.mulf %mul3A_948, %slice3A_946 : vector<64x256xf32>
      %tanh3A_950 = math.tanh %mul3A_949 : vector<64x256xf32>
      %mul3A_951 = arith.constant 5.000000e-01 : f32
      %mul3A_952 = vector.broadcast %mul3A_951 : f32 to vector<64x256xf32>
      %mul3A_953 = arith.mulf %mul3A_952, %tanh3A_950 : vector<64x256xf32>
      %add3A_954 = arith.constant 5.000000e-01 : f32
      %add3A_955 = vector.broadcast %add3A_954 : f32 to vector<64x256xf32>
      %add3A_956 = arith.addf %mul3A_953, %add3A_955 : vector<64x256xf32>
      %slice3A_957 = vector.extract_strided_slice %add3A_934 {offsets = [0, 512], sizes = [64, 256], strides = [1, 1]} : vector<64x1024xf32> to vector<64x256xf32>
      %tanh3A_958 = math.tanh %slice3A_957 : vector<64x256xf32>
      %slice3A_959 = vector.extract_strided_slice %add3A_934 {offsets = [0, 768], sizes = [64, 256], strides = [1, 1]} : vector<64x1024xf32> to vector<64x256xf32>
      %mul3A_960 = arith.constant 5.000000e-01 : f32
      %mul3A_961 = vector.broadcast %mul3A_960 : f32 to vector<64x256xf32>
      %mul3A_962 = arith.mulf %mul3A_961, %slice3A_959 : vector<64x256xf32>
      %tanh3A_963 = math.tanh %mul3A_962 : vector<64x256xf32>
      %mul3A_964 = arith.constant 5.000000e-01 : f32
      %mul3A_965 = vector.broadcast %mul3A_964 : f32 to vector<64x256xf32>
      %mul3A_966 = arith.mulf %mul3A_965, %tanh3A_963 : vector<64x256xf32>
      %add3A_967 = arith.constant 5.000000e-01 : f32
      %add3A_968 = vector.broadcast %add3A_967 : f32 to vector<64x256xf32>
      %add3A_969 = arith.addf %mul3A_966, %add3A_968 : vector<64x256xf32>
      %mul3A_970 = arith.mulf %add3A_956, %add3A_912 : vector<64x256xf32>
      %mul3A_971 = arith.mulf %add3A_945, %tanh3A_958 : vector<64x256xf32>
      %add3A_972 = arith.addf %mul3A_970, %mul3A_971 : vector<64x256xf32>
      %tanh3A_973 = math.tanh %add3A_972 : vector<64x256xf32>
      %mul3A_974 = arith.mulf %add3A_969, %tanh3A_973 : vector<64x256xf32>
      %convert_element_type3A_975 = arith.truncf %mul3A_974 : vector<64x256xf32> to vector<64x256xbf16>
      %swap3A_976 = arith.index_cast %multiple_of3A_923 : i32 to index
      %swap3A_977 = arith.constant 0 : index
      %swap3A_978 = vector.load %arg8[%swap3A_976, %swap3A_977] : memref<4096x256xbf16, #tpu.memory_space<vmem>>, vector<64x256xbf16>
      tpu.vector_store %arg8[%swap3A_976, %swap3A_977], %convert_element_type3A_975 {strides = array<i32>} : memref<4096x256xbf16, #tpu.memory_space<vmem>>, vector<64x256xbf16>,
      %add3A_979 = arith.constant 14 : i32
      %add3A_980 = arith.addi %mul3A_141, %add3A_979 : i32
      %mul3A_981 = arith.constant 64 : i32
      %mul3A_982 = arith.muli %add3A_980, %mul3A_981 : i32
      %multiple_of3A_983 = tpu.assume_multiple %mul3A_982, 64 : i32
      %get3A_984 = arith.index_cast %multiple_of3A_983 : i32 to index
      %get3A_985 = arith.constant 0 : index
      %get3A_986 = vector.load %arg9[%get3A_984, %get3A_985] : memref<4096x1024xf32, #tpu.memory_space<vmem>>, vector<64x1024xf32>
      %get3A_987 = arith.constant 2 : index
      %get3A_988 = arith.constant 0 : index
      %get3A_989 = arith.constant 0 : index
      %get3A_990 = vector.load %arg5[%get3A_987, %get3A_988, %get3A_989] : memref<4x256x1024xbf16, #tpu.memory_space<vmem>>, vector<1x256x1024xbf16>
      %get3A_991 = vector.shape_cast %get3A_990 : vector<1x256x1024xbf16> to vector<256x1024xbf16>
      %dot_general3A_992 = arith.constant dense<0.000000e+00> : vector<64x1024xf32>
      %dot_general3A_993 = tpu.matmul %convert_element_type3A_975, %get3A_991, %dot_general3A_992 {dimension_numbers = #tpu.dot_dimension_numbers<[1], [0], [0], [1], [0, 0, 1, 1], [], []>, transpose_lhs_hint = false} : vector<64x256xbf16>, vector<256x1024xbf16>, vector<64x1024xf32> -> vector<64x1024xf32>
      %add3A_994 = arith.addf %get3A_986, %dot_general3A_993 : vector<64x1024xf32>
      %slice3A_995 = vector.extract_strided_slice %add3A_994 {offsets = [0, 0], sizes = [64, 256], strides = [1, 1]} : vector<64x1024xf32> to vector<64x256xf32>
      %mul3A_996 = arith.constant 5.000000e-01 : f32
      %mul3A_997 = vector.broadcast %mul3A_996 : f32 to vector<64x256xf32>
      %mul3A_998 = arith.mulf %mul3A_997, %slice3A_995 : vector<64x256xf32>
      %tanh3A_999 = math.tanh %mul3A_998 : vector<64x256xf32>
      %mul3A_1000 = arith.constant 5.000000e-01 : f32
      %mul3A_1001 = vector.broadcast %mul3A_1000 : f32 to vector<64x256xf32>
      %mul3A_1002 = arith.mulf %mul3A_1001, %tanh3A_999 : vector<64x256xf32>
      %add3A_1003 = arith.constant 5.000000e-01 : f32
      %add3A_1004 = vector.broadcast %add3A_1003 : f32 to vector<64x256xf32>
      %add3A_1005 = arith.addf %mul3A_1002, %add3A_1004 : vector<64x256xf32>
      %slice3A_1006 = vector.extract_strided_slice %add3A_994 {offsets = [0, 256], sizes = [64, 256], strides = [1, 1]} : vector<64x1024xf32> to vector<64x256xf32>
      %mul3A_1007 = arith.constant 5.000000e-01 : f32
      %mul3A_1008 = vector.broadcast %mul3A_1007 : f32 to vector<64x256xf32>
      %mul3A_1009 = arith.mulf %mul3A_1008, %slice3A_1006 : vector<64x256xf32>
      %tanh3A_1010 = math.tanh %mul3A_1009 : vector<64x256xf32>
      %mul3A_1011 = arith.constant 5.000000e-01 : f32
      %mul3A_1012 = vector.broadcast %mul3A_1011 : f32 to vector<64x256xf32>
      %mul3A_1013 = arith.mulf %mul3A_1012, %tanh3A_1010 : vector<64x256xf32>
      %add3A_1014 = arith.constant 5.000000e-01 : f32
      %add3A_1015 = vector.broadcast %add3A_1014 : f32 to vector<64x256xf32>
      %add3A_1016 = arith.addf %mul3A_1013, %add3A_1015 : vector<64x256xf32>
      %slice3A_1017 = vector.extract_strided_slice %add3A_994 {offsets = [0, 512], sizes = [64, 256], strides = [1, 1]} : vector<64x1024xf32> to vector<64x256xf32>
      %tanh3A_1018 = math.tanh %slice3A_1017 : vector<64x256xf32>
      %slice3A_1019 = vector.extract_strided_slice %add3A_994 {offsets = [0, 768], sizes = [64, 256], strides = [1, 1]} : vector<64x1024xf32> to vector<64x256xf32>
      %mul3A_1020 = arith.constant 5.000000e-01 : f32
      %mul3A_1021 = vector.broadcast %mul3A_1020 : f32 to vector<64x256xf32>
      %mul3A_1022 = arith.mulf %mul3A_1021, %slice3A_1019 : vector<64x256xf32>
      %tanh3A_1023 = math.tanh %mul3A_1022 : vector<64x256xf32>
      %mul3A_1024 = arith.constant 5.000000e-01 : f32
      %mul3A_1025 = vector.broadcast %mul3A_1024 : f32 to vector<64x256xf32>
      %mul3A_1026 = arith.mulf %mul3A_1025, %tanh3A_1023 : vector<64x256xf32>
      %add3A_1027 = arith.constant 5.000000e-01 : f32
      %add3A_1028 = vector.broadcast %add3A_1027 : f32 to vector<64x256xf32>
      %add3A_1029 = arith.addf %mul3A_1026, %add3A_1028 : vector<64x256xf32>
      %mul3A_1030 = arith.mulf %add3A_1016, %add3A_972 : vector<64x256xf32>
      %mul3A_1031 = arith.mulf %add3A_1005, %tanh3A_1018 : vector<64x256xf32>
      %add3A_1032 = arith.addf %mul3A_1030, %mul3A_1031 : vector<64x256xf32>
      %tanh3A_1033 = math.tanh %add3A_1032 : vector<64x256xf32>
      %mul3A_1034 = arith.mulf %add3A_1029, %tanh3A_1033 : vector<64x256xf32>
      %convert_element_type3A_1035 = arith.truncf %mul3A_1034 : vector<64x256xf32> to vector<64x256xbf16>
      %swap3A_1036 = arith.index_cast %multiple_of3A_983 : i32 to index
      %swap3A_1037 = arith.constant 0 : index
      %swap3A_1038 = vector.load %arg8[%swap3A_1036, %swap3A_1037] : memref<4096x256xbf16, #tpu.memory_space<vmem>>, vector<64x256xbf16>
      tpu.vector_store %arg8[%swap3A_1036, %swap3A_1037], %convert_element_type3A_1035 {strides = array<i32>} : memref<4096x256xbf16, #tpu.memory_space<vmem>>, vector<64x256xbf16>,
      %add3A_1039 = arith.constant 15 : i32
      %add3A_1040 = arith.addi %mul3A_141, %add3A_1039 : i32
      %mul3A_1041 = arith.constant 64 : i32
      %mul3A_1042 = arith.muli %add3A_1040, %mul3A_1041 : i32
      %multiple_of3A_1043 = tpu.assume_multiple %mul3A_1042, 64 : i32
      %get3A_1044 = arith.index_cast %multiple_of3A_1043 : i32 to index
      %get3A_1045 = arith.constant 0 : index
      %get3A_1046 = vector.load %arg9[%get3A_1044, %get3A_1045] : memref<4096x1024xf32, #tpu.memory_space<vmem>>, vector<64x1024xf32>
      %get3A_1047 = arith.constant 2 : index
      %get3A_1048 = arith.constant 0 : index
      %get3A_1049 = arith.constant 0 : index
      %get3A_1050 = vector.load %arg5[%get3A_1047, %get3A_1048, %get3A_1049] : memref<4x256x1024xbf16, #tpu.memory_space<vmem>>, vector<1x256x1024xbf16>
      %get3A_1051 = vector.shape_cast %get3A_1050 : vector<1x256x1024xbf16> to vector<256x1024xbf16>
      %dot_general3A_1052 = arith.constant dense<0.000000e+00> : vector<64x1024xf32>
      %dot_general3A_1053 = tpu.matmul %convert_element_type3A_1035, %get3A_1051, %dot_general3A_1052 {dimension_numbers = #tpu.dot_dimension_numbers<[1], [0], [0], [1], [0, 0, 1, 1], [], []>, transpose_lhs_hint = false} : vector<64x256xbf16>, vector<256x1024xbf16>, vector<64x1024xf32> -> vector<64x1024xf32>
      %add3A_1054 = arith.addf %get3A_1046, %dot_general3A_1053 : vector<64x1024xf32>
      %slice3A_1055 = vector.extract_strided_slice %add3A_1054 {offsets = [0, 0], sizes = [64, 256], strides = [1, 1]} : vector<64x1024xf32> to vector<64x256xf32>
      %mul3A_1056 = arith.constant 5.000000e-01 : f32
      %mul3A_1057 = vector.broadcast %mul3A_1056 : f32 to vector<64x256xf32>
      %mul3A_1058 = arith.mulf %mul3A_1057, %slice3A_1055 : vector<64x256xf32>
      %tanh3A_1059 = math.tanh %mul3A_1058 : vector<64x256xf32>
      %mul3A_1060 = arith.constant 5.000000e-01 : f32
      %mul3A_1061 = vector.broadcast %mul3A_1060 : f32 to vector<64x256xf32>
      %mul3A_1062 = arith.mulf %mul3A_1061, %tanh3A_1059 : vector<64x256xf32>
      %add3A_1063 = arith.constant 5.000000e-01 : f32
      %add3A_1064 = vector.broadcast %add3A_1063 : f32 to vector<64x256xf32>
      %add3A_1065 = arith.addf %mul3A_1062, %add3A_1064 : vector<64x256xf32>
      %slice3A_1066 = vector.extract_strided_slice %add3A_1054 {offsets = [0, 256], sizes = [64, 256], strides = [1, 1]} : vector<64x1024xf32> to vector<64x256xf32>
      %mul3A_1067 = arith.constant 5.000000e-01 : f32
      %mul3A_1068 = vector.broadcast %mul3A_1067 : f32 to vector<64x256xf32>
      %mul3A_1069 = arith.mulf %mul3A_1068, %slice3A_1066 : vector<64x256xf32>
      %tanh3A_1070 = math.tanh %mul3A_1069 : vector<64x256xf32>
      %mul3A_1071 = arith.constant 5.000000e-01 : f32
      %mul3A_1072 = vector.broadcast %mul3A_1071 : f32 to vector<64x256xf32>
      %mul3A_1073 = arith.mulf %mul3A_1072, %tanh3A_1070 : vector<64x256xf32>
      %add3A_1074 = arith.constant 5.000000e-01 : f32
      %add3A_1075 = vector.broadcast %add3A_1074 : f32 to vector<64x256xf32>
      %add3A_1076 = arith.addf %mul3A_1073, %add3A_1075 : vector<64x256xf32>
      %slice3A_1077 = vector.extract_strided_slice %add3A_1054 {offsets = [0, 512], sizes = [64, 256], strides = [1, 1]} : vector<64x1024xf32> to vector<64x256xf32>
      %tanh3A_1078 = math.tanh %slice3A_1077 : vector<64x256xf32>
      %slice3A_1079 = vector.extract_strided_slice %add3A_1054 {offsets = [0, 768], sizes = [64, 256], strides = [1, 1]} : vector<64x1024xf32> to vector<64x256xf32>
      %mul3A_1080 = arith.constant 5.000000e-01 : f32
      %mul3A_1081 = vector.broadcast %mul3A_1080 : f32 to vector<64x256xf32>
      %mul3A_1082 = arith.mulf %mul3A_1081, %slice3A_1079 : vector<64x256xf32>
      %tanh3A_1083 = math.tanh %mul3A_1082 : vector<64x256xf32>
      %mul3A_1084 = arith.constant 5.000000e-01 : f32
      %mul3A_1085 = vector.broadcast %mul3A_1084 : f32 to vector<64x256xf32>
      %mul3A_1086 = arith.mulf %mul3A_1085, %tanh3A_1083 : vector<64x256xf32>
      %add3A_1087 = arith.constant 5.000000e-01 : f32
      %add3A_1088 = vector.broadcast %add3A_1087 : f32 to vector<64x256xf32>
      %add3A_1089 = arith.addf %mul3A_1086, %add3A_1088 : vector<64x256xf32>
      %mul3A_1090 = arith.mulf %add3A_1076, %add3A_1032 : vector<64x256xf32>
      %mul3A_1091 = arith.mulf %add3A_1065, %tanh3A_1078 : vector<64x256xf32>
      %add3A_1092 = arith.addf %mul3A_1090, %mul3A_1091 : vector<64x256xf32>
      %tanh3A_1093 = math.tanh %add3A_1092 : vector<64x256xf32>
      %mul3A_1094 = arith.mulf %add3A_1089, %tanh3A_1093 : vector<64x256xf32>
      %convert_element_type3A_1095 = arith.truncf %mul3A_1094 : vector<64x256xf32> to vector<64x256xbf16>
      %swap3A_1096 = arith.index_cast %multiple_of3A_1043 : i32 to index
      %swap3A_1097 = arith.constant 0 : index
      %swap3A_1098 = vector.load %arg8[%swap3A_1096, %swap3A_1097] : memref<4096x256xbf16, #tpu.memory_space<vmem>>, vector<64x256xbf16>
      tpu.vector_store %arg8[%swap3A_1096, %swap3A_1097], %convert_element_type3A_1095 {strides = array<i32>} : memref<4096x256xbf16, #tpu.memory_space<vmem>>, vector<64x256xbf16>,
      scf.yield %convert_element_type3A_1095, %add3A_1092 : vector<64x256xbf16>, vector<64x256xf32>
    }
    %scan3A_107 = arith.constant 4 : i32
    %get3A_108 = arith.constant 0 : index
    %get3A_109 = arith.constant 0 : index
    %get3A_110 = vector.load %arg8[%get3A_108, %get3A_109] : memref<4096x256xbf16, #tpu.memory_space<vmem>>, vector<4096x256xbf16>
    %get3A_111 = arith.constant 3 : index
    %get3A_112 = arith.constant 0 : index
    %get3A_113 = arith.constant 0 : index
    %get3A_114 = vector.load %arg4[%get3A_111, %get3A_112, %get3A_113] : memref<4x256x1024xbf16, #tpu.memory_space<vmem>>, vector<1x256x1024xbf16>
    %get3A_115 = vector.shape_cast %get3A_114 : vector<1x256x1024xbf16> to vector<256x1024xbf16>
    %dot_general3A_116 = arith.constant dense<0.000000e+00> : vector<4096x1024xf32>
    %dot_general3A_117 = tpu.matmul %get3A_110, %get3A_115, %dot_general3A_116 {dimension_numbers = #tpu.dot_dimension_numbers<[1], [0], [0], [1], [0, 0, 1, 1], [], []>, transpose_lhs_hint = false} : vector<4096x256xbf16>, vector<256x1024xbf16>, vector<4096x1024xf32> -> vector<4096x1024xf32>
    %get3A_118 = arith.constant 3 : index
    %get3A_119 = arith.constant 0 : index
    %get3A_120 = arith.constant 0 : index
    %get3A_121 = vector.load %arg6[%get3A_118, %get3A_119, %get3A_120] : memref<4x1x1024xf32, #tpu.memory_space<vmem>>, vector<1x1x1024xf32>
    %get3A_122 = vector.shape_cast %get3A_121 : vector<1x1x1024xf32> to vector<1x1024xf32>
    %add3A_123 = vector.broadcast %get3A_122 : vector<1x1024xf32> to vector<4096x1024xf32>
    %add3A_124 = arith.addf %dot_general3A_117, %add3A_123 : vector<4096x1024xf32>
    %swap3A_125 = arith.constant 0 : index
    %swap3A_126 = arith.constant 0 : index
    %swap3A_127 = vector.load %arg9[%swap3A_125, %swap3A_126] : memref<4096x1024xf32, #tpu.memory_space<vmem>>, vector<4096x1024xf32>
    tpu.vector_store %arg9[%swap3A_125, %swap3A_126], %add3A_124 {strides = array<i32>} : memref<4096x1024xf32, #tpu.memory_space<vmem>>, vector<4096x1024xf32>,
    %broadcast_in_dim3A_128 = arith.constant 0.000000e+00 : bf16
    %broadcast_in_dim3A_129 = vector.broadcast %broadcast_in_dim3A_128 : bf16 to vector<64x256xbf16>
    %broadcast_in_dim3A_130 = arith.constant 0.000000e+00 : f32
    %broadcast_in_dim3A_131 = vector.broadcast %broadcast_in_dim3A_130 : f32 to vector<64x256xf32>
    %scan3A_132 = arith.constant 0 : i32
    %scan3A_133 = arith.constant 4 : i32
    %scan3A_134 = arith.addi %scan3A_132, %scan3A_133 : i32
    %scan3A_135 = arith.constant 1 : i32
    %scan3A_136:2 = scf.for %scan3A_138 = %scan3A_132 to %scan3A_134 step %scan3A_135 iter_args(%scan3A_139 = %broadcast_in_dim3A_129, %scan3A_140 = %broadcast_in_dim3A_131) -> (vector<64x256xbf16>, vector<64x256xf32>)  : i32 {
      %mul3A = arith.constant 16 : i32
      %mul3A_141 = arith.muli %mul3A, %scan3A_138 : i32
      %sub3A = arith.constant 63 : i32
      %sub3A_142 = arith.subi %sub3A, %mul3A_141 : i32
      %add3A_143 = arith.constant 0 : i32
      %add3A_144 = arith.addi %sub3A_142, %add3A_143 : i32
      %mul3A_145 = arith.constant 64 : i32
      %mul3A_146 = arith.muli %add3A_144, %mul3A_145 : i32
      %multiple_of3A = tpu.assume_multiple %mul3A_146, 64 : i32
      %get3A_147 = arith.index_cast %multiple_of3A : i32 to index
      %get3A_148 = arith.constant 0 : index
      %get3A_149 = vector.load %arg9[%get3A_147, %get3A_148] : memref<4096x1024xf32, #tpu.memory_space<vmem>>, vector<64x1024xf32>
      %get3A_150 = arith.constant 3 : index
      %get3A_151 = arith.constant 0 : index
      %get3A_152 = arith.constant 0 : index
      %get3A_153 = vector.load %arg5[%get3A_150, %get3A_151, %get3A_152] : memref<4x256x1024xbf16, #tpu.memory_space<vmem>>, vector<1x256x1024xbf16>
      %get3A_154 = vector.shape_cast %get3A_153 : vector<1x256x1024xbf16> to vector<256x1024xbf16>
      %dot_general3A_155 = arith.constant dense<0.000000e+00> : vector<64x1024xf32>
      %dot_general3A_156 = tpu.matmul %scan3A_139, %get3A_154, %dot_general3A_155 {dimension_numbers = #tpu.dot_dimension_numbers<[1], [0], [0], [1], [0, 0, 1, 1], [], []>, transpose_lhs_hint = false} : vector<64x256xbf16>, vector<256x1024xbf16>, vector<64x1024xf32> -> vector<64x1024xf32>
      %add3A_157 = arith.addf %get3A_149, %dot_general3A_156 : vector<64x1024xf32>
      %slice3A = vector.extract_strided_slice %add3A_157 {offsets = [0, 0], sizes = [64, 256], strides = [1, 1]} : vector<64x1024xf32> to vector<64x256xf32>
      %mul3A_158 = arith.constant 5.000000e-01 : f32
      %mul3A_159 = vector.broadcast %mul3A_158 : f32 to vector<64x256xf32>
      %mul3A_160 = arith.mulf %mul3A_159, %slice3A : vector<64x256xf32>
      %tanh3A = math.tanh %mul3A_160 : vector<64x256xf32>
      %mul3A_161 = arith.constant 5.000000e-01 : f32
      %mul3A_162 = vector.broadcast %mul3A_161 : f32 to vector<64x256xf32>
      %mul3A_163 = arith.mulf %mul3A_162, %tanh3A : vector<64x256xf32>
      %add3A_164 = arith.constant 5.000000e-01 : f32
      %add3A_165 = vector.broadcast %add3A_164 : f32 to vector<64x256xf32>
      %add3A_166 = arith.addf %mul3A_163, %add3A_165 : vector<64x256xf32>
      %slice3A_167 = vector.extract_strided_slice %add3A_157 {offsets = [0, 256], sizes = [64, 256], strides = [1, 1]} : vector<64x1024xf32> to vector<64x256xf32>
      %mul3A_168 = arith.constant 5.000000e-01 : f32
      %mul3A_169 = vector.broadcast %mul3A_168 : f32 to vector<64x256xf32>
      %mul3A_170 = arith.mulf %mul3A_169, %slice3A_167 : vector<64x256xf32>
      %tanh3A_171 = math.tanh %mul3A_170 : vector<64x256xf32>
      %mul3A_172 = arith.constant 5.000000e-01 : f32
      %mul3A_173 = vector.broadcast %mul3A_172 : f32 to vector<64x256xf32>
      %mul3A_174 = arith.mulf %mul3A_173, %tanh3A_171 : vector<64x256xf32>
      %add3A_175 = arith.constant 5.000000e-01 : f32
      %add3A_176 = vector.broadcast %add3A_175 : f32 to vector<64x256xf32>
      %add3A_177 = arith.addf %mul3A_174, %add3A_176 : vector<64x256xf32>
      %slice3A_178 = vector.extract_strided_slice %add3A_157 {offsets = [0, 512], sizes = [64, 256], strides = [1, 1]} : vector<64x1024xf32> to vector<64x256xf32>
      %tanh3A_179 = math.tanh %slice3A_178 : vector<64x256xf32>
      %slice3A_180 = vector.extract_strided_slice %add3A_157 {offsets = [0, 768], sizes = [64, 256], strides = [1, 1]} : vector<64x1024xf32> to vector<64x256xf32>
      %mul3A_181 = arith.constant 5.000000e-01 : f32
      %mul3A_182 = vector.broadcast %mul3A_181 : f32 to vector<64x256xf32>
      %mul3A_183 = arith.mulf %mul3A_182, %slice3A_180 : vector<64x256xf32>
      %tanh3A_184 = math.tanh %mul3A_183 : vector<64x256xf32>
      %mul3A_185 = arith.constant 5.000000e-01 : f32
      %mul3A_186 = vector.broadcast %mul3A_185 : f32 to vector<64x256xf32>
      %mul3A_187 = arith.mulf %mul3A_186, %tanh3A_184 : vector<64x256xf32>
      %add3A_188 = arith.constant 5.000000e-01 : f32
      %add3A_189 = vector.broadcast %add3A_188 : f32 to vector<64x256xf32>
      %add3A_190 = arith.addf %mul3A_187, %add3A_189 : vector<64x256xf32>
      %mul3A_191 = arith.mulf %add3A_177, %scan3A_140 : vector<64x256xf32>
      %mul3A_192 = arith.mulf %add3A_166, %tanh3A_179 : vector<64x256xf32>
      %add3A_193 = arith.addf %mul3A_191, %mul3A_192 : vector<64x256xf32>
      %tanh3A_194 = math.tanh %add3A_193 : vector<64x256xf32>
      %mul3A_195 = arith.mulf %add3A_190, %tanh3A_194 : vector<64x256xf32>
      %convert_element_type3A_196 = arith.truncf %mul3A_195 : vector<64x256xf32> to vector<64x256xbf16>
      %reshape3A = vector.shape_cast %mul3A_195 : vector<64x256xf32> to vector<64x1x256xf32>
      %swap3A_197 = arith.constant 0 : index
      %swap3A_198 = arith.index_cast %add3A_144 : i32 to index
      %swap3A_199 = arith.constant 0 : index
      %swap3A_200 = vector.load %arg7[%swap3A_197, %swap3A_198, %swap3A_199] : memref<64x64x256xf32, #tpu.memory_space<vmem>>, vector<64x1x256xf32>
      tpu.vector_store %arg7[%swap3A_197, %swap3A_198, %swap3A_199], %reshape3A {strides = array<i32>} : memref<64x64x256xf32, #tpu.memory_space<vmem>>, vector<64x1x256xf32>,
      %add3A_201 = arith.constant -1 : i32
      %add3A_202 = arith.addi %sub3A_142, %add3A_201 : i32
      %mul3A_203 = arith.constant 64 : i32
      %mul3A_204 = arith.muli %add3A_202, %mul3A_203 : i32
      %multiple_of3A_205 = tpu.assume_multiple %mul3A_204, 64 : i32
      %get3A_206 = arith.index_cast %multiple_of3A_205 : i32 to index
      %get3A_207 = arith.constant 0 : index
      %get3A_208 = vector.load %arg9[%get3A_206, %get3A_207] : memref<4096x1024xf32, #tpu.memory_space<vmem>>, vector<64x1024xf32>
      %get3A_209 = arith.constant 3 : index
      %get3A_210 = arith.constant 0 : index
      %get3A_211 = arith.constant 0 : index
      %get3A_212 = vector.load %arg5[%get3A_209, %get3A_210, %get3A_211] : memref<4x256x1024xbf16, #tpu.memory_space<vmem>>, vector<1x256x1024xbf16>
      %get3A_213 = vector.shape_cast %get3A_212 : vector<1x256x1024xbf16> to vector<256x1024xbf16>
      %dot_general3A_214 = arith.constant dense<0.000000e+00> : vector<64x1024xf32>
      %dot_general3A_215 = tpu.matmul %convert_element_type3A_196, %get3A_213, %dot_general3A_214 {dimension_numbers = #tpu.dot_dimension_numbers<[1], [0], [0], [1], [0, 0, 1, 1], [], []>, transpose_lhs_hint = false} : vector<64x256xbf16>, vector<256x1024xbf16>, vector<64x1024xf32> -> vector<64x1024xf32>
      %add3A_216 = arith.addf %get3A_208, %dot_general3A_215 : vector<64x1024xf32>
      %slice3A_217 = vector.extract_strided_slice %add3A_216 {offsets = [0, 0], sizes = [64, 256], strides = [1, 1]} : vector<64x1024xf32> to vector<64x256xf32>
      %mul3A_218 = arith.constant 5.000000e-01 : f32
      %mul3A_219 = vector.broadcast %mul3A_218 : f32 to vector<64x256xf32>
      %mul3A_220 = arith.mulf %mul3A_219, %slice3A_217 : vector<64x256xf32>
      %tanh3A_221 = math.tanh %mul3A_220 : vector<64x256xf32>
      %mul3A_222 = arith.constant 5.000000e-01 : f32
      %mul3A_223 = vector.broadcast %mul3A_222 : f32 to vector<64x256xf32>
      %mul3A_224 = arith.mulf %mul3A_223, %tanh3A_221 : vector<64x256xf32>
      %add3A_225 = arith.constant 5.000000e-01 : f32
      %add3A_226 = vector.broadcast %add3A_225 : f32 to vector<64x256xf32>
      %add3A_227 = arith.addf %mul3A_224, %add3A_226 : vector<64x256xf32>
      %slice3A_228 = vector.extract_strided_slice %add3A_216 {offsets = [0, 256], sizes = [64, 256], strides = [1, 1]} : vector<64x1024xf32> to vector<64x256xf32>
      %mul3A_229 = arith.constant 5.000000e-01 : f32
      %mul3A_230 = vector.broadcast %mul3A_229 : f32 to vector<64x256xf32>
      %mul3A_231 = arith.mulf %mul3A_230, %slice3A_228 : vector<64x256xf32>
      %tanh3A_232 = math.tanh %mul3A_231 : vector<64x256xf32>
      %mul3A_233 = arith.constant 5.000000e-01 : f32
      %mul3A_234 = vector.broadcast %mul3A_233 : f32 to vector<64x256xf32>
      %mul3A_235 = arith.mulf %mul3A_234, %tanh3A_232 : vector<64x256xf32>
      %add3A_236 = arith.constant 5.000000e-01 : f32
      %add3A_237 = vector.broadcast %add3A_236 : f32 to vector<64x256xf32>
      %add3A_238 = arith.addf %mul3A_235, %add3A_237 : vector<64x256xf32>
      %slice3A_239 = vector.extract_strided_slice %add3A_216 {offsets = [0, 512], sizes = [64, 256], strides = [1, 1]} : vector<64x1024xf32> to vector<64x256xf32>
      %tanh3A_240 = math.tanh %slice3A_239 : vector<64x256xf32>
      %slice3A_241 = vector.extract_strided_slice %add3A_216 {offsets = [0, 768], sizes = [64, 256], strides = [1, 1]} : vector<64x1024xf32> to vector<64x256xf32>
      %mul3A_242 = arith.constant 5.000000e-01 : f32
      %mul3A_243 = vector.broadcast %mul3A_242 : f32 to vector<64x256xf32>
      %mul3A_244 = arith.mulf %mul3A_243, %slice3A_241 : vector<64x256xf32>
      %tanh3A_245 = math.tanh %mul3A_244 : vector<64x256xf32>
      %mul3A_246 = arith.constant 5.000000e-01 : f32
      %mul3A_247 = vector.broadcast %mul3A_246 : f32 to vector<64x256xf32>
      %mul3A_248 = arith.mulf %mul3A_247, %tanh3A_245 : vector<64x256xf32>
      %add3A_249 = arith.constant 5.000000e-01 : f32
      %add3A_250 = vector.broadcast %add3A_249 : f32 to vector<64x256xf32>
      %add3A_251 = arith.addf %mul3A_248, %add3A_250 : vector<64x256xf32>
      %mul3A_252 = arith.mulf %add3A_238, %add3A_193 : vector<64x256xf32>
      %mul3A_253 = arith.mulf %add3A_227, %tanh3A_240 : vector<64x256xf32>
      %add3A_254 = arith.addf %mul3A_252, %mul3A_253 : vector<64x256xf32>
      %tanh3A_255 = math.tanh %add3A_254 : vector<64x256xf32>
      %mul3A_256 = arith.mulf %add3A_251, %tanh3A_255 : vector<64x256xf32>
      %convert_element_type3A_257 = arith.truncf %mul3A_256 : vector<64x256xf32> to vector<64x256xbf16>
      %reshape3A_258 = vector.shape_cast %mul3A_256 : vector<64x256xf32> to vector<64x1x256xf32>
      %swap3A_259 = arith.constant 0 : index
      %swap3A_260 = arith.index_cast %add3A_202 : i32 to index
      %swap3A_261 = arith.constant 0 : index
      %swap3A_262 = vector.load %arg7[%swap3A_259, %swap3A_260, %swap3A_261] : memref<64x64x256xf32, #tpu.memory_space<vmem>>, vector<64x1x256xf32>
      tpu.vector_store %arg7[%swap3A_259, %swap3A_260, %swap3A_261], %reshape3A_258 {strides = array<i32>} : memref<64x64x256xf32, #tpu.memory_space<vmem>>, vector<64x1x256xf32>,
      %add3A_263 = arith.constant -2 : i32
      %add3A_264 = arith.addi %sub3A_142, %add3A_263 : i32
      %mul3A_265 = arith.constant 64 : i32
      %mul3A_266 = arith.muli %add3A_264, %mul3A_265 : i32
      %multiple_of3A_267 = tpu.assume_multiple %mul3A_266, 64 : i32
      %get3A_268 = arith.index_cast %multiple_of3A_267 : i32 to index
      %get3A_269 = arith.constant 0 : index
      %get3A_270 = vector.load %arg9[%get3A_268, %get3A_269] : memref<4096x1024xf32, #tpu.memory_space<vmem>>, vector<64x1024xf32>
      %get3A_271 = arith.constant 3 : index
      %get3A_272 = arith.constant 0 : index
      %get3A_273 = arith.constant 0 : index
      %get3A_274 = vector.load %arg5[%get3A_271, %get3A_272, %get3A_273] : memref<4x256x1024xbf16, #tpu.memory_space<vmem>>, vector<1x256x1024xbf16>
      %get3A_275 = vector.shape_cast %get3A_274 : vector<1x256x1024xbf16> to vector<256x1024xbf16>
      %dot_general3A_276 = arith.constant dense<0.000000e+00> : vector<64x1024xf32>
      %dot_general3A_277 = tpu.matmul %convert_element_type3A_257, %get3A_275, %dot_general3A_276 {dimension_numbers = #tpu.dot_dimension_numbers<[1], [0], [0], [1], [0, 0, 1, 1], [], []>, transpose_lhs_hint = false} : vector<64x256xbf16>, vector<256x1024xbf16>, vector<64x1024xf32> -> vector<64x1024xf32>
      %add3A_278 = arith.addf %get3A_270, %dot_general3A_277 : vector<64x1024xf32>
      %slice3A_279 = vector.extract_strided_slice %add3A_278 {offsets = [0, 0], sizes = [64, 256], strides = [1, 1]} : vector<64x1024xf32> to vector<64x256xf32>
      %mul3A_280 = arith.constant 5.000000e-01 : f32
      %mul3A_281 = vector.broadcast %mul3A_280 : f32 to vector<64x256xf32>
      %mul3A_282 = arith.mulf %mul3A_281, %slice3A_279 : vector<64x256xf32>
      %tanh3A_283 = math.tanh %mul3A_282 : vector<64x256xf32>
      %mul3A_284 = arith.constant 5.000000e-01 : f32
      %mul3A_285 = vector.broadcast %mul3A_284 : f32 to vector<64x256xf32>
      %mul3A_286 = arith.mulf %mul3A_285, %tanh3A_283 : vector<64x256xf32>
      %add3A_287 = arith.constant 5.000000e-01 : f32
      %add3A_288 = vector.broadcast %add3A_287 : f32 to vector<64x256xf32>
      %add3A_289 = arith.addf %mul3A_286, %add3A_288 : vector<64x256xf32>
      %slice3A_290 = vector.extract_strided_slice %add3A_278 {offsets = [0, 256], sizes = [64, 256], strides = [1, 1]} : vector<64x1024xf32> to vector<64x256xf32>
      %mul3A_291 = arith.constant 5.000000e-01 : f32
      %mul3A_292 = vector.broadcast %mul3A_291 : f32 to vector<64x256xf32>
      %mul3A_293 = arith.mulf %mul3A_292, %slice3A_290 : vector<64x256xf32>
      %tanh3A_294 = math.tanh %mul3A_293 : vector<64x256xf32>
      %mul3A_295 = arith.constant 5.000000e-01 : f32
      %mul3A_296 = vector.broadcast %mul3A_295 : f32 to vector<64x256xf32>
      %mul3A_297 = arith.mulf %mul3A_296, %tanh3A_294 : vector<64x256xf32>
      %add3A_298 = arith.constant 5.000000e-01 : f32
      %add3A_299 = vector.broadcast %add3A_298 : f32 to vector<64x256xf32>
      %add3A_300 = arith.addf %mul3A_297, %add3A_299 : vector<64x256xf32>
      %slice3A_301 = vector.extract_strided_slice %add3A_278 {offsets = [0, 512], sizes = [64, 256], strides = [1, 1]} : vector<64x1024xf32> to vector<64x256xf32>
      %tanh3A_302 = math.tanh %slice3A_301 : vector<64x256xf32>
      %slice3A_303 = vector.extract_strided_slice %add3A_278 {offsets = [0, 768], sizes = [64, 256], strides = [1, 1]} : vector<64x1024xf32> to vector<64x256xf32>
      %mul3A_304 = arith.constant 5.000000e-01 : f32
      %mul3A_305 = vector.broadcast %mul3A_304 : f32 to vector<64x256xf32>
      %mul3A_306 = arith.mulf %mul3A_305, %slice3A_303 : vector<64x256xf32>
      %tanh3A_307 = math.tanh %mul3A_306 : vector<64x256xf32>
      %mul3A_308 = arith.constant 5.000000e-01 : f32
      %mul3A_309 = vector.broadcast %mul3A_308 : f32 to vector<64x256xf32>
      %mul3A_310 = arith.mulf %mul3A_309, %tanh3A_307 : vector<64x256xf32>
      %add3A_311 = arith.constant 5.000000e-01 : f32
      %add3A_312 = vector.broadcast %add3A_311 : f32 to vector<64x256xf32>
      %add3A_313 = arith.addf %mul3A_310, %add3A_312 : vector<64x256xf32>
      %mul3A_314 = arith.mulf %add3A_300, %add3A_254 : vector<64x256xf32>
      %mul3A_315 = arith.mulf %add3A_289, %tanh3A_302 : vector<64x256xf32>
      %add3A_316 = arith.addf %mul3A_314, %mul3A_315 : vector<64x256xf32>
      %tanh3A_317 = math.tanh %add3A_316 : vector<64x256xf32>
      %mul3A_318 = arith.mulf %add3A_313, %tanh3A_317 : vector<64x256xf32>
      %convert_element_type3A_319 = arith.truncf %mul3A_318 : vector<64x256xf32> to vector<64x256xbf16>
      %reshape3A_320 = vector.shape_cast %mul3A_318 : vector<64x256xf32> to vector<64x1x256xf32>
      %swap3A_321 = arith.constant 0 : index
      %swap3A_322 = arith.index_cast %add3A_264 : i32 to index
      %swap3A_323 = arith.constant 0 : index
      %swap3A_324 = vector.load %arg7[%swap3A_321, %swap3A_322, %swap3A_323] : memref<64x64x256xf32, #tpu.memory_space<vmem>>, vector<64x1x256xf32>
      tpu.vector_store %arg7[%swap3A_321, %swap3A_322, %swap3A_323], %reshape3A_320 {strides = array<i32>} : memref<64x64x256xf32, #tpu.memory_space<vmem>>, vector<64x1x256xf32>,
      %add3A_325 = arith.constant -3 : i32
      %add3A_326 = arith.addi %sub3A_142, %add3A_325 : i32
      %mul3A_327 = arith.constant 64 : i32
      %mul3A_328 = arith.muli %add3A_326, %mul3A_327 : i32
      %multiple_of3A_329 = tpu.assume_multiple %mul3A_328, 64 : i32
      %get3A_330 = arith.index_cast %multiple_of3A_329 : i32 to index
      %get3A_331 = arith.constant 0 : index
      %get3A_332 = vector.load %arg9[%get3A_330, %get3A_331] : memref<4096x1024xf32, #tpu.memory_space<vmem>>, vector<64x1024xf32>
      %get3A_333 = arith.constant 3 : index
      %get3A_334 = arith.constant 0 : index
      %get3A_335 = arith.constant 0 : index
      %get3A_336 = vector.load %arg5[%get3A_333, %get3A_334, %get3A_335] : memref<4x256x1024xbf16, #tpu.memory_space<vmem>>, vector<1x256x1024xbf16>
      %get3A_337 = vector.shape_cast %get3A_336 : vector<1x256x1024xbf16> to vector<256x1024xbf16>
      %dot_general3A_338 = arith.constant dense<0.000000e+00> : vector<64x1024xf32>
      %dot_general3A_339 = tpu.matmul %convert_element_type3A_319, %get3A_337, %dot_general3A_338 {dimension_numbers = #tpu.dot_dimension_numbers<[1], [0], [0], [1], [0, 0, 1, 1], [], []>, transpose_lhs_hint = false} : vector<64x256xbf16>, vector<256x1024xbf16>, vector<64x1024xf32> -> vector<64x1024xf32>
      %add3A_340 = arith.addf %get3A_332, %dot_general3A_339 : vector<64x1024xf32>
      %slice3A_341 = vector.extract_strided_slice %add3A_340 {offsets = [0, 0], sizes = [64, 256], strides = [1, 1]} : vector<64x1024xf32> to vector<64x256xf32>
      %mul3A_342 = arith.constant 5.000000e-01 : f32
      %mul3A_343 = vector.broadcast %mul3A_342 : f32 to vector<64x256xf32>
      %mul3A_344 = arith.mulf %mul3A_343, %slice3A_341 : vector<64x256xf32>
      %tanh3A_345 = math.tanh %mul3A_344 : vector<64x256xf32>
      %mul3A_346 = arith.constant 5.000000e-01 : f32
      %mul3A_347 = vector.broadcast %mul3A_346 : f32 to vector<64x256xf32>
      %mul3A_348 = arith.mulf %mul3A_347, %tanh3A_345 : vector<64x256xf32>
      %add3A_349 = arith.constant 5.000000e-01 : f32
      %add3A_350 = vector.broadcast %add3A_349 : f32 to vector<64x256xf32>
      %add3A_351 = arith.addf %mul3A_348, %add3A_350 : vector<64x256xf32>
      %slice3A_352 = vector.extract_strided_slice %add3A_340 {offsets = [0, 256], sizes = [64, 256], strides = [1, 1]} : vector<64x1024xf32> to vector<64x256xf32>
      %mul3A_353 = arith.constant 5.000000e-01 : f32
      %mul3A_354 = vector.broadcast %mul3A_353 : f32 to vector<64x256xf32>
      %mul3A_355 = arith.mulf %mul3A_354, %slice3A_352 : vector<64x256xf32>
      %tanh3A_356 = math.tanh %mul3A_355 : vector<64x256xf32>
      %mul3A_357 = arith.constant 5.000000e-01 : f32
      %mul3A_358 = vector.broadcast %mul3A_357 : f32 to vector<64x256xf32>
      %mul3A_359 = arith.mulf %mul3A_358, %tanh3A_356 : vector<64x256xf32>
      %add3A_360 = arith.constant 5.000000e-01 : f32
      %add3A_361 = vector.broadcast %add3A_360 : f32 to vector<64x256xf32>
      %add3A_362 = arith.addf %mul3A_359, %add3A_361 : vector<64x256xf32>
      %slice3A_363 = vector.extract_strided_slice %add3A_340 {offsets = [0, 512], sizes = [64, 256], strides = [1, 1]} : vector<64x1024xf32> to vector<64x256xf32>
      %tanh3A_364 = math.tanh %slice3A_363 : vector<64x256xf32>
      %slice3A_365 = vector.extract_strided_slice %add3A_340 {offsets = [0, 768], sizes = [64, 256], strides = [1, 1]} : vector<64x1024xf32> to vector<64x256xf32>
      %mul3A_366 = arith.constant 5.000000e-01 : f32
      %mul3A_367 = vector.broadcast %mul3A_366 : f32 to vector<64x256xf32>
      %mul3A_368 = arith.mulf %mul3A_367, %slice3A_365 : vector<64x256xf32>
      %tanh3A_369 = math.tanh %mul3A_368 : vector<64x256xf32>
      %mul3A_370 = arith.constant 5.000000e-01 : f32
      %mul3A_371 = vector.broadcast %mul3A_370 : f32 to vector<64x256xf32>
      %mul3A_372 = arith.mulf %mul3A_371, %tanh3A_369 : vector<64x256xf32>
      %add3A_373 = arith.constant 5.000000e-01 : f32
      %add3A_374 = vector.broadcast %add3A_373 : f32 to vector<64x256xf32>
      %add3A_375 = arith.addf %mul3A_372, %add3A_374 : vector<64x256xf32>
      %mul3A_376 = arith.mulf %add3A_362, %add3A_316 : vector<64x256xf32>
      %mul3A_377 = arith.mulf %add3A_351, %tanh3A_364 : vector<64x256xf32>
      %add3A_378 = arith.addf %mul3A_376, %mul3A_377 : vector<64x256xf32>
      %tanh3A_379 = math.tanh %add3A_378 : vector<64x256xf32>
      %mul3A_380 = arith.mulf %add3A_375, %tanh3A_379 : vector<64x256xf32>
      %convert_element_type3A_381 = arith.truncf %mul3A_380 : vector<64x256xf32> to vector<64x256xbf16>
      %reshape3A_382 = vector.shape_cast %mul3A_380 : vector<64x256xf32> to vector<64x1x256xf32>
      %swap3A_383 = arith.constant 0 : index
      %swap3A_384 = arith.index_cast %add3A_326 : i32 to index
      %swap3A_385 = arith.constant 0 : index
      %swap3A_386 = vector.load %arg7[%swap3A_383, %swap3A_384, %swap3A_385] : memref<64x64x256xf32, #tpu.memory_space<vmem>>, vector<64x1x256xf32>
      tpu.vector_store %arg7[%swap3A_383, %swap3A_384, %swap3A_385], %reshape3A_382 {strides = array<i32>} : memref<64x64x256xf32, #tpu.memory_space<vmem>>, vector<64x1x256xf32>,
      %add3A_387 = arith.constant -4 : i32
      %add3A_388 = arith.addi %sub3A_142, %add3A_387 : i32
      %mul3A_389 = arith.constant 64 : i32
      %mul3A_390 = arith.muli %add3A_388, %mul3A_389 : i32
      %multiple_of3A_391 = tpu.assume_multiple %mul3A_390, 64 : i32
      %get3A_392 = arith.index_cast %multiple_of3A_391 : i32 to index
      %get3A_393 = arith.constant 0 : index
      %get3A_394 = vector.load %arg9[%get3A_392, %get3A_393] : memref<4096x1024xf32, #tpu.memory_space<vmem>>, vector<64x1024xf32>
      %get3A_395 = arith.constant 3 : index
      %get3A_396 = arith.constant 0 : index
      %get3A_397 = arith.constant 0 : index
      %get3A_398 = vector.load %arg5[%get3A_395, %get3A_396, %get3A_397] : memref<4x256x1024xbf16, #tpu.memory_space<vmem>>, vector<1x256x1024xbf16>
      %get3A_399 = vector.shape_cast %get3A_398 : vector<1x256x1024xbf16> to vector<256x1024xbf16>
      %dot_general3A_400 = arith.constant dense<0.000000e+00> : vector<64x1024xf32>
      %dot_general3A_401 = tpu.matmul %convert_element_type3A_381, %get3A_399, %dot_general3A_400 {dimension_numbers = #tpu.dot_dimension_numbers<[1], [0], [0], [1], [0, 0, 1, 1], [], []>, transpose_lhs_hint = false} : vector<64x256xbf16>, vector<256x1024xbf16>, vector<64x1024xf32> -> vector<64x1024xf32>
      %add3A_402 = arith.addf %get3A_394, %dot_general3A_401 : vector<64x1024xf32>
      %slice3A_403 = vector.extract_strided_slice %add3A_402 {offsets = [0, 0], sizes = [64, 256], strides = [1, 1]} : vector<64x1024xf32> to vector<64x256xf32>
      %mul3A_404 = arith.constant 5.000000e-01 : f32
      %mul3A_405 = vector.broadcast %mul3A_404 : f32 to vector<64x256xf32>
      %mul3A_406 = arith.mulf %mul3A_405, %slice3A_403 : vector<64x256xf32>
      %tanh3A_407 = math.tanh %mul3A_406 : vector<64x256xf32>
      %mul3A_408 = arith.constant 5.000000e-01 : f32
      %mul3A_409 = vector.broadcast %mul3A_408 : f32 to vector<64x256xf32>
      %mul3A_410 = arith.mulf %mul3A_409, %tanh3A_407 : vector<64x256xf32>
      %add3A_411 = arith.constant 5.000000e-01 : f32
      %add3A_412 = vector.broadcast %add3A_411 : f32 to vector<64x256xf32>
      %add3A_413 = arith.addf %mul3A_410, %add3A_412 : vector<64x256xf32>
      %slice3A_414 = vector.extract_strided_slice %add3A_402 {offsets = [0, 256], sizes = [64, 256], strides = [1, 1]} : vector<64x1024xf32> to vector<64x256xf32>
      %mul3A_415 = arith.constant 5.000000e-01 : f32
      %mul3A_416 = vector.broadcast %mul3A_415 : f32 to vector<64x256xf32>
      %mul3A_417 = arith.mulf %mul3A_416, %slice3A_414 : vector<64x256xf32>
      %tanh3A_418 = math.tanh %mul3A_417 : vector<64x256xf32>
      %mul3A_419 = arith.constant 5.000000e-01 : f32
      %mul3A_420 = vector.broadcast %mul3A_419 : f32 to vector<64x256xf32>
      %mul3A_421 = arith.mulf %mul3A_420, %tanh3A_418 : vector<64x256xf32>
      %add3A_422 = arith.constant 5.000000e-01 : f32
      %add3A_423 = vector.broadcast %add3A_422 : f32 to vector<64x256xf32>
      %add3A_424 = arith.addf %mul3A_421, %add3A_423 : vector<64x256xf32>
      %slice3A_425 = vector.extract_strided_slice %add3A_402 {offsets = [0, 512], sizes = [64, 256], strides = [1, 1]} : vector<64x1024xf32> to vector<64x256xf32>
      %tanh3A_426 = math.tanh %slice3A_425 : vector<64x256xf32>
      %slice3A_427 = vector.extract_strided_slice %add3A_402 {offsets = [0, 768], sizes = [64, 256], strides = [1, 1]} : vector<64x1024xf32> to vector<64x256xf32>
      %mul3A_428 = arith.constant 5.000000e-01 : f32
      %mul3A_429 = vector.broadcast %mul3A_428 : f32 to vector<64x256xf32>
      %mul3A_430 = arith.mulf %mul3A_429, %slice3A_427 : vector<64x256xf32>
      %tanh3A_431 = math.tanh %mul3A_430 : vector<64x256xf32>
      %mul3A_432 = arith.constant 5.000000e-01 : f32
      %mul3A_433 = vector.broadcast %mul3A_432 : f32 to vector<64x256xf32>
      %mul3A_434 = arith.mulf %mul3A_433, %tanh3A_431 : vector<64x256xf32>
      %add3A_435 = arith.constant 5.000000e-01 : f32
      %add3A_436 = vector.broadcast %add3A_435 : f32 to vector<64x256xf32>
      %add3A_437 = arith.addf %mul3A_434, %add3A_436 : vector<64x256xf32>
      %mul3A_438 = arith.mulf %add3A_424, %add3A_378 : vector<64x256xf32>
      %mul3A_439 = arith.mulf %add3A_413, %tanh3A_426 : vector<64x256xf32>
      %add3A_440 = arith.addf %mul3A_438, %mul3A_439 : vector<64x256xf32>
      %tanh3A_441 = math.tanh %add3A_440 : vector<64x256xf32>
      %mul3A_442 = arith.mulf %add3A_437, %tanh3A_441 : vector<64x256xf32>
      %convert_element_type3A_443 = arith.truncf %mul3A_442 : vector<64x256xf32> to vector<64x256xbf16>
      %reshape3A_444 = vector.shape_cast %mul3A_442 : vector<64x256xf32> to vector<64x1x256xf32>
      %swap3A_445 = arith.constant 0 : index
      %swap3A_446 = arith.index_cast %add3A_388 : i32 to index
      %swap3A_447 = arith.constant 0 : index
      %swap3A_448 = vector.load %arg7[%swap3A_445, %swap3A_446, %swap3A_447] : memref<64x64x256xf32, #tpu.memory_space<vmem>>, vector<64x1x256xf32>
      tpu.vector_store %arg7[%swap3A_445, %swap3A_446, %swap3A_447], %reshape3A_444 {strides = array<i32>} : memref<64x64x256xf32, #tpu.memory_space<vmem>>, vector<64x1x256xf32>,
      %add3A_449 = arith.constant -5 : i32
      %add3A_450 = arith.addi %sub3A_142, %add3A_449 : i32
      %mul3A_451 = arith.constant 64 : i32
      %mul3A_452 = arith.muli %add3A_450, %mul3A_451 : i32
      %multiple_of3A_453 = tpu.assume_multiple %mul3A_452, 64 : i32
      %get3A_454 = arith.index_cast %multiple_of3A_453 : i32 to index
      %get3A_455 = arith.constant 0 : index
      %get3A_456 = vector.load %arg9[%get3A_454, %get3A_455] : memref<4096x1024xf32, #tpu.memory_space<vmem>>, vector<64x1024xf32>
      %get3A_457 = arith.constant 3 : index
      %get3A_458 = arith.constant 0 : index
      %get3A_459 = arith.constant 0 : index
      %get3A_460 = vector.load %arg5[%get3A_457, %get3A_458, %get3A_459] : memref<4x256x1024xbf16, #tpu.memory_space<vmem>>, vector<1x256x1024xbf16>
      %get3A_461 = vector.shape_cast %get3A_460 : vector<1x256x1024xbf16> to vector<256x1024xbf16>
      %dot_general3A_462 = arith.constant dense<0.000000e+00> : vector<64x1024xf32>
      %dot_general3A_463 = tpu.matmul %convert_element_type3A_443, %get3A_461, %dot_general3A_462 {dimension_numbers = #tpu.dot_dimension_numbers<[1], [0], [0], [1], [0, 0, 1, 1], [], []>, transpose_lhs_hint = false} : vector<64x256xbf16>, vector<256x1024xbf16>, vector<64x1024xf32> -> vector<64x1024xf32>
      %add3A_464 = arith.addf %get3A_456, %dot_general3A_463 : vector<64x1024xf32>
      %slice3A_465 = vector.extract_strided_slice %add3A_464 {offsets = [0, 0], sizes = [64, 256], strides = [1, 1]} : vector<64x1024xf32> to vector<64x256xf32>
      %mul3A_466 = arith.constant 5.000000e-01 : f32
      %mul3A_467 = vector.broadcast %mul3A_466 : f32 to vector<64x256xf32>
      %mul3A_468 = arith.mulf %mul3A_467, %slice3A_465 : vector<64x256xf32>
      %tanh3A_469 = math.tanh %mul3A_468 : vector<64x256xf32>
      %mul3A_470 = arith.constant 5.000000e-01 : f32
      %mul3A_471 = vector.broadcast %mul3A_470 : f32 to vector<64x256xf32>
      %mul3A_472 = arith.mulf %mul3A_471, %tanh3A_469 : vector<64x256xf32>
      %add3A_473 = arith.constant 5.000000e-01 : f32
      %add3A_474 = vector.broadcast %add3A_473 : f32 to vector<64x256xf32>
      %add3A_475 = arith.addf %mul3A_472, %add3A_474 : vector<64x256xf32>
      %slice3A_476 = vector.extract_strided_slice %add3A_464 {offsets = [0, 256], sizes = [64, 256], strides = [1, 1]} : vector<64x1024xf32> to vector<64x256xf32>
      %mul3A_477 = arith.constant 5.000000e-01 : f32
      %mul3A_478 = vector.broadcast %mul3A_477 : f32 to vector<64x256xf32>
      %mul3A_479 = arith.mulf %mul3A_478, %slice3A_476 : vector<64x256xf32>
      %tanh3A_480 = math.tanh %mul3A_479 : vector<64x256xf32>
      %mul3A_481 = arith.constant 5.000000e-01 : f32
      %mul3A_482 = vector.broadcast %mul3A_481 : f32 to vector<64x256xf32>
      %mul3A_483 = arith.mulf %mul3A_482, %tanh3A_480 : vector<64x256xf32>
      %add3A_484 = arith.constant 5.000000e-01 : f32
      %add3A_485 = vector.broadcast %add3A_484 : f32 to vector<64x256xf32>
      %add3A_486 = arith.addf %mul3A_483, %add3A_485 : vector<64x256xf32>
      %slice3A_487 = vector.extract_strided_slice %add3A_464 {offsets = [0, 512], sizes = [64, 256], strides = [1, 1]} : vector<64x1024xf32> to vector<64x256xf32>
      %tanh3A_488 = math.tanh %slice3A_487 : vector<64x256xf32>
      %slice3A_489 = vector.extract_strided_slice %add3A_464 {offsets = [0, 768], sizes = [64, 256], strides = [1, 1]} : vector<64x1024xf32> to vector<64x256xf32>
      %mul3A_490 = arith.constant 5.000000e-01 : f32
      %mul3A_491 = vector.broadcast %mul3A_490 : f32 to vector<64x256xf32>
      %mul3A_492 = arith.mulf %mul3A_491, %slice3A_489 : vector<64x256xf32>
      %tanh3A_493 = math.tanh %mul3A_492 : vector<64x256xf32>
      %mul3A_494 = arith.constant 5.000000e-01 : f32
      %mul3A_495 = vector.broadcast %mul3A_494 : f32 to vector<64x256xf32>
      %mul3A_496 = arith.mulf %mul3A_495, %tanh3A_493 : vector<64x256xf32>
      %add3A_497 = arith.constant 5.000000e-01 : f32
      %add3A_498 = vector.broadcast %add3A_497 : f32 to vector<64x256xf32>
      %add3A_499 = arith.addf %mul3A_496, %add3A_498 : vector<64x256xf32>
      %mul3A_500 = arith.mulf %add3A_486, %add3A_440 : vector<64x256xf32>
      %mul3A_501 = arith.mulf %add3A_475, %tanh3A_488 : vector<64x256xf32>
      %add3A_502 = arith.addf %mul3A_500, %mul3A_501 : vector<64x256xf32>
      %tanh3A_503 = math.tanh %add3A_502 : vector<64x256xf32>
      %mul3A_504 = arith.mulf %add3A_499, %tanh3A_503 : vector<64x256xf32>
      %convert_element_type3A_505 = arith.truncf %mul3A_504 : vector<64x256xf32> to vector<64x256xbf16>
      %reshape3A_506 = vector.shape_cast %mul3A_504 : vector<64x256xf32> to vector<64x1x256xf32>
      %swap3A_507 = arith.constant 0 : index
      %swap3A_508 = arith.index_cast %add3A_450 : i32 to index
      %swap3A_509 = arith.constant 0 : index
      %swap3A_510 = vector.load %arg7[%swap3A_507, %swap3A_508, %swap3A_509] : memref<64x64x256xf32, #tpu.memory_space<vmem>>, vector<64x1x256xf32>
      tpu.vector_store %arg7[%swap3A_507, %swap3A_508, %swap3A_509], %reshape3A_506 {strides = array<i32>} : memref<64x64x256xf32, #tpu.memory_space<vmem>>, vector<64x1x256xf32>,
      %add3A_511 = arith.constant -6 : i32
      %add3A_512 = arith.addi %sub3A_142, %add3A_511 : i32
      %mul3A_513 = arith.constant 64 : i32
      %mul3A_514 = arith.muli %add3A_512, %mul3A_513 : i32
      %multiple_of3A_515 = tpu.assume_multiple %mul3A_514, 64 : i32
      %get3A_516 = arith.index_cast %multiple_of3A_515 : i32 to index
      %get3A_517 = arith.constant 0 : index
      %get3A_518 = vector.load %arg9[%get3A_516, %get3A_517] : memref<4096x1024xf32, #tpu.memory_space<vmem>>, vector<64x1024xf32>
      %get3A_519 = arith.constant 3 : index
      %get3A_520 = arith.constant 0 : index
      %get3A_521 = arith.constant 0 : index
      %get3A_522 = vector.load %arg5[%get3A_519, %get3A_520, %get3A_521] : memref<4x256x1024xbf16, #tpu.memory_space<vmem>>, vector<1x256x1024xbf16>
      %get3A_523 = vector.shape_cast %get3A_522 : vector<1x256x1024xbf16> to vector<256x1024xbf16>
      %dot_general3A_524 = arith.constant dense<0.000000e+00> : vector<64x1024xf32>
      %dot_general3A_525 = tpu.matmul %convert_element_type3A_505, %get3A_523, %dot_general3A_524 {dimension_numbers = #tpu.dot_dimension_numbers<[1], [0], [0], [1], [0, 0, 1, 1], [], []>, transpose_lhs_hint = false} : vector<64x256xbf16>, vector<256x1024xbf16>, vector<64x1024xf32> -> vector<64x1024xf32>
      %add3A_526 = arith.addf %get3A_518, %dot_general3A_525 : vector<64x1024xf32>
      %slice3A_527 = vector.extract_strided_slice %add3A_526 {offsets = [0, 0], sizes = [64, 256], strides = [1, 1]} : vector<64x1024xf32> to vector<64x256xf32>
      %mul3A_528 = arith.constant 5.000000e-01 : f32
      %mul3A_529 = vector.broadcast %mul3A_528 : f32 to vector<64x256xf32>
      %mul3A_530 = arith.mulf %mul3A_529, %slice3A_527 : vector<64x256xf32>
      %tanh3A_531 = math.tanh %mul3A_530 : vector<64x256xf32>
      %mul3A_532 = arith.constant 5.000000e-01 : f32
      %mul3A_533 = vector.broadcast %mul3A_532 : f32 to vector<64x256xf32>
      %mul3A_534 = arith.mulf %mul3A_533, %tanh3A_531 : vector<64x256xf32>
      %add3A_535 = arith.constant 5.000000e-01 : f32
      %add3A_536 = vector.broadcast %add3A_535 : f32 to vector<64x256xf32>
      %add3A_537 = arith.addf %mul3A_534, %add3A_536 : vector<64x256xf32>
      %slice3A_538 = vector.extract_strided_slice %add3A_526 {offsets = [0, 256], sizes = [64, 256], strides = [1, 1]} : vector<64x1024xf32> to vector<64x256xf32>
      %mul3A_539 = arith.constant 5.000000e-01 : f32
      %mul3A_540 = vector.broadcast %mul3A_539 : f32 to vector<64x256xf32>
      %mul3A_541 = arith.mulf %mul3A_540, %slice3A_538 : vector<64x256xf32>
      %tanh3A_542 = math.tanh %mul3A_541 : vector<64x256xf32>
      %mul3A_543 = arith.constant 5.000000e-01 : f32
      %mul3A_544 = vector.broadcast %mul3A_543 : f32 to vector<64x256xf32>
      %mul3A_545 = arith.mulf %mul3A_544, %tanh3A_542 : vector<64x256xf32>
      %add3A_546 = arith.constant 5.000000e-01 : f32
      %add3A_547 = vector.broadcast %add3A_546 : f32 to vector<64x256xf32>
      %add3A_548 = arith.addf %mul3A_545, %add3A_547 : vector<64x256xf32>
      %slice3A_549 = vector.extract_strided_slice %add3A_526 {offsets = [0, 512], sizes = [64, 256], strides = [1, 1]} : vector<64x1024xf32> to vector<64x256xf32>
      %tanh3A_550 = math.tanh %slice3A_549 : vector<64x256xf32>
      %slice3A_551 = vector.extract_strided_slice %add3A_526 {offsets = [0, 768], sizes = [64, 256], strides = [1, 1]} : vector<64x1024xf32> to vector<64x256xf32>
      %mul3A_552 = arith.constant 5.000000e-01 : f32
      %mul3A_553 = vector.broadcast %mul3A_552 : f32 to vector<64x256xf32>
      %mul3A_554 = arith.mulf %mul3A_553, %slice3A_551 : vector<64x256xf32>
      %tanh3A_555 = math.tanh %mul3A_554 : vector<64x256xf32>
      %mul3A_556 = arith.constant 5.000000e-01 : f32
      %mul3A_557 = vector.broadcast %mul3A_556 : f32 to vector<64x256xf32>
      %mul3A_558 = arith.mulf %mul3A_557, %tanh3A_555 : vector<64x256xf32>
      %add3A_559 = arith.constant 5.000000e-01 : f32
      %add3A_560 = vector.broadcast %add3A_559 : f32 to vector<64x256xf32>
      %add3A_561 = arith.addf %mul3A_558, %add3A_560 : vector<64x256xf32>
      %mul3A_562 = arith.mulf %add3A_548, %add3A_502 : vector<64x256xf32>
      %mul3A_563 = arith.mulf %add3A_537, %tanh3A_550 : vector<64x256xf32>
      %add3A_564 = arith.addf %mul3A_562, %mul3A_563 : vector<64x256xf32>
      %tanh3A_565 = math.tanh %add3A_564 : vector<64x256xf32>
      %mul3A_566 = arith.mulf %add3A_561, %tanh3A_565 : vector<64x256xf32>
      %convert_element_type3A_567 = arith.truncf %mul3A_566 : vector<64x256xf32> to vector<64x256xbf16>
      %reshape3A_568 = vector.shape_cast %mul3A_566 : vector<64x256xf32> to vector<64x1x256xf32>
      %swap3A_569 = arith.constant 0 : index
      %swap3A_570 = arith.index_cast %add3A_512 : i32 to index
      %swap3A_571 = arith.constant 0 : index
      %swap3A_572 = vector.load %arg7[%swap3A_569, %swap3A_570, %swap3A_571] : memref<64x64x256xf32, #tpu.memory_space<vmem>>, vector<64x1x256xf32>
      tpu.vector_store %arg7[%swap3A_569, %swap3A_570, %swap3A_571], %reshape3A_568 {strides = array<i32>} : memref<64x64x256xf32, #tpu.memory_space<vmem>>, vector<64x1x256xf32>,
      %add3A_573 = arith.constant -7 : i32
      %add3A_574 = arith.addi %sub3A_142, %add3A_573 : i32
      %mul3A_575 = arith.constant 64 : i32
      %mul3A_576 = arith.muli %add3A_574, %mul3A_575 : i32
      %multiple_of3A_577 = tpu.assume_multiple %mul3A_576, 64 : i32
      %get3A_578 = arith.index_cast %multiple_of3A_577 : i32 to index
      %get3A_579 = arith.constant 0 : index
      %get3A_580 = vector.load %arg9[%get3A_578, %get3A_579] : memref<4096x1024xf32, #tpu.memory_space<vmem>>, vector<64x1024xf32>
      %get3A_581 = arith.constant 3 : index
      %get3A_582 = arith.constant 0 : index
      %get3A_583 = arith.constant 0 : index
      %get3A_584 = vector.load %arg5[%get3A_581, %get3A_582, %get3A_583] : memref<4x256x1024xbf16, #tpu.memory_space<vmem>>, vector<1x256x1024xbf16>
      %get3A_585 = vector.shape_cast %get3A_584 : vector<1x256x1024xbf16> to vector<256x1024xbf16>
      %dot_general3A_586 = arith.constant dense<0.000000e+00> : vector<64x1024xf32>
      %dot_general3A_587 = tpu.matmul %convert_element_type3A_567, %get3A_585, %dot_general3A_586 {dimension_numbers = #tpu.dot_dimension_numbers<[1], [0], [0], [1], [0, 0, 1, 1], [], []>, transpose_lhs_hint = false} : vector<64x256xbf16>, vector<256x1024xbf16>, vector<64x1024xf32> -> vector<64x1024xf32>
      %add3A_588 = arith.addf %get3A_580, %dot_general3A_587 : vector<64x1024xf32>
      %slice3A_589 = vector.extract_strided_slice %add3A_588 {offsets = [0, 0], sizes = [64, 256], strides = [1, 1]} : vector<64x1024xf32> to vector<64x256xf32>
      %mul3A_590 = arith.constant 5.000000e-01 : f32
      %mul3A_591 = vector.broadcast %mul3A_590 : f32 to vector<64x256xf32>
      %mul3A_592 = arith.mulf %mul3A_591, %slice3A_589 : vector<64x256xf32>
      %tanh3A_593 = math.tanh %mul3A_592 : vector<64x256xf32>
      %mul3A_594 = arith.constant 5.000000e-01 : f32
      %mul3A_595 = vector.broadcast %mul3A_594 : f32 to vector<64x256xf32>
      %mul3A_596 = arith.mulf %mul3A_595, %tanh3A_593 : vector<64x256xf32>
      %add3A_597 = arith.constant 5.000000e-01 : f32
      %add3A_598 = vector.broadcast %add3A_597 : f32 to vector<64x256xf32>
      %add3A_599 = arith.addf %mul3A_596, %add3A_598 : vector<64x256xf32>
      %slice3A_600 = vector.extract_strided_slice %add3A_588 {offsets = [0, 256], sizes = [64, 256], strides = [1, 1]} : vector<64x1024xf32> to vector<64x256xf32>
      %mul3A_601 = arith.constant 5.000000e-01 : f32
      %mul3A_602 = vector.broadcast %mul3A_601 : f32 to vector<64x256xf32>
      %mul3A_603 = arith.mulf %mul3A_602, %slice3A_600 : vector<64x256xf32>
      %tanh3A_604 = math.tanh %mul3A_603 : vector<64x256xf32>
      %mul3A_605 = arith.constant 5.000000e-01 : f32
      %mul3A_606 = vector.broadcast %mul3A_605 : f32 to vector<64x256xf32>
      %mul3A_607 = arith.mulf %mul3A_606, %tanh3A_604 : vector<64x256xf32>
      %add3A_608 = arith.constant 5.000000e-01 : f32
      %add3A_609 = vector.broadcast %add3A_608 : f32 to vector<64x256xf32>
      %add3A_610 = arith.addf %mul3A_607, %add3A_609 : vector<64x256xf32>
      %slice3A_611 = vector.extract_strided_slice %add3A_588 {offsets = [0, 512], sizes = [64, 256], strides = [1, 1]} : vector<64x1024xf32> to vector<64x256xf32>
      %tanh3A_612 = math.tanh %slice3A_611 : vector<64x256xf32>
      %slice3A_613 = vector.extract_strided_slice %add3A_588 {offsets = [0, 768], sizes = [64, 256], strides = [1, 1]} : vector<64x1024xf32> to vector<64x256xf32>
      %mul3A_614 = arith.constant 5.000000e-01 : f32
      %mul3A_615 = vector.broadcast %mul3A_614 : f32 to vector<64x256xf32>
      %mul3A_616 = arith.mulf %mul3A_615, %slice3A_613 : vector<64x256xf32>
      %tanh3A_617 = math.tanh %mul3A_616 : vector<64x256xf32>
      %mul3A_618 = arith.constant 5.000000e-01 : f32
      %mul3A_619 = vector.broadcast %mul3A_618 : f32 to vector<64x256xf32>
      %mul3A_620 = arith.mulf %mul3A_619, %tanh3A_617 : vector<64x256xf32>
      %add3A_621 = arith.constant 5.000000e-01 : f32
      %add3A_622 = vector.broadcast %add3A_621 : f32 to vector<64x256xf32>
      %add3A_623 = arith.addf %mul3A_620, %add3A_622 : vector<64x256xf32>
      %mul3A_624 = arith.mulf %add3A_610, %add3A_564 : vector<64x256xf32>
      %mul3A_625 = arith.mulf %add3A_599, %tanh3A_612 : vector<64x256xf32>
      %add3A_626 = arith.addf %mul3A_624, %mul3A_625 : vector<64x256xf32>
      %tanh3A_627 = math.tanh %add3A_626 : vector<64x256xf32>
      %mul3A_628 = arith.mulf %add3A_623, %tanh3A_627 : vector<64x256xf32>
      %convert_element_type3A_629 = arith.truncf %mul3A_628 : vector<64x256xf32> to vector<64x256xbf16>
      %reshape3A_630 = vector.shape_cast %mul3A_628 : vector<64x256xf32> to vector<64x1x256xf32>
      %swap3A_631 = arith.constant 0 : index
      %swap3A_632 = arith.index_cast %add3A_574 : i32 to index
      %swap3A_633 = arith.constant 0 : index
      %swap3A_634 = vector.load %arg7[%swap3A_631, %swap3A_632, %swap3A_633] : memref<64x64x256xf32, #tpu.memory_space<vmem>>, vector<64x1x256xf32>
      tpu.vector_store %arg7[%swap3A_631, %swap3A_632, %swap3A_633], %reshape3A_630 {strides = array<i32>} : memref<64x64x256xf32, #tpu.memory_space<vmem>>, vector<64x1x256xf32>,
      %add3A_635 = arith.constant -8 : i32
      %add3A_636 = arith.addi %sub3A_142, %add3A_635 : i32
      %mul3A_637 = arith.constant 64 : i32
      %mul3A_638 = arith.muli %add3A_636, %mul3A_637 : i32
      %multiple_of3A_639 = tpu.assume_multiple %mul3A_638, 64 : i32
      %get3A_640 = arith.index_cast %multiple_of3A_639 : i32 to index
      %get3A_641 = arith.constant 0 : index
      %get3A_642 = vector.load %arg9[%get3A_640, %get3A_641] : memref<4096x1024xf32, #tpu.memory_space<vmem>>, vector<64x1024xf32>
      %get3A_643 = arith.constant 3 : index
      %get3A_644 = arith.constant 0 : index
      %get3A_645 = arith.constant 0 : index
      %get3A_646 = vector.load %arg5[%get3A_643, %get3A_644, %get3A_645] : memref<4x256x1024xbf16, #tpu.memory_space<vmem>>, vector<1x256x1024xbf16>
      %get3A_647 = vector.shape_cast %get3A_646 : vector<1x256x1024xbf16> to vector<256x1024xbf16>
      %dot_general3A_648 = arith.constant dense<0.000000e+00> : vector<64x1024xf32>
      %dot_general3A_649 = tpu.matmul %convert_element_type3A_629, %get3A_647, %dot_general3A_648 {dimension_numbers = #tpu.dot_dimension_numbers<[1], [0], [0], [1], [0, 0, 1, 1], [], []>, transpose_lhs_hint = false} : vector<64x256xbf16>, vector<256x1024xbf16>, vector<64x1024xf32> -> vector<64x1024xf32>
      %add3A_650 = arith.addf %get3A_642, %dot_general3A_649 : vector<64x1024xf32>
      %slice3A_651 = vector.extract_strided_slice %add3A_650 {offsets = [0, 0], sizes = [64, 256], strides = [1, 1]} : vector<64x1024xf32> to vector<64x256xf32>
      %mul3A_652 = arith.constant 5.000000e-01 : f32
      %mul3A_653 = vector.broadcast %mul3A_652 : f32 to vector<64x256xf32>
      %mul3A_654 = arith.mulf %mul3A_653, %slice3A_651 : vector<64x256xf32>
      %tanh3A_655 = math.tanh %mul3A_654 : vector<64x256xf32>
      %mul3A_656 = arith.constant 5.000000e-01 : f32
      %mul3A_657 = vector.broadcast %mul3A_656 : f32 to vector<64x256xf32>
      %mul3A_658 = arith.mulf %mul3A_657, %tanh3A_655 : vector<64x256xf32>
      %add3A_659 = arith.constant 5.000000e-01 : f32
      %add3A_660 = vector.broadcast %add3A_659 : f32 to vector<64x256xf32>
      %add3A_661 = arith.addf %mul3A_658, %add3A_660 : vector<64x256xf32>
      %slice3A_662 = vector.extract_strided_slice %add3A_650 {offsets = [0, 256], sizes = [64, 256], strides = [1, 1]} : vector<64x1024xf32> to vector<64x256xf32>
      %mul3A_663 = arith.constant 5.000000e-01 : f32
      %mul3A_664 = vector.broadcast %mul3A_663 : f32 to vector<64x256xf32>
      %mul3A_665 = arith.mulf %mul3A_664, %slice3A_662 : vector<64x256xf32>
      %tanh3A_666 = math.tanh %mul3A_665 : vector<64x256xf32>
      %mul3A_667 = arith.constant 5.000000e-01 : f32
      %mul3A_668 = vector.broadcast %mul3A_667 : f32 to vector<64x256xf32>
      %mul3A_669 = arith.mulf %mul3A_668, %tanh3A_666 : vector<64x256xf32>
      %add3A_670 = arith.constant 5.000000e-01 : f32
      %add3A_671 = vector.broadcast %add3A_670 : f32 to vector<64x256xf32>
      %add3A_672 = arith.addf %mul3A_669, %add3A_671 : vector<64x256xf32>
      %slice3A_673 = vector.extract_strided_slice %add3A_650 {offsets = [0, 512], sizes = [64, 256], strides = [1, 1]} : vector<64x1024xf32> to vector<64x256xf32>
      %tanh3A_674 = math.tanh %slice3A_673 : vector<64x256xf32>
      %slice3A_675 = vector.extract_strided_slice %add3A_650 {offsets = [0, 768], sizes = [64, 256], strides = [1, 1]} : vector<64x1024xf32> to vector<64x256xf32>
      %mul3A_676 = arith.constant 5.000000e-01 : f32
      %mul3A_677 = vector.broadcast %mul3A_676 : f32 to vector<64x256xf32>
      %mul3A_678 = arith.mulf %mul3A_677, %slice3A_675 : vector<64x256xf32>
      %tanh3A_679 = math.tanh %mul3A_678 : vector<64x256xf32>
      %mul3A_680 = arith.constant 5.000000e-01 : f32
      %mul3A_681 = vector.broadcast %mul3A_680 : f32 to vector<64x256xf32>
      %mul3A_682 = arith.mulf %mul3A_681, %tanh3A_679 : vector<64x256xf32>
      %add3A_683 = arith.constant 5.000000e-01 : f32
      %add3A_684 = vector.broadcast %add3A_683 : f32 to vector<64x256xf32>
      %add3A_685 = arith.addf %mul3A_682, %add3A_684 : vector<64x256xf32>
      %mul3A_686 = arith.mulf %add3A_672, %add3A_626 : vector<64x256xf32>
      %mul3A_687 = arith.mulf %add3A_661, %tanh3A_674 : vector<64x256xf32>
      %add3A_688 = arith.addf %mul3A_686, %mul3A_687 : vector<64x256xf32>
      %tanh3A_689 = math.tanh %add3A_688 : vector<64x256xf32>
      %mul3A_690 = arith.mulf %add3A_685, %tanh3A_689 : vector<64x256xf32>
      %convert_element_type3A_691 = arith.truncf %mul3A_690 : vector<64x256xf32> to vector<64x256xbf16>
      %reshape3A_692 = vector.shape_cast %mul3A_690 : vector<64x256xf32> to vector<64x1x256xf32>
      %swap3A_693 = arith.constant 0 : index
      %swap3A_694 = arith.index_cast %add3A_636 : i32 to index
      %swap3A_695 = arith.constant 0 : index
      %swap3A_696 = vector.load %arg7[%swap3A_693, %swap3A_694, %swap3A_695] : memref<64x64x256xf32, #tpu.memory_space<vmem>>, vector<64x1x256xf32>
      tpu.vector_store %arg7[%swap3A_693, %swap3A_694, %swap3A_695], %reshape3A_692 {strides = array<i32>} : memref<64x64x256xf32, #tpu.memory_space<vmem>>, vector<64x1x256xf32>,
      %add3A_697 = arith.constant -9 : i32
      %add3A_698 = arith.addi %sub3A_142, %add3A_697 : i32
      %mul3A_699 = arith.constant 64 : i32
      %mul3A_700 = arith.muli %add3A_698, %mul3A_699 : i32
      %multiple_of3A_701 = tpu.assume_multiple %mul3A_700, 64 : i32
      %get3A_702 = arith.index_cast %multiple_of3A_701 : i32 to index
      %get3A_703 = arith.constant 0 : index
      %get3A_704 = vector.load %arg9[%get3A_702, %get3A_703] : memref<4096x1024xf32, #tpu.memory_space<vmem>>, vector<64x1024xf32>
      %get3A_705 = arith.constant 3 : index
      %get3A_706 = arith.constant 0 : index
      %get3A_707 = arith.constant 0 : index
      %get3A_708 = vector.load %arg5[%get3A_705, %get3A_706, %get3A_707] : memref<4x256x1024xbf16, #tpu.memory_space<vmem>>, vector<1x256x1024xbf16>
      %get3A_709 = vector.shape_cast %get3A_708 : vector<1x256x1024xbf16> to vector<256x1024xbf16>
      %dot_general3A_710 = arith.constant dense<0.000000e+00> : vector<64x1024xf32>
      %dot_general3A_711 = tpu.matmul %convert_element_type3A_691, %get3A_709, %dot_general3A_710 {dimension_numbers = #tpu.dot_dimension_numbers<[1], [0], [0], [1], [0, 0, 1, 1], [], []>, transpose_lhs_hint = false} : vector<64x256xbf16>, vector<256x1024xbf16>, vector<64x1024xf32> -> vector<64x1024xf32>
      %add3A_712 = arith.addf %get3A_704, %dot_general3A_711 : vector<64x1024xf32>
      %slice3A_713 = vector.extract_strided_slice %add3A_712 {offsets = [0, 0], sizes = [64, 256], strides = [1, 1]} : vector<64x1024xf32> to vector<64x256xf32>
      %mul3A_714 = arith.constant 5.000000e-01 : f32
      %mul3A_715 = vector.broadcast %mul3A_714 : f32 to vector<64x256xf32>
      %mul3A_716 = arith.mulf %mul3A_715, %slice3A_713 : vector<64x256xf32>
      %tanh3A_717 = math.tanh %mul3A_716 : vector<64x256xf32>
      %mul3A_718 = arith.constant 5.000000e-01 : f32
      %mul3A_719 = vector.broadcast %mul3A_718 : f32 to vector<64x256xf32>
      %mul3A_720 = arith.mulf %mul3A_719, %tanh3A_717 : vector<64x256xf32>
      %add3A_721 = arith.constant 5.000000e-01 : f32
      %add3A_722 = vector.broadcast %add3A_721 : f32 to vector<64x256xf32>
      %add3A_723 = arith.addf %mul3A_720, %add3A_722 : vector<64x256xf32>
      %slice3A_724 = vector.extract_strided_slice %add3A_712 {offsets = [0, 256], sizes = [64, 256], strides = [1, 1]} : vector<64x1024xf32> to vector<64x256xf32>
      %mul3A_725 = arith.constant 5.000000e-01 : f32
      %mul3A_726 = vector.broadcast %mul3A_725 : f32 to vector<64x256xf32>
      %mul3A_727 = arith.mulf %mul3A_726, %slice3A_724 : vector<64x256xf32>
      %tanh3A_728 = math.tanh %mul3A_727 : vector<64x256xf32>
      %mul3A_729 = arith.constant 5.000000e-01 : f32
      %mul3A_730 = vector.broadcast %mul3A_729 : f32 to vector<64x256xf32>
      %mul3A_731 = arith.mulf %mul3A_730, %tanh3A_728 : vector<64x256xf32>
      %add3A_732 = arith.constant 5.000000e-01 : f32
      %add3A_733 = vector.broadcast %add3A_732 : f32 to vector<64x256xf32>
      %add3A_734 = arith.addf %mul3A_731, %add3A_733 : vector<64x256xf32>
      %slice3A_735 = vector.extract_strided_slice %add3A_712 {offsets = [0, 512], sizes = [64, 256], strides = [1, 1]} : vector<64x1024xf32> to vector<64x256xf32>
      %tanh3A_736 = math.tanh %slice3A_735 : vector<64x256xf32>
      %slice3A_737 = vector.extract_strided_slice %add3A_712 {offsets = [0, 768], sizes = [64, 256], strides = [1, 1]} : vector<64x1024xf32> to vector<64x256xf32>
      %mul3A_738 = arith.constant 5.000000e-01 : f32
      %mul3A_739 = vector.broadcast %mul3A_738 : f32 to vector<64x256xf32>
      %mul3A_740 = arith.mulf %mul3A_739, %slice3A_737 : vector<64x256xf32>
      %tanh3A_741 = math.tanh %mul3A_740 : vector<64x256xf32>
      %mul3A_742 = arith.constant 5.000000e-01 : f32
      %mul3A_743 = vector.broadcast %mul3A_742 : f32 to vector<64x256xf32>
      %mul3A_744 = arith.mulf %mul3A_743, %tanh3A_741 : vector<64x256xf32>
      %add3A_745 = arith.constant 5.000000e-01 : f32
      %add3A_746 = vector.broadcast %add3A_745 : f32 to vector<64x256xf32>
      %add3A_747 = arith.addf %mul3A_744, %add3A_746 : vector<64x256xf32>
      %mul3A_748 = arith.mulf %add3A_734, %add3A_688 : vector<64x256xf32>
      %mul3A_749 = arith.mulf %add3A_723, %tanh3A_736 : vector<64x256xf32>
      %add3A_750 = arith.addf %mul3A_748, %mul3A_749 : vector<64x256xf32>
      %tanh3A_751 = math.tanh %add3A_750 : vector<64x256xf32>
      %mul3A_752 = arith.mulf %add3A_747, %tanh3A_751 : vector<64x256xf32>
      %convert_element_type3A_753 = arith.truncf %mul3A_752 : vector<64x256xf32> to vector<64x256xbf16>
      %reshape3A_754 = vector.shape_cast %mul3A_752 : vector<64x256xf32> to vector<64x1x256xf32>
      %swap3A_755 = arith.constant 0 : index
      %swap3A_756 = arith.index_cast %add3A_698 : i32 to index
      %swap3A_757 = arith.constant 0 : index
      %swap3A_758 = vector.load %arg7[%swap3A_755, %swap3A_756, %swap3A_757] : memref<64x64x256xf32, #tpu.memory_space<vmem>>, vector<64x1x256xf32>
      tpu.vector_store %arg7[%swap3A_755, %swap3A_756, %swap3A_757], %reshape3A_754 {strides = array<i32>} : memref<64x64x256xf32, #tpu.memory_space<vmem>>, vector<64x1x256xf32>,
      %add3A_759 = arith.constant -10 : i32
      %add3A_760 = arith.addi %sub3A_142, %add3A_759 : i32
      %mul3A_761 = arith.constant 64 : i32
      %mul3A_762 = arith.muli %add3A_760, %mul3A_761 : i32
      %multiple_of3A_763 = tpu.assume_multiple %mul3A_762, 64 : i32
      %get3A_764 = arith.index_cast %multiple_of3A_763 : i32 to index
      %get3A_765 = arith.constant 0 : index
      %get3A_766 = vector.load %arg9[%get3A_764, %get3A_765] : memref<4096x1024xf32, #tpu.memory_space<vmem>>, vector<64x1024xf32>
      %get3A_767 = arith.constant 3 : index
      %get3A_768 = arith.constant 0 : index
      %get3A_769 = arith.constant 0 : index
      %get3A_770 = vector.load %arg5[%get3A_767, %get3A_768, %get3A_769] : memref<4x256x1024xbf16, #tpu.memory_space<vmem>>, vector<1x256x1024xbf16>
      %get3A_771 = vector.shape_cast %get3A_770 : vector<1x256x1024xbf16> to vector<256x1024xbf16>
      %dot_general3A_772 = arith.constant dense<0.000000e+00> : vector<64x1024xf32>
      %dot_general3A_773 = tpu.matmul %convert_element_type3A_753, %get3A_771, %dot_general3A_772 {dimension_numbers = #tpu.dot_dimension_numbers<[1], [0], [0], [1], [0, 0, 1, 1], [], []>, transpose_lhs_hint = false} : vector<64x256xbf16>, vector<256x1024xbf16>, vector<64x1024xf32> -> vector<64x1024xf32>
      %add3A_774 = arith.addf %get3A_766, %dot_general3A_773 : vector<64x1024xf32>
      %slice3A_775 = vector.extract_strided_slice %add3A_774 {offsets = [0, 0], sizes = [64, 256], strides = [1, 1]} : vector<64x1024xf32> to vector<64x256xf32>
      %mul3A_776 = arith.constant 5.000000e-01 : f32
      %mul3A_777 = vector.broadcast %mul3A_776 : f32 to vector<64x256xf32>
      %mul3A_778 = arith.mulf %mul3A_777, %slice3A_775 : vector<64x256xf32>
      %tanh3A_779 = math.tanh %mul3A_778 : vector<64x256xf32>
      %mul3A_780 = arith.constant 5.000000e-01 : f32
      %mul3A_781 = vector.broadcast %mul3A_780 : f32 to vector<64x256xf32>
      %mul3A_782 = arith.mulf %mul3A_781, %tanh3A_779 : vector<64x256xf32>
      %add3A_783 = arith.constant 5.000000e-01 : f32
      %add3A_784 = vector.broadcast %add3A_783 : f32 to vector<64x256xf32>
      %add3A_785 = arith.addf %mul3A_782, %add3A_784 : vector<64x256xf32>
      %slice3A_786 = vector.extract_strided_slice %add3A_774 {offsets = [0, 256], sizes = [64, 256], strides = [1, 1]} : vector<64x1024xf32> to vector<64x256xf32>
      %mul3A_787 = arith.constant 5.000000e-01 : f32
      %mul3A_788 = vector.broadcast %mul3A_787 : f32 to vector<64x256xf32>
      %mul3A_789 = arith.mulf %mul3A_788, %slice3A_786 : vector<64x256xf32>
      %tanh3A_790 = math.tanh %mul3A_789 : vector<64x256xf32>
      %mul3A_791 = arith.constant 5.000000e-01 : f32
      %mul3A_792 = vector.broadcast %mul3A_791 : f32 to vector<64x256xf32>
      %mul3A_793 = arith.mulf %mul3A_792, %tanh3A_790 : vector<64x256xf32>
      %add3A_794 = arith.constant 5.000000e-01 : f32
      %add3A_795 = vector.broadcast %add3A_794 : f32 to vector<64x256xf32>
      %add3A_796 = arith.addf %mul3A_793, %add3A_795 : vector<64x256xf32>
      %slice3A_797 = vector.extract_strided_slice %add3A_774 {offsets = [0, 512], sizes = [64, 256], strides = [1, 1]} : vector<64x1024xf32> to vector<64x256xf32>
      %tanh3A_798 = math.tanh %slice3A_797 : vector<64x256xf32>
      %slice3A_799 = vector.extract_strided_slice %add3A_774 {offsets = [0, 768], sizes = [64, 256], strides = [1, 1]} : vector<64x1024xf32> to vector<64x256xf32>
      %mul3A_800 = arith.constant 5.000000e-01 : f32
      %mul3A_801 = vector.broadcast %mul3A_800 : f32 to vector<64x256xf32>
      %mul3A_802 = arith.mulf %mul3A_801, %slice3A_799 : vector<64x256xf32>
      %tanh3A_803 = math.tanh %mul3A_802 : vector<64x256xf32>
      %mul3A_804 = arith.constant 5.000000e-01 : f32
      %mul3A_805 = vector.broadcast %mul3A_804 : f32 to vector<64x256xf32>
      %mul3A_806 = arith.mulf %mul3A_805, %tanh3A_803 : vector<64x256xf32>
      %add3A_807 = arith.constant 5.000000e-01 : f32
      %add3A_808 = vector.broadcast %add3A_807 : f32 to vector<64x256xf32>
      %add3A_809 = arith.addf %mul3A_806, %add3A_808 : vector<64x256xf32>
      %mul3A_810 = arith.mulf %add3A_796, %add3A_750 : vector<64x256xf32>
      %mul3A_811 = arith.mulf %add3A_785, %tanh3A_798 : vector<64x256xf32>
      %add3A_812 = arith.addf %mul3A_810, %mul3A_811 : vector<64x256xf32>
      %tanh3A_813 = math.tanh %add3A_812 : vector<64x256xf32>
      %mul3A_814 = arith.mulf %add3A_809, %tanh3A_813 : vector<64x256xf32>
      %convert_element_type3A_815 = arith.truncf %mul3A_814 : vector<64x256xf32> to vector<64x256xbf16>
      %reshape3A_816 = vector.shape_cast %mul3A_814 : vector<64x256xf32> to vector<64x1x256xf32>
      %swap3A_817 = arith.constant 0 : index
      %swap3A_818 = arith.index_cast %add3A_760 : i32 to index
      %swap3A_819 = arith.constant 0 : index
      %swap3A_820 = vector.load %arg7[%swap3A_817, %swap3A_818, %swap3A_819] : memref<64x64x256xf32, #tpu.memory_space<vmem>>, vector<64x1x256xf32>
      tpu.vector_store %arg7[%swap3A_817, %swap3A_818, %swap3A_819], %reshape3A_816 {strides = array<i32>} : memref<64x64x256xf32, #tpu.memory_space<vmem>>, vector<64x1x256xf32>,
      %add3A_821 = arith.constant -11 : i32
      %add3A_822 = arith.addi %sub3A_142, %add3A_821 : i32
      %mul3A_823 = arith.constant 64 : i32
      %mul3A_824 = arith.muli %add3A_822, %mul3A_823 : i32
      %multiple_of3A_825 = tpu.assume_multiple %mul3A_824, 64 : i32
      %get3A_826 = arith.index_cast %multiple_of3A_825 : i32 to index
      %get3A_827 = arith.constant 0 : index
      %get3A_828 = vector.load %arg9[%get3A_826, %get3A_827] : memref<4096x1024xf32, #tpu.memory_space<vmem>>, vector<64x1024xf32>
      %get3A_829 = arith.constant 3 : index
      %get3A_830 = arith.constant 0 : index
      %get3A_831 = arith.constant 0 : index
      %get3A_832 = vector.load %arg5[%get3A_829, %get3A_830, %get3A_831] : memref<4x256x1024xbf16, #tpu.memory_space<vmem>>, vector<1x256x1024xbf16>
      %get3A_833 = vector.shape_cast %get3A_832 : vector<1x256x1024xbf16> to vector<256x1024xbf16>
      %dot_general3A_834 = arith.constant dense<0.000000e+00> : vector<64x1024xf32>
      %dot_general3A_835 = tpu.matmul %convert_element_type3A_815, %get3A_833, %dot_general3A_834 {dimension_numbers = #tpu.dot_dimension_numbers<[1], [0], [0], [1], [0, 0, 1, 1], [], []>, transpose_lhs_hint = false} : vector<64x256xbf16>, vector<256x1024xbf16>, vector<64x1024xf32> -> vector<64x1024xf32>
      %add3A_836 = arith.addf %get3A_828, %dot_general3A_835 : vector<64x1024xf32>
      %slice3A_837 = vector.extract_strided_slice %add3A_836 {offsets = [0, 0], sizes = [64, 256], strides = [1, 1]} : vector<64x1024xf32> to vector<64x256xf32>
      %mul3A_838 = arith.constant 5.000000e-01 : f32
      %mul3A_839 = vector.broadcast %mul3A_838 : f32 to vector<64x256xf32>
      %mul3A_840 = arith.mulf %mul3A_839, %slice3A_837 : vector<64x256xf32>
      %tanh3A_841 = math.tanh %mul3A_840 : vector<64x256xf32>
      %mul3A_842 = arith.constant 5.000000e-01 : f32
      %mul3A_843 = vector.broadcast %mul3A_842 : f32 to vector<64x256xf32>
      %mul3A_844 = arith.mulf %mul3A_843, %tanh3A_841 : vector<64x256xf32>
      %add3A_845 = arith.constant 5.000000e-01 : f32
      %add3A_846 = vector.broadcast %add3A_845 : f32 to vector<64x256xf32>
      %add3A_847 = arith.addf %mul3A_844, %add3A_846 : vector<64x256xf32>
      %slice3A_848 = vector.extract_strided_slice %add3A_836 {offsets = [0, 256], sizes = [64, 256], strides = [1, 1]} : vector<64x1024xf32> to vector<64x256xf32>
      %mul3A_849 = arith.constant 5.000000e-01 : f32
      %mul3A_850 = vector.broadcast %mul3A_849 : f32 to vector<64x256xf32>
      %mul3A_851 = arith.mulf %mul3A_850, %slice3A_848 : vector<64x256xf32>
      %tanh3A_852 = math.tanh %mul3A_851 : vector<64x256xf32>
      %mul3A_853 = arith.constant 5.000000e-01 : f32
      %mul3A_854 = vector.broadcast %mul3A_853 : f32 to vector<64x256xf32>
      %mul3A_855 = arith.mulf %mul3A_854, %tanh3A_852 : vector<64x256xf32>
      %add3A_856 = arith.constant 5.000000e-01 : f32
      %add3A_857 = vector.broadcast %add3A_856 : f32 to vector<64x256xf32>
      %add3A_858 = arith.addf %mul3A_855, %add3A_857 : vector<64x256xf32>
      %slice3A_859 = vector.extract_strided_slice %add3A_836 {offsets = [0, 512], sizes = [64, 256], strides = [1, 1]} : vector<64x1024xf32> to vector<64x256xf32>
      %tanh3A_860 = math.tanh %slice3A_859 : vector<64x256xf32>
      %slice3A_861 = vector.extract_strided_slice %add3A_836 {offsets = [0, 768], sizes = [64, 256], strides = [1, 1]} : vector<64x1024xf32> to vector<64x256xf32>
      %mul3A_862 = arith.constant 5.000000e-01 : f32
      %mul3A_863 = vector.broadcast %mul3A_862 : f32 to vector<64x256xf32>
      %mul3A_864 = arith.mulf %mul3A_863, %slice3A_861 : vector<64x256xf32>
      %tanh3A_865 = math.tanh %mul3A_864 : vector<64x256xf32>
      %mul3A_866 = arith.constant 5.000000e-01 : f32
      %mul3A_867 = vector.broadcast %mul3A_866 : f32 to vector<64x256xf32>
      %mul3A_868 = arith.mulf %mul3A_867, %tanh3A_865 : vector<64x256xf32>
      %add3A_869 = arith.constant 5.000000e-01 : f32
      %add3A_870 = vector.broadcast %add3A_869 : f32 to vector<64x256xf32>
      %add3A_871 = arith.addf %mul3A_868, %add3A_870 : vector<64x256xf32>
      %mul3A_872 = arith.mulf %add3A_858, %add3A_812 : vector<64x256xf32>
      %mul3A_873 = arith.mulf %add3A_847, %tanh3A_860 : vector<64x256xf32>
      %add3A_874 = arith.addf %mul3A_872, %mul3A_873 : vector<64x256xf32>
      %tanh3A_875 = math.tanh %add3A_874 : vector<64x256xf32>
      %mul3A_876 = arith.mulf %add3A_871, %tanh3A_875 : vector<64x256xf32>
      %convert_element_type3A_877 = arith.truncf %mul3A_876 : vector<64x256xf32> to vector<64x256xbf16>
      %reshape3A_878 = vector.shape_cast %mul3A_876 : vector<64x256xf32> to vector<64x1x256xf32>
      %swap3A_879 = arith.constant 0 : index
      %swap3A_880 = arith.index_cast %add3A_822 : i32 to index
      %swap3A_881 = arith.constant 0 : index
      %swap3A_882 = vector.load %arg7[%swap3A_879, %swap3A_880, %swap3A_881] : memref<64x64x256xf32, #tpu.memory_space<vmem>>, vector<64x1x256xf32>
      tpu.vector_store %arg7[%swap3A_879, %swap3A_880, %swap3A_881], %reshape3A_878 {strides = array<i32>} : memref<64x64x256xf32, #tpu.memory_space<vmem>>, vector<64x1x256xf32>,
      %add3A_883 = arith.constant -12 : i32
      %add3A_884 = arith.addi %sub3A_142, %add3A_883 : i32
      %mul3A_885 = arith.constant 64 : i32
      %mul3A_886 = arith.muli %add3A_884, %mul3A_885 : i32
      %multiple_of3A_887 = tpu.assume_multiple %mul3A_886, 64 : i32
      %get3A_888 = arith.index_cast %multiple_of3A_887 : i32 to index
      %get3A_889 = arith.constant 0 : index
      %get3A_890 = vector.load %arg9[%get3A_888, %get3A_889] : memref<4096x1024xf32, #tpu.memory_space<vmem>>, vector<64x1024xf32>
      %get3A_891 = arith.constant 3 : index
      %get3A_892 = arith.constant 0 : index
      %get3A_893 = arith.constant 0 : index
      %get3A_894 = vector.load %arg5[%get3A_891, %get3A_892, %get3A_893] : memref<4x256x1024xbf16, #tpu.memory_space<vmem>>, vector<1x256x1024xbf16>
      %get3A_895 = vector.shape_cast %get3A_894 : vector<1x256x1024xbf16> to vector<256x1024xbf16>
      %dot_general3A_896 = arith.constant dense<0.000000e+00> : vector<64x1024xf32>
      %dot_general3A_897 = tpu.matmul %convert_element_type3A_877, %get3A_895, %dot_general3A_896 {dimension_numbers = #tpu.dot_dimension_numbers<[1], [0], [0], [1], [0, 0, 1, 1], [], []>, transpose_lhs_hint = false} : vector<64x256xbf16>, vector<256x1024xbf16>, vector<64x1024xf32> -> vector<64x1024xf32>
      %add3A_898 = arith.addf %get3A_890, %dot_general3A_897 : vector<64x1024xf32>
      %slice3A_899 = vector.extract_strided_slice %add3A_898 {offsets = [0, 0], sizes = [64, 256], strides = [1, 1]} : vector<64x1024xf32> to vector<64x256xf32>
      %mul3A_900 = arith.constant 5.000000e-01 : f32
      %mul3A_901 = vector.broadcast %mul3A_900 : f32 to vector<64x256xf32>
      %mul3A_902 = arith.mulf %mul3A_901, %slice3A_899 : vector<64x256xf32>
      %tanh3A_903 = math.tanh %mul3A_902 : vector<64x256xf32>
      %mul3A_904 = arith.constant 5.000000e-01 : f32
      %mul3A_905 = vector.broadcast %mul3A_904 : f32 to vector<64x256xf32>
      %mul3A_906 = arith.mulf %mul3A_905, %tanh3A_903 : vector<64x256xf32>
      %add3A_907 = arith.constant 5.000000e-01 : f32
      %add3A_908 = vector.broadcast %add3A_907 : f32 to vector<64x256xf32>
      %add3A_909 = arith.addf %mul3A_906, %add3A_908 : vector<64x256xf32>
      %slice3A_910 = vector.extract_strided_slice %add3A_898 {offsets = [0, 256], sizes = [64, 256], strides = [1, 1]} : vector<64x1024xf32> to vector<64x256xf32>
      %mul3A_911 = arith.constant 5.000000e-01 : f32
      %mul3A_912 = vector.broadcast %mul3A_911 : f32 to vector<64x256xf32>
      %mul3A_913 = arith.mulf %mul3A_912, %slice3A_910 : vector<64x256xf32>
      %tanh3A_914 = math.tanh %mul3A_913 : vector<64x256xf32>
      %mul3A_915 = arith.constant 5.000000e-01 : f32
      %mul3A_916 = vector.broadcast %mul3A_915 : f32 to vector<64x256xf32>
      %mul3A_917 = arith.mulf %mul3A_916, %tanh3A_914 : vector<64x256xf32>
      %add3A_918 = arith.constant 5.000000e-01 : f32
      %add3A_919 = vector.broadcast %add3A_918 : f32 to vector<64x256xf32>
      %add3A_920 = arith.addf %mul3A_917, %add3A_919 : vector<64x256xf32>
      %slice3A_921 = vector.extract_strided_slice %add3A_898 {offsets = [0, 512], sizes = [64, 256], strides = [1, 1]} : vector<64x1024xf32> to vector<64x256xf32>
      %tanh3A_922 = math.tanh %slice3A_921 : vector<64x256xf32>
      %slice3A_923 = vector.extract_strided_slice %add3A_898 {offsets = [0, 768], sizes = [64, 256], strides = [1, 1]} : vector<64x1024xf32> to vector<64x256xf32>
      %mul3A_924 = arith.constant 5.000000e-01 : f32
      %mul3A_925 = vector.broadcast %mul3A_924 : f32 to vector<64x256xf32>
      %mul3A_926 = arith.mulf %mul3A_925, %slice3A_923 : vector<64x256xf32>
      %tanh3A_927 = math.tanh %mul3A_926 : vector<64x256xf32>
      %mul3A_928 = arith.constant 5.000000e-01 : f32
      %mul3A_929 = vector.broadcast %mul3A_928 : f32 to vector<64x256xf32>
      %mul3A_930 = arith.mulf %mul3A_929, %tanh3A_927 : vector<64x256xf32>
      %add3A_931 = arith.constant 5.000000e-01 : f32
      %add3A_932 = vector.broadcast %add3A_931 : f32 to vector<64x256xf32>
      %add3A_933 = arith.addf %mul3A_930, %add3A_932 : vector<64x256xf32>
      %mul3A_934 = arith.mulf %add3A_920, %add3A_874 : vector<64x256xf32>
      %mul3A_935 = arith.mulf %add3A_909, %tanh3A_922 : vector<64x256xf32>
      %add3A_936 = arith.addf %mul3A_934, %mul3A_935 : vector<64x256xf32>
      %tanh3A_937 = math.tanh %add3A_936 : vector<64x256xf32>
      %mul3A_938 = arith.mulf %add3A_933, %tanh3A_937 : vector<64x256xf32>
      %convert_element_type3A_939 = arith.truncf %mul3A_938 : vector<64x256xf32> to vector<64x256xbf16>
      %reshape3A_940 = vector.shape_cast %mul3A_938 : vector<64x256xf32> to vector<64x1x256xf32>
      %swap3A_941 = arith.constant 0 : index
      %swap3A_942 = arith.index_cast %add3A_884 : i32 to index
      %swap3A_943 = arith.constant 0 : index
      %swap3A_944 = vector.load %arg7[%swap3A_941, %swap3A_942, %swap3A_943] : memref<64x64x256xf32, #tpu.memory_space<vmem>>, vector<64x1x256xf32>
      tpu.vector_store %arg7[%swap3A_941, %swap3A_942, %swap3A_943], %reshape3A_940 {strides = array<i32>} : memref<64x64x256xf32, #tpu.memory_space<vmem>>, vector<64x1x256xf32>,
      %add3A_945 = arith.constant -13 : i32
      %add3A_946 = arith.addi %sub3A_142, %add3A_945 : i32
      %mul3A_947 = arith.constant 64 : i32
      %mul3A_948 = arith.muli %add3A_946, %mul3A_947 : i32
      %multiple_of3A_949 = tpu.assume_multiple %mul3A_948, 64 : i32
      %get3A_950 = arith.index_cast %multiple_of3A_949 : i32 to index
      %get3A_951 = arith.constant 0 : index
      %get3A_952 = vector.load %arg9[%get3A_950, %get3A_951] : memref<4096x1024xf32, #tpu.memory_space<vmem>>, vector<64x1024xf32>
      %get3A_953 = arith.constant 3 : index
      %get3A_954 = arith.constant 0 : index
      %get3A_955 = arith.constant 0 : index
      %get3A_956 = vector.load %arg5[%get3A_953, %get3A_954, %get3A_955] : memref<4x256x1024xbf16, #tpu.memory_space<vmem>>, vector<1x256x1024xbf16>
      %get3A_957 = vector.shape_cast %get3A_956 : vector<1x256x1024xbf16> to vector<256x1024xbf16>
      %dot_general3A_958 = arith.constant dense<0.000000e+00> : vector<64x1024xf32>
      %dot_general3A_959 = tpu.matmul %convert_element_type3A_939, %get3A_957, %dot_general3A_958 {dimension_numbers = #tpu.dot_dimension_numbers<[1], [0], [0], [1], [0, 0, 1, 1], [], []>, transpose_lhs_hint = false} : vector<64x256xbf16>, vector<256x1024xbf16>, vector<64x1024xf32> -> vector<64x1024xf32>
      %add3A_960 = arith.addf %get3A_952, %dot_general3A_959 : vector<64x1024xf32>
      %slice3A_961 = vector.extract_strided_slice %add3A_960 {offsets = [0, 0], sizes = [64, 256], strides = [1, 1]} : vector<64x1024xf32> to vector<64x256xf32>
      %mul3A_962 = arith.constant 5.000000e-01 : f32
      %mul3A_963 = vector.broadcast %mul3A_962 : f32 to vector<64x256xf32>
      %mul3A_964 = arith.mulf %mul3A_963, %slice3A_961 : vector<64x256xf32>
      %tanh3A_965 = math.tanh %mul3A_964 : vector<64x256xf32>
      %mul3A_966 = arith.constant 5.000000e-01 : f32
      %mul3A_967 = vector.broadcast %mul3A_966 : f32 to vector<64x256xf32>
      %mul3A_968 = arith.mulf %mul3A_967, %tanh3A_965 : vector<64x256xf32>
      %add3A_969 = arith.constant 5.000000e-01 : f32
      %add3A_970 = vector.broadcast %add3A_969 : f32 to vector<64x256xf32>
      %add3A_971 = arith.addf %mul3A_968, %add3A_970 : vector<64x256xf32>
      %slice3A_972 = vector.extract_strided_slice %add3A_960 {offsets = [0, 256], sizes = [64, 256], strides = [1, 1]} : vector<64x1024xf32> to vector<64x256xf32>
      %mul3A_973 = arith.constant 5.000000e-01 : f32
      %mul3A_974 = vector.broadcast %mul3A_973 : f32 to vector<64x256xf32>
      %mul3A_975 = arith.mulf %mul3A_974, %slice3A_972 : vector<64x256xf32>
      %tanh3A_976 = math.tanh %mul3A_975 : vector<64x256xf32>
      %mul3A_977 = arith.constant 5.000000e-01 : f32
      %mul3A_978 = vector.broadcast %mul3A_977 : f32 to vector<64x256xf32>
      %mul3A_979 = arith.mulf %mul3A_978, %tanh3A_976 : vector<64x256xf32>
      %add3A_980 = arith.constant 5.000000e-01 : f32
      %add3A_981 = vector.broadcast %add3A_980 : f32 to vector<64x256xf32>
      %add3A_982 = arith.addf %mul3A_979, %add3A_981 : vector<64x256xf32>
      %slice3A_983 = vector.extract_strided_slice %add3A_960 {offsets = [0, 512], sizes = [64, 256], strides = [1, 1]} : vector<64x1024xf32> to vector<64x256xf32>
      %tanh3A_984 = math.tanh %slice3A_983 : vector<64x256xf32>
      %slice3A_985 = vector.extract_strided_slice %add3A_960 {offsets = [0, 768], sizes = [64, 256], strides = [1, 1]} : vector<64x1024xf32> to vector<64x256xf32>
      %mul3A_986 = arith.constant 5.000000e-01 : f32
      %mul3A_987 = vector.broadcast %mul3A_986 : f32 to vector<64x256xf32>
      %mul3A_988 = arith.mulf %mul3A_987, %slice3A_985 : vector<64x256xf32>
      %tanh3A_989 = math.tanh %mul3A_988 : vector<64x256xf32>
      %mul3A_990 = arith.constant 5.000000e-01 : f32
      %mul3A_991 = vector.broadcast %mul3A_990 : f32 to vector<64x256xf32>
      %mul3A_992 = arith.mulf %mul3A_991, %tanh3A_989 : vector<64x256xf32>
      %add3A_993 = arith.constant 5.000000e-01 : f32
      %add3A_994 = vector.broadcast %add3A_993 : f32 to vector<64x256xf32>
      %add3A_995 = arith.addf %mul3A_992, %add3A_994 : vector<64x256xf32>
      %mul3A_996 = arith.mulf %add3A_982, %add3A_936 : vector<64x256xf32>
      %mul3A_997 = arith.mulf %add3A_971, %tanh3A_984 : vector<64x256xf32>
      %add3A_998 = arith.addf %mul3A_996, %mul3A_997 : vector<64x256xf32>
      %tanh3A_999 = math.tanh %add3A_998 : vector<64x256xf32>
      %mul3A_1000 = arith.mulf %add3A_995, %tanh3A_999 : vector<64x256xf32>
      %convert_element_type3A_1001 = arith.truncf %mul3A_1000 : vector<64x256xf32> to vector<64x256xbf16>
      %reshape3A_1002 = vector.shape_cast %mul3A_1000 : vector<64x256xf32> to vector<64x1x256xf32>
      %swap3A_1003 = arith.constant 0 : index
      %swap3A_1004 = arith.index_cast %add3A_946 : i32 to index
      %swap3A_1005 = arith.constant 0 : index
      %swap3A_1006 = vector.load %arg7[%swap3A_1003, %swap3A_1004, %swap3A_1005] : memref<64x64x256xf32, #tpu.memory_space<vmem>>, vector<64x1x256xf32>
      tpu.vector_store %arg7[%swap3A_1003, %swap3A_1004, %swap3A_1005], %reshape3A_1002 {strides = array<i32>} : memref<64x64x256xf32, #tpu.memory_space<vmem>>, vector<64x1x256xf32>,
      %add3A_1007 = arith.constant -14 : i32
      %add3A_1008 = arith.addi %sub3A_142, %add3A_1007 : i32
      %mul3A_1009 = arith.constant 64 : i32
      %mul3A_1010 = arith.muli %add3A_1008, %mul3A_1009 : i32
      %multiple_of3A_1011 = tpu.assume_multiple %mul3A_1010, 64 : i32
      %get3A_1012 = arith.index_cast %multiple_of3A_1011 : i32 to index
      %get3A_1013 = arith.constant 0 : index
      %get3A_1014 = vector.load %arg9[%get3A_1012, %get3A_1013] : memref<4096x1024xf32, #tpu.memory_space<vmem>>, vector<64x1024xf32>
      %get3A_1015 = arith.constant 3 : index
      %get3A_1016 = arith.constant 0 : index
      %get3A_1017 = arith.constant 0 : index
      %get3A_1018 = vector.load %arg5[%get3A_1015, %get3A_1016, %get3A_1017] : memref<4x256x1024xbf16, #tpu.memory_space<vmem>>, vector<1x256x1024xbf16>
      %get3A_1019 = vector.shape_cast %get3A_1018 : vector<1x256x1024xbf16> to vector<256x1024xbf16>
      %dot_general3A_1020 = arith.constant dense<0.000000e+00> : vector<64x1024xf32>
      %dot_general3A_1021 = tpu.matmul %convert_element_type3A_1001, %get3A_1019, %dot_general3A_1020 {dimension_numbers = #tpu.dot_dimension_numbers<[1], [0], [0], [1], [0, 0, 1, 1], [], []>, transpose_lhs_hint = false} : vector<64x256xbf16>, vector<256x1024xbf16>, vector<64x1024xf32> -> vector<64x1024xf32>
      %add3A_1022 = arith.addf %get3A_1014, %dot_general3A_1021 : vector<64x1024xf32>
      %slice3A_1023 = vector.extract_strided_slice %add3A_1022 {offsets = [0, 0], sizes = [64, 256], strides = [1, 1]} : vector<64x1024xf32> to vector<64x256xf32>
      %mul3A_1024 = arith.constant 5.000000e-01 : f32
      %mul3A_1025 = vector.broadcast %mul3A_1024 : f32 to vector<64x256xf32>
      %mul3A_1026 = arith.mulf %mul3A_1025, %slice3A_1023 : vector<64x256xf32>
      %tanh3A_1027 = math.tanh %mul3A_1026 : vector<64x256xf32>
      %mul3A_1028 = arith.constant 5.000000e-01 : f32
      %mul3A_1029 = vector.broadcast %mul3A_1028 : f32 to vector<64x256xf32>
      %mul3A_1030 = arith.mulf %mul3A_1029, %tanh3A_1027 : vector<64x256xf32>
      %add3A_1031 = arith.constant 5.000000e-01 : f32
      %add3A_1032 = vector.broadcast %add3A_1031 : f32 to vector<64x256xf32>
      %add3A_1033 = arith.addf %mul3A_1030, %add3A_1032 : vector<64x256xf32>
      %slice3A_1034 = vector.extract_strided_slice %add3A_1022 {offsets = [0, 256], sizes = [64, 256], strides = [1, 1]} : vector<64x1024xf32> to vector<64x256xf32>
      %mul3A_1035 = arith.constant 5.000000e-01 : f32
      %mul3A_1036 = vector.broadcast %mul3A_1035 : f32 to vector<64x256xf32>
      %mul3A_1037 = arith.mulf %mul3A_1036, %slice3A_1034 : vector<64x256xf32>
      %tanh3A_1038 = math.tanh %mul3A_1037 : vector<64x256xf32>
      %mul3A_1039 = arith.constant 5.000000e-01 : f32
      %mul3A_1040 = vector.broadcast %mul3A_1039 : f32 to vector<64x256xf32>
      %mul3A_1041 = arith.mulf %mul3A_1040, %tanh3A_1038 : vector<64x256xf32>
      %add3A_1042 = arith.constant 5.000000e-01 : f32
      %add3A_1043 = vector.broadcast %add3A_1042 : f32 to vector<64x256xf32>
      %add3A_1044 = arith.addf %mul3A_1041, %add3A_1043 : vector<64x256xf32>
      %slice3A_1045 = vector.extract_strided_slice %add3A_1022 {offsets = [0, 512], sizes = [64, 256], strides = [1, 1]} : vector<64x1024xf32> to vector<64x256xf32>
      %tanh3A_1046 = math.tanh %slice3A_1045 : vector<64x256xf32>
      %slice3A_1047 = vector.extract_strided_slice %add3A_1022 {offsets = [0, 768], sizes = [64, 256], strides = [1, 1]} : vector<64x1024xf32> to vector<64x256xf32>
      %mul3A_1048 = arith.constant 5.000000e-01 : f32
      %mul3A_1049 = vector.broadcast %mul3A_1048 : f32 to vector<64x256xf32>
      %mul3A_1050 = arith.mulf %mul3A_1049, %slice3A_1047 : vector<64x256xf32>
      %tanh3A_1051 = math.tanh %mul3A_1050 : vector<64x256xf32>
      %mul3A_1052 = arith.constant 5.000000e-01 : f32
      %mul3A_1053 = vector.broadcast %mul3A_1052 : f32 to vector<64x256xf32>
      %mul3A_1054 = arith.mulf %mul3A_1053, %tanh3A_1051 : vector<64x256xf32>
      %add3A_1055 = arith.constant 5.000000e-01 : f32
      %add3A_1056 = vector.broadcast %add3A_1055 : f32 to vector<64x256xf32>
      %add3A_1057 = arith.addf %mul3A_1054, %add3A_1056 : vector<64x256xf32>
      %mul3A_1058 = arith.mulf %add3A_1044, %add3A_998 : vector<64x256xf32>
      %mul3A_1059 = arith.mulf %add3A_1033, %tanh3A_1046 : vector<64x256xf32>
      %add3A_1060 = arith.addf %mul3A_1058, %mul3A_1059 : vector<64x256xf32>
      %tanh3A_1061 = math.tanh %add3A_1060 : vector<64x256xf32>
      %mul3A_1062 = arith.mulf %add3A_1057, %tanh3A_1061 : vector<64x256xf32>
      %convert_element_type3A_1063 = arith.truncf %mul3A_1062 : vector<64x256xf32> to vector<64x256xbf16>
      %reshape3A_1064 = vector.shape_cast %mul3A_1062 : vector<64x256xf32> to vector<64x1x256xf32>
      %swap3A_1065 = arith.constant 0 : index
      %swap3A_1066 = arith.index_cast %add3A_1008 : i32 to index
      %swap3A_1067 = arith.constant 0 : index
      %swap3A_1068 = vector.load %arg7[%swap3A_1065, %swap3A_1066, %swap3A_1067] : memref<64x64x256xf32, #tpu.memory_space<vmem>>, vector<64x1x256xf32>
      tpu.vector_store %arg7[%swap3A_1065, %swap3A_1066, %swap3A_1067], %reshape3A_1064 {strides = array<i32>} : memref<64x64x256xf32, #tpu.memory_space<vmem>>, vector<64x1x256xf32>,
      %add3A_1069 = arith.constant -15 : i32
      %add3A_1070 = arith.addi %sub3A_142, %add3A_1069 : i32
      %mul3A_1071 = arith.constant 64 : i32
      %mul3A_1072 = arith.muli %add3A_1070, %mul3A_1071 : i32
      %multiple_of3A_1073 = tpu.assume_multiple %mul3A_1072, 64 : i32
      %get3A_1074 = arith.index_cast %multiple_of3A_1073 : i32 to index
      %get3A_1075 = arith.constant 0 : index
      %get3A_1076 = vector.load %arg9[%get3A_1074, %get3A_1075] : memref<4096x1024xf32, #tpu.memory_space<vmem>>, vector<64x1024xf32>
      %get3A_1077 = arith.constant 3 : index
      %get3A_1078 = arith.constant 0 : index
      %get3A_1079 = arith.constant 0 : index
      %get3A_1080 = vector.load %arg5[%get3A_1077, %get3A_1078, %get3A_1079] : memref<4x256x1024xbf16, #tpu.memory_space<vmem>>, vector<1x256x1024xbf16>
      %get3A_1081 = vector.shape_cast %get3A_1080 : vector<1x256x1024xbf16> to vector<256x1024xbf16>
      %dot_general3A_1082 = arith.constant dense<0.000000e+00> : vector<64x1024xf32>
      %dot_general3A_1083 = tpu.matmul %convert_element_type3A_1063, %get3A_1081, %dot_general3A_1082 {dimension_numbers = #tpu.dot_dimension_numbers<[1], [0], [0], [1], [0, 0, 1, 1], [], []>, transpose_lhs_hint = false} : vector<64x256xbf16>, vector<256x1024xbf16>, vector<64x1024xf32> -> vector<64x1024xf32>
      %add3A_1084 = arith.addf %get3A_1076, %dot_general3A_1083 : vector<64x1024xf32>
      %slice3A_1085 = vector.extract_strided_slice %add3A_1084 {offsets = [0, 0], sizes = [64, 256], strides = [1, 1]} : vector<64x1024xf32> to vector<64x256xf32>
      %mul3A_1086 = arith.constant 5.000000e-01 : f32
      %mul3A_1087 = vector.broadcast %mul3A_1086 : f32 to vector<64x256xf32>
      %mul3A_1088 = arith.mulf %mul3A_1087, %slice3A_1085 : vector<64x256xf32>
      %tanh3A_1089 = math.tanh %mul3A_1088 : vector<64x256xf32>
      %mul3A_1090 = arith.constant 5.000000e-01 : f32
      %mul3A_1091 = vector.broadcast %mul3A_1090 : f32 to vector<64x256xf32>
      %mul3A_1092 = arith.mulf %mul3A_1091, %tanh3A_1089 : vector<64x256xf32>
      %add3A_1093 = arith.constant 5.000000e-01 : f32
      %add3A_1094 = vector.broadcast %add3A_1093 : f32 to vector<64x256xf32>
      %add3A_1095 = arith.addf %mul3A_1092, %add3A_1094 : vector<64x256xf32>
      %slice3A_1096 = vector.extract_strided_slice %add3A_1084 {offsets = [0, 256], sizes = [64, 256], strides = [1, 1]} : vector<64x1024xf32> to vector<64x256xf32>
      %mul3A_1097 = arith.constant 5.000000e-01 : f32
      %mul3A_1098 = vector.broadcast %mul3A_1097 : f32 to vector<64x256xf32>
      %mul3A_1099 = arith.mulf %mul3A_1098, %slice3A_1096 : vector<64x256xf32>
      %tanh3A_1100 = math.tanh %mul3A_1099 : vector<64x256xf32>
      %mul3A_1101 = arith.constant 5.000000e-01 : f32
      %mul3A_1102 = vector.broadcast %mul3A_1101 : f32 to vector<64x256xf32>
      %mul3A_1103 = arith.mulf %mul3A_1102, %tanh3A_1100 : vector<64x256xf32>
      %add3A_1104 = arith.constant 5.000000e-01 : f32
      %add3A_1105 = vector.broadcast %add3A_1104 : f32 to vector<64x256xf32>
      %add3A_1106 = arith.addf %mul3A_1103, %add3A_1105 : vector<64x256xf32>
      %slice3A_1107 = vector.extract_strided_slice %add3A_1084 {offsets = [0, 512], sizes = [64, 256], strides = [1, 1]} : vector<64x1024xf32> to vector<64x256xf32>
      %tanh3A_1108 = math.tanh %slice3A_1107 : vector<64x256xf32>
      %slice3A_1109 = vector.extract_strided_slice %add3A_1084 {offsets = [0, 768], sizes = [64, 256], strides = [1, 1]} : vector<64x1024xf32> to vector<64x256xf32>
      %mul3A_1110 = arith.constant 5.000000e-01 : f32
      %mul3A_1111 = vector.broadcast %mul3A_1110 : f32 to vector<64x256xf32>
      %mul3A_1112 = arith.mulf %mul3A_1111, %slice3A_1109 : vector<64x256xf32>
      %tanh3A_1113 = math.tanh %mul3A_1112 : vector<64x256xf32>
      %mul3A_1114 = arith.constant 5.000000e-01 : f32
      %mul3A_1115 = vector.broadcast %mul3A_1114 : f32 to vector<64x256xf32>
      %mul3A_1116 = arith.mulf %mul3A_1115, %tanh3A_1113 : vector<64x256xf32>
      %add3A_1117 = arith.constant 5.000000e-01 : f32
      %add3A_1118 = vector.broadcast %add3A_1117 : f32 to vector<64x256xf32>
      %add3A_1119 = arith.addf %mul3A_1116, %add3A_1118 : vector<64x256xf32>
      %mul3A_1120 = arith.mulf %add3A_1106, %add3A_1060 : vector<64x256xf32>
      %mul3A_1121 = arith.mulf %add3A_1095, %tanh3A_1108 : vector<64x256xf32>
      %add3A_1122 = arith.addf %mul3A_1120, %mul3A_1121 : vector<64x256xf32>
      %tanh3A_1123 = math.tanh %add3A_1122 : vector<64x256xf32>
      %mul3A_1124 = arith.mulf %add3A_1119, %tanh3A_1123 : vector<64x256xf32>
      %convert_element_type3A_1125 = arith.truncf %mul3A_1124 : vector<64x256xf32> to vector<64x256xbf16>
      %reshape3A_1126 = vector.shape_cast %mul3A_1124 : vector<64x256xf32> to vector<64x1x256xf32>
      %swap3A_1127 = arith.constant 0 : index
      %swap3A_1128 = arith.index_cast %add3A_1070 : i32 to index
      %swap3A_1129 = arith.constant 0 : index
      %swap3A_1130 = vector.load %arg7[%swap3A_1127, %swap3A_1128, %swap3A_1129] : memref<64x64x256xf32, #tpu.memory_space<vmem>>, vector<64x1x256xf32>
      tpu.vector_store %arg7[%swap3A_1127, %swap3A_1128, %swap3A_1129], %reshape3A_1126 {strides = array<i32>} : memref<64x64x256xf32, #tpu.memory_space<vmem>>, vector<64x1x256xf32>,
      scf.yield %convert_element_type3A_1125, %add3A_1122 : vector<64x256xbf16>, vector<64x256xf32>
    }
    %scan3A_137 = arith.constant 4 : i32
    return
  }
}

module attributes {stable_mosaic.version = 14 : i64} {
  func.func @_bilinear_body(%arg0: i32, %arg1: memref<1024x256xf32, #tpu.memory_space<vmem>>, %arg2: memref<1024x256xf32, #tpu.memory_space<vmem>>, %arg3: memref<256x256xbf16, #tpu.memory_space<vmem>>, %arg4: memref<1x256xf32, #tpu.memory_space<vmem>>, %arg5: memref<256x256xbf16, #tpu.memory_space<vmem>>, %arg6: memref<1x256xf32, #tpu.memory_space<vmem>>, %arg7: memref<64x200x200xf32, #tpu.memory_space<vmem>>, %arg8: memref<1x64xf32, #tpu.memory_space<vmem>>, %arg9: memref<1024x64xf32, #tpu.memory_space<vmem>>, %arg10: memref<1024x64xf32, #tpu.memory_space<vmem>>) attributes {dimension_semantics = [#tpu.dimension_semantics<arbitrary>], iteration_bounds = array<i64: 4>, scalar_prefetch = 0 : i64, scratch_operands = 1 : i64, tpu.core_type = #tpu.core_type<tc>, window_params = [{transform_indices = @transform_0, window_bounds = array<i64: 1024, 256>}, {transform_indices = @transform_1, window_bounds = array<i64: 1024, 256>}, {pipeline_mode = #tpu.pipeline_mode<synchronous>, transform_indices = @transform_2, window_bounds = array<i64: 256, 256>}, {pipeline_mode = #tpu.pipeline_mode<synchronous>, transform_indices = @transform_3, window_bounds = array<i64: 1, 256>}, {pipeline_mode = #tpu.pipeline_mode<synchronous>, transform_indices = @transform_4, window_bounds = array<i64: 256, 256>}, {pipeline_mode = #tpu.pipeline_mode<synchronous>, transform_indices = @transform_5, window_bounds = array<i64: 1, 256>}, {pipeline_mode = #tpu.pipeline_mode<synchronous>, transform_indices = @transform_6, window_bounds = array<i64: 64, 200, 200>}, {pipeline_mode = #tpu.pipeline_mode<synchronous>, transform_indices = @transform_7, window_bounds = array<i64: 1, 64>}, {transform_indices = @transform_8, window_bounds = array<i64: 1024, 64>}]} {
    %get3A = arith.constant 0 : index
    %get3A_0 = arith.constant 0 : index
    %get3A_1 = vector.load %arg1[%get3A, %get3A_0] : memref<1024x256xf32, #tpu.memory_space<vmem>>, vector<1024x256xf32>
    %convert_element_type3A = arith.truncf %get3A_1 : vector<1024x256xf32> to vector<1024x256xbf16>
    %get3A_2 = arith.constant 0 : index
    %get3A_3 = arith.constant 0 : index
    %get3A_4 = vector.load %arg3[%get3A_2, %get3A_3] : memref<256x256xbf16, #tpu.memory_space<vmem>>, vector<256x256xbf16>
    %dot_general3A = arith.constant dense<0.000000e+00> : vector<1024x256xf32>
    %dot_general3A_5 = tpu.matmul %convert_element_type3A, %get3A_4, %dot_general3A {dimension_numbers = #tpu.dot_dimension_numbers<[1], [0], [0], [1], [0, 0, 1, 1], [], []>, transpose_lhs_hint = false} : vector<1024x256xbf16>, vector<256x256xbf16>, vector<1024x256xf32> -> vector<1024x256xf32>
    %get3A_6 = arith.constant 0 : index
    %get3A_7 = arith.constant 0 : index
    %get3A_8 = vector.load %arg4[%get3A_6, %get3A_7] : memref<1x256xf32, #tpu.memory_space<vmem>>, vector<1x256xf32>
    %add3A = vector.broadcast %get3A_8 : vector<1x256xf32> to vector<1024x256xf32>
    %add3A_9 = arith.addf %dot_general3A_5, %add3A : vector<1024x256xf32>
    %max3A = arith.constant 0.000000e+00 : f32
    %max3A_10 = vector.broadcast %max3A : f32 to vector<1024x256xf32>
    %max3A_11 = arith.maximumf %add3A_9, %max3A_10 : vector<1024x256xf32>
    %get3A_12 = arith.constant 0 : index
    %get3A_13 = arith.constant 0 : index
    %get3A_14 = vector.load %arg2[%get3A_12, %get3A_13] : memref<1024x256xf32, #tpu.memory_space<vmem>>, vector<1024x256xf32>
    %convert_element_type3A_15 = arith.truncf %get3A_14 : vector<1024x256xf32> to vector<1024x256xbf16>
    %get3A_16 = arith.constant 0 : index
    %get3A_17 = arith.constant 0 : index
    %get3A_18 = vector.load %arg5[%get3A_16, %get3A_17] : memref<256x256xbf16, #tpu.memory_space<vmem>>, vector<256x256xbf16>
    %dot_general3A_19 = arith.constant dense<0.000000e+00> : vector<1024x256xf32>
    %dot_general3A_20 = tpu.matmul %convert_element_type3A_15, %get3A_18, %dot_general3A_19 {dimension_numbers = #tpu.dot_dimension_numbers<[1], [0], [0], [1], [0, 0, 1, 1], [], []>, transpose_lhs_hint = false} : vector<1024x256xbf16>, vector<256x256xbf16>, vector<1024x256xf32> -> vector<1024x256xf32>
    %get3A_21 = arith.constant 0 : index
    %get3A_22 = arith.constant 0 : index
    %get3A_23 = vector.load %arg6[%get3A_21, %get3A_22] : memref<1x256xf32, #tpu.memory_space<vmem>>, vector<1x256xf32>
    %add3A_24 = vector.broadcast %get3A_23 : vector<1x256xf32> to vector<1024x256xf32>
    %add3A_25 = arith.addf %dot_general3A_20, %add3A_24 : vector<1024x256xf32>
    %max3A_26 = arith.constant 0.000000e+00 : f32
    %max3A_27 = vector.broadcast %max3A_26 : f32 to vector<1024x256xf32>
    %max3A_28 = arith.maximumf %add3A_25, %max3A_27 : vector<1024x256xf32>
    %slice3A = vector.extract_strided_slice %max3A_28 {offsets = [0, 0], sizes = [1024, 200], strides = [1, 1]} : vector<1024x256xf32> to vector<1024x200xf32>
    %convert_element_type3A_29 = arith.truncf %slice3A : vector<1024x200xf32> to vector<1024x200xbf16>
    %slice3A_30 = vector.extract_strided_slice %max3A_11 {offsets = [0, 0], sizes = [1024, 200], strides = [1, 1]} : vector<1024x256xf32> to vector<1024x200xf32>
    %get3A_31 = arith.constant 0 : index
    %get3A_32 = arith.constant 0 : index
    %get3A_33 = arith.constant 0 : index
    %get3A_34 = vector.load %arg7[%get3A_31, %get3A_32, %get3A_33] : memref<64x200x200xf32, #tpu.memory_space<vmem>>, vector<1x200x200xf32>
    %get3A_35 = vector.shape_cast %get3A_34 : vector<1x200x200xf32> to vector<200x200xf32>
    %convert_element_type3A_36 = arith.truncf %get3A_35 : vector<200x200xf32> to vector<200x200xbf16>
    %dot_general3A_37 = arith.constant dense<0.000000e+00> : vector<1024x200xf32>
    %dot_general3A_38 = tpu.matmul %convert_element_type3A_29, %convert_element_type3A_36, %dot_general3A_37 {dimension_numbers = #tpu.dot_dimension_numbers<[1], [1], [0], [0], [0, 0, 1, 0], [], []>, transpose_lhs_hint = false} : vector<1024x200xbf16>, vector<200x200xbf16>, vector<1024x200xf32> -> vector<1024x200xf32>
    %mul3A = arith.mulf %slice3A_30, %dot_general3A_38 : vector<1024x200xf32>
    %reduce_sum3A = arith.constant dense<0.000000e+00> : vector<1024xf32>
    %reduce_sum3A_39 = vector.multi_reduction <add>, %mul3A, %reduce_sum3A [1] : vector<1024x200xf32> to vector<1024xf32>
    %broadcast_in_dim3A = vector.shape_cast %reduce_sum3A_39 : vector<1024xf32> to vector<1024x1xf32>
    %swap3A = arith.constant 0 : index
    %swap3A_40 = arith.constant 0 : index
    %swap3A_41 = vector.load %arg10[%swap3A, %swap3A_40] : memref<1024x64xf32, #tpu.memory_space<vmem>>, vector<1024x1xf32>
    tpu.vector_store %arg10[%swap3A, %swap3A_40], %broadcast_in_dim3A {strides = array<i32>} : memref<1024x64xf32, #tpu.memory_space<vmem>>, vector<1024x1xf32>,
    %get3A_42 = arith.constant 1 : index
    %get3A_43 = arith.constant 0 : index
    %get3A_44 = arith.constant 0 : index
    %get3A_45 = vector.load %arg7[%get3A_42, %get3A_43, %get3A_44] : memref<64x200x200xf32, #tpu.memory_space<vmem>>, vector<1x200x200xf32>
    %get3A_46 = vector.shape_cast %get3A_45 : vector<1x200x200xf32> to vector<200x200xf32>
    %convert_element_type3A_47 = arith.truncf %get3A_46 : vector<200x200xf32> to vector<200x200xbf16>
    %dot_general3A_48 = arith.constant dense<0.000000e+00> : vector<1024x200xf32>
    %dot_general3A_49 = tpu.matmul %convert_element_type3A_29, %convert_element_type3A_47, %dot_general3A_48 {dimension_numbers = #tpu.dot_dimension_numbers<[1], [1], [0], [0], [0, 0, 1, 0], [], []>, transpose_lhs_hint = false} : vector<1024x200xbf16>, vector<200x200xbf16>, vector<1024x200xf32> -> vector<1024x200xf32>
    %mul3A_50 = arith.mulf %slice3A_30, %dot_general3A_49 : vector<1024x200xf32>
    %reduce_sum3A_51 = arith.constant dense<0.000000e+00> : vector<1024xf32>
    %reduce_sum3A_52 = vector.multi_reduction <add>, %mul3A_50, %reduce_sum3A_51 [1] : vector<1024x200xf32> to vector<1024xf32>
    %broadcast_in_dim3A_53 = vector.shape_cast %reduce_sum3A_52 : vector<1024xf32> to vector<1024x1xf32>
    %swap3A_54 = arith.constant 0 : index
    %swap3A_55 = arith.constant 1 : index
    %swap3A_56 = vector.load %arg10[%swap3A_54, %swap3A_55] : memref<1024x64xf32, #tpu.memory_space<vmem>>, vector<1024x1xf32>
    tpu.vector_store %arg10[%swap3A_54, %swap3A_55], %broadcast_in_dim3A_53 {strides = array<i32>} : memref<1024x64xf32, #tpu.memory_space<vmem>>, vector<1024x1xf32>,
    %get3A_57 = arith.constant 2 : index
    %get3A_58 = arith.constant 0 : index
    %get3A_59 = arith.constant 0 : index
    %get3A_60 = vector.load %arg7[%get3A_57, %get3A_58, %get3A_59] : memref<64x200x200xf32, #tpu.memory_space<vmem>>, vector<1x200x200xf32>
    %get3A_61 = vector.shape_cast %get3A_60 : vector<1x200x200xf32> to vector<200x200xf32>
    %convert_element_type3A_62 = arith.truncf %get3A_61 : vector<200x200xf32> to vector<200x200xbf16>
    %dot_general3A_63 = arith.constant dense<0.000000e+00> : vector<1024x200xf32>
    %dot_general3A_64 = tpu.matmul %convert_element_type3A_29, %convert_element_type3A_62, %dot_general3A_63 {dimension_numbers = #tpu.dot_dimension_numbers<[1], [1], [0], [0], [0, 0, 1, 0], [], []>, transpose_lhs_hint = false} : vector<1024x200xbf16>, vector<200x200xbf16>, vector<1024x200xf32> -> vector<1024x200xf32>
    %mul3A_65 = arith.mulf %slice3A_30, %dot_general3A_64 : vector<1024x200xf32>
    %reduce_sum3A_66 = arith.constant dense<0.000000e+00> : vector<1024xf32>
    %reduce_sum3A_67 = vector.multi_reduction <add>, %mul3A_65, %reduce_sum3A_66 [1] : vector<1024x200xf32> to vector<1024xf32>
    %broadcast_in_dim3A_68 = vector.shape_cast %reduce_sum3A_67 : vector<1024xf32> to vector<1024x1xf32>
    %swap3A_69 = arith.constant 0 : index
    %swap3A_70 = arith.constant 2 : index
    %swap3A_71 = vector.load %arg10[%swap3A_69, %swap3A_70] : memref<1024x64xf32, #tpu.memory_space<vmem>>, vector<1024x1xf32>
    tpu.vector_store %arg10[%swap3A_69, %swap3A_70], %broadcast_in_dim3A_68 {strides = array<i32>} : memref<1024x64xf32, #tpu.memory_space<vmem>>, vector<1024x1xf32>,
    %get3A_72 = arith.constant 3 : index
    %get3A_73 = arith.constant 0 : index
    %get3A_74 = arith.constant 0 : index
    %get3A_75 = vector.load %arg7[%get3A_72, %get3A_73, %get3A_74] : memref<64x200x200xf32, #tpu.memory_space<vmem>>, vector<1x200x200xf32>
    %get3A_76 = vector.shape_cast %get3A_75 : vector<1x200x200xf32> to vector<200x200xf32>
    %convert_element_type3A_77 = arith.truncf %get3A_76 : vector<200x200xf32> to vector<200x200xbf16>
    %dot_general3A_78 = arith.constant dense<0.000000e+00> : vector<1024x200xf32>
    %dot_general3A_79 = tpu.matmul %convert_element_type3A_29, %convert_element_type3A_77, %dot_general3A_78 {dimension_numbers = #tpu.dot_dimension_numbers<[1], [1], [0], [0], [0, 0, 1, 0], [], []>, transpose_lhs_hint = false} : vector<1024x200xbf16>, vector<200x200xbf16>, vector<1024x200xf32> -> vector<1024x200xf32>
    %mul3A_80 = arith.mulf %slice3A_30, %dot_general3A_79 : vector<1024x200xf32>
    %reduce_sum3A_81 = arith.constant dense<0.000000e+00> : vector<1024xf32>
    %reduce_sum3A_82 = vector.multi_reduction <add>, %mul3A_80, %reduce_sum3A_81 [1] : vector<1024x200xf32> to vector<1024xf32>
    %broadcast_in_dim3A_83 = vector.shape_cast %reduce_sum3A_82 : vector<1024xf32> to vector<1024x1xf32>
    %swap3A_84 = arith.constant 0 : index
    %swap3A_85 = arith.constant 3 : index
    %swap3A_86 = vector.load %arg10[%swap3A_84, %swap3A_85] : memref<1024x64xf32, #tpu.memory_space<vmem>>, vector<1024x1xf32>
    tpu.vector_store %arg10[%swap3A_84, %swap3A_85], %broadcast_in_dim3A_83 {strides = array<i32>} : memref<1024x64xf32, #tpu.memory_space<vmem>>, vector<1024x1xf32>,
    %get3A_87 = arith.constant 4 : index
    %get3A_88 = arith.constant 0 : index
    %get3A_89 = arith.constant 0 : index
    %get3A_90 = vector.load %arg7[%get3A_87, %get3A_88, %get3A_89] : memref<64x200x200xf32, #tpu.memory_space<vmem>>, vector<1x200x200xf32>
    %get3A_91 = vector.shape_cast %get3A_90 : vector<1x200x200xf32> to vector<200x200xf32>
    %convert_element_type3A_92 = arith.truncf %get3A_91 : vector<200x200xf32> to vector<200x200xbf16>
    %dot_general3A_93 = arith.constant dense<0.000000e+00> : vector<1024x200xf32>
    %dot_general3A_94 = tpu.matmul %convert_element_type3A_29, %convert_element_type3A_92, %dot_general3A_93 {dimension_numbers = #tpu.dot_dimension_numbers<[1], [1], [0], [0], [0, 0, 1, 0], [], []>, transpose_lhs_hint = false} : vector<1024x200xbf16>, vector<200x200xbf16>, vector<1024x200xf32> -> vector<1024x200xf32>
    %mul3A_95 = arith.mulf %slice3A_30, %dot_general3A_94 : vector<1024x200xf32>
    %reduce_sum3A_96 = arith.constant dense<0.000000e+00> : vector<1024xf32>
    %reduce_sum3A_97 = vector.multi_reduction <add>, %mul3A_95, %reduce_sum3A_96 [1] : vector<1024x200xf32> to vector<1024xf32>
    %broadcast_in_dim3A_98 = vector.shape_cast %reduce_sum3A_97 : vector<1024xf32> to vector<1024x1xf32>
    %swap3A_99 = arith.constant 0 : index
    %swap3A_100 = arith.constant 4 : index
    %swap3A_101 = vector.load %arg10[%swap3A_99, %swap3A_100] : memref<1024x64xf32, #tpu.memory_space<vmem>>, vector<1024x1xf32>
    tpu.vector_store %arg10[%swap3A_99, %swap3A_100], %broadcast_in_dim3A_98 {strides = array<i32>} : memref<1024x64xf32, #tpu.memory_space<vmem>>, vector<1024x1xf32>,
    %get3A_102 = arith.constant 5 : index
    %get3A_103 = arith.constant 0 : index
    %get3A_104 = arith.constant 0 : index
    %get3A_105 = vector.load %arg7[%get3A_102, %get3A_103, %get3A_104] : memref<64x200x200xf32, #tpu.memory_space<vmem>>, vector<1x200x200xf32>
    %get3A_106 = vector.shape_cast %get3A_105 : vector<1x200x200xf32> to vector<200x200xf32>
    %convert_element_type3A_107 = arith.truncf %get3A_106 : vector<200x200xf32> to vector<200x200xbf16>
    %dot_general3A_108 = arith.constant dense<0.000000e+00> : vector<1024x200xf32>
    %dot_general3A_109 = tpu.matmul %convert_element_type3A_29, %convert_element_type3A_107, %dot_general3A_108 {dimension_numbers = #tpu.dot_dimension_numbers<[1], [1], [0], [0], [0, 0, 1, 0], [], []>, transpose_lhs_hint = false} : vector<1024x200xbf16>, vector<200x200xbf16>, vector<1024x200xf32> -> vector<1024x200xf32>
    %mul3A_110 = arith.mulf %slice3A_30, %dot_general3A_109 : vector<1024x200xf32>
    %reduce_sum3A_111 = arith.constant dense<0.000000e+00> : vector<1024xf32>
    %reduce_sum3A_112 = vector.multi_reduction <add>, %mul3A_110, %reduce_sum3A_111 [1] : vector<1024x200xf32> to vector<1024xf32>
    %broadcast_in_dim3A_113 = vector.shape_cast %reduce_sum3A_112 : vector<1024xf32> to vector<1024x1xf32>
    %swap3A_114 = arith.constant 0 : index
    %swap3A_115 = arith.constant 5 : index
    %swap3A_116 = vector.load %arg10[%swap3A_114, %swap3A_115] : memref<1024x64xf32, #tpu.memory_space<vmem>>, vector<1024x1xf32>
    tpu.vector_store %arg10[%swap3A_114, %swap3A_115], %broadcast_in_dim3A_113 {strides = array<i32>} : memref<1024x64xf32, #tpu.memory_space<vmem>>, vector<1024x1xf32>,
    %get3A_117 = arith.constant 6 : index
    %get3A_118 = arith.constant 0 : index
    %get3A_119 = arith.constant 0 : index
    %get3A_120 = vector.load %arg7[%get3A_117, %get3A_118, %get3A_119] : memref<64x200x200xf32, #tpu.memory_space<vmem>>, vector<1x200x200xf32>
    %get3A_121 = vector.shape_cast %get3A_120 : vector<1x200x200xf32> to vector<200x200xf32>
    %convert_element_type3A_122 = arith.truncf %get3A_121 : vector<200x200xf32> to vector<200x200xbf16>
    %dot_general3A_123 = arith.constant dense<0.000000e+00> : vector<1024x200xf32>
    %dot_general3A_124 = tpu.matmul %convert_element_type3A_29, %convert_element_type3A_122, %dot_general3A_123 {dimension_numbers = #tpu.dot_dimension_numbers<[1], [1], [0], [0], [0, 0, 1, 0], [], []>, transpose_lhs_hint = false} : vector<1024x200xbf16>, vector<200x200xbf16>, vector<1024x200xf32> -> vector<1024x200xf32>
    %mul3A_125 = arith.mulf %slice3A_30, %dot_general3A_124 : vector<1024x200xf32>
    %reduce_sum3A_126 = arith.constant dense<0.000000e+00> : vector<1024xf32>
    %reduce_sum3A_127 = vector.multi_reduction <add>, %mul3A_125, %reduce_sum3A_126 [1] : vector<1024x200xf32> to vector<1024xf32>
    %broadcast_in_dim3A_128 = vector.shape_cast %reduce_sum3A_127 : vector<1024xf32> to vector<1024x1xf32>
    %swap3A_129 = arith.constant 0 : index
    %swap3A_130 = arith.constant 6 : index
    %swap3A_131 = vector.load %arg10[%swap3A_129, %swap3A_130] : memref<1024x64xf32, #tpu.memory_space<vmem>>, vector<1024x1xf32>
    tpu.vector_store %arg10[%swap3A_129, %swap3A_130], %broadcast_in_dim3A_128 {strides = array<i32>} : memref<1024x64xf32, #tpu.memory_space<vmem>>, vector<1024x1xf32>,
    %get3A_132 = arith.constant 7 : index
    %get3A_133 = arith.constant 0 : index
    %get3A_134 = arith.constant 0 : index
    %get3A_135 = vector.load %arg7[%get3A_132, %get3A_133, %get3A_134] : memref<64x200x200xf32, #tpu.memory_space<vmem>>, vector<1x200x200xf32>
    %get3A_136 = vector.shape_cast %get3A_135 : vector<1x200x200xf32> to vector<200x200xf32>
    %convert_element_type3A_137 = arith.truncf %get3A_136 : vector<200x200xf32> to vector<200x200xbf16>
    %dot_general3A_138 = arith.constant dense<0.000000e+00> : vector<1024x200xf32>
    %dot_general3A_139 = tpu.matmul %convert_element_type3A_29, %convert_element_type3A_137, %dot_general3A_138 {dimension_numbers = #tpu.dot_dimension_numbers<[1], [1], [0], [0], [0, 0, 1, 0], [], []>, transpose_lhs_hint = false} : vector<1024x200xbf16>, vector<200x200xbf16>, vector<1024x200xf32> -> vector<1024x200xf32>
    %mul3A_140 = arith.mulf %slice3A_30, %dot_general3A_139 : vector<1024x200xf32>
    %reduce_sum3A_141 = arith.constant dense<0.000000e+00> : vector<1024xf32>
    %reduce_sum3A_142 = vector.multi_reduction <add>, %mul3A_140, %reduce_sum3A_141 [1] : vector<1024x200xf32> to vector<1024xf32>
    %broadcast_in_dim3A_143 = vector.shape_cast %reduce_sum3A_142 : vector<1024xf32> to vector<1024x1xf32>
    %swap3A_144 = arith.constant 0 : index
    %swap3A_145 = arith.constant 7 : index
    %swap3A_146 = vector.load %arg10[%swap3A_144, %swap3A_145] : memref<1024x64xf32, #tpu.memory_space<vmem>>, vector<1024x1xf32>
    tpu.vector_store %arg10[%swap3A_144, %swap3A_145], %broadcast_in_dim3A_143 {strides = array<i32>} : memref<1024x64xf32, #tpu.memory_space<vmem>>, vector<1024x1xf32>,
    %get3A_147 = arith.constant 8 : index
    %get3A_148 = arith.constant 0 : index
    %get3A_149 = arith.constant 0 : index
    %get3A_150 = vector.load %arg7[%get3A_147, %get3A_148, %get3A_149] : memref<64x200x200xf32, #tpu.memory_space<vmem>>, vector<1x200x200xf32>
    %get3A_151 = vector.shape_cast %get3A_150 : vector<1x200x200xf32> to vector<200x200xf32>
    %convert_element_type3A_152 = arith.truncf %get3A_151 : vector<200x200xf32> to vector<200x200xbf16>
    %dot_general3A_153 = arith.constant dense<0.000000e+00> : vector<1024x200xf32>
    %dot_general3A_154 = tpu.matmul %convert_element_type3A_29, %convert_element_type3A_152, %dot_general3A_153 {dimension_numbers = #tpu.dot_dimension_numbers<[1], [1], [0], [0], [0, 0, 1, 0], [], []>, transpose_lhs_hint = false} : vector<1024x200xbf16>, vector<200x200xbf16>, vector<1024x200xf32> -> vector<1024x200xf32>
    %mul3A_155 = arith.mulf %slice3A_30, %dot_general3A_154 : vector<1024x200xf32>
    %reduce_sum3A_156 = arith.constant dense<0.000000e+00> : vector<1024xf32>
    %reduce_sum3A_157 = vector.multi_reduction <add>, %mul3A_155, %reduce_sum3A_156 [1] : vector<1024x200xf32> to vector<1024xf32>
    %broadcast_in_dim3A_158 = vector.shape_cast %reduce_sum3A_157 : vector<1024xf32> to vector<1024x1xf32>
    %swap3A_159 = arith.constant 0 : index
    %swap3A_160 = arith.constant 8 : index
    %swap3A_161 = vector.load %arg10[%swap3A_159, %swap3A_160] : memref<1024x64xf32, #tpu.memory_space<vmem>>, vector<1024x1xf32>
    tpu.vector_store %arg10[%swap3A_159, %swap3A_160], %broadcast_in_dim3A_158 {strides = array<i32>} : memref<1024x64xf32, #tpu.memory_space<vmem>>, vector<1024x1xf32>,
    %get3A_162 = arith.constant 9 : index
    %get3A_163 = arith.constant 0 : index
    %get3A_164 = arith.constant 0 : index
    %get3A_165 = vector.load %arg7[%get3A_162, %get3A_163, %get3A_164] : memref<64x200x200xf32, #tpu.memory_space<vmem>>, vector<1x200x200xf32>
    %get3A_166 = vector.shape_cast %get3A_165 : vector<1x200x200xf32> to vector<200x200xf32>
    %convert_element_type3A_167 = arith.truncf %get3A_166 : vector<200x200xf32> to vector<200x200xbf16>
    %dot_general3A_168 = arith.constant dense<0.000000e+00> : vector<1024x200xf32>
    %dot_general3A_169 = tpu.matmul %convert_element_type3A_29, %convert_element_type3A_167, %dot_general3A_168 {dimension_numbers = #tpu.dot_dimension_numbers<[1], [1], [0], [0], [0, 0, 1, 0], [], []>, transpose_lhs_hint = false} : vector<1024x200xbf16>, vector<200x200xbf16>, vector<1024x200xf32> -> vector<1024x200xf32>
    %mul3A_170 = arith.mulf %slice3A_30, %dot_general3A_169 : vector<1024x200xf32>
    %reduce_sum3A_171 = arith.constant dense<0.000000e+00> : vector<1024xf32>
    %reduce_sum3A_172 = vector.multi_reduction <add>, %mul3A_170, %reduce_sum3A_171 [1] : vector<1024x200xf32> to vector<1024xf32>
    %broadcast_in_dim3A_173 = vector.shape_cast %reduce_sum3A_172 : vector<1024xf32> to vector<1024x1xf32>
    %swap3A_174 = arith.constant 0 : index
    %swap3A_175 = arith.constant 9 : index
    %swap3A_176 = vector.load %arg10[%swap3A_174, %swap3A_175] : memref<1024x64xf32, #tpu.memory_space<vmem>>, vector<1024x1xf32>
    tpu.vector_store %arg10[%swap3A_174, %swap3A_175], %broadcast_in_dim3A_173 {strides = array<i32>} : memref<1024x64xf32, #tpu.memory_space<vmem>>, vector<1024x1xf32>,
    %get3A_177 = arith.constant 10 : index
    %get3A_178 = arith.constant 0 : index
    %get3A_179 = arith.constant 0 : index
    %get3A_180 = vector.load %arg7[%get3A_177, %get3A_178, %get3A_179] : memref<64x200x200xf32, #tpu.memory_space<vmem>>, vector<1x200x200xf32>
    %get3A_181 = vector.shape_cast %get3A_180 : vector<1x200x200xf32> to vector<200x200xf32>
    %convert_element_type3A_182 = arith.truncf %get3A_181 : vector<200x200xf32> to vector<200x200xbf16>
    %dot_general3A_183 = arith.constant dense<0.000000e+00> : vector<1024x200xf32>
    %dot_general3A_184 = tpu.matmul %convert_element_type3A_29, %convert_element_type3A_182, %dot_general3A_183 {dimension_numbers = #tpu.dot_dimension_numbers<[1], [1], [0], [0], [0, 0, 1, 0], [], []>, transpose_lhs_hint = false} : vector<1024x200xbf16>, vector<200x200xbf16>, vector<1024x200xf32> -> vector<1024x200xf32>
    %mul3A_185 = arith.mulf %slice3A_30, %dot_general3A_184 : vector<1024x200xf32>
    %reduce_sum3A_186 = arith.constant dense<0.000000e+00> : vector<1024xf32>
    %reduce_sum3A_187 = vector.multi_reduction <add>, %mul3A_185, %reduce_sum3A_186 [1] : vector<1024x200xf32> to vector<1024xf32>
    %broadcast_in_dim3A_188 = vector.shape_cast %reduce_sum3A_187 : vector<1024xf32> to vector<1024x1xf32>
    %swap3A_189 = arith.constant 0 : index
    %swap3A_190 = arith.constant 10 : index
    %swap3A_191 = vector.load %arg10[%swap3A_189, %swap3A_190] : memref<1024x64xf32, #tpu.memory_space<vmem>>, vector<1024x1xf32>
    tpu.vector_store %arg10[%swap3A_189, %swap3A_190], %broadcast_in_dim3A_188 {strides = array<i32>} : memref<1024x64xf32, #tpu.memory_space<vmem>>, vector<1024x1xf32>,
    %get3A_192 = arith.constant 11 : index
    %get3A_193 = arith.constant 0 : index
    %get3A_194 = arith.constant 0 : index
    %get3A_195 = vector.load %arg7[%get3A_192, %get3A_193, %get3A_194] : memref<64x200x200xf32, #tpu.memory_space<vmem>>, vector<1x200x200xf32>
    %get3A_196 = vector.shape_cast %get3A_195 : vector<1x200x200xf32> to vector<200x200xf32>
    %convert_element_type3A_197 = arith.truncf %get3A_196 : vector<200x200xf32> to vector<200x200xbf16>
    %dot_general3A_198 = arith.constant dense<0.000000e+00> : vector<1024x200xf32>
    %dot_general3A_199 = tpu.matmul %convert_element_type3A_29, %convert_element_type3A_197, %dot_general3A_198 {dimension_numbers = #tpu.dot_dimension_numbers<[1], [1], [0], [0], [0, 0, 1, 0], [], []>, transpose_lhs_hint = false} : vector<1024x200xbf16>, vector<200x200xbf16>, vector<1024x200xf32> -> vector<1024x200xf32>
    %mul3A_200 = arith.mulf %slice3A_30, %dot_general3A_199 : vector<1024x200xf32>
    %reduce_sum3A_201 = arith.constant dense<0.000000e+00> : vector<1024xf32>
    %reduce_sum3A_202 = vector.multi_reduction <add>, %mul3A_200, %reduce_sum3A_201 [1] : vector<1024x200xf32> to vector<1024xf32>
    %broadcast_in_dim3A_203 = vector.shape_cast %reduce_sum3A_202 : vector<1024xf32> to vector<1024x1xf32>
    %swap3A_204 = arith.constant 0 : index
    %swap3A_205 = arith.constant 11 : index
    %swap3A_206 = vector.load %arg10[%swap3A_204, %swap3A_205] : memref<1024x64xf32, #tpu.memory_space<vmem>>, vector<1024x1xf32>
    tpu.vector_store %arg10[%swap3A_204, %swap3A_205], %broadcast_in_dim3A_203 {strides = array<i32>} : memref<1024x64xf32, #tpu.memory_space<vmem>>, vector<1024x1xf32>,
    %get3A_207 = arith.constant 12 : index
    %get3A_208 = arith.constant 0 : index
    %get3A_209 = arith.constant 0 : index
    %get3A_210 = vector.load %arg7[%get3A_207, %get3A_208, %get3A_209] : memref<64x200x200xf32, #tpu.memory_space<vmem>>, vector<1x200x200xf32>
    %get3A_211 = vector.shape_cast %get3A_210 : vector<1x200x200xf32> to vector<200x200xf32>
    %convert_element_type3A_212 = arith.truncf %get3A_211 : vector<200x200xf32> to vector<200x200xbf16>
    %dot_general3A_213 = arith.constant dense<0.000000e+00> : vector<1024x200xf32>
    %dot_general3A_214 = tpu.matmul %convert_element_type3A_29, %convert_element_type3A_212, %dot_general3A_213 {dimension_numbers = #tpu.dot_dimension_numbers<[1], [1], [0], [0], [0, 0, 1, 0], [], []>, transpose_lhs_hint = false} : vector<1024x200xbf16>, vector<200x200xbf16>, vector<1024x200xf32> -> vector<1024x200xf32>
    %mul3A_215 = arith.mulf %slice3A_30, %dot_general3A_214 : vector<1024x200xf32>
    %reduce_sum3A_216 = arith.constant dense<0.000000e+00> : vector<1024xf32>
    %reduce_sum3A_217 = vector.multi_reduction <add>, %mul3A_215, %reduce_sum3A_216 [1] : vector<1024x200xf32> to vector<1024xf32>
    %broadcast_in_dim3A_218 = vector.shape_cast %reduce_sum3A_217 : vector<1024xf32> to vector<1024x1xf32>
    %swap3A_219 = arith.constant 0 : index
    %swap3A_220 = arith.constant 12 : index
    %swap3A_221 = vector.load %arg10[%swap3A_219, %swap3A_220] : memref<1024x64xf32, #tpu.memory_space<vmem>>, vector<1024x1xf32>
    tpu.vector_store %arg10[%swap3A_219, %swap3A_220], %broadcast_in_dim3A_218 {strides = array<i32>} : memref<1024x64xf32, #tpu.memory_space<vmem>>, vector<1024x1xf32>,
    %get3A_222 = arith.constant 13 : index
    %get3A_223 = arith.constant 0 : index
    %get3A_224 = arith.constant 0 : index
    %get3A_225 = vector.load %arg7[%get3A_222, %get3A_223, %get3A_224] : memref<64x200x200xf32, #tpu.memory_space<vmem>>, vector<1x200x200xf32>
    %get3A_226 = vector.shape_cast %get3A_225 : vector<1x200x200xf32> to vector<200x200xf32>
    %convert_element_type3A_227 = arith.truncf %get3A_226 : vector<200x200xf32> to vector<200x200xbf16>
    %dot_general3A_228 = arith.constant dense<0.000000e+00> : vector<1024x200xf32>
    %dot_general3A_229 = tpu.matmul %convert_element_type3A_29, %convert_element_type3A_227, %dot_general3A_228 {dimension_numbers = #tpu.dot_dimension_numbers<[1], [1], [0], [0], [0, 0, 1, 0], [], []>, transpose_lhs_hint = false} : vector<1024x200xbf16>, vector<200x200xbf16>, vector<1024x200xf32> -> vector<1024x200xf32>
    %mul3A_230 = arith.mulf %slice3A_30, %dot_general3A_229 : vector<1024x200xf32>
    %reduce_sum3A_231 = arith.constant dense<0.000000e+00> : vector<1024xf32>
    %reduce_sum3A_232 = vector.multi_reduction <add>, %mul3A_230, %reduce_sum3A_231 [1] : vector<1024x200xf32> to vector<1024xf32>
    %broadcast_in_dim3A_233 = vector.shape_cast %reduce_sum3A_232 : vector<1024xf32> to vector<1024x1xf32>
    %swap3A_234 = arith.constant 0 : index
    %swap3A_235 = arith.constant 13 : index
    %swap3A_236 = vector.load %arg10[%swap3A_234, %swap3A_235] : memref<1024x64xf32, #tpu.memory_space<vmem>>, vector<1024x1xf32>
    tpu.vector_store %arg10[%swap3A_234, %swap3A_235], %broadcast_in_dim3A_233 {strides = array<i32>} : memref<1024x64xf32, #tpu.memory_space<vmem>>, vector<1024x1xf32>,
    %get3A_237 = arith.constant 14 : index
    %get3A_238 = arith.constant 0 : index
    %get3A_239 = arith.constant 0 : index
    %get3A_240 = vector.load %arg7[%get3A_237, %get3A_238, %get3A_239] : memref<64x200x200xf32, #tpu.memory_space<vmem>>, vector<1x200x200xf32>
    %get3A_241 = vector.shape_cast %get3A_240 : vector<1x200x200xf32> to vector<200x200xf32>
    %convert_element_type3A_242 = arith.truncf %get3A_241 : vector<200x200xf32> to vector<200x200xbf16>
    %dot_general3A_243 = arith.constant dense<0.000000e+00> : vector<1024x200xf32>
    %dot_general3A_244 = tpu.matmul %convert_element_type3A_29, %convert_element_type3A_242, %dot_general3A_243 {dimension_numbers = #tpu.dot_dimension_numbers<[1], [1], [0], [0], [0, 0, 1, 0], [], []>, transpose_lhs_hint = false} : vector<1024x200xbf16>, vector<200x200xbf16>, vector<1024x200xf32> -> vector<1024x200xf32>
    %mul3A_245 = arith.mulf %slice3A_30, %dot_general3A_244 : vector<1024x200xf32>
    %reduce_sum3A_246 = arith.constant dense<0.000000e+00> : vector<1024xf32>
    %reduce_sum3A_247 = vector.multi_reduction <add>, %mul3A_245, %reduce_sum3A_246 [1] : vector<1024x200xf32> to vector<1024xf32>
    %broadcast_in_dim3A_248 = vector.shape_cast %reduce_sum3A_247 : vector<1024xf32> to vector<1024x1xf32>
    %swap3A_249 = arith.constant 0 : index
    %swap3A_250 = arith.constant 14 : index
    %swap3A_251 = vector.load %arg10[%swap3A_249, %swap3A_250] : memref<1024x64xf32, #tpu.memory_space<vmem>>, vector<1024x1xf32>
    tpu.vector_store %arg10[%swap3A_249, %swap3A_250], %broadcast_in_dim3A_248 {strides = array<i32>} : memref<1024x64xf32, #tpu.memory_space<vmem>>, vector<1024x1xf32>,
    %get3A_252 = arith.constant 15 : index
    %get3A_253 = arith.constant 0 : index
    %get3A_254 = arith.constant 0 : index
    %get3A_255 = vector.load %arg7[%get3A_252, %get3A_253, %get3A_254] : memref<64x200x200xf32, #tpu.memory_space<vmem>>, vector<1x200x200xf32>
    %get3A_256 = vector.shape_cast %get3A_255 : vector<1x200x200xf32> to vector<200x200xf32>
    %convert_element_type3A_257 = arith.truncf %get3A_256 : vector<200x200xf32> to vector<200x200xbf16>
    %dot_general3A_258 = arith.constant dense<0.000000e+00> : vector<1024x200xf32>
    %dot_general3A_259 = tpu.matmul %convert_element_type3A_29, %convert_element_type3A_257, %dot_general3A_258 {dimension_numbers = #tpu.dot_dimension_numbers<[1], [1], [0], [0], [0, 0, 1, 0], [], []>, transpose_lhs_hint = false} : vector<1024x200xbf16>, vector<200x200xbf16>, vector<1024x200xf32> -> vector<1024x200xf32>
    %mul3A_260 = arith.mulf %slice3A_30, %dot_general3A_259 : vector<1024x200xf32>
    %reduce_sum3A_261 = arith.constant dense<0.000000e+00> : vector<1024xf32>
    %reduce_sum3A_262 = vector.multi_reduction <add>, %mul3A_260, %reduce_sum3A_261 [1] : vector<1024x200xf32> to vector<1024xf32>
    %broadcast_in_dim3A_263 = vector.shape_cast %reduce_sum3A_262 : vector<1024xf32> to vector<1024x1xf32>
    %swap3A_264 = arith.constant 0 : index
    %swap3A_265 = arith.constant 15 : index
    %swap3A_266 = vector.load %arg10[%swap3A_264, %swap3A_265] : memref<1024x64xf32, #tpu.memory_space<vmem>>, vector<1024x1xf32>
    tpu.vector_store %arg10[%swap3A_264, %swap3A_265], %broadcast_in_dim3A_263 {strides = array<i32>} : memref<1024x64xf32, #tpu.memory_space<vmem>>, vector<1024x1xf32>,
    %get3A_267 = arith.constant 16 : index
    %get3A_268 = arith.constant 0 : index
    %get3A_269 = arith.constant 0 : index
    %get3A_270 = vector.load %arg7[%get3A_267, %get3A_268, %get3A_269] : memref<64x200x200xf32, #tpu.memory_space<vmem>>, vector<1x200x200xf32>
    %get3A_271 = vector.shape_cast %get3A_270 : vector<1x200x200xf32> to vector<200x200xf32>
    %convert_element_type3A_272 = arith.truncf %get3A_271 : vector<200x200xf32> to vector<200x200xbf16>
    %dot_general3A_273 = arith.constant dense<0.000000e+00> : vector<1024x200xf32>
    %dot_general3A_274 = tpu.matmul %convert_element_type3A_29, %convert_element_type3A_272, %dot_general3A_273 {dimension_numbers = #tpu.dot_dimension_numbers<[1], [1], [0], [0], [0, 0, 1, 0], [], []>, transpose_lhs_hint = false} : vector<1024x200xbf16>, vector<200x200xbf16>, vector<1024x200xf32> -> vector<1024x200xf32>
    %mul3A_275 = arith.mulf %slice3A_30, %dot_general3A_274 : vector<1024x200xf32>
    %reduce_sum3A_276 = arith.constant dense<0.000000e+00> : vector<1024xf32>
    %reduce_sum3A_277 = vector.multi_reduction <add>, %mul3A_275, %reduce_sum3A_276 [1] : vector<1024x200xf32> to vector<1024xf32>
    %broadcast_in_dim3A_278 = vector.shape_cast %reduce_sum3A_277 : vector<1024xf32> to vector<1024x1xf32>
    %swap3A_279 = arith.constant 0 : index
    %swap3A_280 = arith.constant 16 : index
    %swap3A_281 = vector.load %arg10[%swap3A_279, %swap3A_280] : memref<1024x64xf32, #tpu.memory_space<vmem>>, vector<1024x1xf32>
    tpu.vector_store %arg10[%swap3A_279, %swap3A_280], %broadcast_in_dim3A_278 {strides = array<i32>} : memref<1024x64xf32, #tpu.memory_space<vmem>>, vector<1024x1xf32>,
    %get3A_282 = arith.constant 17 : index
    %get3A_283 = arith.constant 0 : index
    %get3A_284 = arith.constant 0 : index
    %get3A_285 = vector.load %arg7[%get3A_282, %get3A_283, %get3A_284] : memref<64x200x200xf32, #tpu.memory_space<vmem>>, vector<1x200x200xf32>
    %get3A_286 = vector.shape_cast %get3A_285 : vector<1x200x200xf32> to vector<200x200xf32>
    %convert_element_type3A_287 = arith.truncf %get3A_286 : vector<200x200xf32> to vector<200x200xbf16>
    %dot_general3A_288 = arith.constant dense<0.000000e+00> : vector<1024x200xf32>
    %dot_general3A_289 = tpu.matmul %convert_element_type3A_29, %convert_element_type3A_287, %dot_general3A_288 {dimension_numbers = #tpu.dot_dimension_numbers<[1], [1], [0], [0], [0, 0, 1, 0], [], []>, transpose_lhs_hint = false} : vector<1024x200xbf16>, vector<200x200xbf16>, vector<1024x200xf32> -> vector<1024x200xf32>
    %mul3A_290 = arith.mulf %slice3A_30, %dot_general3A_289 : vector<1024x200xf32>
    %reduce_sum3A_291 = arith.constant dense<0.000000e+00> : vector<1024xf32>
    %reduce_sum3A_292 = vector.multi_reduction <add>, %mul3A_290, %reduce_sum3A_291 [1] : vector<1024x200xf32> to vector<1024xf32>
    %broadcast_in_dim3A_293 = vector.shape_cast %reduce_sum3A_292 : vector<1024xf32> to vector<1024x1xf32>
    %swap3A_294 = arith.constant 0 : index
    %swap3A_295 = arith.constant 17 : index
    %swap3A_296 = vector.load %arg10[%swap3A_294, %swap3A_295] : memref<1024x64xf32, #tpu.memory_space<vmem>>, vector<1024x1xf32>
    tpu.vector_store %arg10[%swap3A_294, %swap3A_295], %broadcast_in_dim3A_293 {strides = array<i32>} : memref<1024x64xf32, #tpu.memory_space<vmem>>, vector<1024x1xf32>,
    %get3A_297 = arith.constant 18 : index
    %get3A_298 = arith.constant 0 : index
    %get3A_299 = arith.constant 0 : index
    %get3A_300 = vector.load %arg7[%get3A_297, %get3A_298, %get3A_299] : memref<64x200x200xf32, #tpu.memory_space<vmem>>, vector<1x200x200xf32>
    %get3A_301 = vector.shape_cast %get3A_300 : vector<1x200x200xf32> to vector<200x200xf32>
    %convert_element_type3A_302 = arith.truncf %get3A_301 : vector<200x200xf32> to vector<200x200xbf16>
    %dot_general3A_303 = arith.constant dense<0.000000e+00> : vector<1024x200xf32>
    %dot_general3A_304 = tpu.matmul %convert_element_type3A_29, %convert_element_type3A_302, %dot_general3A_303 {dimension_numbers = #tpu.dot_dimension_numbers<[1], [1], [0], [0], [0, 0, 1, 0], [], []>, transpose_lhs_hint = false} : vector<1024x200xbf16>, vector<200x200xbf16>, vector<1024x200xf32> -> vector<1024x200xf32>
    %mul3A_305 = arith.mulf %slice3A_30, %dot_general3A_304 : vector<1024x200xf32>
    %reduce_sum3A_306 = arith.constant dense<0.000000e+00> : vector<1024xf32>
    %reduce_sum3A_307 = vector.multi_reduction <add>, %mul3A_305, %reduce_sum3A_306 [1] : vector<1024x200xf32> to vector<1024xf32>
    %broadcast_in_dim3A_308 = vector.shape_cast %reduce_sum3A_307 : vector<1024xf32> to vector<1024x1xf32>
    %swap3A_309 = arith.constant 0 : index
    %swap3A_310 = arith.constant 18 : index
    %swap3A_311 = vector.load %arg10[%swap3A_309, %swap3A_310] : memref<1024x64xf32, #tpu.memory_space<vmem>>, vector<1024x1xf32>
    tpu.vector_store %arg10[%swap3A_309, %swap3A_310], %broadcast_in_dim3A_308 {strides = array<i32>} : memref<1024x64xf32, #tpu.memory_space<vmem>>, vector<1024x1xf32>,
    %get3A_312 = arith.constant 19 : index
    %get3A_313 = arith.constant 0 : index
    %get3A_314 = arith.constant 0 : index
    %get3A_315 = vector.load %arg7[%get3A_312, %get3A_313, %get3A_314] : memref<64x200x200xf32, #tpu.memory_space<vmem>>, vector<1x200x200xf32>
    %get3A_316 = vector.shape_cast %get3A_315 : vector<1x200x200xf32> to vector<200x200xf32>
    %convert_element_type3A_317 = arith.truncf %get3A_316 : vector<200x200xf32> to vector<200x200xbf16>
    %dot_general3A_318 = arith.constant dense<0.000000e+00> : vector<1024x200xf32>
    %dot_general3A_319 = tpu.matmul %convert_element_type3A_29, %convert_element_type3A_317, %dot_general3A_318 {dimension_numbers = #tpu.dot_dimension_numbers<[1], [1], [0], [0], [0, 0, 1, 0], [], []>, transpose_lhs_hint = false} : vector<1024x200xbf16>, vector<200x200xbf16>, vector<1024x200xf32> -> vector<1024x200xf32>
    %mul3A_320 = arith.mulf %slice3A_30, %dot_general3A_319 : vector<1024x200xf32>
    %reduce_sum3A_321 = arith.constant dense<0.000000e+00> : vector<1024xf32>
    %reduce_sum3A_322 = vector.multi_reduction <add>, %mul3A_320, %reduce_sum3A_321 [1] : vector<1024x200xf32> to vector<1024xf32>
    %broadcast_in_dim3A_323 = vector.shape_cast %reduce_sum3A_322 : vector<1024xf32> to vector<1024x1xf32>
    %swap3A_324 = arith.constant 0 : index
    %swap3A_325 = arith.constant 19 : index
    %swap3A_326 = vector.load %arg10[%swap3A_324, %swap3A_325] : memref<1024x64xf32, #tpu.memory_space<vmem>>, vector<1024x1xf32>
    tpu.vector_store %arg10[%swap3A_324, %swap3A_325], %broadcast_in_dim3A_323 {strides = array<i32>} : memref<1024x64xf32, #tpu.memory_space<vmem>>, vector<1024x1xf32>,
    %get3A_327 = arith.constant 20 : index
    %get3A_328 = arith.constant 0 : index
    %get3A_329 = arith.constant 0 : index
    %get3A_330 = vector.load %arg7[%get3A_327, %get3A_328, %get3A_329] : memref<64x200x200xf32, #tpu.memory_space<vmem>>, vector<1x200x200xf32>
    %get3A_331 = vector.shape_cast %get3A_330 : vector<1x200x200xf32> to vector<200x200xf32>
    %convert_element_type3A_332 = arith.truncf %get3A_331 : vector<200x200xf32> to vector<200x200xbf16>
    %dot_general3A_333 = arith.constant dense<0.000000e+00> : vector<1024x200xf32>
    %dot_general3A_334 = tpu.matmul %convert_element_type3A_29, %convert_element_type3A_332, %dot_general3A_333 {dimension_numbers = #tpu.dot_dimension_numbers<[1], [1], [0], [0], [0, 0, 1, 0], [], []>, transpose_lhs_hint = false} : vector<1024x200xbf16>, vector<200x200xbf16>, vector<1024x200xf32> -> vector<1024x200xf32>
    %mul3A_335 = arith.mulf %slice3A_30, %dot_general3A_334 : vector<1024x200xf32>
    %reduce_sum3A_336 = arith.constant dense<0.000000e+00> : vector<1024xf32>
    %reduce_sum3A_337 = vector.multi_reduction <add>, %mul3A_335, %reduce_sum3A_336 [1] : vector<1024x200xf32> to vector<1024xf32>
    %broadcast_in_dim3A_338 = vector.shape_cast %reduce_sum3A_337 : vector<1024xf32> to vector<1024x1xf32>
    %swap3A_339 = arith.constant 0 : index
    %swap3A_340 = arith.constant 20 : index
    %swap3A_341 = vector.load %arg10[%swap3A_339, %swap3A_340] : memref<1024x64xf32, #tpu.memory_space<vmem>>, vector<1024x1xf32>
    tpu.vector_store %arg10[%swap3A_339, %swap3A_340], %broadcast_in_dim3A_338 {strides = array<i32>} : memref<1024x64xf32, #tpu.memory_space<vmem>>, vector<1024x1xf32>,
    %get3A_342 = arith.constant 21 : index
    %get3A_343 = arith.constant 0 : index
    %get3A_344 = arith.constant 0 : index
    %get3A_345 = vector.load %arg7[%get3A_342, %get3A_343, %get3A_344] : memref<64x200x200xf32, #tpu.memory_space<vmem>>, vector<1x200x200xf32>
    %get3A_346 = vector.shape_cast %get3A_345 : vector<1x200x200xf32> to vector<200x200xf32>
    %convert_element_type3A_347 = arith.truncf %get3A_346 : vector<200x200xf32> to vector<200x200xbf16>
    %dot_general3A_348 = arith.constant dense<0.000000e+00> : vector<1024x200xf32>
    %dot_general3A_349 = tpu.matmul %convert_element_type3A_29, %convert_element_type3A_347, %dot_general3A_348 {dimension_numbers = #tpu.dot_dimension_numbers<[1], [1], [0], [0], [0, 0, 1, 0], [], []>, transpose_lhs_hint = false} : vector<1024x200xbf16>, vector<200x200xbf16>, vector<1024x200xf32> -> vector<1024x200xf32>
    %mul3A_350 = arith.mulf %slice3A_30, %dot_general3A_349 : vector<1024x200xf32>
    %reduce_sum3A_351 = arith.constant dense<0.000000e+00> : vector<1024xf32>
    %reduce_sum3A_352 = vector.multi_reduction <add>, %mul3A_350, %reduce_sum3A_351 [1] : vector<1024x200xf32> to vector<1024xf32>
    %broadcast_in_dim3A_353 = vector.shape_cast %reduce_sum3A_352 : vector<1024xf32> to vector<1024x1xf32>
    %swap3A_354 = arith.constant 0 : index
    %swap3A_355 = arith.constant 21 : index
    %swap3A_356 = vector.load %arg10[%swap3A_354, %swap3A_355] : memref<1024x64xf32, #tpu.memory_space<vmem>>, vector<1024x1xf32>
    tpu.vector_store %arg10[%swap3A_354, %swap3A_355], %broadcast_in_dim3A_353 {strides = array<i32>} : memref<1024x64xf32, #tpu.memory_space<vmem>>, vector<1024x1xf32>,
    %get3A_357 = arith.constant 22 : index
    %get3A_358 = arith.constant 0 : index
    %get3A_359 = arith.constant 0 : index
    %get3A_360 = vector.load %arg7[%get3A_357, %get3A_358, %get3A_359] : memref<64x200x200xf32, #tpu.memory_space<vmem>>, vector<1x200x200xf32>
    %get3A_361 = vector.shape_cast %get3A_360 : vector<1x200x200xf32> to vector<200x200xf32>
    %convert_element_type3A_362 = arith.truncf %get3A_361 : vector<200x200xf32> to vector<200x200xbf16>
    %dot_general3A_363 = arith.constant dense<0.000000e+00> : vector<1024x200xf32>
    %dot_general3A_364 = tpu.matmul %convert_element_type3A_29, %convert_element_type3A_362, %dot_general3A_363 {dimension_numbers = #tpu.dot_dimension_numbers<[1], [1], [0], [0], [0, 0, 1, 0], [], []>, transpose_lhs_hint = false} : vector<1024x200xbf16>, vector<200x200xbf16>, vector<1024x200xf32> -> vector<1024x200xf32>
    %mul3A_365 = arith.mulf %slice3A_30, %dot_general3A_364 : vector<1024x200xf32>
    %reduce_sum3A_366 = arith.constant dense<0.000000e+00> : vector<1024xf32>
    %reduce_sum3A_367 = vector.multi_reduction <add>, %mul3A_365, %reduce_sum3A_366 [1] : vector<1024x200xf32> to vector<1024xf32>
    %broadcast_in_dim3A_368 = vector.shape_cast %reduce_sum3A_367 : vector<1024xf32> to vector<1024x1xf32>
    %swap3A_369 = arith.constant 0 : index
    %swap3A_370 = arith.constant 22 : index
    %swap3A_371 = vector.load %arg10[%swap3A_369, %swap3A_370] : memref<1024x64xf32, #tpu.memory_space<vmem>>, vector<1024x1xf32>
    tpu.vector_store %arg10[%swap3A_369, %swap3A_370], %broadcast_in_dim3A_368 {strides = array<i32>} : memref<1024x64xf32, #tpu.memory_space<vmem>>, vector<1024x1xf32>,
    %get3A_372 = arith.constant 23 : index
    %get3A_373 = arith.constant 0 : index
    %get3A_374 = arith.constant 0 : index
    %get3A_375 = vector.load %arg7[%get3A_372, %get3A_373, %get3A_374] : memref<64x200x200xf32, #tpu.memory_space<vmem>>, vector<1x200x200xf32>
    %get3A_376 = vector.shape_cast %get3A_375 : vector<1x200x200xf32> to vector<200x200xf32>
    %convert_element_type3A_377 = arith.truncf %get3A_376 : vector<200x200xf32> to vector<200x200xbf16>
    %dot_general3A_378 = arith.constant dense<0.000000e+00> : vector<1024x200xf32>
    %dot_general3A_379 = tpu.matmul %convert_element_type3A_29, %convert_element_type3A_377, %dot_general3A_378 {dimension_numbers = #tpu.dot_dimension_numbers<[1], [1], [0], [0], [0, 0, 1, 0], [], []>, transpose_lhs_hint = false} : vector<1024x200xbf16>, vector<200x200xbf16>, vector<1024x200xf32> -> vector<1024x200xf32>
    %mul3A_380 = arith.mulf %slice3A_30, %dot_general3A_379 : vector<1024x200xf32>
    %reduce_sum3A_381 = arith.constant dense<0.000000e+00> : vector<1024xf32>
    %reduce_sum3A_382 = vector.multi_reduction <add>, %mul3A_380, %reduce_sum3A_381 [1] : vector<1024x200xf32> to vector<1024xf32>
    %broadcast_in_dim3A_383 = vector.shape_cast %reduce_sum3A_382 : vector<1024xf32> to vector<1024x1xf32>
    %swap3A_384 = arith.constant 0 : index
    %swap3A_385 = arith.constant 23 : index
    %swap3A_386 = vector.load %arg10[%swap3A_384, %swap3A_385] : memref<1024x64xf32, #tpu.memory_space<vmem>>, vector<1024x1xf32>
    tpu.vector_store %arg10[%swap3A_384, %swap3A_385], %broadcast_in_dim3A_383 {strides = array<i32>} : memref<1024x64xf32, #tpu.memory_space<vmem>>, vector<1024x1xf32>,
    %get3A_387 = arith.constant 24 : index
    %get3A_388 = arith.constant 0 : index
    %get3A_389 = arith.constant 0 : index
    %get3A_390 = vector.load %arg7[%get3A_387, %get3A_388, %get3A_389] : memref<64x200x200xf32, #tpu.memory_space<vmem>>, vector<1x200x200xf32>
    %get3A_391 = vector.shape_cast %get3A_390 : vector<1x200x200xf32> to vector<200x200xf32>
    %convert_element_type3A_392 = arith.truncf %get3A_391 : vector<200x200xf32> to vector<200x200xbf16>
    %dot_general3A_393 = arith.constant dense<0.000000e+00> : vector<1024x200xf32>
    %dot_general3A_394 = tpu.matmul %convert_element_type3A_29, %convert_element_type3A_392, %dot_general3A_393 {dimension_numbers = #tpu.dot_dimension_numbers<[1], [1], [0], [0], [0, 0, 1, 0], [], []>, transpose_lhs_hint = false} : vector<1024x200xbf16>, vector<200x200xbf16>, vector<1024x200xf32> -> vector<1024x200xf32>
    %mul3A_395 = arith.mulf %slice3A_30, %dot_general3A_394 : vector<1024x200xf32>
    %reduce_sum3A_396 = arith.constant dense<0.000000e+00> : vector<1024xf32>
    %reduce_sum3A_397 = vector.multi_reduction <add>, %mul3A_395, %reduce_sum3A_396 [1] : vector<1024x200xf32> to vector<1024xf32>
    %broadcast_in_dim3A_398 = vector.shape_cast %reduce_sum3A_397 : vector<1024xf32> to vector<1024x1xf32>
    %swap3A_399 = arith.constant 0 : index
    %swap3A_400 = arith.constant 24 : index
    %swap3A_401 = vector.load %arg10[%swap3A_399, %swap3A_400] : memref<1024x64xf32, #tpu.memory_space<vmem>>, vector<1024x1xf32>
    tpu.vector_store %arg10[%swap3A_399, %swap3A_400], %broadcast_in_dim3A_398 {strides = array<i32>} : memref<1024x64xf32, #tpu.memory_space<vmem>>, vector<1024x1xf32>,
    %get3A_402 = arith.constant 25 : index
    %get3A_403 = arith.constant 0 : index
    %get3A_404 = arith.constant 0 : index
    %get3A_405 = vector.load %arg7[%get3A_402, %get3A_403, %get3A_404] : memref<64x200x200xf32, #tpu.memory_space<vmem>>, vector<1x200x200xf32>
    %get3A_406 = vector.shape_cast %get3A_405 : vector<1x200x200xf32> to vector<200x200xf32>
    %convert_element_type3A_407 = arith.truncf %get3A_406 : vector<200x200xf32> to vector<200x200xbf16>
    %dot_general3A_408 = arith.constant dense<0.000000e+00> : vector<1024x200xf32>
    %dot_general3A_409 = tpu.matmul %convert_element_type3A_29, %convert_element_type3A_407, %dot_general3A_408 {dimension_numbers = #tpu.dot_dimension_numbers<[1], [1], [0], [0], [0, 0, 1, 0], [], []>, transpose_lhs_hint = false} : vector<1024x200xbf16>, vector<200x200xbf16>, vector<1024x200xf32> -> vector<1024x200xf32>
    %mul3A_410 = arith.mulf %slice3A_30, %dot_general3A_409 : vector<1024x200xf32>
    %reduce_sum3A_411 = arith.constant dense<0.000000e+00> : vector<1024xf32>
    %reduce_sum3A_412 = vector.multi_reduction <add>, %mul3A_410, %reduce_sum3A_411 [1] : vector<1024x200xf32> to vector<1024xf32>
    %broadcast_in_dim3A_413 = vector.shape_cast %reduce_sum3A_412 : vector<1024xf32> to vector<1024x1xf32>
    %swap3A_414 = arith.constant 0 : index
    %swap3A_415 = arith.constant 25 : index
    %swap3A_416 = vector.load %arg10[%swap3A_414, %swap3A_415] : memref<1024x64xf32, #tpu.memory_space<vmem>>, vector<1024x1xf32>
    tpu.vector_store %arg10[%swap3A_414, %swap3A_415], %broadcast_in_dim3A_413 {strides = array<i32>} : memref<1024x64xf32, #tpu.memory_space<vmem>>, vector<1024x1xf32>,
    %get3A_417 = arith.constant 26 : index
    %get3A_418 = arith.constant 0 : index
    %get3A_419 = arith.constant 0 : index
    %get3A_420 = vector.load %arg7[%get3A_417, %get3A_418, %get3A_419] : memref<64x200x200xf32, #tpu.memory_space<vmem>>, vector<1x200x200xf32>
    %get3A_421 = vector.shape_cast %get3A_420 : vector<1x200x200xf32> to vector<200x200xf32>
    %convert_element_type3A_422 = arith.truncf %get3A_421 : vector<200x200xf32> to vector<200x200xbf16>
    %dot_general3A_423 = arith.constant dense<0.000000e+00> : vector<1024x200xf32>
    %dot_general3A_424 = tpu.matmul %convert_element_type3A_29, %convert_element_type3A_422, %dot_general3A_423 {dimension_numbers = #tpu.dot_dimension_numbers<[1], [1], [0], [0], [0, 0, 1, 0], [], []>, transpose_lhs_hint = false} : vector<1024x200xbf16>, vector<200x200xbf16>, vector<1024x200xf32> -> vector<1024x200xf32>
    %mul3A_425 = arith.mulf %slice3A_30, %dot_general3A_424 : vector<1024x200xf32>
    %reduce_sum3A_426 = arith.constant dense<0.000000e+00> : vector<1024xf32>
    %reduce_sum3A_427 = vector.multi_reduction <add>, %mul3A_425, %reduce_sum3A_426 [1] : vector<1024x200xf32> to vector<1024xf32>
    %broadcast_in_dim3A_428 = vector.shape_cast %reduce_sum3A_427 : vector<1024xf32> to vector<1024x1xf32>
    %swap3A_429 = arith.constant 0 : index
    %swap3A_430 = arith.constant 26 : index
    %swap3A_431 = vector.load %arg10[%swap3A_429, %swap3A_430] : memref<1024x64xf32, #tpu.memory_space<vmem>>, vector<1024x1xf32>
    tpu.vector_store %arg10[%swap3A_429, %swap3A_430], %broadcast_in_dim3A_428 {strides = array<i32>} : memref<1024x64xf32, #tpu.memory_space<vmem>>, vector<1024x1xf32>,
    %get3A_432 = arith.constant 27 : index
    %get3A_433 = arith.constant 0 : index
    %get3A_434 = arith.constant 0 : index
    %get3A_435 = vector.load %arg7[%get3A_432, %get3A_433, %get3A_434] : memref<64x200x200xf32, #tpu.memory_space<vmem>>, vector<1x200x200xf32>
    %get3A_436 = vector.shape_cast %get3A_435 : vector<1x200x200xf32> to vector<200x200xf32>
    %convert_element_type3A_437 = arith.truncf %get3A_436 : vector<200x200xf32> to vector<200x200xbf16>
    %dot_general3A_438 = arith.constant dense<0.000000e+00> : vector<1024x200xf32>
    %dot_general3A_439 = tpu.matmul %convert_element_type3A_29, %convert_element_type3A_437, %dot_general3A_438 {dimension_numbers = #tpu.dot_dimension_numbers<[1], [1], [0], [0], [0, 0, 1, 0], [], []>, transpose_lhs_hint = false} : vector<1024x200xbf16>, vector<200x200xbf16>, vector<1024x200xf32> -> vector<1024x200xf32>
    %mul3A_440 = arith.mulf %slice3A_30, %dot_general3A_439 : vector<1024x200xf32>
    %reduce_sum3A_441 = arith.constant dense<0.000000e+00> : vector<1024xf32>
    %reduce_sum3A_442 = vector.multi_reduction <add>, %mul3A_440, %reduce_sum3A_441 [1] : vector<1024x200xf32> to vector<1024xf32>
    %broadcast_in_dim3A_443 = vector.shape_cast %reduce_sum3A_442 : vector<1024xf32> to vector<1024x1xf32>
    %swap3A_444 = arith.constant 0 : index
    %swap3A_445 = arith.constant 27 : index
    %swap3A_446 = vector.load %arg10[%swap3A_444, %swap3A_445] : memref<1024x64xf32, #tpu.memory_space<vmem>>, vector<1024x1xf32>
    tpu.vector_store %arg10[%swap3A_444, %swap3A_445], %broadcast_in_dim3A_443 {strides = array<i32>} : memref<1024x64xf32, #tpu.memory_space<vmem>>, vector<1024x1xf32>,
    %get3A_447 = arith.constant 28 : index
    %get3A_448 = arith.constant 0 : index
    %get3A_449 = arith.constant 0 : index
    %get3A_450 = vector.load %arg7[%get3A_447, %get3A_448, %get3A_449] : memref<64x200x200xf32, #tpu.memory_space<vmem>>, vector<1x200x200xf32>
    %get3A_451 = vector.shape_cast %get3A_450 : vector<1x200x200xf32> to vector<200x200xf32>
    %convert_element_type3A_452 = arith.truncf %get3A_451 : vector<200x200xf32> to vector<200x200xbf16>
    %dot_general3A_453 = arith.constant dense<0.000000e+00> : vector<1024x200xf32>
    %dot_general3A_454 = tpu.matmul %convert_element_type3A_29, %convert_element_type3A_452, %dot_general3A_453 {dimension_numbers = #tpu.dot_dimension_numbers<[1], [1], [0], [0], [0, 0, 1, 0], [], []>, transpose_lhs_hint = false} : vector<1024x200xbf16>, vector<200x200xbf16>, vector<1024x200xf32> -> vector<1024x200xf32>
    %mul3A_455 = arith.mulf %slice3A_30, %dot_general3A_454 : vector<1024x200xf32>
    %reduce_sum3A_456 = arith.constant dense<0.000000e+00> : vector<1024xf32>
    %reduce_sum3A_457 = vector.multi_reduction <add>, %mul3A_455, %reduce_sum3A_456 [1] : vector<1024x200xf32> to vector<1024xf32>
    %broadcast_in_dim3A_458 = vector.shape_cast %reduce_sum3A_457 : vector<1024xf32> to vector<1024x1xf32>
    %swap3A_459 = arith.constant 0 : index
    %swap3A_460 = arith.constant 28 : index
    %swap3A_461 = vector.load %arg10[%swap3A_459, %swap3A_460] : memref<1024x64xf32, #tpu.memory_space<vmem>>, vector<1024x1xf32>
    tpu.vector_store %arg10[%swap3A_459, %swap3A_460], %broadcast_in_dim3A_458 {strides = array<i32>} : memref<1024x64xf32, #tpu.memory_space<vmem>>, vector<1024x1xf32>,
    %get3A_462 = arith.constant 29 : index
    %get3A_463 = arith.constant 0 : index
    %get3A_464 = arith.constant 0 : index
    %get3A_465 = vector.load %arg7[%get3A_462, %get3A_463, %get3A_464] : memref<64x200x200xf32, #tpu.memory_space<vmem>>, vector<1x200x200xf32>
    %get3A_466 = vector.shape_cast %get3A_465 : vector<1x200x200xf32> to vector<200x200xf32>
    %convert_element_type3A_467 = arith.truncf %get3A_466 : vector<200x200xf32> to vector<200x200xbf16>
    %dot_general3A_468 = arith.constant dense<0.000000e+00> : vector<1024x200xf32>
    %dot_general3A_469 = tpu.matmul %convert_element_type3A_29, %convert_element_type3A_467, %dot_general3A_468 {dimension_numbers = #tpu.dot_dimension_numbers<[1], [1], [0], [0], [0, 0, 1, 0], [], []>, transpose_lhs_hint = false} : vector<1024x200xbf16>, vector<200x200xbf16>, vector<1024x200xf32> -> vector<1024x200xf32>
    %mul3A_470 = arith.mulf %slice3A_30, %dot_general3A_469 : vector<1024x200xf32>
    %reduce_sum3A_471 = arith.constant dense<0.000000e+00> : vector<1024xf32>
    %reduce_sum3A_472 = vector.multi_reduction <add>, %mul3A_470, %reduce_sum3A_471 [1] : vector<1024x200xf32> to vector<1024xf32>
    %broadcast_in_dim3A_473 = vector.shape_cast %reduce_sum3A_472 : vector<1024xf32> to vector<1024x1xf32>
    %swap3A_474 = arith.constant 0 : index
    %swap3A_475 = arith.constant 29 : index
    %swap3A_476 = vector.load %arg10[%swap3A_474, %swap3A_475] : memref<1024x64xf32, #tpu.memory_space<vmem>>, vector<1024x1xf32>
    tpu.vector_store %arg10[%swap3A_474, %swap3A_475], %broadcast_in_dim3A_473 {strides = array<i32>} : memref<1024x64xf32, #tpu.memory_space<vmem>>, vector<1024x1xf32>,
    %get3A_477 = arith.constant 30 : index
    %get3A_478 = arith.constant 0 : index
    %get3A_479 = arith.constant 0 : index
    %get3A_480 = vector.load %arg7[%get3A_477, %get3A_478, %get3A_479] : memref<64x200x200xf32, #tpu.memory_space<vmem>>, vector<1x200x200xf32>
    %get3A_481 = vector.shape_cast %get3A_480 : vector<1x200x200xf32> to vector<200x200xf32>
    %convert_element_type3A_482 = arith.truncf %get3A_481 : vector<200x200xf32> to vector<200x200xbf16>
    %dot_general3A_483 = arith.constant dense<0.000000e+00> : vector<1024x200xf32>
    %dot_general3A_484 = tpu.matmul %convert_element_type3A_29, %convert_element_type3A_482, %dot_general3A_483 {dimension_numbers = #tpu.dot_dimension_numbers<[1], [1], [0], [0], [0, 0, 1, 0], [], []>, transpose_lhs_hint = false} : vector<1024x200xbf16>, vector<200x200xbf16>, vector<1024x200xf32> -> vector<1024x200xf32>
    %mul3A_485 = arith.mulf %slice3A_30, %dot_general3A_484 : vector<1024x200xf32>
    %reduce_sum3A_486 = arith.constant dense<0.000000e+00> : vector<1024xf32>
    %reduce_sum3A_487 = vector.multi_reduction <add>, %mul3A_485, %reduce_sum3A_486 [1] : vector<1024x200xf32> to vector<1024xf32>
    %broadcast_in_dim3A_488 = vector.shape_cast %reduce_sum3A_487 : vector<1024xf32> to vector<1024x1xf32>
    %swap3A_489 = arith.constant 0 : index
    %swap3A_490 = arith.constant 30 : index
    %swap3A_491 = vector.load %arg10[%swap3A_489, %swap3A_490] : memref<1024x64xf32, #tpu.memory_space<vmem>>, vector<1024x1xf32>
    tpu.vector_store %arg10[%swap3A_489, %swap3A_490], %broadcast_in_dim3A_488 {strides = array<i32>} : memref<1024x64xf32, #tpu.memory_space<vmem>>, vector<1024x1xf32>,
    %get3A_492 = arith.constant 31 : index
    %get3A_493 = arith.constant 0 : index
    %get3A_494 = arith.constant 0 : index
    %get3A_495 = vector.load %arg7[%get3A_492, %get3A_493, %get3A_494] : memref<64x200x200xf32, #tpu.memory_space<vmem>>, vector<1x200x200xf32>
    %get3A_496 = vector.shape_cast %get3A_495 : vector<1x200x200xf32> to vector<200x200xf32>
    %convert_element_type3A_497 = arith.truncf %get3A_496 : vector<200x200xf32> to vector<200x200xbf16>
    %dot_general3A_498 = arith.constant dense<0.000000e+00> : vector<1024x200xf32>
    %dot_general3A_499 = tpu.matmul %convert_element_type3A_29, %convert_element_type3A_497, %dot_general3A_498 {dimension_numbers = #tpu.dot_dimension_numbers<[1], [1], [0], [0], [0, 0, 1, 0], [], []>, transpose_lhs_hint = false} : vector<1024x200xbf16>, vector<200x200xbf16>, vector<1024x200xf32> -> vector<1024x200xf32>
    %mul3A_500 = arith.mulf %slice3A_30, %dot_general3A_499 : vector<1024x200xf32>
    %reduce_sum3A_501 = arith.constant dense<0.000000e+00> : vector<1024xf32>
    %reduce_sum3A_502 = vector.multi_reduction <add>, %mul3A_500, %reduce_sum3A_501 [1] : vector<1024x200xf32> to vector<1024xf32>
    %broadcast_in_dim3A_503 = vector.shape_cast %reduce_sum3A_502 : vector<1024xf32> to vector<1024x1xf32>
    %swap3A_504 = arith.constant 0 : index
    %swap3A_505 = arith.constant 31 : index
    %swap3A_506 = vector.load %arg10[%swap3A_504, %swap3A_505] : memref<1024x64xf32, #tpu.memory_space<vmem>>, vector<1024x1xf32>
    tpu.vector_store %arg10[%swap3A_504, %swap3A_505], %broadcast_in_dim3A_503 {strides = array<i32>} : memref<1024x64xf32, #tpu.memory_space<vmem>>, vector<1024x1xf32>,
    %get3A_507 = arith.constant 32 : index
    %get3A_508 = arith.constant 0 : index
    %get3A_509 = arith.constant 0 : index
    %get3A_510 = vector.load %arg7[%get3A_507, %get3A_508, %get3A_509] : memref<64x200x200xf32, #tpu.memory_space<vmem>>, vector<1x200x200xf32>
    %get3A_511 = vector.shape_cast %get3A_510 : vector<1x200x200xf32> to vector<200x200xf32>
    %convert_element_type3A_512 = arith.truncf %get3A_511 : vector<200x200xf32> to vector<200x200xbf16>
    %dot_general3A_513 = arith.constant dense<0.000000e+00> : vector<1024x200xf32>
    %dot_general3A_514 = tpu.matmul %convert_element_type3A_29, %convert_element_type3A_512, %dot_general3A_513 {dimension_numbers = #tpu.dot_dimension_numbers<[1], [1], [0], [0], [0, 0, 1, 0], [], []>, transpose_lhs_hint = false} : vector<1024x200xbf16>, vector<200x200xbf16>, vector<1024x200xf32> -> vector<1024x200xf32>
    %mul3A_515 = arith.mulf %slice3A_30, %dot_general3A_514 : vector<1024x200xf32>
    %reduce_sum3A_516 = arith.constant dense<0.000000e+00> : vector<1024xf32>
    %reduce_sum3A_517 = vector.multi_reduction <add>, %mul3A_515, %reduce_sum3A_516 [1] : vector<1024x200xf32> to vector<1024xf32>
    %broadcast_in_dim3A_518 = vector.shape_cast %reduce_sum3A_517 : vector<1024xf32> to vector<1024x1xf32>
    %swap3A_519 = arith.constant 0 : index
    %swap3A_520 = arith.constant 32 : index
    %swap3A_521 = vector.load %arg10[%swap3A_519, %swap3A_520] : memref<1024x64xf32, #tpu.memory_space<vmem>>, vector<1024x1xf32>
    tpu.vector_store %arg10[%swap3A_519, %swap3A_520], %broadcast_in_dim3A_518 {strides = array<i32>} : memref<1024x64xf32, #tpu.memory_space<vmem>>, vector<1024x1xf32>,
    %get3A_522 = arith.constant 33 : index
    %get3A_523 = arith.constant 0 : index
    %get3A_524 = arith.constant 0 : index
    %get3A_525 = vector.load %arg7[%get3A_522, %get3A_523, %get3A_524] : memref<64x200x200xf32, #tpu.memory_space<vmem>>, vector<1x200x200xf32>
    %get3A_526 = vector.shape_cast %get3A_525 : vector<1x200x200xf32> to vector<200x200xf32>
    %convert_element_type3A_527 = arith.truncf %get3A_526 : vector<200x200xf32> to vector<200x200xbf16>
    %dot_general3A_528 = arith.constant dense<0.000000e+00> : vector<1024x200xf32>
    %dot_general3A_529 = tpu.matmul %convert_element_type3A_29, %convert_element_type3A_527, %dot_general3A_528 {dimension_numbers = #tpu.dot_dimension_numbers<[1], [1], [0], [0], [0, 0, 1, 0], [], []>, transpose_lhs_hint = false} : vector<1024x200xbf16>, vector<200x200xbf16>, vector<1024x200xf32> -> vector<1024x200xf32>
    %mul3A_530 = arith.mulf %slice3A_30, %dot_general3A_529 : vector<1024x200xf32>
    %reduce_sum3A_531 = arith.constant dense<0.000000e+00> : vector<1024xf32>
    %reduce_sum3A_532 = vector.multi_reduction <add>, %mul3A_530, %reduce_sum3A_531 [1] : vector<1024x200xf32> to vector<1024xf32>
    %broadcast_in_dim3A_533 = vector.shape_cast %reduce_sum3A_532 : vector<1024xf32> to vector<1024x1xf32>
    %swap3A_534 = arith.constant 0 : index
    %swap3A_535 = arith.constant 33 : index
    %swap3A_536 = vector.load %arg10[%swap3A_534, %swap3A_535] : memref<1024x64xf32, #tpu.memory_space<vmem>>, vector<1024x1xf32>
    tpu.vector_store %arg10[%swap3A_534, %swap3A_535], %broadcast_in_dim3A_533 {strides = array<i32>} : memref<1024x64xf32, #tpu.memory_space<vmem>>, vector<1024x1xf32>,
    %get3A_537 = arith.constant 34 : index
    %get3A_538 = arith.constant 0 : index
    %get3A_539 = arith.constant 0 : index
    %get3A_540 = vector.load %arg7[%get3A_537, %get3A_538, %get3A_539] : memref<64x200x200xf32, #tpu.memory_space<vmem>>, vector<1x200x200xf32>
    %get3A_541 = vector.shape_cast %get3A_540 : vector<1x200x200xf32> to vector<200x200xf32>
    %convert_element_type3A_542 = arith.truncf %get3A_541 : vector<200x200xf32> to vector<200x200xbf16>
    %dot_general3A_543 = arith.constant dense<0.000000e+00> : vector<1024x200xf32>
    %dot_general3A_544 = tpu.matmul %convert_element_type3A_29, %convert_element_type3A_542, %dot_general3A_543 {dimension_numbers = #tpu.dot_dimension_numbers<[1], [1], [0], [0], [0, 0, 1, 0], [], []>, transpose_lhs_hint = false} : vector<1024x200xbf16>, vector<200x200xbf16>, vector<1024x200xf32> -> vector<1024x200xf32>
    %mul3A_545 = arith.mulf %slice3A_30, %dot_general3A_544 : vector<1024x200xf32>
    %reduce_sum3A_546 = arith.constant dense<0.000000e+00> : vector<1024xf32>
    %reduce_sum3A_547 = vector.multi_reduction <add>, %mul3A_545, %reduce_sum3A_546 [1] : vector<1024x200xf32> to vector<1024xf32>
    %broadcast_in_dim3A_548 = vector.shape_cast %reduce_sum3A_547 : vector<1024xf32> to vector<1024x1xf32>
    %swap3A_549 = arith.constant 0 : index
    %swap3A_550 = arith.constant 34 : index
    %swap3A_551 = vector.load %arg10[%swap3A_549, %swap3A_550] : memref<1024x64xf32, #tpu.memory_space<vmem>>, vector<1024x1xf32>
    tpu.vector_store %arg10[%swap3A_549, %swap3A_550], %broadcast_in_dim3A_548 {strides = array<i32>} : memref<1024x64xf32, #tpu.memory_space<vmem>>, vector<1024x1xf32>,
    %get3A_552 = arith.constant 35 : index
    %get3A_553 = arith.constant 0 : index
    %get3A_554 = arith.constant 0 : index
    %get3A_555 = vector.load %arg7[%get3A_552, %get3A_553, %get3A_554] : memref<64x200x200xf32, #tpu.memory_space<vmem>>, vector<1x200x200xf32>
    %get3A_556 = vector.shape_cast %get3A_555 : vector<1x200x200xf32> to vector<200x200xf32>
    %convert_element_type3A_557 = arith.truncf %get3A_556 : vector<200x200xf32> to vector<200x200xbf16>
    %dot_general3A_558 = arith.constant dense<0.000000e+00> : vector<1024x200xf32>
    %dot_general3A_559 = tpu.matmul %convert_element_type3A_29, %convert_element_type3A_557, %dot_general3A_558 {dimension_numbers = #tpu.dot_dimension_numbers<[1], [1], [0], [0], [0, 0, 1, 0], [], []>, transpose_lhs_hint = false} : vector<1024x200xbf16>, vector<200x200xbf16>, vector<1024x200xf32> -> vector<1024x200xf32>
    %mul3A_560 = arith.mulf %slice3A_30, %dot_general3A_559 : vector<1024x200xf32>
    %reduce_sum3A_561 = arith.constant dense<0.000000e+00> : vector<1024xf32>
    %reduce_sum3A_562 = vector.multi_reduction <add>, %mul3A_560, %reduce_sum3A_561 [1] : vector<1024x200xf32> to vector<1024xf32>
    %broadcast_in_dim3A_563 = vector.shape_cast %reduce_sum3A_562 : vector<1024xf32> to vector<1024x1xf32>
    %swap3A_564 = arith.constant 0 : index
    %swap3A_565 = arith.constant 35 : index
    %swap3A_566 = vector.load %arg10[%swap3A_564, %swap3A_565] : memref<1024x64xf32, #tpu.memory_space<vmem>>, vector<1024x1xf32>
    tpu.vector_store %arg10[%swap3A_564, %swap3A_565], %broadcast_in_dim3A_563 {strides = array<i32>} : memref<1024x64xf32, #tpu.memory_space<vmem>>, vector<1024x1xf32>,
    %get3A_567 = arith.constant 36 : index
    %get3A_568 = arith.constant 0 : index
    %get3A_569 = arith.constant 0 : index
    %get3A_570 = vector.load %arg7[%get3A_567, %get3A_568, %get3A_569] : memref<64x200x200xf32, #tpu.memory_space<vmem>>, vector<1x200x200xf32>
    %get3A_571 = vector.shape_cast %get3A_570 : vector<1x200x200xf32> to vector<200x200xf32>
    %convert_element_type3A_572 = arith.truncf %get3A_571 : vector<200x200xf32> to vector<200x200xbf16>
    %dot_general3A_573 = arith.constant dense<0.000000e+00> : vector<1024x200xf32>
    %dot_general3A_574 = tpu.matmul %convert_element_type3A_29, %convert_element_type3A_572, %dot_general3A_573 {dimension_numbers = #tpu.dot_dimension_numbers<[1], [1], [0], [0], [0, 0, 1, 0], [], []>, transpose_lhs_hint = false} : vector<1024x200xbf16>, vector<200x200xbf16>, vector<1024x200xf32> -> vector<1024x200xf32>
    %mul3A_575 = arith.mulf %slice3A_30, %dot_general3A_574 : vector<1024x200xf32>
    %reduce_sum3A_576 = arith.constant dense<0.000000e+00> : vector<1024xf32>
    %reduce_sum3A_577 = vector.multi_reduction <add>, %mul3A_575, %reduce_sum3A_576 [1] : vector<1024x200xf32> to vector<1024xf32>
    %broadcast_in_dim3A_578 = vector.shape_cast %reduce_sum3A_577 : vector<1024xf32> to vector<1024x1xf32>
    %swap3A_579 = arith.constant 0 : index
    %swap3A_580 = arith.constant 36 : index
    %swap3A_581 = vector.load %arg10[%swap3A_579, %swap3A_580] : memref<1024x64xf32, #tpu.memory_space<vmem>>, vector<1024x1xf32>
    tpu.vector_store %arg10[%swap3A_579, %swap3A_580], %broadcast_in_dim3A_578 {strides = array<i32>} : memref<1024x64xf32, #tpu.memory_space<vmem>>, vector<1024x1xf32>,
    %get3A_582 = arith.constant 37 : index
    %get3A_583 = arith.constant 0 : index
    %get3A_584 = arith.constant 0 : index
    %get3A_585 = vector.load %arg7[%get3A_582, %get3A_583, %get3A_584] : memref<64x200x200xf32, #tpu.memory_space<vmem>>, vector<1x200x200xf32>
    %get3A_586 = vector.shape_cast %get3A_585 : vector<1x200x200xf32> to vector<200x200xf32>
    %convert_element_type3A_587 = arith.truncf %get3A_586 : vector<200x200xf32> to vector<200x200xbf16>
    %dot_general3A_588 = arith.constant dense<0.000000e+00> : vector<1024x200xf32>
    %dot_general3A_589 = tpu.matmul %convert_element_type3A_29, %convert_element_type3A_587, %dot_general3A_588 {dimension_numbers = #tpu.dot_dimension_numbers<[1], [1], [0], [0], [0, 0, 1, 0], [], []>, transpose_lhs_hint = false} : vector<1024x200xbf16>, vector<200x200xbf16>, vector<1024x200xf32> -> vector<1024x200xf32>
    %mul3A_590 = arith.mulf %slice3A_30, %dot_general3A_589 : vector<1024x200xf32>
    %reduce_sum3A_591 = arith.constant dense<0.000000e+00> : vector<1024xf32>
    %reduce_sum3A_592 = vector.multi_reduction <add>, %mul3A_590, %reduce_sum3A_591 [1] : vector<1024x200xf32> to vector<1024xf32>
    %broadcast_in_dim3A_593 = vector.shape_cast %reduce_sum3A_592 : vector<1024xf32> to vector<1024x1xf32>
    %swap3A_594 = arith.constant 0 : index
    %swap3A_595 = arith.constant 37 : index
    %swap3A_596 = vector.load %arg10[%swap3A_594, %swap3A_595] : memref<1024x64xf32, #tpu.memory_space<vmem>>, vector<1024x1xf32>
    tpu.vector_store %arg10[%swap3A_594, %swap3A_595], %broadcast_in_dim3A_593 {strides = array<i32>} : memref<1024x64xf32, #tpu.memory_space<vmem>>, vector<1024x1xf32>,
    %get3A_597 = arith.constant 38 : index
    %get3A_598 = arith.constant 0 : index
    %get3A_599 = arith.constant 0 : index
    %get3A_600 = vector.load %arg7[%get3A_597, %get3A_598, %get3A_599] : memref<64x200x200xf32, #tpu.memory_space<vmem>>, vector<1x200x200xf32>
    %get3A_601 = vector.shape_cast %get3A_600 : vector<1x200x200xf32> to vector<200x200xf32>
    %convert_element_type3A_602 = arith.truncf %get3A_601 : vector<200x200xf32> to vector<200x200xbf16>
    %dot_general3A_603 = arith.constant dense<0.000000e+00> : vector<1024x200xf32>
    %dot_general3A_604 = tpu.matmul %convert_element_type3A_29, %convert_element_type3A_602, %dot_general3A_603 {dimension_numbers = #tpu.dot_dimension_numbers<[1], [1], [0], [0], [0, 0, 1, 0], [], []>, transpose_lhs_hint = false} : vector<1024x200xbf16>, vector<200x200xbf16>, vector<1024x200xf32> -> vector<1024x200xf32>
    %mul3A_605 = arith.mulf %slice3A_30, %dot_general3A_604 : vector<1024x200xf32>
    %reduce_sum3A_606 = arith.constant dense<0.000000e+00> : vector<1024xf32>
    %reduce_sum3A_607 = vector.multi_reduction <add>, %mul3A_605, %reduce_sum3A_606 [1] : vector<1024x200xf32> to vector<1024xf32>
    %broadcast_in_dim3A_608 = vector.shape_cast %reduce_sum3A_607 : vector<1024xf32> to vector<1024x1xf32>
    %swap3A_609 = arith.constant 0 : index
    %swap3A_610 = arith.constant 38 : index
    %swap3A_611 = vector.load %arg10[%swap3A_609, %swap3A_610] : memref<1024x64xf32, #tpu.memory_space<vmem>>, vector<1024x1xf32>
    tpu.vector_store %arg10[%swap3A_609, %swap3A_610], %broadcast_in_dim3A_608 {strides = array<i32>} : memref<1024x64xf32, #tpu.memory_space<vmem>>, vector<1024x1xf32>,
    %get3A_612 = arith.constant 39 : index
    %get3A_613 = arith.constant 0 : index
    %get3A_614 = arith.constant 0 : index
    %get3A_615 = vector.load %arg7[%get3A_612, %get3A_613, %get3A_614] : memref<64x200x200xf32, #tpu.memory_space<vmem>>, vector<1x200x200xf32>
    %get3A_616 = vector.shape_cast %get3A_615 : vector<1x200x200xf32> to vector<200x200xf32>
    %convert_element_type3A_617 = arith.truncf %get3A_616 : vector<200x200xf32> to vector<200x200xbf16>
    %dot_general3A_618 = arith.constant dense<0.000000e+00> : vector<1024x200xf32>
    %dot_general3A_619 = tpu.matmul %convert_element_type3A_29, %convert_element_type3A_617, %dot_general3A_618 {dimension_numbers = #tpu.dot_dimension_numbers<[1], [1], [0], [0], [0, 0, 1, 0], [], []>, transpose_lhs_hint = false} : vector<1024x200xbf16>, vector<200x200xbf16>, vector<1024x200xf32> -> vector<1024x200xf32>
    %mul3A_620 = arith.mulf %slice3A_30, %dot_general3A_619 : vector<1024x200xf32>
    %reduce_sum3A_621 = arith.constant dense<0.000000e+00> : vector<1024xf32>
    %reduce_sum3A_622 = vector.multi_reduction <add>, %mul3A_620, %reduce_sum3A_621 [1] : vector<1024x200xf32> to vector<1024xf32>
    %broadcast_in_dim3A_623 = vector.shape_cast %reduce_sum3A_622 : vector<1024xf32> to vector<1024x1xf32>
    %swap3A_624 = arith.constant 0 : index
    %swap3A_625 = arith.constant 39 : index
    %swap3A_626 = vector.load %arg10[%swap3A_624, %swap3A_625] : memref<1024x64xf32, #tpu.memory_space<vmem>>, vector<1024x1xf32>
    tpu.vector_store %arg10[%swap3A_624, %swap3A_625], %broadcast_in_dim3A_623 {strides = array<i32>} : memref<1024x64xf32, #tpu.memory_space<vmem>>, vector<1024x1xf32>,
    %get3A_627 = arith.constant 40 : index
    %get3A_628 = arith.constant 0 : index
    %get3A_629 = arith.constant 0 : index
    %get3A_630 = vector.load %arg7[%get3A_627, %get3A_628, %get3A_629] : memref<64x200x200xf32, #tpu.memory_space<vmem>>, vector<1x200x200xf32>
    %get3A_631 = vector.shape_cast %get3A_630 : vector<1x200x200xf32> to vector<200x200xf32>
    %convert_element_type3A_632 = arith.truncf %get3A_631 : vector<200x200xf32> to vector<200x200xbf16>
    %dot_general3A_633 = arith.constant dense<0.000000e+00> : vector<1024x200xf32>
    %dot_general3A_634 = tpu.matmul %convert_element_type3A_29, %convert_element_type3A_632, %dot_general3A_633 {dimension_numbers = #tpu.dot_dimension_numbers<[1], [1], [0], [0], [0, 0, 1, 0], [], []>, transpose_lhs_hint = false} : vector<1024x200xbf16>, vector<200x200xbf16>, vector<1024x200xf32> -> vector<1024x200xf32>
    %mul3A_635 = arith.mulf %slice3A_30, %dot_general3A_634 : vector<1024x200xf32>
    %reduce_sum3A_636 = arith.constant dense<0.000000e+00> : vector<1024xf32>
    %reduce_sum3A_637 = vector.multi_reduction <add>, %mul3A_635, %reduce_sum3A_636 [1] : vector<1024x200xf32> to vector<1024xf32>
    %broadcast_in_dim3A_638 = vector.shape_cast %reduce_sum3A_637 : vector<1024xf32> to vector<1024x1xf32>
    %swap3A_639 = arith.constant 0 : index
    %swap3A_640 = arith.constant 40 : index
    %swap3A_641 = vector.load %arg10[%swap3A_639, %swap3A_640] : memref<1024x64xf32, #tpu.memory_space<vmem>>, vector<1024x1xf32>
    tpu.vector_store %arg10[%swap3A_639, %swap3A_640], %broadcast_in_dim3A_638 {strides = array<i32>} : memref<1024x64xf32, #tpu.memory_space<vmem>>, vector<1024x1xf32>,
    %get3A_642 = arith.constant 41 : index
    %get3A_643 = arith.constant 0 : index
    %get3A_644 = arith.constant 0 : index
    %get3A_645 = vector.load %arg7[%get3A_642, %get3A_643, %get3A_644] : memref<64x200x200xf32, #tpu.memory_space<vmem>>, vector<1x200x200xf32>
    %get3A_646 = vector.shape_cast %get3A_645 : vector<1x200x200xf32> to vector<200x200xf32>
    %convert_element_type3A_647 = arith.truncf %get3A_646 : vector<200x200xf32> to vector<200x200xbf16>
    %dot_general3A_648 = arith.constant dense<0.000000e+00> : vector<1024x200xf32>
    %dot_general3A_649 = tpu.matmul %convert_element_type3A_29, %convert_element_type3A_647, %dot_general3A_648 {dimension_numbers = #tpu.dot_dimension_numbers<[1], [1], [0], [0], [0, 0, 1, 0], [], []>, transpose_lhs_hint = false} : vector<1024x200xbf16>, vector<200x200xbf16>, vector<1024x200xf32> -> vector<1024x200xf32>
    %mul3A_650 = arith.mulf %slice3A_30, %dot_general3A_649 : vector<1024x200xf32>
    %reduce_sum3A_651 = arith.constant dense<0.000000e+00> : vector<1024xf32>
    %reduce_sum3A_652 = vector.multi_reduction <add>, %mul3A_650, %reduce_sum3A_651 [1] : vector<1024x200xf32> to vector<1024xf32>
    %broadcast_in_dim3A_653 = vector.shape_cast %reduce_sum3A_652 : vector<1024xf32> to vector<1024x1xf32>
    %swap3A_654 = arith.constant 0 : index
    %swap3A_655 = arith.constant 41 : index
    %swap3A_656 = vector.load %arg10[%swap3A_654, %swap3A_655] : memref<1024x64xf32, #tpu.memory_space<vmem>>, vector<1024x1xf32>
    tpu.vector_store %arg10[%swap3A_654, %swap3A_655], %broadcast_in_dim3A_653 {strides = array<i32>} : memref<1024x64xf32, #tpu.memory_space<vmem>>, vector<1024x1xf32>,
    %get3A_657 = arith.constant 42 : index
    %get3A_658 = arith.constant 0 : index
    %get3A_659 = arith.constant 0 : index
    %get3A_660 = vector.load %arg7[%get3A_657, %get3A_658, %get3A_659] : memref<64x200x200xf32, #tpu.memory_space<vmem>>, vector<1x200x200xf32>
    %get3A_661 = vector.shape_cast %get3A_660 : vector<1x200x200xf32> to vector<200x200xf32>
    %convert_element_type3A_662 = arith.truncf %get3A_661 : vector<200x200xf32> to vector<200x200xbf16>
    %dot_general3A_663 = arith.constant dense<0.000000e+00> : vector<1024x200xf32>
    %dot_general3A_664 = tpu.matmul %convert_element_type3A_29, %convert_element_type3A_662, %dot_general3A_663 {dimension_numbers = #tpu.dot_dimension_numbers<[1], [1], [0], [0], [0, 0, 1, 0], [], []>, transpose_lhs_hint = false} : vector<1024x200xbf16>, vector<200x200xbf16>, vector<1024x200xf32> -> vector<1024x200xf32>
    %mul3A_665 = arith.mulf %slice3A_30, %dot_general3A_664 : vector<1024x200xf32>
    %reduce_sum3A_666 = arith.constant dense<0.000000e+00> : vector<1024xf32>
    %reduce_sum3A_667 = vector.multi_reduction <add>, %mul3A_665, %reduce_sum3A_666 [1] : vector<1024x200xf32> to vector<1024xf32>
    %broadcast_in_dim3A_668 = vector.shape_cast %reduce_sum3A_667 : vector<1024xf32> to vector<1024x1xf32>
    %swap3A_669 = arith.constant 0 : index
    %swap3A_670 = arith.constant 42 : index
    %swap3A_671 = vector.load %arg10[%swap3A_669, %swap3A_670] : memref<1024x64xf32, #tpu.memory_space<vmem>>, vector<1024x1xf32>
    tpu.vector_store %arg10[%swap3A_669, %swap3A_670], %broadcast_in_dim3A_668 {strides = array<i32>} : memref<1024x64xf32, #tpu.memory_space<vmem>>, vector<1024x1xf32>,
    %get3A_672 = arith.constant 43 : index
    %get3A_673 = arith.constant 0 : index
    %get3A_674 = arith.constant 0 : index
    %get3A_675 = vector.load %arg7[%get3A_672, %get3A_673, %get3A_674] : memref<64x200x200xf32, #tpu.memory_space<vmem>>, vector<1x200x200xf32>
    %get3A_676 = vector.shape_cast %get3A_675 : vector<1x200x200xf32> to vector<200x200xf32>
    %convert_element_type3A_677 = arith.truncf %get3A_676 : vector<200x200xf32> to vector<200x200xbf16>
    %dot_general3A_678 = arith.constant dense<0.000000e+00> : vector<1024x200xf32>
    %dot_general3A_679 = tpu.matmul %convert_element_type3A_29, %convert_element_type3A_677, %dot_general3A_678 {dimension_numbers = #tpu.dot_dimension_numbers<[1], [1], [0], [0], [0, 0, 1, 0], [], []>, transpose_lhs_hint = false} : vector<1024x200xbf16>, vector<200x200xbf16>, vector<1024x200xf32> -> vector<1024x200xf32>
    %mul3A_680 = arith.mulf %slice3A_30, %dot_general3A_679 : vector<1024x200xf32>
    %reduce_sum3A_681 = arith.constant dense<0.000000e+00> : vector<1024xf32>
    %reduce_sum3A_682 = vector.multi_reduction <add>, %mul3A_680, %reduce_sum3A_681 [1] : vector<1024x200xf32> to vector<1024xf32>
    %broadcast_in_dim3A_683 = vector.shape_cast %reduce_sum3A_682 : vector<1024xf32> to vector<1024x1xf32>
    %swap3A_684 = arith.constant 0 : index
    %swap3A_685 = arith.constant 43 : index
    %swap3A_686 = vector.load %arg10[%swap3A_684, %swap3A_685] : memref<1024x64xf32, #tpu.memory_space<vmem>>, vector<1024x1xf32>
    tpu.vector_store %arg10[%swap3A_684, %swap3A_685], %broadcast_in_dim3A_683 {strides = array<i32>} : memref<1024x64xf32, #tpu.memory_space<vmem>>, vector<1024x1xf32>,
    %get3A_687 = arith.constant 44 : index
    %get3A_688 = arith.constant 0 : index
    %get3A_689 = arith.constant 0 : index
    %get3A_690 = vector.load %arg7[%get3A_687, %get3A_688, %get3A_689] : memref<64x200x200xf32, #tpu.memory_space<vmem>>, vector<1x200x200xf32>
    %get3A_691 = vector.shape_cast %get3A_690 : vector<1x200x200xf32> to vector<200x200xf32>
    %convert_element_type3A_692 = arith.truncf %get3A_691 : vector<200x200xf32> to vector<200x200xbf16>
    %dot_general3A_693 = arith.constant dense<0.000000e+00> : vector<1024x200xf32>
    %dot_general3A_694 = tpu.matmul %convert_element_type3A_29, %convert_element_type3A_692, %dot_general3A_693 {dimension_numbers = #tpu.dot_dimension_numbers<[1], [1], [0], [0], [0, 0, 1, 0], [], []>, transpose_lhs_hint = false} : vector<1024x200xbf16>, vector<200x200xbf16>, vector<1024x200xf32> -> vector<1024x200xf32>
    %mul3A_695 = arith.mulf %slice3A_30, %dot_general3A_694 : vector<1024x200xf32>
    %reduce_sum3A_696 = arith.constant dense<0.000000e+00> : vector<1024xf32>
    %reduce_sum3A_697 = vector.multi_reduction <add>, %mul3A_695, %reduce_sum3A_696 [1] : vector<1024x200xf32> to vector<1024xf32>
    %broadcast_in_dim3A_698 = vector.shape_cast %reduce_sum3A_697 : vector<1024xf32> to vector<1024x1xf32>
    %swap3A_699 = arith.constant 0 : index
    %swap3A_700 = arith.constant 44 : index
    %swap3A_701 = vector.load %arg10[%swap3A_699, %swap3A_700] : memref<1024x64xf32, #tpu.memory_space<vmem>>, vector<1024x1xf32>
    tpu.vector_store %arg10[%swap3A_699, %swap3A_700], %broadcast_in_dim3A_698 {strides = array<i32>} : memref<1024x64xf32, #tpu.memory_space<vmem>>, vector<1024x1xf32>,
    %get3A_702 = arith.constant 45 : index
    %get3A_703 = arith.constant 0 : index
    %get3A_704 = arith.constant 0 : index
    %get3A_705 = vector.load %arg7[%get3A_702, %get3A_703, %get3A_704] : memref<64x200x200xf32, #tpu.memory_space<vmem>>, vector<1x200x200xf32>
    %get3A_706 = vector.shape_cast %get3A_705 : vector<1x200x200xf32> to vector<200x200xf32>
    %convert_element_type3A_707 = arith.truncf %get3A_706 : vector<200x200xf32> to vector<200x200xbf16>
    %dot_general3A_708 = arith.constant dense<0.000000e+00> : vector<1024x200xf32>
    %dot_general3A_709 = tpu.matmul %convert_element_type3A_29, %convert_element_type3A_707, %dot_general3A_708 {dimension_numbers = #tpu.dot_dimension_numbers<[1], [1], [0], [0], [0, 0, 1, 0], [], []>, transpose_lhs_hint = false} : vector<1024x200xbf16>, vector<200x200xbf16>, vector<1024x200xf32> -> vector<1024x200xf32>
    %mul3A_710 = arith.mulf %slice3A_30, %dot_general3A_709 : vector<1024x200xf32>
    %reduce_sum3A_711 = arith.constant dense<0.000000e+00> : vector<1024xf32>
    %reduce_sum3A_712 = vector.multi_reduction <add>, %mul3A_710, %reduce_sum3A_711 [1] : vector<1024x200xf32> to vector<1024xf32>
    %broadcast_in_dim3A_713 = vector.shape_cast %reduce_sum3A_712 : vector<1024xf32> to vector<1024x1xf32>
    %swap3A_714 = arith.constant 0 : index
    %swap3A_715 = arith.constant 45 : index
    %swap3A_716 = vector.load %arg10[%swap3A_714, %swap3A_715] : memref<1024x64xf32, #tpu.memory_space<vmem>>, vector<1024x1xf32>
    tpu.vector_store %arg10[%swap3A_714, %swap3A_715], %broadcast_in_dim3A_713 {strides = array<i32>} : memref<1024x64xf32, #tpu.memory_space<vmem>>, vector<1024x1xf32>,
    %get3A_717 = arith.constant 46 : index
    %get3A_718 = arith.constant 0 : index
    %get3A_719 = arith.constant 0 : index
    %get3A_720 = vector.load %arg7[%get3A_717, %get3A_718, %get3A_719] : memref<64x200x200xf32, #tpu.memory_space<vmem>>, vector<1x200x200xf32>
    %get3A_721 = vector.shape_cast %get3A_720 : vector<1x200x200xf32> to vector<200x200xf32>
    %convert_element_type3A_722 = arith.truncf %get3A_721 : vector<200x200xf32> to vector<200x200xbf16>
    %dot_general3A_723 = arith.constant dense<0.000000e+00> : vector<1024x200xf32>
    %dot_general3A_724 = tpu.matmul %convert_element_type3A_29, %convert_element_type3A_722, %dot_general3A_723 {dimension_numbers = #tpu.dot_dimension_numbers<[1], [1], [0], [0], [0, 0, 1, 0], [], []>, transpose_lhs_hint = false} : vector<1024x200xbf16>, vector<200x200xbf16>, vector<1024x200xf32> -> vector<1024x200xf32>
    %mul3A_725 = arith.mulf %slice3A_30, %dot_general3A_724 : vector<1024x200xf32>
    %reduce_sum3A_726 = arith.constant dense<0.000000e+00> : vector<1024xf32>
    %reduce_sum3A_727 = vector.multi_reduction <add>, %mul3A_725, %reduce_sum3A_726 [1] : vector<1024x200xf32> to vector<1024xf32>
    %broadcast_in_dim3A_728 = vector.shape_cast %reduce_sum3A_727 : vector<1024xf32> to vector<1024x1xf32>
    %swap3A_729 = arith.constant 0 : index
    %swap3A_730 = arith.constant 46 : index
    %swap3A_731 = vector.load %arg10[%swap3A_729, %swap3A_730] : memref<1024x64xf32, #tpu.memory_space<vmem>>, vector<1024x1xf32>
    tpu.vector_store %arg10[%swap3A_729, %swap3A_730], %broadcast_in_dim3A_728 {strides = array<i32>} : memref<1024x64xf32, #tpu.memory_space<vmem>>, vector<1024x1xf32>,
    %get3A_732 = arith.constant 47 : index
    %get3A_733 = arith.constant 0 : index
    %get3A_734 = arith.constant 0 : index
    %get3A_735 = vector.load %arg7[%get3A_732, %get3A_733, %get3A_734] : memref<64x200x200xf32, #tpu.memory_space<vmem>>, vector<1x200x200xf32>
    %get3A_736 = vector.shape_cast %get3A_735 : vector<1x200x200xf32> to vector<200x200xf32>
    %convert_element_type3A_737 = arith.truncf %get3A_736 : vector<200x200xf32> to vector<200x200xbf16>
    %dot_general3A_738 = arith.constant dense<0.000000e+00> : vector<1024x200xf32>
    %dot_general3A_739 = tpu.matmul %convert_element_type3A_29, %convert_element_type3A_737, %dot_general3A_738 {dimension_numbers = #tpu.dot_dimension_numbers<[1], [1], [0], [0], [0, 0, 1, 0], [], []>, transpose_lhs_hint = false} : vector<1024x200xbf16>, vector<200x200xbf16>, vector<1024x200xf32> -> vector<1024x200xf32>
    %mul3A_740 = arith.mulf %slice3A_30, %dot_general3A_739 : vector<1024x200xf32>
    %reduce_sum3A_741 = arith.constant dense<0.000000e+00> : vector<1024xf32>
    %reduce_sum3A_742 = vector.multi_reduction <add>, %mul3A_740, %reduce_sum3A_741 [1] : vector<1024x200xf32> to vector<1024xf32>
    %broadcast_in_dim3A_743 = vector.shape_cast %reduce_sum3A_742 : vector<1024xf32> to vector<1024x1xf32>
    %swap3A_744 = arith.constant 0 : index
    %swap3A_745 = arith.constant 47 : index
    %swap3A_746 = vector.load %arg10[%swap3A_744, %swap3A_745] : memref<1024x64xf32, #tpu.memory_space<vmem>>, vector<1024x1xf32>
    tpu.vector_store %arg10[%swap3A_744, %swap3A_745], %broadcast_in_dim3A_743 {strides = array<i32>} : memref<1024x64xf32, #tpu.memory_space<vmem>>, vector<1024x1xf32>,
    %get3A_747 = arith.constant 48 : index
    %get3A_748 = arith.constant 0 : index
    %get3A_749 = arith.constant 0 : index
    %get3A_750 = vector.load %arg7[%get3A_747, %get3A_748, %get3A_749] : memref<64x200x200xf32, #tpu.memory_space<vmem>>, vector<1x200x200xf32>
    %get3A_751 = vector.shape_cast %get3A_750 : vector<1x200x200xf32> to vector<200x200xf32>
    %convert_element_type3A_752 = arith.truncf %get3A_751 : vector<200x200xf32> to vector<200x200xbf16>
    %dot_general3A_753 = arith.constant dense<0.000000e+00> : vector<1024x200xf32>
    %dot_general3A_754 = tpu.matmul %convert_element_type3A_29, %convert_element_type3A_752, %dot_general3A_753 {dimension_numbers = #tpu.dot_dimension_numbers<[1], [1], [0], [0], [0, 0, 1, 0], [], []>, transpose_lhs_hint = false} : vector<1024x200xbf16>, vector<200x200xbf16>, vector<1024x200xf32> -> vector<1024x200xf32>
    %mul3A_755 = arith.mulf %slice3A_30, %dot_general3A_754 : vector<1024x200xf32>
    %reduce_sum3A_756 = arith.constant dense<0.000000e+00> : vector<1024xf32>
    %reduce_sum3A_757 = vector.multi_reduction <add>, %mul3A_755, %reduce_sum3A_756 [1] : vector<1024x200xf32> to vector<1024xf32>
    %broadcast_in_dim3A_758 = vector.shape_cast %reduce_sum3A_757 : vector<1024xf32> to vector<1024x1xf32>
    %swap3A_759 = arith.constant 0 : index
    %swap3A_760 = arith.constant 48 : index
    %swap3A_761 = vector.load %arg10[%swap3A_759, %swap3A_760] : memref<1024x64xf32, #tpu.memory_space<vmem>>, vector<1024x1xf32>
    tpu.vector_store %arg10[%swap3A_759, %swap3A_760], %broadcast_in_dim3A_758 {strides = array<i32>} : memref<1024x64xf32, #tpu.memory_space<vmem>>, vector<1024x1xf32>,
    %get3A_762 = arith.constant 49 : index
    %get3A_763 = arith.constant 0 : index
    %get3A_764 = arith.constant 0 : index
    %get3A_765 = vector.load %arg7[%get3A_762, %get3A_763, %get3A_764] : memref<64x200x200xf32, #tpu.memory_space<vmem>>, vector<1x200x200xf32>
    %get3A_766 = vector.shape_cast %get3A_765 : vector<1x200x200xf32> to vector<200x200xf32>
    %convert_element_type3A_767 = arith.truncf %get3A_766 : vector<200x200xf32> to vector<200x200xbf16>
    %dot_general3A_768 = arith.constant dense<0.000000e+00> : vector<1024x200xf32>
    %dot_general3A_769 = tpu.matmul %convert_element_type3A_29, %convert_element_type3A_767, %dot_general3A_768 {dimension_numbers = #tpu.dot_dimension_numbers<[1], [1], [0], [0], [0, 0, 1, 0], [], []>, transpose_lhs_hint = false} : vector<1024x200xbf16>, vector<200x200xbf16>, vector<1024x200xf32> -> vector<1024x200xf32>
    %mul3A_770 = arith.mulf %slice3A_30, %dot_general3A_769 : vector<1024x200xf32>
    %reduce_sum3A_771 = arith.constant dense<0.000000e+00> : vector<1024xf32>
    %reduce_sum3A_772 = vector.multi_reduction <add>, %mul3A_770, %reduce_sum3A_771 [1] : vector<1024x200xf32> to vector<1024xf32>
    %broadcast_in_dim3A_773 = vector.shape_cast %reduce_sum3A_772 : vector<1024xf32> to vector<1024x1xf32>
    %swap3A_774 = arith.constant 0 : index
    %swap3A_775 = arith.constant 49 : index
    %swap3A_776 = vector.load %arg10[%swap3A_774, %swap3A_775] : memref<1024x64xf32, #tpu.memory_space<vmem>>, vector<1024x1xf32>
    tpu.vector_store %arg10[%swap3A_774, %swap3A_775], %broadcast_in_dim3A_773 {strides = array<i32>} : memref<1024x64xf32, #tpu.memory_space<vmem>>, vector<1024x1xf32>,
    %get3A_777 = arith.constant 50 : index
    %get3A_778 = arith.constant 0 : index
    %get3A_779 = arith.constant 0 : index
    %get3A_780 = vector.load %arg7[%get3A_777, %get3A_778, %get3A_779] : memref<64x200x200xf32, #tpu.memory_space<vmem>>, vector<1x200x200xf32>
    %get3A_781 = vector.shape_cast %get3A_780 : vector<1x200x200xf32> to vector<200x200xf32>
    %convert_element_type3A_782 = arith.truncf %get3A_781 : vector<200x200xf32> to vector<200x200xbf16>
    %dot_general3A_783 = arith.constant dense<0.000000e+00> : vector<1024x200xf32>
    %dot_general3A_784 = tpu.matmul %convert_element_type3A_29, %convert_element_type3A_782, %dot_general3A_783 {dimension_numbers = #tpu.dot_dimension_numbers<[1], [1], [0], [0], [0, 0, 1, 0], [], []>, transpose_lhs_hint = false} : vector<1024x200xbf16>, vector<200x200xbf16>, vector<1024x200xf32> -> vector<1024x200xf32>
    %mul3A_785 = arith.mulf %slice3A_30, %dot_general3A_784 : vector<1024x200xf32>
    %reduce_sum3A_786 = arith.constant dense<0.000000e+00> : vector<1024xf32>
    %reduce_sum3A_787 = vector.multi_reduction <add>, %mul3A_785, %reduce_sum3A_786 [1] : vector<1024x200xf32> to vector<1024xf32>
    %broadcast_in_dim3A_788 = vector.shape_cast %reduce_sum3A_787 : vector<1024xf32> to vector<1024x1xf32>
    %swap3A_789 = arith.constant 0 : index
    %swap3A_790 = arith.constant 50 : index
    %swap3A_791 = vector.load %arg10[%swap3A_789, %swap3A_790] : memref<1024x64xf32, #tpu.memory_space<vmem>>, vector<1024x1xf32>
    tpu.vector_store %arg10[%swap3A_789, %swap3A_790], %broadcast_in_dim3A_788 {strides = array<i32>} : memref<1024x64xf32, #tpu.memory_space<vmem>>, vector<1024x1xf32>,
    %get3A_792 = arith.constant 51 : index
    %get3A_793 = arith.constant 0 : index
    %get3A_794 = arith.constant 0 : index
    %get3A_795 = vector.load %arg7[%get3A_792, %get3A_793, %get3A_794] : memref<64x200x200xf32, #tpu.memory_space<vmem>>, vector<1x200x200xf32>
    %get3A_796 = vector.shape_cast %get3A_795 : vector<1x200x200xf32> to vector<200x200xf32>
    %convert_element_type3A_797 = arith.truncf %get3A_796 : vector<200x200xf32> to vector<200x200xbf16>
    %dot_general3A_798 = arith.constant dense<0.000000e+00> : vector<1024x200xf32>
    %dot_general3A_799 = tpu.matmul %convert_element_type3A_29, %convert_element_type3A_797, %dot_general3A_798 {dimension_numbers = #tpu.dot_dimension_numbers<[1], [1], [0], [0], [0, 0, 1, 0], [], []>, transpose_lhs_hint = false} : vector<1024x200xbf16>, vector<200x200xbf16>, vector<1024x200xf32> -> vector<1024x200xf32>
    %mul3A_800 = arith.mulf %slice3A_30, %dot_general3A_799 : vector<1024x200xf32>
    %reduce_sum3A_801 = arith.constant dense<0.000000e+00> : vector<1024xf32>
    %reduce_sum3A_802 = vector.multi_reduction <add>, %mul3A_800, %reduce_sum3A_801 [1] : vector<1024x200xf32> to vector<1024xf32>
    %broadcast_in_dim3A_803 = vector.shape_cast %reduce_sum3A_802 : vector<1024xf32> to vector<1024x1xf32>
    %swap3A_804 = arith.constant 0 : index
    %swap3A_805 = arith.constant 51 : index
    %swap3A_806 = vector.load %arg10[%swap3A_804, %swap3A_805] : memref<1024x64xf32, #tpu.memory_space<vmem>>, vector<1024x1xf32>
    tpu.vector_store %arg10[%swap3A_804, %swap3A_805], %broadcast_in_dim3A_803 {strides = array<i32>} : memref<1024x64xf32, #tpu.memory_space<vmem>>, vector<1024x1xf32>,
    %get3A_807 = arith.constant 52 : index
    %get3A_808 = arith.constant 0 : index
    %get3A_809 = arith.constant 0 : index
    %get3A_810 = vector.load %arg7[%get3A_807, %get3A_808, %get3A_809] : memref<64x200x200xf32, #tpu.memory_space<vmem>>, vector<1x200x200xf32>
    %get3A_811 = vector.shape_cast %get3A_810 : vector<1x200x200xf32> to vector<200x200xf32>
    %convert_element_type3A_812 = arith.truncf %get3A_811 : vector<200x200xf32> to vector<200x200xbf16>
    %dot_general3A_813 = arith.constant dense<0.000000e+00> : vector<1024x200xf32>
    %dot_general3A_814 = tpu.matmul %convert_element_type3A_29, %convert_element_type3A_812, %dot_general3A_813 {dimension_numbers = #tpu.dot_dimension_numbers<[1], [1], [0], [0], [0, 0, 1, 0], [], []>, transpose_lhs_hint = false} : vector<1024x200xbf16>, vector<200x200xbf16>, vector<1024x200xf32> -> vector<1024x200xf32>
    %mul3A_815 = arith.mulf %slice3A_30, %dot_general3A_814 : vector<1024x200xf32>
    %reduce_sum3A_816 = arith.constant dense<0.000000e+00> : vector<1024xf32>
    %reduce_sum3A_817 = vector.multi_reduction <add>, %mul3A_815, %reduce_sum3A_816 [1] : vector<1024x200xf32> to vector<1024xf32>
    %broadcast_in_dim3A_818 = vector.shape_cast %reduce_sum3A_817 : vector<1024xf32> to vector<1024x1xf32>
    %swap3A_819 = arith.constant 0 : index
    %swap3A_820 = arith.constant 52 : index
    %swap3A_821 = vector.load %arg10[%swap3A_819, %swap3A_820] : memref<1024x64xf32, #tpu.memory_space<vmem>>, vector<1024x1xf32>
    tpu.vector_store %arg10[%swap3A_819, %swap3A_820], %broadcast_in_dim3A_818 {strides = array<i32>} : memref<1024x64xf32, #tpu.memory_space<vmem>>, vector<1024x1xf32>,
    %get3A_822 = arith.constant 53 : index
    %get3A_823 = arith.constant 0 : index
    %get3A_824 = arith.constant 0 : index
    %get3A_825 = vector.load %arg7[%get3A_822, %get3A_823, %get3A_824] : memref<64x200x200xf32, #tpu.memory_space<vmem>>, vector<1x200x200xf32>
    %get3A_826 = vector.shape_cast %get3A_825 : vector<1x200x200xf32> to vector<200x200xf32>
    %convert_element_type3A_827 = arith.truncf %get3A_826 : vector<200x200xf32> to vector<200x200xbf16>
    %dot_general3A_828 = arith.constant dense<0.000000e+00> : vector<1024x200xf32>
    %dot_general3A_829 = tpu.matmul %convert_element_type3A_29, %convert_element_type3A_827, %dot_general3A_828 {dimension_numbers = #tpu.dot_dimension_numbers<[1], [1], [0], [0], [0, 0, 1, 0], [], []>, transpose_lhs_hint = false} : vector<1024x200xbf16>, vector<200x200xbf16>, vector<1024x200xf32> -> vector<1024x200xf32>
    %mul3A_830 = arith.mulf %slice3A_30, %dot_general3A_829 : vector<1024x200xf32>
    %reduce_sum3A_831 = arith.constant dense<0.000000e+00> : vector<1024xf32>
    %reduce_sum3A_832 = vector.multi_reduction <add>, %mul3A_830, %reduce_sum3A_831 [1] : vector<1024x200xf32> to vector<1024xf32>
    %broadcast_in_dim3A_833 = vector.shape_cast %reduce_sum3A_832 : vector<1024xf32> to vector<1024x1xf32>
    %swap3A_834 = arith.constant 0 : index
    %swap3A_835 = arith.constant 53 : index
    %swap3A_836 = vector.load %arg10[%swap3A_834, %swap3A_835] : memref<1024x64xf32, #tpu.memory_space<vmem>>, vector<1024x1xf32>
    tpu.vector_store %arg10[%swap3A_834, %swap3A_835], %broadcast_in_dim3A_833 {strides = array<i32>} : memref<1024x64xf32, #tpu.memory_space<vmem>>, vector<1024x1xf32>,
    %get3A_837 = arith.constant 54 : index
    %get3A_838 = arith.constant 0 : index
    %get3A_839 = arith.constant 0 : index
    %get3A_840 = vector.load %arg7[%get3A_837, %get3A_838, %get3A_839] : memref<64x200x200xf32, #tpu.memory_space<vmem>>, vector<1x200x200xf32>
    %get3A_841 = vector.shape_cast %get3A_840 : vector<1x200x200xf32> to vector<200x200xf32>
    %convert_element_type3A_842 = arith.truncf %get3A_841 : vector<200x200xf32> to vector<200x200xbf16>
    %dot_general3A_843 = arith.constant dense<0.000000e+00> : vector<1024x200xf32>
    %dot_general3A_844 = tpu.matmul %convert_element_type3A_29, %convert_element_type3A_842, %dot_general3A_843 {dimension_numbers = #tpu.dot_dimension_numbers<[1], [1], [0], [0], [0, 0, 1, 0], [], []>, transpose_lhs_hint = false} : vector<1024x200xbf16>, vector<200x200xbf16>, vector<1024x200xf32> -> vector<1024x200xf32>
    %mul3A_845 = arith.mulf %slice3A_30, %dot_general3A_844 : vector<1024x200xf32>
    %reduce_sum3A_846 = arith.constant dense<0.000000e+00> : vector<1024xf32>
    %reduce_sum3A_847 = vector.multi_reduction <add>, %mul3A_845, %reduce_sum3A_846 [1] : vector<1024x200xf32> to vector<1024xf32>
    %broadcast_in_dim3A_848 = vector.shape_cast %reduce_sum3A_847 : vector<1024xf32> to vector<1024x1xf32>
    %swap3A_849 = arith.constant 0 : index
    %swap3A_850 = arith.constant 54 : index
    %swap3A_851 = vector.load %arg10[%swap3A_849, %swap3A_850] : memref<1024x64xf32, #tpu.memory_space<vmem>>, vector<1024x1xf32>
    tpu.vector_store %arg10[%swap3A_849, %swap3A_850], %broadcast_in_dim3A_848 {strides = array<i32>} : memref<1024x64xf32, #tpu.memory_space<vmem>>, vector<1024x1xf32>,
    %get3A_852 = arith.constant 55 : index
    %get3A_853 = arith.constant 0 : index
    %get3A_854 = arith.constant 0 : index
    %get3A_855 = vector.load %arg7[%get3A_852, %get3A_853, %get3A_854] : memref<64x200x200xf32, #tpu.memory_space<vmem>>, vector<1x200x200xf32>
    %get3A_856 = vector.shape_cast %get3A_855 : vector<1x200x200xf32> to vector<200x200xf32>
    %convert_element_type3A_857 = arith.truncf %get3A_856 : vector<200x200xf32> to vector<200x200xbf16>
    %dot_general3A_858 = arith.constant dense<0.000000e+00> : vector<1024x200xf32>
    %dot_general3A_859 = tpu.matmul %convert_element_type3A_29, %convert_element_type3A_857, %dot_general3A_858 {dimension_numbers = #tpu.dot_dimension_numbers<[1], [1], [0], [0], [0, 0, 1, 0], [], []>, transpose_lhs_hint = false} : vector<1024x200xbf16>, vector<200x200xbf16>, vector<1024x200xf32> -> vector<1024x200xf32>
    %mul3A_860 = arith.mulf %slice3A_30, %dot_general3A_859 : vector<1024x200xf32>
    %reduce_sum3A_861 = arith.constant dense<0.000000e+00> : vector<1024xf32>
    %reduce_sum3A_862 = vector.multi_reduction <add>, %mul3A_860, %reduce_sum3A_861 [1] : vector<1024x200xf32> to vector<1024xf32>
    %broadcast_in_dim3A_863 = vector.shape_cast %reduce_sum3A_862 : vector<1024xf32> to vector<1024x1xf32>
    %swap3A_864 = arith.constant 0 : index
    %swap3A_865 = arith.constant 55 : index
    %swap3A_866 = vector.load %arg10[%swap3A_864, %swap3A_865] : memref<1024x64xf32, #tpu.memory_space<vmem>>, vector<1024x1xf32>
    tpu.vector_store %arg10[%swap3A_864, %swap3A_865], %broadcast_in_dim3A_863 {strides = array<i32>} : memref<1024x64xf32, #tpu.memory_space<vmem>>, vector<1024x1xf32>,
    %get3A_867 = arith.constant 56 : index
    %get3A_868 = arith.constant 0 : index
    %get3A_869 = arith.constant 0 : index
    %get3A_870 = vector.load %arg7[%get3A_867, %get3A_868, %get3A_869] : memref<64x200x200xf32, #tpu.memory_space<vmem>>, vector<1x200x200xf32>
    %get3A_871 = vector.shape_cast %get3A_870 : vector<1x200x200xf32> to vector<200x200xf32>
    %convert_element_type3A_872 = arith.truncf %get3A_871 : vector<200x200xf32> to vector<200x200xbf16>
    %dot_general3A_873 = arith.constant dense<0.000000e+00> : vector<1024x200xf32>
    %dot_general3A_874 = tpu.matmul %convert_element_type3A_29, %convert_element_type3A_872, %dot_general3A_873 {dimension_numbers = #tpu.dot_dimension_numbers<[1], [1], [0], [0], [0, 0, 1, 0], [], []>, transpose_lhs_hint = false} : vector<1024x200xbf16>, vector<200x200xbf16>, vector<1024x200xf32> -> vector<1024x200xf32>
    %mul3A_875 = arith.mulf %slice3A_30, %dot_general3A_874 : vector<1024x200xf32>
    %reduce_sum3A_876 = arith.constant dense<0.000000e+00> : vector<1024xf32>
    %reduce_sum3A_877 = vector.multi_reduction <add>, %mul3A_875, %reduce_sum3A_876 [1] : vector<1024x200xf32> to vector<1024xf32>
    %broadcast_in_dim3A_878 = vector.shape_cast %reduce_sum3A_877 : vector<1024xf32> to vector<1024x1xf32>
    %swap3A_879 = arith.constant 0 : index
    %swap3A_880 = arith.constant 56 : index
    %swap3A_881 = vector.load %arg10[%swap3A_879, %swap3A_880] : memref<1024x64xf32, #tpu.memory_space<vmem>>, vector<1024x1xf32>
    tpu.vector_store %arg10[%swap3A_879, %swap3A_880], %broadcast_in_dim3A_878 {strides = array<i32>} : memref<1024x64xf32, #tpu.memory_space<vmem>>, vector<1024x1xf32>,
    %get3A_882 = arith.constant 57 : index
    %get3A_883 = arith.constant 0 : index
    %get3A_884 = arith.constant 0 : index
    %get3A_885 = vector.load %arg7[%get3A_882, %get3A_883, %get3A_884] : memref<64x200x200xf32, #tpu.memory_space<vmem>>, vector<1x200x200xf32>
    %get3A_886 = vector.shape_cast %get3A_885 : vector<1x200x200xf32> to vector<200x200xf32>
    %convert_element_type3A_887 = arith.truncf %get3A_886 : vector<200x200xf32> to vector<200x200xbf16>
    %dot_general3A_888 = arith.constant dense<0.000000e+00> : vector<1024x200xf32>
    %dot_general3A_889 = tpu.matmul %convert_element_type3A_29, %convert_element_type3A_887, %dot_general3A_888 {dimension_numbers = #tpu.dot_dimension_numbers<[1], [1], [0], [0], [0, 0, 1, 0], [], []>, transpose_lhs_hint = false} : vector<1024x200xbf16>, vector<200x200xbf16>, vector<1024x200xf32> -> vector<1024x200xf32>
    %mul3A_890 = arith.mulf %slice3A_30, %dot_general3A_889 : vector<1024x200xf32>
    %reduce_sum3A_891 = arith.constant dense<0.000000e+00> : vector<1024xf32>
    %reduce_sum3A_892 = vector.multi_reduction <add>, %mul3A_890, %reduce_sum3A_891 [1] : vector<1024x200xf32> to vector<1024xf32>
    %broadcast_in_dim3A_893 = vector.shape_cast %reduce_sum3A_892 : vector<1024xf32> to vector<1024x1xf32>
    %swap3A_894 = arith.constant 0 : index
    %swap3A_895 = arith.constant 57 : index
    %swap3A_896 = vector.load %arg10[%swap3A_894, %swap3A_895] : memref<1024x64xf32, #tpu.memory_space<vmem>>, vector<1024x1xf32>
    tpu.vector_store %arg10[%swap3A_894, %swap3A_895], %broadcast_in_dim3A_893 {strides = array<i32>} : memref<1024x64xf32, #tpu.memory_space<vmem>>, vector<1024x1xf32>,
    %get3A_897 = arith.constant 58 : index
    %get3A_898 = arith.constant 0 : index
    %get3A_899 = arith.constant 0 : index
    %get3A_900 = vector.load %arg7[%get3A_897, %get3A_898, %get3A_899] : memref<64x200x200xf32, #tpu.memory_space<vmem>>, vector<1x200x200xf32>
    %get3A_901 = vector.shape_cast %get3A_900 : vector<1x200x200xf32> to vector<200x200xf32>
    %convert_element_type3A_902 = arith.truncf %get3A_901 : vector<200x200xf32> to vector<200x200xbf16>
    %dot_general3A_903 = arith.constant dense<0.000000e+00> : vector<1024x200xf32>
    %dot_general3A_904 = tpu.matmul %convert_element_type3A_29, %convert_element_type3A_902, %dot_general3A_903 {dimension_numbers = #tpu.dot_dimension_numbers<[1], [1], [0], [0], [0, 0, 1, 0], [], []>, transpose_lhs_hint = false} : vector<1024x200xbf16>, vector<200x200xbf16>, vector<1024x200xf32> -> vector<1024x200xf32>
    %mul3A_905 = arith.mulf %slice3A_30, %dot_general3A_904 : vector<1024x200xf32>
    %reduce_sum3A_906 = arith.constant dense<0.000000e+00> : vector<1024xf32>
    %reduce_sum3A_907 = vector.multi_reduction <add>, %mul3A_905, %reduce_sum3A_906 [1] : vector<1024x200xf32> to vector<1024xf32>
    %broadcast_in_dim3A_908 = vector.shape_cast %reduce_sum3A_907 : vector<1024xf32> to vector<1024x1xf32>
    %swap3A_909 = arith.constant 0 : index
    %swap3A_910 = arith.constant 58 : index
    %swap3A_911 = vector.load %arg10[%swap3A_909, %swap3A_910] : memref<1024x64xf32, #tpu.memory_space<vmem>>, vector<1024x1xf32>
    tpu.vector_store %arg10[%swap3A_909, %swap3A_910], %broadcast_in_dim3A_908 {strides = array<i32>} : memref<1024x64xf32, #tpu.memory_space<vmem>>, vector<1024x1xf32>,
    %get3A_912 = arith.constant 59 : index
    %get3A_913 = arith.constant 0 : index
    %get3A_914 = arith.constant 0 : index
    %get3A_915 = vector.load %arg7[%get3A_912, %get3A_913, %get3A_914] : memref<64x200x200xf32, #tpu.memory_space<vmem>>, vector<1x200x200xf32>
    %get3A_916 = vector.shape_cast %get3A_915 : vector<1x200x200xf32> to vector<200x200xf32>
    %convert_element_type3A_917 = arith.truncf %get3A_916 : vector<200x200xf32> to vector<200x200xbf16>
    %dot_general3A_918 = arith.constant dense<0.000000e+00> : vector<1024x200xf32>
    %dot_general3A_919 = tpu.matmul %convert_element_type3A_29, %convert_element_type3A_917, %dot_general3A_918 {dimension_numbers = #tpu.dot_dimension_numbers<[1], [1], [0], [0], [0, 0, 1, 0], [], []>, transpose_lhs_hint = false} : vector<1024x200xbf16>, vector<200x200xbf16>, vector<1024x200xf32> -> vector<1024x200xf32>
    %mul3A_920 = arith.mulf %slice3A_30, %dot_general3A_919 : vector<1024x200xf32>
    %reduce_sum3A_921 = arith.constant dense<0.000000e+00> : vector<1024xf32>
    %reduce_sum3A_922 = vector.multi_reduction <add>, %mul3A_920, %reduce_sum3A_921 [1] : vector<1024x200xf32> to vector<1024xf32>
    %broadcast_in_dim3A_923 = vector.shape_cast %reduce_sum3A_922 : vector<1024xf32> to vector<1024x1xf32>
    %swap3A_924 = arith.constant 0 : index
    %swap3A_925 = arith.constant 59 : index
    %swap3A_926 = vector.load %arg10[%swap3A_924, %swap3A_925] : memref<1024x64xf32, #tpu.memory_space<vmem>>, vector<1024x1xf32>
    tpu.vector_store %arg10[%swap3A_924, %swap3A_925], %broadcast_in_dim3A_923 {strides = array<i32>} : memref<1024x64xf32, #tpu.memory_space<vmem>>, vector<1024x1xf32>,
    %get3A_927 = arith.constant 60 : index
    %get3A_928 = arith.constant 0 : index
    %get3A_929 = arith.constant 0 : index
    %get3A_930 = vector.load %arg7[%get3A_927, %get3A_928, %get3A_929] : memref<64x200x200xf32, #tpu.memory_space<vmem>>, vector<1x200x200xf32>
    %get3A_931 = vector.shape_cast %get3A_930 : vector<1x200x200xf32> to vector<200x200xf32>
    %convert_element_type3A_932 = arith.truncf %get3A_931 : vector<200x200xf32> to vector<200x200xbf16>
    %dot_general3A_933 = arith.constant dense<0.000000e+00> : vector<1024x200xf32>
    %dot_general3A_934 = tpu.matmul %convert_element_type3A_29, %convert_element_type3A_932, %dot_general3A_933 {dimension_numbers = #tpu.dot_dimension_numbers<[1], [1], [0], [0], [0, 0, 1, 0], [], []>, transpose_lhs_hint = false} : vector<1024x200xbf16>, vector<200x200xbf16>, vector<1024x200xf32> -> vector<1024x200xf32>
    %mul3A_935 = arith.mulf %slice3A_30, %dot_general3A_934 : vector<1024x200xf32>
    %reduce_sum3A_936 = arith.constant dense<0.000000e+00> : vector<1024xf32>
    %reduce_sum3A_937 = vector.multi_reduction <add>, %mul3A_935, %reduce_sum3A_936 [1] : vector<1024x200xf32> to vector<1024xf32>
    %broadcast_in_dim3A_938 = vector.shape_cast %reduce_sum3A_937 : vector<1024xf32> to vector<1024x1xf32>
    %swap3A_939 = arith.constant 0 : index
    %swap3A_940 = arith.constant 60 : index
    %swap3A_941 = vector.load %arg10[%swap3A_939, %swap3A_940] : memref<1024x64xf32, #tpu.memory_space<vmem>>, vector<1024x1xf32>
    tpu.vector_store %arg10[%swap3A_939, %swap3A_940], %broadcast_in_dim3A_938 {strides = array<i32>} : memref<1024x64xf32, #tpu.memory_space<vmem>>, vector<1024x1xf32>,
    %get3A_942 = arith.constant 61 : index
    %get3A_943 = arith.constant 0 : index
    %get3A_944 = arith.constant 0 : index
    %get3A_945 = vector.load %arg7[%get3A_942, %get3A_943, %get3A_944] : memref<64x200x200xf32, #tpu.memory_space<vmem>>, vector<1x200x200xf32>
    %get3A_946 = vector.shape_cast %get3A_945 : vector<1x200x200xf32> to vector<200x200xf32>
    %convert_element_type3A_947 = arith.truncf %get3A_946 : vector<200x200xf32> to vector<200x200xbf16>
    %dot_general3A_948 = arith.constant dense<0.000000e+00> : vector<1024x200xf32>
    %dot_general3A_949 = tpu.matmul %convert_element_type3A_29, %convert_element_type3A_947, %dot_general3A_948 {dimension_numbers = #tpu.dot_dimension_numbers<[1], [1], [0], [0], [0, 0, 1, 0], [], []>, transpose_lhs_hint = false} : vector<1024x200xbf16>, vector<200x200xbf16>, vector<1024x200xf32> -> vector<1024x200xf32>
    %mul3A_950 = arith.mulf %slice3A_30, %dot_general3A_949 : vector<1024x200xf32>
    %reduce_sum3A_951 = arith.constant dense<0.000000e+00> : vector<1024xf32>
    %reduce_sum3A_952 = vector.multi_reduction <add>, %mul3A_950, %reduce_sum3A_951 [1] : vector<1024x200xf32> to vector<1024xf32>
    %broadcast_in_dim3A_953 = vector.shape_cast %reduce_sum3A_952 : vector<1024xf32> to vector<1024x1xf32>
    %swap3A_954 = arith.constant 0 : index
    %swap3A_955 = arith.constant 61 : index
    %swap3A_956 = vector.load %arg10[%swap3A_954, %swap3A_955] : memref<1024x64xf32, #tpu.memory_space<vmem>>, vector<1024x1xf32>
    tpu.vector_store %arg10[%swap3A_954, %swap3A_955], %broadcast_in_dim3A_953 {strides = array<i32>} : memref<1024x64xf32, #tpu.memory_space<vmem>>, vector<1024x1xf32>,
    %get3A_957 = arith.constant 62 : index
    %get3A_958 = arith.constant 0 : index
    %get3A_959 = arith.constant 0 : index
    %get3A_960 = vector.load %arg7[%get3A_957, %get3A_958, %get3A_959] : memref<64x200x200xf32, #tpu.memory_space<vmem>>, vector<1x200x200xf32>
    %get3A_961 = vector.shape_cast %get3A_960 : vector<1x200x200xf32> to vector<200x200xf32>
    %convert_element_type3A_962 = arith.truncf %get3A_961 : vector<200x200xf32> to vector<200x200xbf16>
    %dot_general3A_963 = arith.constant dense<0.000000e+00> : vector<1024x200xf32>
    %dot_general3A_964 = tpu.matmul %convert_element_type3A_29, %convert_element_type3A_962, %dot_general3A_963 {dimension_numbers = #tpu.dot_dimension_numbers<[1], [1], [0], [0], [0, 0, 1, 0], [], []>, transpose_lhs_hint = false} : vector<1024x200xbf16>, vector<200x200xbf16>, vector<1024x200xf32> -> vector<1024x200xf32>
    %mul3A_965 = arith.mulf %slice3A_30, %dot_general3A_964 : vector<1024x200xf32>
    %reduce_sum3A_966 = arith.constant dense<0.000000e+00> : vector<1024xf32>
    %reduce_sum3A_967 = vector.multi_reduction <add>, %mul3A_965, %reduce_sum3A_966 [1] : vector<1024x200xf32> to vector<1024xf32>
    %broadcast_in_dim3A_968 = vector.shape_cast %reduce_sum3A_967 : vector<1024xf32> to vector<1024x1xf32>
    %swap3A_969 = arith.constant 0 : index
    %swap3A_970 = arith.constant 62 : index
    %swap3A_971 = vector.load %arg10[%swap3A_969, %swap3A_970] : memref<1024x64xf32, #tpu.memory_space<vmem>>, vector<1024x1xf32>
    tpu.vector_store %arg10[%swap3A_969, %swap3A_970], %broadcast_in_dim3A_968 {strides = array<i32>} : memref<1024x64xf32, #tpu.memory_space<vmem>>, vector<1024x1xf32>,
    %get3A_972 = arith.constant 63 : index
    %get3A_973 = arith.constant 0 : index
    %get3A_974 = arith.constant 0 : index
    %get3A_975 = vector.load %arg7[%get3A_972, %get3A_973, %get3A_974] : memref<64x200x200xf32, #tpu.memory_space<vmem>>, vector<1x200x200xf32>
    %get3A_976 = vector.shape_cast %get3A_975 : vector<1x200x200xf32> to vector<200x200xf32>
    %convert_element_type3A_977 = arith.truncf %get3A_976 : vector<200x200xf32> to vector<200x200xbf16>
    %dot_general3A_978 = arith.constant dense<0.000000e+00> : vector<1024x200xf32>
    %dot_general3A_979 = tpu.matmul %convert_element_type3A_29, %convert_element_type3A_977, %dot_general3A_978 {dimension_numbers = #tpu.dot_dimension_numbers<[1], [1], [0], [0], [0, 0, 1, 0], [], []>, transpose_lhs_hint = false} : vector<1024x200xbf16>, vector<200x200xbf16>, vector<1024x200xf32> -> vector<1024x200xf32>
    %mul3A_980 = arith.mulf %slice3A_30, %dot_general3A_979 : vector<1024x200xf32>
    %reduce_sum3A_981 = arith.constant dense<0.000000e+00> : vector<1024xf32>
    %reduce_sum3A_982 = vector.multi_reduction <add>, %mul3A_980, %reduce_sum3A_981 [1] : vector<1024x200xf32> to vector<1024xf32>
    %broadcast_in_dim3A_983 = vector.shape_cast %reduce_sum3A_982 : vector<1024xf32> to vector<1024x1xf32>
    %swap3A_984 = arith.constant 0 : index
    %swap3A_985 = arith.constant 63 : index
    %swap3A_986 = vector.load %arg10[%swap3A_984, %swap3A_985] : memref<1024x64xf32, #tpu.memory_space<vmem>>, vector<1024x1xf32>
    tpu.vector_store %arg10[%swap3A_984, %swap3A_985], %broadcast_in_dim3A_983 {strides = array<i32>} : memref<1024x64xf32, #tpu.memory_space<vmem>>, vector<1024x1xf32>,
    %get3A_987 = arith.constant 0 : index
    %get3A_988 = arith.constant 0 : index
    %get3A_989 = vector.load %arg10[%get3A_987, %get3A_988] : memref<1024x64xf32, #tpu.memory_space<vmem>>, vector<1024x64xf32>
    %get3A_990 = arith.constant 0 : index
    %get3A_991 = arith.constant 0 : index
    %get3A_992 = vector.load %arg8[%get3A_990, %get3A_991] : memref<1x64xf32, #tpu.memory_space<vmem>>, vector<1x64xf32>
    %add3A_993 = vector.broadcast %get3A_992 : vector<1x64xf32> to vector<1024x64xf32>
    %add3A_994 = arith.addf %get3A_989, %add3A_993 : vector<1024x64xf32>
    %swap3A_995 = arith.constant 0 : index
    %swap3A_996 = arith.constant 0 : index
    %swap3A_997 = vector.load %arg9[%swap3A_995, %swap3A_996] : memref<1024x64xf32, #tpu.memory_space<vmem>>, vector<1024x64xf32>
    tpu.vector_store %arg9[%swap3A_995, %swap3A_996], %add3A_994 {strides = array<i32>} : memref<1024x64xf32, #tpu.memory_space<vmem>>, vector<1024x64xf32>,
    return
  }
  func.func @transform_0(%arg0: i32) -> (i32, i32) {
    %c0_i32 = arith.constant 0 : i32
    %c0_i32_0 = arith.constant 0 : i32
    return %arg0, %c0_i32 : i32, i32
  }
  func.func @transform_1(%arg0: i32) -> (i32, i32) {
    %c0_i32 = arith.constant 0 : i32
    %c0_i32_0 = arith.constant 0 : i32
    return %arg0, %c0_i32 : i32, i32
  }
  func.func @transform_2(%arg0: i32) -> (i32, i32) {
    %c0_i32 = arith.constant 0 : i32
    %c0_i32_0 = arith.constant 0 : i32
    %c0_i32_1 = arith.constant 0 : i32
    return %c0_i32, %c0_i32_0 : i32, i32
  }
  func.func @transform_3(%arg0: i32) -> (i32, i32) {
    %c0_i32 = arith.constant 0 : i32
    %c0_i32_0 = arith.constant 0 : i32
    %c0_i32_1 = arith.constant 0 : i32
    return %c0_i32, %c0_i32_0 : i32, i32
  }
  func.func @transform_4(%arg0: i32) -> (i32, i32) {
    %c0_i32 = arith.constant 0 : i32
    %c0_i32_0 = arith.constant 0 : i32
    %c0_i32_1 = arith.constant 0 : i32
    return %c0_i32, %c0_i32_0 : i32, i32
  }
  func.func @transform_5(%arg0: i32) -> (i32, i32) {
    %c0_i32 = arith.constant 0 : i32
    %c0_i32_0 = arith.constant 0 : i32
    %c0_i32_1 = arith.constant 0 : i32
    return %c0_i32, %c0_i32_0 : i32, i32
  }
  func.func @transform_6(%arg0: i32) -> (i32, i32, i32) {
    %c0_i32 = arith.constant 0 : i32
    %c0_i32_0 = arith.constant 0 : i32
    %c0_i32_1 = arith.constant 0 : i32
    %c0_i32_2 = arith.constant 0 : i32
    return %c0_i32, %c0_i32_0, %c0_i32_1 : i32, i32, i32
  }
  func.func @transform_7(%arg0: i32) -> (i32, i32) {
    %c0_i32 = arith.constant 0 : i32
    %c0_i32_0 = arith.constant 0 : i32
    %c0_i32_1 = arith.constant 0 : i32
    return %c0_i32, %c0_i32_0 : i32, i32
  }
  func.func @transform_8(%arg0: i32) -> (i32, i32) {
    %c0_i32 = arith.constant 0 : i32
    %c0_i32_0 = arith.constant 0 : i32
    return %arg0, %c0_i32 : i32, i32
  }
}

</mosaic_0001>

<sc_bundles>
// kernel: kernel.5.cloned.1.call-start
scs
__scs_entry_jumppad:
0x0: {  	(pc) =	sbr.rel $0x88, $3  }
0x1: {  	(tag) =	ssettag $0x0;
	lr =	simm.s32 $0x1  }
0x2: {  	[smem:$0x3F8A] =	sst lr;
	_ =	strace $0xD0000000  }
0x3: {  	_ = 	snop  }
0x4: {  	_ = 	snop  }
0x5: {  	_ = 	snop  }
0x6: {  	_ = 	snop  }
0x7: {  	_ = 	snop  }
__scs_overlays_trampoline_lowered:
0x8: {  	[smem:$0x3F99] =	sst s0  }
0x9: {  	[smem:$0x3F9A] =	sst s1  }
0xa: {  	[smem:$0x3F9B] =	sst s2  }
0xb: {  	[smem:$0x3F9C] =	sst s3  }
0xc: {  	[smem:$0x3F9D] =	sst s4  }
0xd: {  	[smem:$0x3F9E] =	sst s5  }
0xe: {  	[smem:$0x3F9F] =	sst s6  }
0xf: {  	[smem:$0x3FA0] =	sst s7  }
0x10: {  	[smem:$0x3FA1] =	sst s8  }
0x11: {  	[smem:$0x3FA2] =	sst s9;
	s0 =	simm.s32 @!p0 $0x0  }
0x12: {  	s1 =	sld [smem:$0x3F88];
	s0 =	simm.s32 @p0 $0x1  }
0x13: {  	[smem:$0x3FA3] =	sst s0;
	s0 =	simm.s32 @!p1 $0x0  }
0x14: {  	s2 =	sld [smem:$0x3F87];
	s0 =	simm.s32 @p1 $0x1  }
0x15: {  	[smem:$0x3FA4] =	sst s0;
	s0 =	simm.s32 @!p2 $0x0  }
0x16: {  	s3 =	sld [smem:$0x3FDB];
	s0 =	simm.s32 @p2 $0x1  }
0x17: {  	s4 =	simm.s32 $0x1BF5;
	[smem:$0x3FA6] =	sst s0  }
0x18: {  	s0 =	sld [smem:$0x3F89];
	_ =	swait.ge [sflag:s4], $0x0  }
0x19: {  	s7 =	sld [smem:$0x3F8A]  }
0x1a: {  	s8 =	sadd.s32 $0xFFFFE003, lr  }
0x1b: {  	s9 =	sadd.s32 $0xFFFFFEF7, lr;
	s5 =	simm.s32 $0xFFFFFFFF;
	p2 =	slt.u32 s8, $0xFFFFF086  }
0x1c: {  	p1 =	slt.u32 s9, $0xF7A;
	s5 =	simm.s32 @!p2 $0x0  }
0x1d: {  	s5 =	simm.s32 @p1 $0x1;
	p0 =	seq.s32 s7, s2  }
0x1e: {  	s7 =	smul.u32 @!p0 $0xF7A, s2;
	p2 =	seq.s32 @!p0 s5, $0x0  }
0x1f: {  	s9 =	smul.u32 $0xF7A, s1;
	s8 =	simm.s32 @!p0 $0x1BF5;
	p2 =	por !p2, p0  }
0x20: {  	[sflag:s8] =	ssyncset.s32 @!p0 $0xFFFFF086;
	s6 =	sadd.s32 @!p0 s3, s7;
	s7 =	simm.s32 @!p0 $0x108  }
0x21: {  	s3 =	sadd.s32 s3, s9;
	s6 =	sadd.s32 @!p0 $0x88, s6;
	s7 =	simm.s32 @p2 $0x1082  }
0x22: {  	[simem:s7], [sflag:s8] =	dma.local @!p0 [hbm:s6], $0xF7A  }
0x23: {  	s9 =	sor.u32 $0xD0000000, s2;
	s6 =	simm.s32 $0x108;
	_ =	swait.ge @!p0 [sflag:s8], $0x0  }
0x24: {  	s3 =	sadd.s32 $0x88, s3;
	s6 =	simm.s32 @!p1 $0x1082;
	[sflag:s4] =	ssyncset.s32 $0xFFFFF086  }
0x25: {  	[simem:s6], [sflag:s4] =	dma.local [hbm:s3], $0xF7A  }
0x26: {  	[smem:$0x3F8A] =	sst s1;
	(tag) =	ssettag s2;
	_ =	strace s9  }
0x27: {  	s1 =	sld [smem:$0x3F9A]  }
0x28: {  	s2 =	sld [smem:$0x3F9B]  }
0x29: {  	s4 =	sld [smem:$0x3F9D]  }
0x2a: {  	p0 =	seq.s32 s5, $0x0;
	s5 =	sld [smem:$0x3F9E]  }
0x2b: {  	s6 =	sld [smem:$0x3F9F]  }
0x2c: {  	s7 =	sld [smem:$0x3FA0]  }
0x2d: {  	s3 =	simm.s32 $0x108;
	s8 =	sld [smem:$0x3FA1]  }
0x2e: {  	s3 =	simm.s32 @!p0 $0x1082;
	s9 =	sld [smem:$0x3FA2]  }
0x2f: {  	lr =	sadd.s32 s0, s3;
	s0 =	sld [smem:$0x3F99]  }
0x30: {  	s3 =	sld [smem:$0x3F9C]  }
0x31: {  	[smem:$0x3FA5] =	sst s10  }
0x32: {  	s10 =	sld [smem:$0x3FA3];
	_ =	sdelay $0x3  }
0x33: {  	p0 =	seq.s32 s10, $0x1;
	s10 =	sld [smem:$0x3FA5];
	_ =	sdelay $0x3  }
0x34: {  	[smem:$0x3FA5] =	sst s10  }
0x35: {  	s10 =	sld [smem:$0x3FA4];
	_ =	sdelay $0x3  }
0x36: {  	p1 =	seq.s32 s10, $0x1;
	s10 =	sld [smem:$0x3FA5];
	_ =	sdelay $0x3  }
0x37: {  	[smem:$0x3FA5] =	sst s10  }
0x38: {  	s10 =	sld [smem:$0x3FA6]  }
0x39: {  	_ = 	snop;
	(pc) =	sbr.ind lr, $3  }
0x3a: {  	_ = 	snop  }
0x3b: {  	_ = 	snop  }
0x3c: {  	p2 =	seq.s32 s10, $0x1;
	s10 =	sld [smem:$0x3FA5]  }
0x3d: {  	_ =	shalt  }
0x3e: {  	_ =	shalt  }
0x3f: {  	_ =	shalt  }
0x40: {  	_ =	shalt  }
0x41: {  	_ =	shalt  }
0x42: {  	_ =	shalt  }
0x43: {  	_ =	shalt  }
0x44: {  	_ =	shalt  }
0x45: {  	_ =	shalt  }
0x46: {  	_ =	shalt  }
0x47: {  	_ =	shalt  }
0x48: {  	_ =	shalt  }
0x49: {  	_ =	shalt  }
0x4a: {  	_ =	shalt  }
0x4b: {  	_ =	shalt  }
0x4c: {  	_ =	shalt  }
0x4d: {  	_ =	shalt  }
0x4e: {  	_ =	shalt  }
0x4f: {  	_ =	shalt  }
0x50: {  	_ =	shalt  }
0x51: {  	_ =	shalt  }
0x52: {  	_ =	shalt  }
0x53: {  	_ =	shalt  }
0x54: {  	_ =	shalt  }
0x55: {  	_ =	shalt  }
0x56: {  	_ =	shalt  }
0x57: {  	_ =	shalt  }
0x58: {  	_ =	shalt  }
0x59: {  	_ =	shalt  }
0x5a: {  	_ =	shalt  }
0x5b: {  	_ =	shalt  }
0x5c: {  	_ =	shalt  }
0x5d: {  	_ =	shalt  }
0x5e: {  	_ =	shalt  }
0x5f: {  	_ =	shalt  }
0x60: {  	_ =	shalt  }
0x61: {  	_ =	shalt  }
0x62: {  	_ =	shalt  }
0x63: {  	_ =	shalt  }
0x64: {  	_ =	shalt  }
0x65: {  	_ =	shalt  }
0x66: {  	_ =	shalt  }
0x67: {  	_ =	shalt  }
0x68: {  	_ =	shalt  }
0x69: {  	_ =	shalt  }
0x6a: {  	_ =	shalt  }
0x6b: {  	_ =	shalt  }
0x6c: {  	_ =	shalt  }
0x6d: {  	_ =	shalt  }
0x6e: {  	_ =	shalt  }
0x6f: {  	_ =	shalt  }
0x70: {  	_ =	shalt  }
0x71: {  	_ =	shalt  }
0x72: {  	_ =	shalt  }
0x73: {  	_ =	shalt  }
0x74: {  	_ =	shalt  }
0x75: {  	_ =	shalt  }
0x76: {  	_ =	shalt  }
0x77: {  	_ =	shalt  }
0x78: {  	_ =	shalt  }
0x79: {  	_ =	shalt  }
0x7a: {  	_ =	shalt  }
0x7b: {  	_ =	shalt  }
0x7c: {  	_ =	shalt  }
0x7d: {  	_ =	shalt  }
0x7e: {  	_ =	shalt  }
0x7f: {  	_ =	shalt  }
0x80: {  	_ =	shalt  }
0x81: {  	_ =	shalt  }
0x82: {  	_ =	shalt  }
0x83: {  	_ =	shalt  }
0x84: {  	_ =	shalt  }
0x85: {  	_ =	shalt  }
0x86: {  	_ =	shalt  }
0x87: {  	_ =	shalt  }
.Lfunc_end0:
.L_simem_size_0:
called_computation_lowered:
.L_overlay_start_0:
0x88: {  	s2 =	sld [smem:$0x3FD9]  }
0x89: {  	s3 =	sld [smem:$0x3FFE];
	_ =	sdelay $0x1  }
0x8a: {  	s1 =	srdreg.scid  }
0x8b: {  	s0 =	sand.u32 $0x1, s1  }
0x8c: {  	s17 =	sshll.u32 s0, $0xA;
	s2 =	sadd.s32 s3, s2  }
0x8d: {  	s2 =	sadd.s32 s2, s17  }
0x8e: {  	[smem:$0x3FB1] =	sst s2  }
0x8f: {  	_ = 	snop  }
0x90: {  	s2 =	sld [smem:$0x3FD0];
	(tm) =	ssettm $0x1  }
0x91: {  	s18 =	sld [smem:$0x3FFB];
	_ =	sdelay $0x3  }
0x92: {  	_ =	strace s18  }
0x93: {  	s3 =	sld [smem:$0x3FFC];
	_ =	sdelay $0x3  }
0x94: {  	_ =	strace s3  }
0x95: {  	s3 =	sld [smem:$0x3FFD];
	_ =	sdelay $0x3  }
0x96: {  	_ =	strace s3  }
0x97: {  	_ =	strace $0x8FFFFFFF  }
0x98: {  	s19 =	sld [smem:$0x3FDB];
	_ =	sdelay $0x1  }
0x99: {  	s4 =	simm.s32 $_scs_section_size  }
0x9a: {  	s5 =	simm.s32 $_size__tile_overlayer_lowered;
	s6 =	simm.s32 $_tile_overlayer_lowered  }
0x9b: {  	s22 =	simm.s32 $0x1BFF;
	s21 =	sshll.u32 s6, $0x1;
	s3 =	sadd.s32 s4, s19  }
0x9c: {  	s7 =	simm.s32 $0x0;
	s20 =	sshll.u32 s5, $0x1;
	s5 =	sadd.s32 s21, s3  }
0x9d: {  	[timem:s7], [sflag:s22] =	dma.local [hbm:s5], s20  }
0x9e: {  	_ =	swait.ge [sflag:s22], s20  }
0x9f: {  	s4 =	ssub.s32 $0x0, s20;
	[sflag:s22] =	ssyncset.done $0x0  }
0xa0: {  	[sflag:s22] =	ssyncadd.s32 s4;
	_ =	sdelay $0x1  }
0xa1: {  	s23 =	simm.s32 $0x1B8B  }
0xa2: {  	_ =	swait.ge [sflag:s23], $0x1  }
0xa3: {  	[sflag:s23] =	ssyncset.done $0x0  }
0xa4: {  	s25 =	simm.s32 $0x1B8E;
	s24 =	sld [smem:$0x3FFE];
	[sflag:s23] =	ssyncadd.s32 $0xFFFFFFFF  }
0xa5: {  	s26 =	simm.s32 $execute0_lowered;
	[smem:$0x3FD2] =	sst s25  }
0xa6: {  	s5 =	sshll.u32 s26, $0x1;
	_ =	strace $0x80000046;
	[dreg:$0x1] =	wrdreg $0xFFFFFFFF  }
0xa7: {  	s28 =	simm.s32 $_size_execute0_lowered;
	s3 =	sadd.s32 s3, s5;
	[dreg:$0x0] =	wrdreg $0x0  }
0xa8: {  	s5 =	sshll.u32 s28, $0x1;
	[dreg:$0x2] =	wrdreg s3  }
0xa9: {  	[dreg:$0x3] =	wrdreg s5  }
0xaa: {  	[dreg:$0x4] =	wrdreg $0xC0  }
0xab: {  	_ =	task [dreg:s7], $0x5FFFF  }
0xac: {  	[dreg:$0x1] =	wrdreg $0xFFFFFFFF  }
0xad: {  	[dreg:$0x0] =	wrdreg $0x60  }
0xae: {  	[dreg:$0x2] =	wrdreg s24  }
0xaf: {  	[dreg:$0x3] =	wrdreg s2  }
0xb0: {  	[dreg:$0x4] =	wrdreg $0x9  }
0xb1: {  	_ =	task.clear_ibuf [dreg:s7], $0x5FFFF;
	_ =	strace $0x90000046  }
0xb2: {  	s29 =	simm.s32 $0x9;
	_ =	strace $0x80000048  }
0xb3: {  	_ =	swait.ge [sflag:s29], $0x1  }
0xb4: {  	[sflag:s29] =	ssyncadd.s32 $0xFFFFFFFF  }
0xb5: {  	_ =	strace $0x90000048  }
0xb6: {  	_ =	sfence  }
0xb7: {  	s30 =	sld [smem:$0x0];
	_ =	sdelay $0x2  }
0xb8: {  	s31 =	sshll.u32 s1, $0xD;
	s1 =	sshrl.u32 s1, $0x2  }
0xb9: {  	s3 =	sand.u32 $0x4000, s31;
	s1 =	sadd.s32 s1, s30  }
0xba: {  	s0 =	sor.u32 s3, s0;
	s1 =	sshll.u32 s1, $0x11  }
0xbb: {  	s0 =	sor.u32 s1, s0  }
0xbc: {  	s0 =	sadd.s32 $0x8F2B, s0  }
0xbd: {  	[sflag:s0] =	ssyncadd.remote.s32 $0x1  }
0xbe: {  	_ =	sfence.sel $0xFFFF  }
0xbf: {  	[dreg:$0x0] =	wrdreg $0xFFFFFFFF;
	(pc) =	sbr.abs _section_cstart, $3  }
0xc0: {  	[dreg:$0x1] =	wrdreg $0xFFFFFFFF  }
0xc1: {  	_ =	task.clear_ibuf [dreg:s7], $0x2FFFF;
	_ =	strace $0x9FFFFFFF  }
0xc2: {  	(tm) =	ssettm $0x7FFFFFFF  }
0xc3: {  	_ =	shalt  }
tec
execute0_lowered:
.L_overlay_start_1:
0x0: {  	(tag) =	ssettag $0x1  }
0x1: {  	s4 =	rddreg [dreg:$0x0]  }
0x2: {  	s5 =	rddreg [dreg:$0x1]  }
0x3: {  	s0 =	rddreg [dreg:$0x2];
	s3 =	srdreg.scid  }
0x4: {  	s2 =	simm.s32 $0x0;
	s1 =	stileid.u32;
	s10 =	simm.s32 $0x1080  }
0x5: {  	s11 =	simm.s32 $0x1880;
	s12 =	simm.s32 $0x2080;
	s13 =	simm.s32 $0x2880  }
0x6: {  	s14 =	simm.s32 $0x3080;
	s15 =	simm.s32 $0x3880;
	s16 =	simm.s32 $0x4080  }
0x7: {  	s17 =	simm.s32 $0x4880;
	s18 =	simm.s32 $0x5080;
	s19 =	simm.s32 $0x5880  }
0x8: {  	s20 =	simm.s32 $0x6080;
	s21 =	simm.s32 $0x6880;
	s22 =	simm.s32 $0x7080  }
0x9: {  	s23 =	simm.s32 $0x7880;
	s24 =	simm.s32 $0x1;
	s3 =	sand.u32 $0x1, s3  }
0xa: {  	[smem:$0x7FF] =	sst s2;
	s6 =	sshll.u32 s1, $0x8;
	s7 =	sshll.u32 s3, $0x7  }
0xb: {  	_ =	strace $0x80000047;
	s30 =	ssub.s32 $0x2, s3;
	s6 =	sor.u32 s7, s6  }
0xc: {  	s3 =	sadd.s32 $0x5000, s4;
	s9 =	sshrl.u32 s30, $0x1;
	s8 =	sshll.u32 s6, $0x5  }
0xd: {  	v2 =	vlaneseq.u32;
	s7 =	ssub.s32 s30, s9;
	s31 =	sshrl.u32 s6, $0x3;
	s9 =	simm.s32 $0x880  }
0xe: {  	vm0 =	vmmov $0xffff;
	v1 =	vshrl.u32 v2, $0x3;
	s8 =	sadd.s32 s8, s4;
	s4 =	sadd.s32 s5, s31;
	s6 =	smax.u32 s7, $0x1  }
0xf: {  	v0 =	vand.u32 $0x7, v2;
	v2 =	vor.u32 $0x8, v2;
	v1 =	vmul.u32 $0x8, v1;
	s7 =	simm.s32 $0x2;
	s5 =	sadd.s32 $0x25000, s8;
	s8 =	simm.s32 $0x80  }
.LBB2_1:
0x10: {  	[tilespmem:s2], [sflag:$0x2] =	stream.linear.gather [hbm4b:s4+s2], $0x80, $0x38;
	[tilespmem:$0x8080] =	vst v63  }
0x11: {  	_ =	swait.ge [sflag:s7], $0x80  }
0x12: {  	[sflag:s7] =	ssyncset.done $0x0  }
0x13: {  	[sflag:s7] =	ssyncadd.s32 $0xFFFFFF80  }
0x14: {  	v3 =	vld [tilespmem:$0x0];
	_ =	sdelay $0x4  }
0x15: {  	v4 =	vshll.u32 v3, $0x1  }
0x16: {  	v3 =	vand.u32 $0x7, v3;
	v4 =	vand.u32 $0xFFFFFFF0, v4  }
0x17: {  	v3 =	vor.u32 v3, v4  }
0x18: {  	v4 =	vperm.xlane v3, v0;
	_ =	sdelay $0x1  }
0x19: {  	v3 =	vperm.xlane v3, v2;
	v4 =	vadd.s32 v1, v4;
	_ =	sdelay $0x1  }
0x1a: {  	v3 =	vadd.s32 v1, v3;
	_ =	sdelay $0x2  }
0x1b: {  	[tilespmem:s8], [sflag:$0x1] =	stream.indirect_vreg.gather [hbm4b:s3+s2], $0x80, v4, vm0, $0xb8;
	[tilespmem:$0x8080] =	vst v63  }
0x1c: {  	_ = 	snop  }
0x1d: {  	[tilespmem:s9], [sflag:$0x1] =	stream.indirect_vreg.gather [hbm4b:s3+s2], $0x80, v3, vm0, $0xb8;
	[tilespmem:$0x8080] =	vst v63  }
0x1e: {  	v3 =	vld [tilespmem:$0x10];
	_ =	sdelay $0x4  }
0x1f: {  	v57 =	vshll.u32 v3, $0x1  }
0x20: {  	v3 =	vand.u32 $0x7, v3;
	v4 =	vand.u32 $0xFFFFFFF0, v57  }
0x21: {  	v3 =	vor.u32 v3, v4  }
0x22: {  	v4 =	vperm.xlane v3, v0;
	_ =	sdelay $0x1  }
0x23: {  	v3 =	vperm.xlane v3, v2;
	v4 =	vadd.s32 v1, v4;
	_ =	sdelay $0x1  }
0x24: {  	v3 =	vadd.s32 v1, v3;
	_ =	sdelay $0x2  }
0x25: {  	[tilespmem:s10], [sflag:$0x1] =	stream.indirect_vreg.gather [hbm4b:s3+s2], $0x80, v4, vm0, $0xb8;
	[tilespmem:$0x8080] =	vst v63  }
0x26: {  	_ = 	snop  }
0x27: {  	[tilespmem:s11], [sflag:$0x1] =	stream.indirect_vreg.gather [hbm4b:s3+s2], $0x80, v3, vm0, $0xb8;
	[tilespmem:$0x8080] =	vst v63  }
0x28: {  	v3 =	vld [tilespmem:$0x20];
	_ =	sdelay $0x4  }
0x29: {  	v58 =	vshll.u32 v3, $0x1  }
0x2a: {  	v3 =	vand.u32 $0x7, v3;
	v4 =	vand.u32 $0xFFFFFFF0, v58  }
0x2b: {  	v3 =	vor.u32 v3, v4  }
0x2c: {  	v4 =	vperm.xlane v3, v0;
	_ =	sdelay $0x1  }
0x2d: {  	v3 =	vperm.xlane v3, v2;
	v4 =	vadd.s32 v1, v4;
	_ =	sdelay $0x1  }
0x2e: {  	v3 =	vadd.s32 v1, v3;
	_ =	sdelay $0x2  }
0x2f: {  	[tilespmem:s12], [sflag:$0x1] =	stream.indirect_vreg.gather [hbm4b:s3+s2], $0x80, v4, vm0, $0xb8;
	[tilespmem:$0x8080] =	vst v63  }
0x30: {  	_ = 	snop  }
0x31: {  	[tilespmem:s13], [sflag:$0x1] =	stream.indirect_vreg.gather [hbm4b:s3+s2], $0x80, v3, vm0, $0xb8;
	[tilespmem:$0x8080] =	vst v63  }
0x32: {  	v3 =	vld [tilespmem:$0x30];
	_ =	sdelay $0x4  }
0x33: {  	v59 =	vshll.u32 v3, $0x1  }
0x34: {  	v3 =	vand.u32 $0x7, v3;
	v4 =	vand.u32 $0xFFFFFFF0, v59  }
0x35: {  	v3 =	vor.u32 v3, v4  }
0x36: {  	v4 =	vperm.xlane v3, v0;
	_ =	sdelay $0x1  }
0x37: {  	v3 =	vperm.xlane v3, v2;
	v4 =	vadd.s32 v1, v4;
	_ =	sdelay $0x1  }
0x38: {  	v3 =	vadd.s32 v1, v3;
	_ =	sdelay $0x2  }
0x39: {  	[tilespmem:s14], [sflag:$0x1] =	stream.indirect_vreg.gather [hbm4b:s3+s2], $0x80, v4, vm0, $0xb8;
	[tilespmem:$0x8080] =	vst v63  }
0x3a: {  	_ = 	snop  }
0x3b: {  	[tilespmem:s15], [sflag:$0x1] =	stream.indirect_vreg.gather [hbm4b:s3+s2], $0x80, v3, vm0, $0xb8;
	[tilespmem:$0x8080] =	vst v63  }
0x3c: {  	v3 =	vld [tilespmem:$0x40];
	_ =	sdelay $0x4  }
0x3d: {  	v60 =	vshll.u32 v3, $0x1  }
0x3e: {  	v3 =	vand.u32 $0x7, v3;
	v4 =	vand.u32 $0xFFFFFFF0, v60  }
0x3f: {  	v3 =	vor.u32 v3, v4  }
0x40: {  	v4 =	vperm.xlane v3, v0;
	_ =	sdelay $0x1  }
0x41: {  	v3 =	vperm.xlane v3, v2;
	v4 =	vadd.s32 v1, v4;
	_ =	sdelay $0x1  }
0x42: {  	v3 =	vadd.s32 v1, v3;
	_ =	sdelay $0x2  }
0x43: {  	[tilespmem:s16], [sflag:$0x1] =	stream.indirect_vreg.gather [hbm4b:s3+s2], $0x80, v4, vm0, $0xb8;
	[tilespmem:$0x8080] =	vst v63  }
0x44: {  	_ = 	snop  }
0x45: {  	[tilespmem:s17], [sflag:$0x1] =	stream.indirect_vreg.gather [hbm4b:s3+s2], $0x80, v3, vm0, $0xb8;
	[tilespmem:$0x8080] =	vst v63  }
0x46: {  	v3 =	vld [tilespmem:$0x50];
	_ =	sdelay $0x4  }
0x47: {  	v61 =	vshll.u32 v3, $0x1  }
0x48: {  	v3 =	vand.u32 $0x7, v3;
	v4 =	vand.u32 $0xFFFFFFF0, v61  }
0x49: {  	v3 =	vor.u32 v3, v4  }
0x4a: {  	v4 =	vperm.xlane v3, v0;
	_ =	sdelay $0x1  }
0x4b: {  	v3 =	vperm.xlane v3, v2;
	v4 =	vadd.s32 v1, v4;
	_ =	sdelay $0x1  }
0x4c: {  	v3 =	vadd.s32 v1, v3;
	_ =	sdelay $0x2  }
0x4d: {  	[tilespmem:s18], [sflag:$0x1] =	stream.indirect_vreg.gather [hbm4b:s3+s2], $0x80, v4, vm0, $0xb8;
	[tilespmem:$0x8080] =	vst v63  }
0x4e: {  	_ = 	snop  }
0x4f: {  	[tilespmem:s19], [sflag:$0x1] =	stream.indirect_vreg.gather [hbm4b:s3+s2], $0x80, v3, vm0, $0xb8;
	[tilespmem:$0x8080] =	vst v63  }
0x50: {  	v3 =	vld [tilespmem:$0x60];
	_ =	sdelay $0x4  }
0x51: {  	v62 =	vshll.u32 v3, $0x1  }
0x52: {  	v3 =	vand.u32 $0x7, v3;
	v4 =	vand.u32 $0xFFFFFFF0, v62  }
0x53: {  	v3 =	vor.u32 v3, v4  }
0x54: {  	v4 =	vperm.xlane v3, v0;
	_ =	sdelay $0x1  }
0x55: {  	v3 =	vperm.xlane v3, v2;
	v4 =	vadd.s32 v1, v4;
	_ =	sdelay $0x1  }
0x56: {  	v3 =	vadd.s32 v1, v3;
	_ =	sdelay $0x2  }
0x57: {  	[tilespmem:s20], [sflag:$0x1] =	stream.indirect_vreg.gather [hbm4b:s3+s2], $0x80, v4, vm0, $0xb8;
	[tilespmem:$0x8080] =	vst v63  }
0x58: {  	_ = 	snop  }
0x59: {  	[tilespmem:s21], [sflag:$0x1] =	stream.indirect_vreg.gather [hbm4b:s3+s2], $0x80, v3, vm0, $0xb8;
	[tilespmem:$0x8080] =	vst v63  }
0x5a: {  	v3 =	vld [tilespmem:$0x70];
	_ =	sdelay $0x4  }
0x5b: {  	v63 =	vshll.u32 v3, $0x1  }
0x5c: {  	v3 =	vand.u32 $0x7, v3;
	v4 =	vand.u32 $0xFFFFFFF0, v63  }
0x5d: {  	v3 =	vor.u32 v3, v4  }
0x5e: {  	v4 =	vperm.xlane v3, v0;
	_ =	sdelay $0x1  }
0x5f: {  	v3 =	vperm.xlane v3, v2;
	v4 =	vadd.s32 v1, v4;
	_ =	sdelay $0x1  }
0x60: {  	v3 =	vadd.s32 v1, v3;
	_ =	sdelay $0x2  }
0x61: {  	[tilespmem:s22], [sflag:$0x1] =	stream.indirect_vreg.gather [hbm4b:s3+s2], $0x80, v4, vm0, $0xb8;
	[tilespmem:$0x8080] =	vst v63  }
0x62: {  	_ = 	snop  }
0x63: {  	[tilespmem:s23], [sflag:$0x1] =	stream.indirect_vreg.gather [hbm4b:s3+s2], $0x80, v3, vm0, $0xb8;
	[tilespmem:$0x8080] =	vst v63  }
0x64: {  	_ =	swait.ge [sflag:s24], $0x8000  }
0x65: {  	p0 =	sne.s32 s6, $0x1;
	[sflag:s24] =	ssyncset.done $0x0  }
.Ltmp0:
0x66: {  	[sflag:s24] =	ssyncadd.s32 $0xFFFF8000;
	(pc) =	sbr.rel @p0 .LBB2_1-.Ltmp0, $4  }
0x67: {  	[hbm4b:s5+s2] =	stream.linear.scatter [tilespmem:s8], [sflag:$0x2], $0x8000, $0x38;
	[tilespmem:$0x8080] =	vst v63  }
0x68: {  	_ =	swait.ge [sflag:s7], $0x8000  }
0x69: {  	[sflag:s7] =	ssyncset.done $0x0  }
0x6a: {  	s6 =	sadd.s32 $0xFFFFFFFF, s6;
	[sflag:s7] =	ssyncadd.s32 $0xFFFF8000  }
0x6b: {  	_ =	sfence.sel $0x180000  }
0x6c: {  	[bflag:$0x0] =	sbarrier.arrive $0xFFFF  }
0x6d: {  	p0 =	sne.s32 s1, $0x0;
	_ =	strace $0x90000047  }
0x6e: {  	s0 =	sadd.s32 @!p0 $0x100000, s0;
	[bflag:$0x2] =	sbarrier.arrive $0xFFFF  }
0x6f: {  	[sflag:s0] =	ssyncadd.tile.s32 @!p0 $0x1;
	_ =	shalt  }
.Lfunc_end2:
_tile_overlayer_lowered:
.L_overlay_start_2:
0x70: {  	(tag) =	ssettag $0x2  }
0x71: {  	s0 =	rddreg [dreg:$0x0];
	s2 =	stileid.u32  }
0x72: {  	s1 =	rddreg [dreg:$0x1];
	p0 =	sne.s32 s2, $0x0  }
0x73: {  	s3 =	rddreg [dreg:$0x2];
	[bflag:$0x3] =	sbarrier.arrive $0xFFFF;
	s2 =	simm.s32 @!p0 $0x1C02  }
0x74: {  	[timem:s3], [sflag:s2] =	dma.local @!p0 [hbm:s0], s1  }
0x75: {  	s0 =	simm.s32 @!p0 $0x2  }
0x76: {  	_ =	swait.ge @!p0 [sflag:s0], s1  }
0x77: {  	s1 =	ssub.s32 @!p0 $0x0, s1;
	[sflag:s0] =	ssyncset.done @!p0 $0x0  }
0x78: {  	[sflag:s0] =	ssyncadd.s32 @!p0 s1  }
0x79: {  	[bflag:$0x3] =	sbarrier.arrive $0xFFFF  }
0x7a: {  	_ =	shalt  }

</sc_bundles>
